<compile_context>
chip_gen: v7x
topology: tpu7x:2x2x1
jax: 0.10.2.dev20260603
libtpu: 0.0.44.dev20260713+nightly
codegen_flags: <defaults>
</compile_context>

<pallas_src>
import functools

import jax
import jax.numpy as jnp
from jax import lax
from jax.experimental import pallas as pl
from jax.experimental.pallas import tpu as pltpu
from jax.experimental.pallas import tpu_sc as plsc

EMBD = 128
_PREC = lax.Precision.DEFAULT


def _leaky(x):
    return jnp.where(x >= 0, x, 0.01 * x)


def _layernorm(x, g, b, eps=1e-5):
    mu = jnp.mean(x, axis=-1, keepdims=True)
    xc = x - mu
    var = jnp.mean(xc * xc, axis=-1, keepdims=True)
    return xc / jnp.sqrt(var + eps) * g + b


def _dot(x, w):
    return jnp.dot(x, w, precision=_PREC, preferred_element_type=jnp.float32)



def _pack2(lo_f32, hi_f32):
    lo = lax.bitcast_convert_type(lo_f32.astype(jnp.bfloat16),
                                  jnp.uint16).astype(jnp.uint32)
    hi = lax.bitcast_convert_type(hi_f32.astype(jnp.bfloat16),
                                  jnp.uint16).astype(jnp.uint32)
    return lax.bitcast_convert_type(lo | (hi << 16), jnp.float32)


def _unpack_lo(x):
    u = lax.bitcast_convert_type(x, jnp.uint32)
    return lax.bitcast_convert_type(u << 16, jnp.float32)


def _unpack_hi(x):
    u = lax.bitcast_convert_type(x, jnp.uint32)
    return lax.bitcast_convert_type(u & jnp.uint32(0xFFFF0000), jnp.float32)


def _pre_body(bx_ref, it_ref, wla_ref, bla_ref, wra_ref, wlb_ref, blb_ref,
              aa_ref, p2_ref):
    aa_ref[...] = _dot(bx_ref[...], wla_ref[...]) + bla_ref[...]
    ba = _dot(it_ref[...], wra_ref[...])
    ab = _dot(it_ref[...], wlb_ref[...]) + blb_ref[...]
    p2_ref[...] = _pack2(ba, ab)


def _tc_pre_tables(boxes, items, pa, pb):
    n = boxes.shape[0]
    blk = 2000
    grid = n // blk
    full = pl.BlockSpec((EMBD, EMBD), lambda i: (0, 0))
    row = pl.BlockSpec((blk, EMBD), lambda i: (i, 0))
    vec = pl.BlockSpec((1, EMBD), lambda i: (0, 0))
    out_sd = jax.ShapeDtypeStruct((n, EMBD), jnp.float32)
    return pl.pallas_call(
        _pre_body,
        grid=(grid,),
        in_specs=[row, row, full, vec, full, full, vec],
        out_specs=[row, row],
        out_shape=[out_sd, out_sd],
    )(boxes, items, pa['Wl'], pa['bl'].reshape(1, EMBD), pa['Wr'],
      pb['Wl'], pb['bl'].reshape(1, EMBD))


def _edge_body(ef_ref, c1_ref, c2_ref, we_ref, wf_ref, bf_ref, g_ref, b_ref,
               o_ref, *, n_real, unpack1, unpack2):
    m = _dot(ef_ref[...], we_ref[...])
    m = m + unpack1(c1_ref[...]) + unpack2(c2_ref[...])
    m = _layernorm(m, g_ref[...], b_ref[...])
    m = _leaky(m)
    m = _dot(m, wf_ref[...]) + bf_ref[...]
    o_ref[...] = jnp.where(pl.program_id(0) < n_real, m, 0.0)


def _ident(x):
    return x


def _tc_edge_mlp(efeat, c1, c2, we, wf, bf, g, b, unpack1=_ident,
                 unpack2=_ident, i0=0, nblk=None):
    e = efeat.shape[0]
    e_pad = c1.shape[0]
    blk = 2560
    if nblk is None:
        nblk = e_pad // blk
    n_real = e // blk
    row = pl.BlockSpec((blk, EMBD), lambda i: (i + i0, 0))
    orow = pl.BlockSpec((blk, EMBD), lambda i: (i, 0))
    ef_row = pl.BlockSpec(
        (blk, EMBD), lambda i: (jnp.minimum(i + i0, n_real - 1), 0))
    full = pl.BlockSpec((EMBD, EMBD), lambda i: (0, 0))
    vec = pl.BlockSpec((1, EMBD), lambda i: (0, 0))
    return pl.pallas_call(
        functools.partial(_edge_body, n_real=n_real - i0, unpack1=unpack1,
                          unpack2=unpack2),
        grid=(nblk,),
        in_specs=[ef_row, row, row, full, full, vec, vec, vec],
        out_specs=orow,
        out_shape=jax.ShapeDtypeStruct((nblk * blk, EMBD), jnp.float32),
    )(efeat, c1, c2, we, wf, bf.reshape(1, EMBD), g.reshape(1, EMBD),
      b.reshape(1, EMBD))


def _node_body(p_ref, q_ref, r_ref, g_ref, b_ref, w1a_ref, w1b_ref, bo1_ref,
               wo2_ref, bo2_ref, o_ref):
    s = (p_ref[0] + p_ref[1]) + (q_ref[0] + q_ref[1])
    s = _layernorm(s, g_ref[...], b_ref[...])
    h = _dot(s, w1a_ref[...]) + _dot(r_ref[...], w1b_ref[...]) + bo1_ref[...]
    h = _leaky(h)
    o_ref[...] = _leaky(_dot(h, wo2_ref[...]) + bo2_ref[...])


def _node_fused_body(p_ref, q_ref, r_ref, g_ref, b_ref, w1a_ref, w1b_ref,
                     bo1_ref, wo2_ref, bo2_ref, wrn_ref, o_ref, t_ref):
    s = (p_ref[0] + p_ref[1]) + (q_ref[0] + q_ref[1])
    s = _layernorm(s, g_ref[...], b_ref[...])
    h = _dot(s, w1a_ref[...]) + _dot(r_ref[...], w1b_ref[...]) + bo1_ref[...]
    h = _leaky(h)
    h = _leaky(_dot(h, wo2_ref[...]) + bo2_ref[...])
    o_ref[...] = h
    t_ref[...] = _dot(h, wrn_ref[...])


def _tc_node_mlp(partials, partials2, right, p, wr_next=None):
    n = right.shape[0]
    blk = 2000
    grid = n // blk
    pspec = pl.BlockSpec((2, blk, EMBD), lambda i: (0, i, 0))
    row = pl.BlockSpec((blk, EMBD), lambda i: (i, 0))
    full = pl.BlockSpec((EMBD, EMBD), lambda i: (0, 0))
    vec = pl.BlockSpec((1, EMBD), lambda i: (0, 0))
    out_sd = jax.ShapeDtypeStruct((n, EMBD), jnp.float32)
    args = (partials, partials2, right, p['ln2_g'].reshape(1, EMBD),
            p['ln2_b'].reshape(1, EMBD), p['Wo1'][:EMBD], p['Wo1'][EMBD:],
            p['bo1'].reshape(1, EMBD), p['Wo2'], p['bo2'].reshape(1, EMBD))
    in_specs = [pspec, pspec, row, vec, vec, full, full, vec, full, vec]
    if wr_next is None:
        return pl.pallas_call(
            _node_body, grid=(grid,), in_specs=in_specs, out_specs=row,
            out_shape=out_sd)(*args)
    return pl.pallas_call(
        _node_fused_body, grid=(grid,), in_specs=in_specs + [full],
        out_specs=[row, row], out_shape=[out_sd, out_sd],
    )(*args, wr_next)



@functools.cache
def _sc_mesh():
    return plsc.VectorSubcoreMesh(core_axis_name="core",
                                  subcore_axis_name="subcore")


_GATHER_W = 128


def _sc_gather_half(table, idx2):
    n = table.shape[0]
    e = idx2.shape[0] * idx2.shape[1]
    w = _GATHER_W
    chunks = e // (32 * w)
    tstripe = 1000
    n_t = n // tstripe
    seg = 40
    out_sd = jax.ShapeDtypeStruct((e, EMBD), jnp.float32)

    @functools.partial(
        pl.kernel, out_type=out_sd, mesh=_sc_mesh(),
        scratch_types=[pltpu.VMEM_SHARED((n, EMBD), jnp.float32),
                       pltpu.VMEM((seg, w), jnp.int32),
                       pltpu.VMEM((w, EMBD), jnp.float32),
                       pltpu.VMEM((w, EMBD), jnp.float32),
                       pltpu.SemaphoreType.DMA,
                       pltpu.SemaphoreType.DMA])
    def k(t_hbm, i_hbm, cc_hbm, tsh, idxv, buf0, buf1, sem0, sem1):
        cid = lax.axis_index("core")
        sid = lax.axis_index("subcore")
        wid = cid * 16 + sid

        @pl.when(sid < n_t)
        def _():
            pltpu.sync_copy(t_hbm.at[pl.ds(sid * tstripe, tstripe)],
                            tsh.at[pl.ds(sid * tstripe, tstripe)])

        plsc.subcore_barrier()

        base = wid * chunks * w

        @pl.loop(0, chunks // seg)
        def _(t):
            pltpu.sync_copy(
                i_hbm.at[pl.ds(wid * chunks + t * seg, seg)], idxv)

            @pl.loop(0, seg, step=2)
            def _(j):
                for off, buf, sem in ((0, buf0, sem0), (1, buf1, sem1)):
                    jj = t * seg + j + off

                    @pl.when(jj >= 2)
                    def _():
                        pltpu.make_async_copy(
                            buf, cc_hbm.at[pl.ds(base + (jj - 2) * w, w)],
                            sem).wait()

                    pltpu.sync_copy(tsh.at[idxv.at[j + off]], buf)
                    pltpu.async_copy(
                        buf, cc_hbm.at[pl.ds(base + jj * w, w)], sem)

        pltpu.make_async_copy(
            buf0, cc_hbm.at[pl.ds(base + (chunks - 2) * w, w)], sem0).wait()
        pltpu.make_async_copy(
            buf1, cc_hbm.at[pl.ds(base + (chunks - 1) * w, w)], sem1).wait()

    return k(table, idx2)


def _sc_scatter_add(m2, idx2, n_rows):
    e = idx2.shape[0] * idx2.shape[1]
    w = _GATHER_W
    chunks = e // (32 * w)
    seg = 40
    stripe = 1000
    n_z = n_rows // stripe
    zeros = jnp.zeros((n_rows, EMBD), jnp.float32)
    out_sd = jax.ShapeDtypeStruct((2, n_rows, EMBD), jnp.float32)

    @functools.partial(
        pl.kernel, out_type=out_sd, mesh=_sc_mesh(),
        scratch_types=[pltpu.VMEM_SHARED((n_rows, EMBD), jnp.float32),
                       pltpu.VMEM((seg, w), jnp.int32),
                       pltpu.VMEM((w, EMBD), jnp.float32),
                       pltpu.VMEM((w, EMBD), jnp.float32),
                       pltpu.SemaphoreType.DMA,
                       pltpu.SemaphoreType.DMA])
    def k(m_hbm, i_hbm, z_hbm, o_hbm, acc, idxv, buf0, buf1, sem0, sem1):
        cid = lax.axis_index("core")
        sid = lax.axis_index("subcore")
        wid = cid * 16 + sid

        @pl.when(sid < n_z)
        def _():
            pltpu.sync_copy(z_hbm.at[pl.ds(sid * stripe, stripe)],
                            acc.at[pl.ds(sid * stripe, stripe)])

        plsc.subcore_barrier()

        base = wid * chunks

        pltpu.async_copy(m_hbm.at[pl.ds(base * w, w)], buf0, sem0)
        pltpu.async_copy(m_hbm.at[pl.ds((base + 1) * w, w)], buf1, sem1)

        @pl.loop(0, chunks // seg)
        def _(t):
            pltpu.sync_copy(i_hbm.at[pl.ds(base + t * seg, seg)], idxv)

            @pl.loop(0, seg, step=2)
            def _(j):
                for off, buf, sem in ((0, buf0, sem0), (1, buf1, sem1)):
                    jj = t * seg + j + off
                    pltpu.make_async_copy(
                        m_hbm.at[pl.ds((base + jj) * w, w)], buf, sem).wait()
                    pltpu.sync_copy(buf, acc.at[idxv.at[j + off]], add=True)

                    @pl.when(jj + 2 < chunks)
                    def _():
                        pltpu.async_copy(
                            m_hbm.at[pl.ds((base + jj + 2) * w, w)], buf,
                            sem)

        plsc.subcore_barrier()

        @pl.when(sid < n_z)
        def _():
            pltpu.sync_copy(acc.at[pl.ds(sid * stripe, stripe)],
                            o_hbm.at[cid, pl.ds(sid * stripe, stripe)])

    return k(m2, idx2, zeros)



def kernel(items_feats, edge_indices, edge_features, boxes_feats, params_a,
           params_b):
    e = edge_indices.shape[1]
    n = boxes_feats.shape[0]
    unit = 20480
    e_pad = ((e + unit - 1) // unit) * unit
    idx = edge_indices.astype(jnp.int32)
    idx = jnp.pad(idx, ((0, 0), (0, e_pad - e)))
    src = idx[0].reshape(1, -1)
    dst = idx[1].reshape(1, -1)
    src2 = src.reshape(-1, _GATHER_W)
    dst2 = dst.reshape(-1, _GATHER_W)

    tab_aa, p2 = _tc_pre_tables(boxes_feats, items_feats, params_a, params_b)

    c1a = _sc_gather_half(tab_aa, dst2)
    g2 = _sc_gather_half(p2, src2)
    halfb = dst2.shape[0] // 2
    nb2 = e_pad // 2560 // 2
    m2a1 = _tc_edge_mlp(edge_features, c1a, g2, params_a['We'],
                        params_a['Wf'], params_a['bf'], params_a['ln1_g'],
                        params_a['ln1_b'], unpack2=_unpack_lo, i0=0, nblk=nb2)
    part_a1 = _sc_scatter_add(m2a1, dst2[:halfb], n)
    m2a2 = _tc_edge_mlp(edge_features, c1a, g2, params_a['We'],
                        params_a['Wf'], params_a['bf'], params_a['ln1_g'],
                        params_a['ln1_b'], unpack2=_unpack_lo, i0=nb2,
                        nblk=nb2)
    part_a2 = _sc_scatter_add(m2a2, dst2[halfb:], n)
    proc_box, tab_bb = _tc_node_mlp(part_a1, part_a2, boxes_feats, params_a,
                                    wr_next=params_b['Wr'])

    c2b = _sc_gather_half(tab_bb, dst2)
    m2b1 = _tc_edge_mlp(edge_features, g2, c2b, params_b['We'],
                        params_b['Wf'], params_b['bf'], params_b['ln1_g'],
                        params_b['ln1_b'], unpack1=_unpack_hi, i0=0, nblk=nb2)
    part_b1 = _sc_scatter_add(m2b1, src2[:halfb], items_feats.shape[0])
    m2b2 = _tc_edge_mlp(edge_features, g2, c2b, params_b['We'],
                        params_b['Wf'], params_b['bf'], params_b['ln1_g'],
                        params_b['ln1_b'], unpack1=_unpack_hi, i0=nb2,
                        nblk=nb2)
    part_b2 = _sc_scatter_add(m2b2, src2[halfb:], items_feats.shape[0])
    proc_item = _tc_node_mlp(part_b1, part_b2, items_feats, params_b)

    return (proc_item, proc_box)

# --- scband reference (transcript-rebuilt; emitter-appended) ---
"""Pipeline reference for scband-graph-layer-51367808860367 (READ-ONLY COPY).

The authoritative reference and input builder live on the scoring server;
editing this copy changes nothing except your own understanding.
"""

import jax, jax.numpy as jnp
import numpy as np

EMB = 128
N_ITEMS = 10000
N_BOXES = 10000
N_EDGES = 320000


def _leaky(x, slope=0.01):
    return jnp.where(x >= 0, x, slope * x)


def _ln(x, g, b, eps=1e-5):
    mu = jnp.mean(x, axis=-1, keepdims=True)
    var = jnp.var(x, axis=-1, keepdims=True)
    return (x - mu) / jnp.sqrt(var + eps) * g + b


def _make_params(key, e):
    ks = jax.random.split(key, 6)
    s = 1.0 / np.sqrt(e)
    return {
        'Wl': jax.random.normal(ks[0], (e, e), jnp.float32) * s,
        'bl': jnp.zeros((e,), jnp.float32),
        'We': jax.random.normal(ks[1], (e, e), jnp.float32) * s,
        'Wr': jax.random.normal(ks[2], (e, e), jnp.float32) * s,
        'ln1_g': jnp.ones((e,), jnp.float32), 'ln1_b': jnp.zeros((e,), jnp.float32),
        'Wf': jax.random.normal(ks[3], (e, e), jnp.float32) * s,
        'bf': jnp.zeros((e,), jnp.float32),
        'ln2_g': jnp.ones((e,), jnp.float32), 'ln2_b': jnp.zeros((e,), jnp.float32),
        'Wo1': jax.random.normal(ks[4], (2 * e, e), jnp.float32) * (1.0 / np.sqrt(2 * e)),
        'bo1': jnp.zeros((e,), jnp.float32),
        'Wo2': jax.random.normal(ks[5], (e, e), jnp.float32) * s,
        'bo2': jnp.zeros((e,), jnp.float32),
    }


def _bipartite_conv(left, e_src, e_dst, efeat, right, p):
    # message: final(LN -> LeakyReLU -> Linear) of (lin_left(x_i) + lin_edge(e) + lin_right(x_j))
    x_i = jnp.take(right, e_dst, axis=0)   # target node features
    x_j = jnp.take(left, e_src, axis=0)    # source node features
    m = (x_i @ p['Wl'] + p['bl']) + (efeat @ p['We']) + (x_j @ p['Wr'])
    m = _ln(m, p['ln1_g'], p['ln1_b'])
    m = _leaky(m)
    m = m @ p['Wf'] + p['bf']
    # 'add' aggregation onto target nodes
    agg = jax.ops.segment_sum(m, e_dst, num_segments=right.shape[0])
    out = _ln(agg, p['ln2_g'], p['ln2_b'])   # post_conv LayerNorm
    h = jnp.concatenate([out, right], axis=-1)
    h = _leaky(h @ p['Wo1'] + p['bo1'])
    h = _leaky(h @ p['Wo2'] + p['bo2'])
    return h


def setup_inputs(seed: int = 0):
    key = jax.random.key(seed)
    k1, k2, k3, k4, k5, k6, k7 = jax.random.split(key, 7)
    items_feats = jax.random.normal(k1, (N_ITEMS, EMB), jnp.float32)
    boxes_feats = jax.random.normal(k2, (N_BOXES, EMB), jnp.float32)
    edge_features = jax.random.normal(k3, (N_EDGES, EMB), jnp.float32)
    src = jax.random.randint(k4, (N_EDGES,), 0, N_ITEMS)
    dst = jax.random.randint(k5, (N_EDGES,), 0, N_BOXES)
    edge_indices = jnp.stack([src, dst], axis=0)
    params_a = _make_params(k6, EMB)
    params_b = _make_params(k7, EMB)
    return {'items_feats': items_feats, 'edge_indices': edge_indices,
            'edge_features': edge_features, 'boxes_feats': boxes_feats,
            'params_a': params_a, 'params_b': params_b}


def reference(items_feats, edge_indices, edge_features, boxes_feats, params_a, params_b):
    e_src = edge_indices[0]
    e_dst = edge_indices[1]
    # items -> boxes
    proc_box_feats = _bipartite_conv(items_feats, e_src, e_dst, edge_features, boxes_feats, params_a)
    # boxes -> items (reversed edges)
    proc_item_feats = _bipartite_conv(proc_box_feats, e_dst, e_src, edge_features, items_feats, params_b)
    return (proc_item_feats, proc_box_feats)

if __name__ == "__main__":
    import jax
    _d = setup_inputs()
    print(jax.jit(kernel)(*tuple(_d.values())))

</pallas_src>

<mosaic_0001>
#map = affine_map<(d0, d1) -> (0, 0)>
module attributes {stable_mosaic.version = 14 : i64} {
  func.func @k(%arg0: i32, %arg1: i32, %arg2: memref<10000x128xf32, #tpu.memory_space<hbm>>, %arg3: memref<2560x128xi32, #tpu.memory_space<hbm>>, %arg4: memref<327680x128xf32, #tpu.memory_space<hbm>>, %arg5: memref<10000x128xf32, #tpu.memory_space<vmem_shared>>, %arg6: memref<40x128xi32, #tpu.memory_space<vmem>>, %arg7: memref<128x128xf32, #tpu.memory_space<vmem>>, %arg8: memref<128x128xf32, #tpu.memory_space<vmem>>, %arg9: memref<!tpu.dma_semaphore, #tpu.memory_space<semaphore_mem>>, %arg10: memref<!tpu.dma_semaphore, #tpu.memory_space<semaphore_mem>>) attributes {dimension_semantics = [#tpu.dimension_semantics<core_parallel>, #tpu.dimension_semantics<subcore_parallel>], iteration_bounds = array<i64: 2, 16>, scalar_prefetch = 0 : i64, scratch_operands = 6 : i64, tpu.core_type = #tpu.core_type<sc_vector_subcore>, window_params = [{transform_indices = #map}, {transform_indices = #map}, {transform_indices = #map}]} {
    %mul3A = arith.constant 16 : i32
    %mul3A_0 = arith.muli %arg0, %mul3A : i32
    %add3A = arith.addi %mul3A_0, %arg1 : i32
    %lt3A = arith.constant 10 : i32
    %lt3A_1 = arith.cmpi slt, %arg1, %lt3A : i32
    %convert_element_type3A = arith.extui %lt3A_1 : i1 to i32
    %cond3A = arith.constant 0 : i32
    %cond3A_2 = arith.cmpi ne, %convert_element_type3A, %cond3A : i32
    scf.if %cond3A_2 {
      %mul3A_22 = arith.constant 1000 : i32
      %mul3A_23 = arith.muli %arg1, %mul3A_22 : i32
      %mul3A_24 = arith.constant 1000 : i32
      %mul3A_25 = arith.muli %arg1, %mul3A_24 : i32
      "tpu.region"() ({
        %run_scoped3A = tpu.sem_alloc : memref<!tpu.dma_semaphore, #tpu.memory_space<semaphore_mem>>
        %dma_start3A = arith.constant 0 : i32
        %dma_start3A_26 = tpu.memref_slice %arg5[%mul3A_25, %dma_start3A] : memref<10000x128xf32, #tpu.memory_space<vmem_shared>> -> memref<1000x128xf32, #tpu.memory_space<vmem_shared>>
        %dma_start3A_27 = arith.constant 0 : i32
        %dma_start3A_28 = tpu.memref_slice %arg2[%mul3A_23, %dma_start3A_27] : memref<10000x128xf32, #tpu.memory_space<hbm>> -> memref<1000x128xf32, #tpu.memory_space<hbm>>
        tpu.enqueue_dma source(%dma_start3A_28 : memref<1000x128xf32, #tpu.memory_space<hbm>>) target(%dma_start3A_26 : memref<1000x128xf32, #tpu.memory_space<vmem_shared>>) target_semaphore(%run_scoped3A : memref<!tpu.dma_semaphore, #tpu.memory_space<semaphore_mem>>)
        %dma_wait3A_29 = arith.constant 0 : i32
        %dma_wait3A_30 = tpu.memref_slice %arg5[%mul3A_25, %dma_wait3A_29] : memref<10000x128xf32, #tpu.memory_space<vmem_shared>> -> memref<1000x128xf32, #tpu.memory_space<vmem_shared>>
        %dma_wait3A_31 = arith.constant 0 : i32
        %dma_wait3A_32 = tpu.memref_slice %arg2[%mul3A_23, %dma_wait3A_31] : memref<10000x128xf32, #tpu.memory_space<hbm>> -> memref<1000x128xf32, #tpu.memory_space<hbm>>
        tpu.wait_dma2 semaphore(%run_scoped3A : memref<!tpu.dma_semaphore, #tpu.memory_space<semaphore_mem>>) src(%dma_wait3A_32 : memref<1000x128xf32, #tpu.memory_space<hbm>>) dst(%dma_wait3A_30 : memref<1000x128xf32, #tpu.memory_space<vmem_shared>>)
        tpu.yield
      }) : () -> ()
    } else {
    }
    %barrier3A = arith.constant 0 : index
    tpu.barrier barrier_id(%barrier3A)
    %mul3A_3 = arith.constant 80 : i32
    %mul3A_4 = arith.muli %add3A, %mul3A_3 : i32
    %mul3A_5 = arith.constant 128 : i32
    %mul3A_6 = arith.muli %mul3A_4, %mul3A_5 : i32
    %scan3A = arith.constant 0 : i32
    %scan3A_7 = arith.constant 2 : i32
    %scan3A_8 = arith.addi %scan3A, %scan3A_7 : i32
    %scan3A_9 = arith.constant 1 : i32
    scf.for %scan3A_22 = %scan3A to %scan3A_8 step %scan3A_9  : i32 {
      %mul3A_23 = arith.constant 1 : i32
      %mul3A_24 = arith.muli %scan3A_22, %mul3A_23 : i32
      %add3A_25 = arith.constant 0 : i32
      %add3A_26 = arith.addi %add3A_25, %mul3A_24 : i32
      %mul3A_27 = arith.constant 80 : i32
      %mul3A_28 = arith.muli %add3A, %mul3A_27 : i32
      %mul3A_29 = arith.constant 40 : i32
      %mul3A_30 = arith.muli %add3A_26, %mul3A_29 : i32
      %add3A_31 = arith.addi %mul3A_28, %mul3A_30 : i32
      "tpu.region"() ({
        %run_scoped3A = tpu.sem_alloc : memref<!tpu.dma_semaphore, #tpu.memory_space<semaphore_mem>>
        %dma_start3A = arith.constant 0 : i32
        %dma_start3A_37 = tpu.memref_slice %arg3[%add3A_31, %dma_start3A] : memref<2560x128xi32, #tpu.memory_space<hbm>> -> memref<40x128xi32, #tpu.memory_space<hbm>>
        %dma_start3A_38 = arith.constant 0 : i32
        %dma_start3A_39 = tpu.memref_slice %arg3[%add3A_31, %dma_start3A_38] : memref<2560x128xi32, #tpu.memory_space<hbm>> -> memref<40x128xi32, #tpu.memory_space<hbm>>
        tpu.enqueue_dma source(%dma_start3A_39 : memref<40x128xi32, #tpu.memory_space<hbm>>) target(%arg6 : memref<40x128xi32, #tpu.memory_space<vmem>>) target_semaphore(%run_scoped3A : memref<!tpu.dma_semaphore, #tpu.memory_space<semaphore_mem>>)
        %dma_wait3A_40 = arith.constant 0 : i32
        %dma_wait3A_41 = tpu.memref_slice %arg3[%add3A_31, %dma_wait3A_40] : memref<2560x128xi32, #tpu.memory_space<hbm>> -> memref<40x128xi32, #tpu.memory_space<hbm>>
        %dma_wait3A_42 = arith.constant 0 : i32
        %dma_wait3A_43 = tpu.memref_slice %arg3[%add3A_31, %dma_wait3A_42] : memref<2560x128xi32, #tpu.memory_space<hbm>> -> memref<40x128xi32, #tpu.memory_space<hbm>>
        tpu.wait_dma2 semaphore(%run_scoped3A : memref<!tpu.dma_semaphore, #tpu.memory_space<semaphore_mem>>) src(%dma_wait3A_43 : memref<40x128xi32, #tpu.memory_space<hbm>>) dst(%arg6 : memref<40x128xi32, #tpu.memory_space<vmem>>)
        tpu.yield
      }) : () -> ()
      %scan3A_32 = arith.constant 0 : i32
      %scan3A_33 = arith.constant 20 : i32
      %scan3A_34 = arith.addi %scan3A_32, %scan3A_33 : i32
      %scan3A_35 = arith.constant 1 : i32
      scf.for %scan3A_37 = %scan3A_32 to %scan3A_34 step %scan3A_35  : i32 {
        %mul3A_38 = arith.constant 2 : i32
        %mul3A_39 = arith.muli %scan3A_37, %mul3A_38 : i32
        %add3A_40 = arith.constant 0 : i32
        %add3A_41 = arith.addi %add3A_40, %mul3A_39 : i32
        %mul3A_42 = arith.constant 40 : i32
        %mul3A_43 = arith.muli %add3A_26, %mul3A_42 : i32
        %add3A_44 = arith.addi %mul3A_43, %add3A_41 : i32
        %add3A_45 = arith.constant 0 : i32
        %add3A_46 = arith.addi %add3A_44, %add3A_45 : i32
        %ge3A = arith.constant 2 : i32
        %ge3A_47 = arith.cmpi sge, %add3A_46, %ge3A : i32
        %convert_element_type3A_48 = arith.extui %ge3A_47 : i1 to i32
        %cond3A_49 = arith.constant 0 : i32
        %cond3A_50 = arith.cmpi ne, %convert_element_type3A_48, %cond3A_49 : i32
        scf.if %cond3A_50 {
          %sub3A = arith.constant 2 : i32
          %sub3A_78 = arith.subi %add3A_46, %sub3A : i32
          %mul3A_79 = arith.constant 128 : i32
          %mul3A_80 = arith.muli %sub3A_78, %mul3A_79 : i32
          %add3A_81 = arith.addi %mul3A_6, %mul3A_80 : i32
          %dma_wait3A_82 = arith.constant 0 : i32
          %dma_wait3A_83 = tpu.memref_slice %arg4[%add3A_81, %dma_wait3A_82] : memref<327680x128xf32, #tpu.memory_space<hbm>> -> memref<128x128xf32, #tpu.memory_space<hbm>>
          %dma_wait3A_84 = arith.constant 0 : i32
          %dma_wait3A_85 = tpu.memref_slice %arg4[%add3A_81, %dma_wait3A_84] : memref<327680x128xf32, #tpu.memory_space<hbm>> -> memref<128x128xf32, #tpu.memory_space<hbm>>
          tpu.wait_dma2 semaphore(%arg9 : memref<!tpu.dma_semaphore, #tpu.memory_space<semaphore_mem>>) src(%arg7 : memref<128x128xf32, #tpu.memory_space<vmem>>) dst(%dma_wait3A_85 : memref<128x128xf32, #tpu.memory_space<hbm>>)
        } else {
        }
        %add3A_51 = arith.constant 0 : i32
        %add3A_52 = arith.addi %add3A_41, %add3A_51 : i32
        "tpu.region"() ({
          %run_scoped3A = tpu.sem_alloc : memref<!tpu.dma_semaphore, #tpu.memory_space<semaphore_mem>>
          %dma_start3A_78 = arith.constant 0 : i32
          %dma_start3A_79 = tpu.memref_slice %arg6[%add3A_52, %dma_start3A_78] : memref<40x128xi32, #tpu.memory_space<vmem>> -> memref<1x128xi32, #tpu.memory_space<vmem>>
          %dma_start3A_80 = tpu.memref_squeeze %dma_start3A_79 : memref<1x128xi32, #tpu.memory_space<vmem>> -> memref<128xi32, #tpu.memory_space<vmem>>
          %dma_start3A_81 = arith.constant 0 : i32
          %dma_start3A_82 = arith.constant 0 : i32
          %dma_start3A_83 = tpu.memref_slice %arg5[%dma_start3A_81, %dma_start3A_82] : memref<10000x128xf32, #tpu.memory_space<vmem_shared>> -> memref<10000x128xf32, #tpu.memory_space<vmem_shared>>
          tpu.enqueue_indirect_dma source(%dma_start3A_83 : memref<10000x128xf32, #tpu.memory_space<vmem_shared>>) target(%arg7 : memref<128x128xf32, #tpu.memory_space<vmem>>) offsets(%dma_start3A_80 : memref<128xi32, #tpu.memory_space<vmem>>) semaphore(%run_scoped3A : memref<!tpu.dma_semaphore, #tpu.memory_space<semaphore_mem>>)
          %dma_wait3A_84 = arith.constant 0 : i32
          %dma_wait3A_85 = tpu.memref_slice %arg6[%add3A_52, %dma_wait3A_84] : memref<40x128xi32, #tpu.memory_space<vmem>> -> memref<1x128xi32, #tpu.memory_space<vmem>>
          %dma_wait3A_86 = tpu.memref_squeeze %dma_wait3A_85 : memref<1x128xi32, #tpu.memory_space<vmem>> -> memref<128xi32, #tpu.memory_space<vmem>>
          %dma_wait3A_87 = arith.constant 0 : i32
          %dma_wait3A_88 = arith.constant 0 : i32
          %dma_wait3A_89 = tpu.memref_slice %arg5[%dma_wait3A_87, %dma_wait3A_88] : memref<10000x128xf32, #tpu.memory_space<vmem_shared>> -> memref<10000x128xf32, #tpu.memory_space<vmem_shared>>
          tpu.wait_indirect_dma semaphore(%run_scoped3A : memref<!tpu.dma_semaphore, #tpu.memory_space<semaphore_mem>>) src(%dma_wait3A_89 : memref<10000x128xf32, #tpu.memory_space<vmem_shared>>) dst(%arg7 : memref<128x128xf32, #tpu.memory_space<vmem>>)
          tpu.yield
        }) : () -> ()
        %mul3A_53 = arith.constant 128 : i32
        %mul3A_54 = arith.muli %add3A_46, %mul3A_53 : i32
        %add3A_55 = arith.addi %mul3A_6, %mul3A_54 : i32
        %dma_start3A = arith.constant 0 : i32
        %dma_start3A_56 = tpu.memref_slice %arg4[%add3A_55, %dma_start3A] : memref<327680x128xf32, #tpu.memory_space<hbm>> -> memref<128x128xf32, #tpu.memory_space<hbm>>
        %dma_start3A_57 = arith.constant 0 : i32
        %dma_start3A_58 = tpu.memref_slice %arg4[%add3A_55, %dma_start3A_57] : memref<327680x128xf32, #tpu.memory_space<hbm>> -> memref<128x128xf32, #tpu.memory_space<hbm>>
        tpu.enqueue_dma source(%arg7 : memref<128x128xf32, #tpu.memory_space<vmem>>) target(%dma_start3A_58 : memref<128x128xf32, #tpu.memory_space<hbm>>) target_semaphore(%arg9 : memref<!tpu.dma_semaphore, #tpu.memory_space<semaphore_mem>>)
        %mul3A_59 = arith.constant 40 : i32
        %mul3A_60 = arith.muli %add3A_26, %mul3A_59 : i32
        %add3A_61 = arith.addi %mul3A_60, %add3A_41 : i32
        %add3A_62 = arith.constant 1 : i32
        %add3A_63 = arith.addi %add3A_61, %add3A_62 : i32
        %ge3A_64 = arith.constant 2 : i32
        %ge3A_65 = arith.cmpi sge, %add3A_63, %ge3A_64 : i32
        %convert_element_type3A_66 = arith.extui %ge3A_65 : i1 to i32
        %cond3A_67 = arith.constant 0 : i32
        %cond3A_68 = arith.cmpi ne, %convert_element_type3A_66, %cond3A_67 : i32
        scf.if %cond3A_68 {
          %sub3A = arith.constant 2 : i32
          %sub3A_78 = arith.subi %add3A_63, %sub3A : i32
          %mul3A_79 = arith.constant 128 : i32
          %mul3A_80 = arith.muli %sub3A_78, %mul3A_79 : i32
          %add3A_81 = arith.addi %mul3A_6, %mul3A_80 : i32
          %dma_wait3A_82 = arith.constant 0 : i32
          %dma_wait3A_83 = tpu.memref_slice %arg4[%add3A_81, %dma_wait3A_82] : memref<327680x128xf32, #tpu.memory_space<hbm>> -> memref<128x128xf32, #tpu.memory_space<hbm>>
          %dma_wait3A_84 = arith.constant 0 : i32
          %dma_wait3A_85 = tpu.memref_slice %arg4[%add3A_81, %dma_wait3A_84] : memref<327680x128xf32, #tpu.memory_space<hbm>> -> memref<128x128xf32, #tpu.memory_space<hbm>>
          tpu.wait_dma2 semaphore(%arg10 : memref<!tpu.dma_semaphore, #tpu.memory_space<semaphore_mem>>) src(%arg8 : memref<128x128xf32, #tpu.memory_space<vmem>>) dst(%dma_wait3A_85 : memref<128x128xf32, #tpu.memory_space<hbm>>)
        } else {
        }
        %add3A_69 = arith.constant 1 : i32
        %add3A_70 = arith.addi %add3A_41, %add3A_69 : i32
        "tpu.region"() ({
          %run_scoped3A = tpu.sem_alloc : memref<!tpu.dma_semaphore, #tpu.memory_space<semaphore_mem>>
          %dma_start3A_78 = arith.constant 0 : i32
          %dma_start3A_79 = tpu.memref_slice %arg6[%add3A_70, %dma_start3A_78] : memref<40x128xi32, #tpu.memory_space<vmem>> -> memref<1x128xi32, #tpu.memory_space<vmem>>
          %dma_start3A_80 = tpu.memref_squeeze %dma_start3A_79 : memref<1x128xi32, #tpu.memory_space<vmem>> -> memref<128xi32, #tpu.memory_space<vmem>>
          %dma_start3A_81 = arith.constant 0 : i32
          %dma_start3A_82 = arith.constant 0 : i32
          %dma_start3A_83 = tpu.memref_slice %arg5[%dma_start3A_81, %dma_start3A_82] : memref<10000x128xf32, #tpu.memory_space<vmem_shared>> -> memref<10000x128xf32, #tpu.memory_space<vmem_shared>>
          tpu.enqueue_indirect_dma source(%dma_start3A_83 : memref<10000x128xf32, #tpu.memory_space<vmem_shared>>) target(%arg8 : memref<128x128xf32, #tpu.memory_space<vmem>>) offsets(%dma_start3A_80 : memref<128xi32, #tpu.memory_space<vmem>>) semaphore(%run_scoped3A : memref<!tpu.dma_semaphore, #tpu.memory_space<semaphore_mem>>)
          %dma_wait3A_84 = arith.constant 0 : i32
          %dma_wait3A_85 = tpu.memref_slice %arg6[%add3A_70, %dma_wait3A_84] : memref<40x128xi32, #tpu.memory_space<vmem>> -> memref<1x128xi32, #tpu.memory_space<vmem>>
          %dma_wait3A_86 = tpu.memref_squeeze %dma_wait3A_85 : memref<1x128xi32, #tpu.memory_space<vmem>> -> memref<128xi32, #tpu.memory_space<vmem>>
          %dma_wait3A_87 = arith.constant 0 : i32
          %dma_wait3A_88 = arith.constant 0 : i32
          %dma_wait3A_89 = tpu.memref_slice %arg5[%dma_wait3A_87, %dma_wait3A_88] : memref<10000x128xf32, #tpu.memory_space<vmem_shared>> -> memref<10000x128xf32, #tpu.memory_space<vmem_shared>>
          tpu.wait_indirect_dma semaphore(%run_scoped3A : memref<!tpu.dma_semaphore, #tpu.memory_space<semaphore_mem>>) src(%dma_wait3A_89 : memref<10000x128xf32, #tpu.memory_space<vmem_shared>>) dst(%arg8 : memref<128x128xf32, #tpu.memory_space<vmem>>)
          tpu.yield
        }) : () -> ()
        %mul3A_71 = arith.constant 128 : i32
        %mul3A_72 = arith.muli %add3A_63, %mul3A_71 : i32
        %add3A_73 = arith.addi %mul3A_6, %mul3A_72 : i32
        %dma_start3A_74 = arith.constant 0 : i32
        %dma_start3A_75 = tpu.memref_slice %arg4[%add3A_73, %dma_start3A_74] : memref<327680x128xf32, #tpu.memory_space<hbm>> -> memref<128x128xf32, #tpu.memory_space<hbm>>
        %dma_start3A_76 = arith.constant 0 : i32
        %dma_start3A_77 = tpu.memref_slice %arg4[%add3A_73, %dma_start3A_76] : memref<327680x128xf32, #tpu.memory_space<hbm>> -> memref<128x128xf32, #tpu.memory_space<hbm>>
        tpu.enqueue_dma source(%arg8 : memref<128x128xf32, #tpu.memory_space<vmem>>) target(%dma_start3A_77 : memref<128x128xf32, #tpu.memory_space<hbm>>) target_semaphore(%arg10 : memref<!tpu.dma_semaphore, #tpu.memory_space<semaphore_mem>>)
      }
      %scan3A_36 = arith.constant 20 : i32
    }
    %scan3A_10 = arith.constant 2 : i32
    %add3A_11 = arith.constant 9984 : i32
    %add3A_12 = arith.addi %mul3A_6, %add3A_11 : i32
    %dma_wait3A = arith.constant 0 : i32
    %dma_wait3A_13 = tpu.memref_slice %arg4[%add3A_12, %dma_wait3A] : memref<327680x128xf32, #tpu.memory_space<hbm>> -> memref<128x128xf32, #tpu.memory_space<hbm>>
    %dma_wait3A_14 = arith.constant 0 : i32
    %dma_wait3A_15 = tpu.memref_slice %arg4[%add3A_12, %dma_wait3A_14] : memref<327680x128xf32, #tpu.memory_space<hbm>> -> memref<128x128xf32, #tpu.memory_space<hbm>>
    tpu.wait_dma2 semaphore(%arg9 : memref<!tpu.dma_semaphore, #tpu.memory_space<semaphore_mem>>) src(%arg7 : memref<128x128xf32, #tpu.memory_space<vmem>>) dst(%dma_wait3A_15 : memref<128x128xf32, #tpu.memory_space<hbm>>)
    %add3A_16 = arith.constant 10112 : i32
    %add3A_17 = arith.addi %mul3A_6, %add3A_16 : i32
    %dma_wait3A_18 = arith.constant 0 : i32
    %dma_wait3A_19 = tpu.memref_slice %arg4[%add3A_17, %dma_wait3A_18] : memref<327680x128xf32, #tpu.memory_space<hbm>> -> memref<128x128xf32, #tpu.memory_space<hbm>>
    %dma_wait3A_20 = arith.constant 0 : i32
    %dma_wait3A_21 = tpu.memref_slice %arg4[%add3A_17, %dma_wait3A_20] : memref<327680x128xf32, #tpu.memory_space<hbm>> -> memref<128x128xf32, #tpu.memory_space<hbm>>
    tpu.wait_dma2 semaphore(%arg10 : memref<!tpu.dma_semaphore, #tpu.memory_space<semaphore_mem>>) src(%arg8 : memref<128x128xf32, #tpu.memory_space<vmem>>) dst(%dma_wait3A_21 : memref<128x128xf32, #tpu.memory_space<hbm>>)
    return
  }
}

#map = affine_map<(d0, d1) -> (0, 0)>
module attributes {stable_mosaic.version = 14 : i64} {
  func.func @k(%arg0: i32, %arg1: i32, %arg2: memref<10000x128xf32, #tpu.memory_space<hbm>>, %arg3: memref<2560x128xi32, #tpu.memory_space<hbm>>, %arg4: memref<327680x128xf32, #tpu.memory_space<hbm>>, %arg5: memref<10000x128xf32, #tpu.memory_space<vmem_shared>>, %arg6: memref<40x128xi32, #tpu.memory_space<vmem>>, %arg7: memref<128x128xf32, #tpu.memory_space<vmem>>, %arg8: memref<128x128xf32, #tpu.memory_space<vmem>>, %arg9: memref<!tpu.dma_semaphore, #tpu.memory_space<semaphore_mem>>, %arg10: memref<!tpu.dma_semaphore, #tpu.memory_space<semaphore_mem>>) attributes {dimension_semantics = [#tpu.dimension_semantics<core_parallel>, #tpu.dimension_semantics<subcore_parallel>], iteration_bounds = array<i64: 2, 16>, scalar_prefetch = 0 : i64, scratch_operands = 6 : i64, tpu.core_type = #tpu.core_type<sc_vector_subcore>, window_params = [{transform_indices = #map}, {transform_indices = #map}, {transform_indices = #map}]} {
    %mul3A = arith.constant 16 : i32
    %mul3A_0 = arith.muli %arg0, %mul3A : i32
    %add3A = arith.addi %mul3A_0, %arg1 : i32
    %lt3A = arith.constant 10 : i32
    %lt3A_1 = arith.cmpi slt, %arg1, %lt3A : i32
    %convert_element_type3A = arith.extui %lt3A_1 : i1 to i32
    %cond3A = arith.constant 0 : i32
    %cond3A_2 = arith.cmpi ne, %convert_element_type3A, %cond3A : i32
    scf.if %cond3A_2 {
      %mul3A_22 = arith.constant 1000 : i32
      %mul3A_23 = arith.muli %arg1, %mul3A_22 : i32
      %mul3A_24 = arith.constant 1000 : i32
      %mul3A_25 = arith.muli %arg1, %mul3A_24 : i32
      "tpu.region"() ({
        %run_scoped3A = tpu.sem_alloc : memref<!tpu.dma_semaphore, #tpu.memory_space<semaphore_mem>>
        %dma_start3A = arith.constant 0 : i32
        %dma_start3A_26 = tpu.memref_slice %arg5[%mul3A_25, %dma_start3A] : memref<10000x128xf32, #tpu.memory_space<vmem_shared>> -> memref<1000x128xf32, #tpu.memory_space<vmem_shared>>
        %dma_start3A_27 = arith.constant 0 : i32
        %dma_start3A_28 = tpu.memref_slice %arg2[%mul3A_23, %dma_start3A_27] : memref<10000x128xf32, #tpu.memory_space<hbm>> -> memref<1000x128xf32, #tpu.memory_space<hbm>>
        tpu.enqueue_dma source(%dma_start3A_28 : memref<1000x128xf32, #tpu.memory_space<hbm>>) target(%dma_start3A_26 : memref<1000x128xf32, #tpu.memory_space<vmem_shared>>) target_semaphore(%run_scoped3A : memref<!tpu.dma_semaphore, #tpu.memory_space<semaphore_mem>>)
        %dma_wait3A_29 = arith.constant 0 : i32
        %dma_wait3A_30 = tpu.memref_slice %arg5[%mul3A_25, %dma_wait3A_29] : memref<10000x128xf32, #tpu.memory_space<vmem_shared>> -> memref<1000x128xf32, #tpu.memory_space<vmem_shared>>
        %dma_wait3A_31 = arith.constant 0 : i32
        %dma_wait3A_32 = tpu.memref_slice %arg2[%mul3A_23, %dma_wait3A_31] : memref<10000x128xf32, #tpu.memory_space<hbm>> -> memref<1000x128xf32, #tpu.memory_space<hbm>>
        tpu.wait_dma2 semaphore(%run_scoped3A : memref<!tpu.dma_semaphore, #tpu.memory_space<semaphore_mem>>) src(%dma_wait3A_32 : memref<1000x128xf32, #tpu.memory_space<hbm>>) dst(%dma_wait3A_30 : memref<1000x128xf32, #tpu.memory_space<vmem_shared>>)
        tpu.yield
      }) : () -> ()
    } else {
    }
    %barrier3A = arith.constant 0 : index
    tpu.barrier barrier_id(%barrier3A)
    %mul3A_3 = arith.constant 80 : i32
    %mul3A_4 = arith.muli %add3A, %mul3A_3 : i32
    %mul3A_5 = arith.constant 128 : i32
    %mul3A_6 = arith.muli %mul3A_4, %mul3A_5 : i32
    %scan3A = arith.constant 0 : i32
    %scan3A_7 = arith.constant 2 : i32
    %scan3A_8 = arith.addi %scan3A, %scan3A_7 : i32
    %scan3A_9 = arith.constant 1 : i32
    scf.for %scan3A_22 = %scan3A to %scan3A_8 step %scan3A_9  : i32 {
      %mul3A_23 = arith.constant 1 : i32
      %mul3A_24 = arith.muli %scan3A_22, %mul3A_23 : i32
      %add3A_25 = arith.constant 0 : i32
      %add3A_26 = arith.addi %add3A_25, %mul3A_24 : i32
      %mul3A_27 = arith.constant 80 : i32
      %mul3A_28 = arith.muli %add3A, %mul3A_27 : i32
      %mul3A_29 = arith.constant 40 : i32
      %mul3A_30 = arith.muli %add3A_26, %mul3A_29 : i32
      %add3A_31 = arith.addi %mul3A_28, %mul3A_30 : i32
      "tpu.region"() ({
        %run_scoped3A = tpu.sem_alloc : memref<!tpu.dma_semaphore, #tpu.memory_space<semaphore_mem>>
        %dma_start3A = arith.constant 0 : i32
        %dma_start3A_37 = tpu.memref_slice %arg3[%add3A_31, %dma_start3A] : memref<2560x128xi32, #tpu.memory_space<hbm>> -> memref<40x128xi32, #tpu.memory_space<hbm>>
        %dma_start3A_38 = arith.constant 0 : i32
        %dma_start3A_39 = tpu.memref_slice %arg3[%add3A_31, %dma_start3A_38] : memref<2560x128xi32, #tpu.memory_space<hbm>> -> memref<40x128xi32, #tpu.memory_space<hbm>>
        tpu.enqueue_dma source(%dma_start3A_39 : memref<40x128xi32, #tpu.memory_space<hbm>>) target(%arg6 : memref<40x128xi32, #tpu.memory_space<vmem>>) target_semaphore(%run_scoped3A : memref<!tpu.dma_semaphore, #tpu.memory_space<semaphore_mem>>)
        %dma_wait3A_40 = arith.constant 0 : i32
        %dma_wait3A_41 = tpu.memref_slice %arg3[%add3A_31, %dma_wait3A_40] : memref<2560x128xi32, #tpu.memory_space<hbm>> -> memref<40x128xi32, #tpu.memory_space<hbm>>
        %dma_wait3A_42 = arith.constant 0 : i32
        %dma_wait3A_43 = tpu.memref_slice %arg3[%add3A_31, %dma_wait3A_42] : memref<2560x128xi32, #tpu.memory_space<hbm>> -> memref<40x128xi32, #tpu.memory_space<hbm>>
        tpu.wait_dma2 semaphore(%run_scoped3A : memref<!tpu.dma_semaphore, #tpu.memory_space<semaphore_mem>>) src(%dma_wait3A_43 : memref<40x128xi32, #tpu.memory_space<hbm>>) dst(%arg6 : memref<40x128xi32, #tpu.memory_space<vmem>>)
        tpu.yield
      }) : () -> ()
      %scan3A_32 = arith.constant 0 : i32
      %scan3A_33 = arith.constant 20 : i32
      %scan3A_34 = arith.addi %scan3A_32, %scan3A_33 : i32
      %scan3A_35 = arith.constant 1 : i32
      scf.for %scan3A_37 = %scan3A_32 to %scan3A_34 step %scan3A_35  : i32 {
        %mul3A_38 = arith.constant 2 : i32
        %mul3A_39 = arith.muli %scan3A_37, %mul3A_38 : i32
        %add3A_40 = arith.constant 0 : i32
        %add3A_41 = arith.addi %add3A_40, %mul3A_39 : i32
        %mul3A_42 = arith.constant 40 : i32
        %mul3A_43 = arith.muli %add3A_26, %mul3A_42 : i32
        %add3A_44 = arith.addi %mul3A_43, %add3A_41 : i32
        %add3A_45 = arith.constant 0 : i32
        %add3A_46 = arith.addi %add3A_44, %add3A_45 : i32
        %ge3A = arith.constant 2 : i32
        %ge3A_47 = arith.cmpi sge, %add3A_46, %ge3A : i32
        %convert_element_type3A_48 = arith.extui %ge3A_47 : i1 to i32
        %cond3A_49 = arith.constant 0 : i32
        %cond3A_50 = arith.cmpi ne, %convert_element_type3A_48, %cond3A_49 : i32
        scf.if %cond3A_50 {
          %sub3A = arith.constant 2 : i32
          %sub3A_78 = arith.subi %add3A_46, %sub3A : i32
          %mul3A_79 = arith.constant 128 : i32
          %mul3A_80 = arith.muli %sub3A_78, %mul3A_79 : i32
          %add3A_81 = arith.addi %mul3A_6, %mul3A_80 : i32
          %dma_wait3A_82 = arith.constant 0 : i32
          %dma_wait3A_83 = tpu.memref_slice %arg4[%add3A_81, %dma_wait3A_82] : memref<327680x128xf32, #tpu.memory_space<hbm>> -> memref<128x128xf32, #tpu.memory_space<hbm>>
          %dma_wait3A_84 = arith.constant 0 : i32
          %dma_wait3A_85 = tpu.memref_slice %arg4[%add3A_81, %dma_wait3A_84] : memref<327680x128xf32, #tpu.memory_space<hbm>> -> memref<128x128xf32, #tpu.memory_space<hbm>>
          tpu.wait_dma2 semaphore(%arg9 : memref<!tpu.dma_semaphore, #tpu.memory_space<semaphore_mem>>) src(%arg7 : memref<128x128xf32, #tpu.memory_space<vmem>>) dst(%dma_wait3A_85 : memref<128x128xf32, #tpu.memory_space<hbm>>)
        } else {
        }
        %add3A_51 = arith.constant 0 : i32
        %add3A_52 = arith.addi %add3A_41, %add3A_51 : i32
        "tpu.region"() ({
          %run_scoped3A = tpu.sem_alloc : memref<!tpu.dma_semaphore, #tpu.memory_space<semaphore_mem>>
          %dma_start3A_78 = arith.constant 0 : i32
          %dma_start3A_79 = tpu.memref_slice %arg6[%add3A_52, %dma_start3A_78] : memref<40x128xi32, #tpu.memory_space<vmem>> -> memref<1x128xi32, #tpu.memory_space<vmem>>
          %dma_start3A_80 = tpu.memref_squeeze %dma_start3A_79 : memref<1x128xi32, #tpu.memory_space<vmem>> -> memref<128xi32, #tpu.memory_space<vmem>>
          %dma_start3A_81 = arith.constant 0 : i32
          %dma_start3A_82 = arith.constant 0 : i32
          %dma_start3A_83 = tpu.memref_slice %arg5[%dma_start3A_81, %dma_start3A_82] : memref<10000x128xf32, #tpu.memory_space<vmem_shared>> -> memref<10000x128xf32, #tpu.memory_space<vmem_shared>>
          tpu.enqueue_indirect_dma source(%dma_start3A_83 : memref<10000x128xf32, #tpu.memory_space<vmem_shared>>) target(%arg7 : memref<128x128xf32, #tpu.memory_space<vmem>>) offsets(%dma_start3A_80 : memref<128xi32, #tpu.memory_space<vmem>>) semaphore(%run_scoped3A : memref<!tpu.dma_semaphore, #tpu.memory_space<semaphore_mem>>)
          %dma_wait3A_84 = arith.constant 0 : i32
          %dma_wait3A_85 = tpu.memref_slice %arg6[%add3A_52, %dma_wait3A_84] : memref<40x128xi32, #tpu.memory_space<vmem>> -> memref<1x128xi32, #tpu.memory_space<vmem>>
          %dma_wait3A_86 = tpu.memref_squeeze %dma_wait3A_85 : memref<1x128xi32, #tpu.memory_space<vmem>> -> memref<128xi32, #tpu.memory_space<vmem>>
          %dma_wait3A_87 = arith.constant 0 : i32
          %dma_wait3A_88 = arith.constant 0 : i32
          %dma_wait3A_89 = tpu.memref_slice %arg5[%dma_wait3A_87, %dma_wait3A_88] : memref<10000x128xf32, #tpu.memory_space<vmem_shared>> -> memref<10000x128xf32, #tpu.memory_space<vmem_shared>>
          tpu.wait_indirect_dma semaphore(%run_scoped3A : memref<!tpu.dma_semaphore, #tpu.memory_space<semaphore_mem>>) src(%dma_wait3A_89 : memref<10000x128xf32, #tpu.memory_space<vmem_shared>>) dst(%arg7 : memref<128x128xf32, #tpu.memory_space<vmem>>)
          tpu.yield
        }) : () -> ()
        %mul3A_53 = arith.constant 128 : i32
        %mul3A_54 = arith.muli %add3A_46, %mul3A_53 : i32
        %add3A_55 = arith.addi %mul3A_6, %mul3A_54 : i32
        %dma_start3A = arith.constant 0 : i32
        %dma_start3A_56 = tpu.memref_slice %arg4[%add3A_55, %dma_start3A] : memref<327680x128xf32, #tpu.memory_space<hbm>> -> memref<128x128xf32, #tpu.memory_space<hbm>>
        %dma_start3A_57 = arith.constant 0 : i32
        %dma_start3A_58 = tpu.memref_slice %arg4[%add3A_55, %dma_start3A_57] : memref<327680x128xf32, #tpu.memory_space<hbm>> -> memref<128x128xf32, #tpu.memory_space<hbm>>
        tpu.enqueue_dma source(%arg7 : memref<128x128xf32, #tpu.memory_space<vmem>>) target(%dma_start3A_58 : memref<128x128xf32, #tpu.memory_space<hbm>>) target_semaphore(%arg9 : memref<!tpu.dma_semaphore, #tpu.memory_space<semaphore_mem>>)
        %mul3A_59 = arith.constant 40 : i32
        %mul3A_60 = arith.muli %add3A_26, %mul3A_59 : i32
        %add3A_61 = arith.addi %mul3A_60, %add3A_41 : i32
        %add3A_62 = arith.constant 1 : i32
        %add3A_63 = arith.addi %add3A_61, %add3A_62 : i32
        %ge3A_64 = arith.constant 2 : i32
        %ge3A_65 = arith.cmpi sge, %add3A_63, %ge3A_64 : i32
        %convert_element_type3A_66 = arith.extui %ge3A_65 : i1 to i32
        %cond3A_67 = arith.constant 0 : i32
        %cond3A_68 = arith.cmpi ne, %convert_element_type3A_66, %cond3A_67 : i32
        scf.if %cond3A_68 {
          %sub3A = arith.constant 2 : i32
          %sub3A_78 = arith.subi %add3A_63, %sub3A : i32
          %mul3A_79 = arith.constant 128 : i32
          %mul3A_80 = arith.muli %sub3A_78, %mul3A_79 : i32
          %add3A_81 = arith.addi %mul3A_6, %mul3A_80 : i32
          %dma_wait3A_82 = arith.constant 0 : i32
          %dma_wait3A_83 = tpu.memref_slice %arg4[%add3A_81, %dma_wait3A_82] : memref<327680x128xf32, #tpu.memory_space<hbm>> -> memref<128x128xf32, #tpu.memory_space<hbm>>
          %dma_wait3A_84 = arith.constant 0 : i32
          %dma_wait3A_85 = tpu.memref_slice %arg4[%add3A_81, %dma_wait3A_84] : memref<327680x128xf32, #tpu.memory_space<hbm>> -> memref<128x128xf32, #tpu.memory_space<hbm>>
          tpu.wait_dma2 semaphore(%arg10 : memref<!tpu.dma_semaphore, #tpu.memory_space<semaphore_mem>>) src(%arg8 : memref<128x128xf32, #tpu.memory_space<vmem>>) dst(%dma_wait3A_85 : memref<128x128xf32, #tpu.memory_space<hbm>>)
        } else {
        }
        %add3A_69 = arith.constant 1 : i32
        %add3A_70 = arith.addi %add3A_41, %add3A_69 : i32
        "tpu.region"() ({
          %run_scoped3A = tpu.sem_alloc : memref<!tpu.dma_semaphore, #tpu.memory_space<semaphore_mem>>
          %dma_start3A_78 = arith.constant 0 : i32
          %dma_start3A_79 = tpu.memref_slice %arg6[%add3A_70, %dma_start3A_78] : memref<40x128xi32, #tpu.memory_space<vmem>> -> memref<1x128xi32, #tpu.memory_space<vmem>>
          %dma_start3A_80 = tpu.memref_squeeze %dma_start3A_79 : memref<1x128xi32, #tpu.memory_space<vmem>> -> memref<128xi32, #tpu.memory_space<vmem>>
          %dma_start3A_81 = arith.constant 0 : i32
          %dma_start3A_82 = arith.constant 0 : i32
          %dma_start3A_83 = tpu.memref_slice %arg5[%dma_start3A_81, %dma_start3A_82] : memref<10000x128xf32, #tpu.memory_space<vmem_shared>> -> memref<10000x128xf32, #tpu.memory_space<vmem_shared>>
          tpu.enqueue_indirect_dma source(%dma_start3A_83 : memref<10000x128xf32, #tpu.memory_space<vmem_shared>>) target(%arg8 : memref<128x128xf32, #tpu.memory_space<vmem>>) offsets(%dma_start3A_80 : memref<128xi32, #tpu.memory_space<vmem>>) semaphore(%run_scoped3A : memref<!tpu.dma_semaphore, #tpu.memory_space<semaphore_mem>>)
          %dma_wait3A_84 = arith.constant 0 : i32
          %dma_wait3A_85 = tpu.memref_slice %arg6[%add3A_70, %dma_wait3A_84] : memref<40x128xi32, #tpu.memory_space<vmem>> -> memref<1x128xi32, #tpu.memory_space<vmem>>
          %dma_wait3A_86 = tpu.memref_squeeze %dma_wait3A_85 : memref<1x128xi32, #tpu.memory_space<vmem>> -> memref<128xi32, #tpu.memory_space<vmem>>
          %dma_wait3A_87 = arith.constant 0 : i32
          %dma_wait3A_88 = arith.constant 0 : i32
          %dma_wait3A_89 = tpu.memref_slice %arg5[%dma_wait3A_87, %dma_wait3A_88] : memref<10000x128xf32, #tpu.memory_space<vmem_shared>> -> memref<10000x128xf32, #tpu.memory_space<vmem_shared>>
          tpu.wait_indirect_dma semaphore(%run_scoped3A : memref<!tpu.dma_semaphore, #tpu.memory_space<semaphore_mem>>) src(%dma_wait3A_89 : memref<10000x128xf32, #tpu.memory_space<vmem_shared>>) dst(%arg8 : memref<128x128xf32, #tpu.memory_space<vmem>>)
          tpu.yield
        }) : () -> ()
        %mul3A_71 = arith.constant 128 : i32
        %mul3A_72 = arith.muli %add3A_63, %mul3A_71 : i32
        %add3A_73 = arith.addi %mul3A_6, %mul3A_72 : i32
        %dma_start3A_74 = arith.constant 0 : i32
        %dma_start3A_75 = tpu.memref_slice %arg4[%add3A_73, %dma_start3A_74] : memref<327680x128xf32, #tpu.memory_space<hbm>> -> memref<128x128xf32, #tpu.memory_space<hbm>>
        %dma_start3A_76 = arith.constant 0 : i32
        %dma_start3A_77 = tpu.memref_slice %arg4[%add3A_73, %dma_start3A_76] : memref<327680x128xf32, #tpu.memory_space<hbm>> -> memref<128x128xf32, #tpu.memory_space<hbm>>
        tpu.enqueue_dma source(%arg8 : memref<128x128xf32, #tpu.memory_space<vmem>>) target(%dma_start3A_77 : memref<128x128xf32, #tpu.memory_space<hbm>>) target_semaphore(%arg10 : memref<!tpu.dma_semaphore, #tpu.memory_space<semaphore_mem>>)
      }
      %scan3A_36 = arith.constant 20 : i32
    }
    %scan3A_10 = arith.constant 2 : i32
    %add3A_11 = arith.constant 9984 : i32
    %add3A_12 = arith.addi %mul3A_6, %add3A_11 : i32
    %dma_wait3A = arith.constant 0 : i32
    %dma_wait3A_13 = tpu.memref_slice %arg4[%add3A_12, %dma_wait3A] : memref<327680x128xf32, #tpu.memory_space<hbm>> -> memref<128x128xf32, #tpu.memory_space<hbm>>
    %dma_wait3A_14 = arith.constant 0 : i32
    %dma_wait3A_15 = tpu.memref_slice %arg4[%add3A_12, %dma_wait3A_14] : memref<327680x128xf32, #tpu.memory_space<hbm>> -> memref<128x128xf32, #tpu.memory_space<hbm>>
    tpu.wait_dma2 semaphore(%arg9 : memref<!tpu.dma_semaphore, #tpu.memory_space<semaphore_mem>>) src(%arg7 : memref<128x128xf32, #tpu.memory_space<vmem>>) dst(%dma_wait3A_15 : memref<128x128xf32, #tpu.memory_space<hbm>>)
    %add3A_16 = arith.constant 10112 : i32
    %add3A_17 = arith.addi %mul3A_6, %add3A_16 : i32
    %dma_wait3A_18 = arith.constant 0 : i32
    %dma_wait3A_19 = tpu.memref_slice %arg4[%add3A_17, %dma_wait3A_18] : memref<327680x128xf32, #tpu.memory_space<hbm>> -> memref<128x128xf32, #tpu.memory_space<hbm>>
    %dma_wait3A_20 = arith.constant 0 : i32
    %dma_wait3A_21 = tpu.memref_slice %arg4[%add3A_17, %dma_wait3A_20] : memref<327680x128xf32, #tpu.memory_space<hbm>> -> memref<128x128xf32, #tpu.memory_space<hbm>>
    tpu.wait_dma2 semaphore(%arg10 : memref<!tpu.dma_semaphore, #tpu.memory_space<semaphore_mem>>) src(%arg8 : memref<128x128xf32, #tpu.memory_space<vmem>>) dst(%dma_wait3A_21 : memref<128x128xf32, #tpu.memory_space<hbm>>)
    return
  }
}

#map = affine_map<(d0, d1) -> (0, 0)>
#map1 = affine_map<(d0, d1) -> (0, 0, 0)>
module attributes {stable_mosaic.version = 14 : i64} {
  func.func @k(%arg0: i32, %arg1: i32, %arg2: memref<163840x128xf32, #tpu.memory_space<hbm>>, %arg3: memref<1280x128xi32, #tpu.memory_space<hbm>>, %arg4: memref<10000x128xf32, #tpu.memory_space<hbm>>, %arg5: memref<2x10000x128xf32, #tpu.memory_space<hbm>>, %arg6: memref<10000x128xf32, #tpu.memory_space<vmem_shared>>, %arg7: memref<40x128xi32, #tpu.memory_space<vmem>>, %arg8: memref<128x128xf32, #tpu.memory_space<vmem>>, %arg9: memref<128x128xf32, #tpu.memory_space<vmem>>, %arg10: memref<!tpu.dma_semaphore, #tpu.memory_space<semaphore_mem>>, %arg11: memref<!tpu.dma_semaphore, #tpu.memory_space<semaphore_mem>>) attributes {dimension_semantics = [#tpu.dimension_semantics<core_parallel>, #tpu.dimension_semantics<subcore_parallel>], iteration_bounds = array<i64: 2, 16>, scalar_prefetch = 0 : i64, scratch_operands = 6 : i64, tpu.core_type = #tpu.core_type<sc_vector_subcore>, window_params = [{transform_indices = #map}, {transform_indices = #map}, {transform_indices = #map}, {transform_indices = #map1}]} {
    %mul3A = arith.constant 16 : i32
    %mul3A_0 = arith.muli %arg0, %mul3A : i32
    %add3A = arith.addi %mul3A_0, %arg1 : i32
    %lt3A = arith.constant 10 : i32
    %lt3A_1 = arith.cmpi slt, %arg1, %lt3A : i32
    %convert_element_type3A = arith.extui %lt3A_1 : i1 to i32
    %cond3A = arith.constant 0 : i32
    %cond3A_2 = arith.cmpi ne, %convert_element_type3A, %cond3A : i32
    scf.if %cond3A_2 {
      %mul3A_37 = arith.constant 1000 : i32
      %mul3A_38 = arith.muli %arg1, %mul3A_37 : i32
      %mul3A_39 = arith.constant 1000 : i32
      %mul3A_40 = arith.muli %arg1, %mul3A_39 : i32
      "tpu.region"() ({
        %run_scoped3A = tpu.sem_alloc : memref<!tpu.dma_semaphore, #tpu.memory_space<semaphore_mem>>
        %dma_start3A_41 = arith.constant 0 : i32
        %dma_start3A_42 = tpu.memref_slice %arg6[%mul3A_40, %dma_start3A_41] : memref<10000x128xf32, #tpu.memory_space<vmem_shared>> -> memref<1000x128xf32, #tpu.memory_space<vmem_shared>>
        %dma_start3A_43 = arith.constant 0 : i32
        %dma_start3A_44 = tpu.memref_slice %arg4[%mul3A_38, %dma_start3A_43] : memref<10000x128xf32, #tpu.memory_space<hbm>> -> memref<1000x128xf32, #tpu.memory_space<hbm>>
        tpu.enqueue_dma source(%dma_start3A_44 : memref<1000x128xf32, #tpu.memory_space<hbm>>) target(%dma_start3A_42 : memref<1000x128xf32, #tpu.memory_space<vmem_shared>>) target_semaphore(%run_scoped3A : memref<!tpu.dma_semaphore, #tpu.memory_space<semaphore_mem>>)
        %dma_wait3A = arith.constant 0 : i32
        %dma_wait3A_45 = tpu.memref_slice %arg6[%mul3A_40, %dma_wait3A] : memref<10000x128xf32, #tpu.memory_space<vmem_shared>> -> memref<1000x128xf32, #tpu.memory_space<vmem_shared>>
        %dma_wait3A_46 = arith.constant 0 : i32
        %dma_wait3A_47 = tpu.memref_slice %arg4[%mul3A_38, %dma_wait3A_46] : memref<10000x128xf32, #tpu.memory_space<hbm>> -> memref<1000x128xf32, #tpu.memory_space<hbm>>
        tpu.wait_dma2 semaphore(%run_scoped3A : memref<!tpu.dma_semaphore, #tpu.memory_space<semaphore_mem>>) src(%dma_wait3A_47 : memref<1000x128xf32, #tpu.memory_space<hbm>>) dst(%dma_wait3A_45 : memref<1000x128xf32, #tpu.memory_space<vmem_shared>>)
        tpu.yield
      }) : () -> ()
    } else {
    }
    %barrier3A = arith.constant 0 : index
    tpu.barrier barrier_id(%barrier3A)
    %mul3A_3 = arith.constant 40 : i32
    %mul3A_4 = arith.muli %add3A, %mul3A_3 : i32
    %mul3A_5 = arith.constant 128 : i32
    %mul3A_6 = arith.muli %mul3A_4, %mul3A_5 : i32
    %dma_start3A = arith.constant 0 : i32
    %dma_start3A_7 = tpu.memref_slice %arg2[%mul3A_6, %dma_start3A] : memref<163840x128xf32, #tpu.memory_space<hbm>> -> memref<128x128xf32, #tpu.memory_space<hbm>>
    %dma_start3A_8 = arith.constant 0 : i32
    %dma_start3A_9 = tpu.memref_slice %arg2[%mul3A_6, %dma_start3A_8] : memref<163840x128xf32, #tpu.memory_space<hbm>> -> memref<128x128xf32, #tpu.memory_space<hbm>>
    tpu.enqueue_dma source(%dma_start3A_9 : memref<128x128xf32, #tpu.memory_space<hbm>>) target(%arg8 : memref<128x128xf32, #tpu.memory_space<vmem>>) target_semaphore(%arg10 : memref<!tpu.dma_semaphore, #tpu.memory_space<semaphore_mem>>)
    %add3A_10 = arith.constant 1 : i32
    %add3A_11 = arith.addi %mul3A_4, %add3A_10 : i32
    %mul3A_12 = arith.constant 128 : i32
    %mul3A_13 = arith.muli %add3A_11, %mul3A_12 : i32
    %dma_start3A_14 = arith.constant 0 : i32
    %dma_start3A_15 = tpu.memref_slice %arg2[%mul3A_13, %dma_start3A_14] : memref<163840x128xf32, #tpu.memory_space<hbm>> -> memref<128x128xf32, #tpu.memory_space<hbm>>
    %dma_start3A_16 = arith.constant 0 : i32
    %dma_start3A_17 = tpu.memref_slice %arg2[%mul3A_13, %dma_start3A_16] : memref<163840x128xf32, #tpu.memory_space<hbm>> -> memref<128x128xf32, #tpu.memory_space<hbm>>
    tpu.enqueue_dma source(%dma_start3A_17 : memref<128x128xf32, #tpu.memory_space<hbm>>) target(%arg9 : memref<128x128xf32, #tpu.memory_space<vmem>>) target_semaphore(%arg11 : memref<!tpu.dma_semaphore, #tpu.memory_space<semaphore_mem>>)
    %scan3A = arith.constant 0 : i32
    %mul3A_18 = arith.constant 1 : i32
    %mul3A_19 = arith.muli %scan3A, %mul3A_18 : i32
    %add3A_20 = arith.constant 0 : i32
    %add3A_21 = arith.addi %add3A_20, %mul3A_19 : i32
    %mul3A_22 = arith.constant 40 : i32
    %mul3A_23 = arith.muli %add3A_21, %mul3A_22 : i32
    %add3A_24 = arith.addi %mul3A_4, %mul3A_23 : i32
    "tpu.region"() ({
      %run_scoped3A = tpu.sem_alloc : memref<!tpu.dma_semaphore, #tpu.memory_space<semaphore_mem>>
      %dma_start3A_37 = arith.constant 0 : i32
      %dma_start3A_38 = tpu.memref_slice %arg3[%add3A_24, %dma_start3A_37] : memref<1280x128xi32, #tpu.memory_space<hbm>> -> memref<40x128xi32, #tpu.memory_space<hbm>>
      %dma_start3A_39 = arith.constant 0 : i32
      %dma_start3A_40 = tpu.memref_slice %arg3[%add3A_24, %dma_start3A_39] : memref<1280x128xi32, #tpu.memory_space<hbm>> -> memref<40x128xi32, #tpu.memory_space<hbm>>
      tpu.enqueue_dma source(%dma_start3A_40 : memref<40x128xi32, #tpu.memory_space<hbm>>) target(%arg7 : memref<40x128xi32, #tpu.memory_space<vmem>>) target_semaphore(%run_scoped3A : memref<!tpu.dma_semaphore, #tpu.memory_space<semaphore_mem>>)
      %dma_wait3A = arith.constant 0 : i32
      %dma_wait3A_41 = tpu.memref_slice %arg3[%add3A_24, %dma_wait3A] : memref<1280x128xi32, #tpu.memory_space<hbm>> -> memref<40x128xi32, #tpu.memory_space<hbm>>
      %dma_wait3A_42 = arith.constant 0 : i32
      %dma_wait3A_43 = tpu.memref_slice %arg3[%add3A_24, %dma_wait3A_42] : memref<1280x128xi32, #tpu.memory_space<hbm>> -> memref<40x128xi32, #tpu.memory_space<hbm>>
      tpu.wait_dma2 semaphore(%run_scoped3A : memref<!tpu.dma_semaphore, #tpu.memory_space<semaphore_mem>>) src(%dma_wait3A_43 : memref<40x128xi32, #tpu.memory_space<hbm>>) dst(%arg7 : memref<40x128xi32, #tpu.memory_space<vmem>>)
      tpu.yield
    }) : () -> ()
    %scan3A_25 = arith.constant 0 : i32
    %scan3A_26 = arith.constant 20 : i32
    %scan3A_27 = arith.addi %scan3A_25, %scan3A_26 : i32
    %scan3A_28 = arith.constant 1 : i32
    scf.for %scan3A_37 = %scan3A_25 to %scan3A_27 step %scan3A_28  : i32 {
      %mul3A_38 = arith.constant 2 : i32
      %mul3A_39 = arith.muli %scan3A_37, %mul3A_38 : i32
      %add3A_40 = arith.constant 0 : i32
      %add3A_41 = arith.addi %add3A_40, %mul3A_39 : i32
      %mul3A_42 = arith.constant 40 : i32
      %mul3A_43 = arith.muli %add3A_21, %mul3A_42 : i32
      %add3A_44 = arith.addi %mul3A_43, %add3A_41 : i32
      %add3A_45 = arith.constant 0 : i32
      %add3A_46 = arith.addi %add3A_44, %add3A_45 : i32
      %add3A_47 = arith.addi %mul3A_4, %add3A_46 : i32
      %mul3A_48 = arith.constant 128 : i32
      %mul3A_49 = arith.muli %add3A_47, %mul3A_48 : i32
      %dma_wait3A = arith.constant 0 : i32
      %dma_wait3A_50 = tpu.memref_slice %arg2[%mul3A_49, %dma_wait3A] : memref<163840x128xf32, #tpu.memory_space<hbm>> -> memref<128x128xf32, #tpu.memory_space<hbm>>
      %dma_wait3A_51 = arith.constant 0 : i32
      %dma_wait3A_52 = tpu.memref_slice %arg2[%mul3A_49, %dma_wait3A_51] : memref<163840x128xf32, #tpu.memory_space<hbm>> -> memref<128x128xf32, #tpu.memory_space<hbm>>
      tpu.wait_dma2 semaphore(%arg10 : memref<!tpu.dma_semaphore, #tpu.memory_space<semaphore_mem>>) src(%dma_wait3A_52 : memref<128x128xf32, #tpu.memory_space<hbm>>) dst(%arg8 : memref<128x128xf32, #tpu.memory_space<vmem>>)
      %add3A_53 = arith.constant 0 : i32
      %add3A_54 = arith.addi %add3A_41, %add3A_53 : i32
      "tpu.region"() ({
        %run_scoped3A = tpu.sem_alloc : memref<!tpu.dma_semaphore, #tpu.memory_space<semaphore_mem>>
        %dma_start3A_83 = arith.constant 0 : i32
        %dma_start3A_84 = tpu.memref_slice %arg7[%add3A_54, %dma_start3A_83] : memref<40x128xi32, #tpu.memory_space<vmem>> -> memref<1x128xi32, #tpu.memory_space<vmem>>
        %dma_start3A_85 = tpu.memref_squeeze %dma_start3A_84 : memref<1x128xi32, #tpu.memory_space<vmem>> -> memref<128xi32, #tpu.memory_space<vmem>>
        %dma_start3A_86 = arith.constant 0 : i32
        %dma_start3A_87 = arith.constant 0 : i32
        %dma_start3A_88 = tpu.memref_slice %arg6[%dma_start3A_86, %dma_start3A_87] : memref<10000x128xf32, #tpu.memory_space<vmem_shared>> -> memref<10000x128xf32, #tpu.memory_space<vmem_shared>>
        tpu.enqueue_indirect_dma source(%arg8 : memref<128x128xf32, #tpu.memory_space<vmem>>) target(%dma_start3A_88 : memref<10000x128xf32, #tpu.memory_space<vmem_shared>>) offsets(%dma_start3A_85 : memref<128xi32, #tpu.memory_space<vmem>>) semaphore(%run_scoped3A : memref<!tpu.dma_semaphore, #tpu.memory_space<semaphore_mem>>) {add = true}
        %dma_wait3A_89 = arith.constant 0 : i32
        %dma_wait3A_90 = tpu.memref_slice %arg7[%add3A_54, %dma_wait3A_89] : memref<40x128xi32, #tpu.memory_space<vmem>> -> memref<1x128xi32, #tpu.memory_space<vmem>>
        %dma_wait3A_91 = tpu.memref_squeeze %dma_wait3A_90 : memref<1x128xi32, #tpu.memory_space<vmem>> -> memref<128xi32, #tpu.memory_space<vmem>>
        %dma_wait3A_92 = arith.constant 0 : i32
        %dma_wait3A_93 = arith.constant 0 : i32
        %dma_wait3A_94 = tpu.memref_slice %arg6[%dma_wait3A_92, %dma_wait3A_93] : memref<10000x128xf32, #tpu.memory_space<vmem_shared>> -> memref<10000x128xf32, #tpu.memory_space<vmem_shared>>
        tpu.wait_indirect_dma semaphore(%run_scoped3A : memref<!tpu.dma_semaphore, #tpu.memory_space<semaphore_mem>>) src(%arg8 : memref<128x128xf32, #tpu.memory_space<vmem>>) dst(%dma_wait3A_94 : memref<10000x128xf32, #tpu.memory_space<vmem_shared>>)
        tpu.yield
      }) : () -> ()
      %add3A_55 = arith.constant 2 : i32
      %add3A_56 = arith.addi %add3A_46, %add3A_55 : i32
      %lt3A_57 = arith.constant 40 : i32
      %lt3A_58 = arith.cmpi slt, %add3A_56, %lt3A_57 : i32
      %convert_element_type3A_59 = arith.extui %lt3A_58 : i1 to i32
      %cond3A_60 = arith.constant 0 : i32
      %cond3A_61 = arith.cmpi ne, %convert_element_type3A_59, %cond3A_60 : i32
      scf.if %cond3A_61 {
        %add3A_83 = arith.addi %mul3A_4, %add3A_46 : i32
        %add3A_84 = arith.constant 2 : i32
        %add3A_85 = arith.addi %add3A_83, %add3A_84 : i32
        %mul3A_86 = arith.constant 128 : i32
        %mul3A_87 = arith.muli %add3A_85, %mul3A_86 : i32
        %dma_start3A_88 = arith.constant 0 : i32
        %dma_start3A_89 = tpu.memref_slice %arg2[%mul3A_87, %dma_start3A_88] : memref<163840x128xf32, #tpu.memory_space<hbm>> -> memref<128x128xf32, #tpu.memory_space<hbm>>
        %dma_start3A_90 = arith.constant 0 : i32
        %dma_start3A_91 = tpu.memref_slice %arg2[%mul3A_87, %dma_start3A_90] : memref<163840x128xf32, #tpu.memory_space<hbm>> -> memref<128x128xf32, #tpu.memory_space<hbm>>
        tpu.enqueue_dma source(%dma_start3A_91 : memref<128x128xf32, #tpu.memory_space<hbm>>) target(%arg8 : memref<128x128xf32, #tpu.memory_space<vmem>>) target_semaphore(%arg10 : memref<!tpu.dma_semaphore, #tpu.memory_space<semaphore_mem>>)
      } else {
      }
      %mul3A_62 = arith.constant 40 : i32
      %mul3A_63 = arith.muli %add3A_21, %mul3A_62 : i32
      %add3A_64 = arith.addi %mul3A_63, %add3A_41 : i32
      %add3A_65 = arith.constant 1 : i32
      %add3A_66 = arith.addi %add3A_64, %add3A_65 : i32
      %add3A_67 = arith.addi %mul3A_4, %add3A_66 : i32
      %mul3A_68 = arith.constant 128 : i32
      %mul3A_69 = arith.muli %add3A_67, %mul3A_68 : i32
      %dma_wait3A_70 = arith.constant 0 : i32
      %dma_wait3A_71 = tpu.memref_slice %arg2[%mul3A_69, %dma_wait3A_70] : memref<163840x128xf32, #tpu.memory_space<hbm>> -> memref<128x128xf32, #tpu.memory_space<hbm>>
      %dma_wait3A_72 = arith.constant 0 : i32
      %dma_wait3A_73 = tpu.memref_slice %arg2[%mul3A_69, %dma_wait3A_72] : memref<163840x128xf32, #tpu.memory_space<hbm>> -> memref<128x128xf32, #tpu.memory_space<hbm>>
      tpu.wait_dma2 semaphore(%arg11 : memref<!tpu.dma_semaphore, #tpu.memory_space<semaphore_mem>>) src(%dma_wait3A_73 : memref<128x128xf32, #tpu.memory_space<hbm>>) dst(%arg9 : memref<128x128xf32, #tpu.memory_space<vmem>>)
      %add3A_74 = arith.constant 1 : i32
      %add3A_75 = arith.addi %add3A_41, %add3A_74 : i32
      "tpu.region"() ({
        %run_scoped3A = tpu.sem_alloc : memref<!tpu.dma_semaphore, #tpu.memory_space<semaphore_mem>>
        %dma_start3A_83 = arith.constant 0 : i32
        %dma_start3A_84 = tpu.memref_slice %arg7[%add3A_75, %dma_start3A_83] : memref<40x128xi32, #tpu.memory_space<vmem>> -> memref<1x128xi32, #tpu.memory_space<vmem>>
        %dma_start3A_85 = tpu.memref_squeeze %dma_start3A_84 : memref<1x128xi32, #tpu.memory_space<vmem>> -> memref<128xi32, #tpu.memory_space<vmem>>
        %dma_start3A_86 = arith.constant 0 : i32
        %dma_start3A_87 = arith.constant 0 : i32
        %dma_start3A_88 = tpu.memref_slice %arg6[%dma_start3A_86, %dma_start3A_87] : memref<10000x128xf32, #tpu.memory_space<vmem_shared>> -> memref<10000x128xf32, #tpu.memory_space<vmem_shared>>
        tpu.enqueue_indirect_dma source(%arg9 : memref<128x128xf32, #tpu.memory_space<vmem>>) target(%dma_start3A_88 : memref<10000x128xf32, #tpu.memory_space<vmem_shared>>) offsets(%dma_start3A_85 : memref<128xi32, #tpu.memory_space<vmem>>) semaphore(%run_scoped3A : memref<!tpu.dma_semaphore, #tpu.memory_space<semaphore_mem>>) {add = true}
        %dma_wait3A_89 = arith.constant 0 : i32
        %dma_wait3A_90 = tpu.memref_slice %arg7[%add3A_75, %dma_wait3A_89] : memref<40x128xi32, #tpu.memory_space<vmem>> -> memref<1x128xi32, #tpu.memory_space<vmem>>
        %dma_wait3A_91 = tpu.memref_squeeze %dma_wait3A_90 : memref<1x128xi32, #tpu.memory_space<vmem>> -> memref<128xi32, #tpu.memory_space<vmem>>
        %dma_wait3A_92 = arith.constant 0 : i32
        %dma_wait3A_93 = arith.constant 0 : i32
        %dma_wait3A_94 = tpu.memref_slice %arg6[%dma_wait3A_92, %dma_wait3A_93] : memref<10000x128xf32, #tpu.memory_space<vmem_shared>> -> memref<10000x128xf32, #tpu.memory_space<vmem_shared>>
        tpu.wait_indirect_dma semaphore(%run_scoped3A : memref<!tpu.dma_semaphore, #tpu.memory_space<semaphore_mem>>) src(%arg9 : memref<128x128xf32, #tpu.memory_space<vmem>>) dst(%dma_wait3A_94 : memref<10000x128xf32, #tpu.memory_space<vmem_shared>>)
        tpu.yield
      }) : () -> ()
      %add3A_76 = arith.constant 2 : i32
      %add3A_77 = arith.addi %add3A_66, %add3A_76 : i32
      %lt3A_78 = arith.constant 40 : i32
      %lt3A_79 = arith.cmpi slt, %add3A_77, %lt3A_78 : i32
      %convert_element_type3A_80 = arith.extui %lt3A_79 : i1 to i32
      %cond3A_81 = arith.constant 0 : i32
      %cond3A_82 = arith.cmpi ne, %convert_element_type3A_80, %cond3A_81 : i32
      scf.if %cond3A_82 {
        %add3A_83 = arith.addi %mul3A_4, %add3A_66 : i32
        %add3A_84 = arith.constant 2 : i32
        %add3A_85 = arith.addi %add3A_83, %add3A_84 : i32
        %mul3A_86 = arith.constant 128 : i32
        %mul3A_87 = arith.muli %add3A_85, %mul3A_86 : i32
        %dma_start3A_88 = arith.constant 0 : i32
        %dma_start3A_89 = tpu.memref_slice %arg2[%mul3A_87, %dma_start3A_88] : memref<163840x128xf32, #tpu.memory_space<hbm>> -> memref<128x128xf32, #tpu.memory_space<hbm>>
        %dma_start3A_90 = arith.constant 0 : i32
        %dma_start3A_91 = tpu.memref_slice %arg2[%mul3A_87, %dma_start3A_90] : memref<163840x128xf32, #tpu.memory_space<hbm>> -> memref<128x128xf32, #tpu.memory_space<hbm>>
        tpu.enqueue_dma source(%dma_start3A_91 : memref<128x128xf32, #tpu.memory_space<hbm>>) target(%arg9 : memref<128x128xf32, #tpu.memory_space<vmem>>) target_semaphore(%arg11 : memref<!tpu.dma_semaphore, #tpu.memory_space<semaphore_mem>>)
      } else {
      }
    }
    %scan3A_29 = arith.constant 20 : i32
    %scan3A_30 = arith.constant 1 : i32
    %barrier3A_31 = arith.constant 0 : index
    tpu.barrier barrier_id(%barrier3A_31)
    %lt3A_32 = arith.constant 10 : i32
    %lt3A_33 = arith.cmpi slt, %arg1, %lt3A_32 : i32
    %convert_element_type3A_34 = arith.extui %lt3A_33 : i1 to i32
    %cond3A_35 = arith.constant 0 : i32
    %cond3A_36 = arith.cmpi ne, %convert_element_type3A_34, %cond3A_35 : i32
    scf.if %cond3A_36 {
      %mul3A_37 = arith.constant 1000 : i32
      %mul3A_38 = arith.muli %arg1, %mul3A_37 : i32
      %mul3A_39 = arith.constant 1000 : i32
      %mul3A_40 = arith.muli %arg1, %mul3A_39 : i32
      "tpu.region"() ({
        %run_scoped3A = tpu.sem_alloc : memref<!tpu.dma_semaphore, #tpu.memory_space<semaphore_mem>>
        %dma_start3A_41 = arith.constant 0 : i32
        %dma_start3A_42 = tpu.memref_slice %arg5[%arg0, %mul3A_40, %dma_start3A_41] : memref<2x10000x128xf32, #tpu.memory_space<hbm>> -> memref<1x1000x128xf32, #tpu.memory_space<hbm>>
        %dma_start3A_43 = tpu.memref_squeeze %dma_start3A_42 : memref<1x1000x128xf32, #tpu.memory_space<hbm>> -> memref<1000x128xf32, #tpu.memory_space<hbm>>
        %dma_start3A_44 = arith.constant 0 : i32
        %dma_start3A_45 = tpu.memref_slice %arg6[%mul3A_38, %dma_start3A_44] : memref<10000x128xf32, #tpu.memory_space<vmem_shared>> -> memref<1000x128xf32, #tpu.memory_space<vmem_shared>>
        tpu.enqueue_dma source(%dma_start3A_45 : memref<1000x128xf32, #tpu.memory_space<vmem_shared>>) target(%dma_start3A_43 : memref<1000x128xf32, #tpu.memory_space<hbm>>) target_semaphore(%run_scoped3A : memref<!tpu.dma_semaphore, #tpu.memory_space<semaphore_mem>>)
        %dma_wait3A = arith.constant 0 : i32
        %dma_wait3A_46 = tpu.memref_slice %arg5[%arg0, %mul3A_40, %dma_wait3A] : memref<2x10000x128xf32, #tpu.memory_space<hbm>> -> memref<1x1000x128xf32, #tpu.memory_space<hbm>>
        %dma_wait3A_47 = tpu.memref_squeeze %dma_wait3A_46 : memref<1x1000x128xf32, #tpu.memory_space<hbm>> -> memref<1000x128xf32, #tpu.memory_space<hbm>>
        %dma_wait3A_48 = arith.constant 0 : i32
        %dma_wait3A_49 = tpu.memref_slice %arg6[%mul3A_38, %dma_wait3A_48] : memref<10000x128xf32, #tpu.memory_space<vmem_shared>> -> memref<1000x128xf32, #tpu.memory_space<vmem_shared>>
        tpu.wait_dma2 semaphore(%run_scoped3A : memref<!tpu.dma_semaphore, #tpu.memory_space<semaphore_mem>>) src(%dma_wait3A_49 : memref<1000x128xf32, #tpu.memory_space<vmem_shared>>) dst(%dma_wait3A_47 : memref<1000x128xf32, #tpu.memory_space<hbm>>)
        tpu.yield
      }) : () -> ()
    } else {
    }
    return
  }
}

#map = affine_map<(d0, d1) -> (0, 0)>
#map1 = affine_map<(d0, d1) -> (0, 0, 0)>
module attributes {stable_mosaic.version = 14 : i64} {
  func.func @k(%arg0: i32, %arg1: i32, %arg2: memref<163840x128xf32, #tpu.memory_space<hbm>>, %arg3: memref<1280x128xi32, #tpu.memory_space<hbm>>, %arg4: memref<10000x128xf32, #tpu.memory_space<hbm>>, %arg5: memref<2x10000x128xf32, #tpu.memory_space<hbm>>, %arg6: memref<10000x128xf32, #tpu.memory_space<vmem_shared>>, %arg7: memref<40x128xi32, #tpu.memory_space<vmem>>, %arg8: memref<128x128xf32, #tpu.memory_space<vmem>>, %arg9: memref<128x128xf32, #tpu.memory_space<vmem>>, %arg10: memref<!tpu.dma_semaphore, #tpu.memory_space<semaphore_mem>>, %arg11: memref<!tpu.dma_semaphore, #tpu.memory_space<semaphore_mem>>) attributes {dimension_semantics = [#tpu.dimension_semantics<core_parallel>, #tpu.dimension_semantics<subcore_parallel>], iteration_bounds = array<i64: 2, 16>, scalar_prefetch = 0 : i64, scratch_operands = 6 : i64, tpu.core_type = #tpu.core_type<sc_vector_subcore>, window_params = [{transform_indices = #map}, {transform_indices = #map}, {transform_indices = #map}, {transform_indices = #map1}]} {
    %mul3A = arith.constant 16 : i32
    %mul3A_0 = arith.muli %arg0, %mul3A : i32
    %add3A = arith.addi %mul3A_0, %arg1 : i32
    %lt3A = arith.constant 10 : i32
    %lt3A_1 = arith.cmpi slt, %arg1, %lt3A : i32
    %convert_element_type3A = arith.extui %lt3A_1 : i1 to i32
    %cond3A = arith.constant 0 : i32
    %cond3A_2 = arith.cmpi ne, %convert_element_type3A, %cond3A : i32
    scf.if %cond3A_2 {
      %mul3A_37 = arith.constant 1000 : i32
      %mul3A_38 = arith.muli %arg1, %mul3A_37 : i32
      %mul3A_39 = arith.constant 1000 : i32
      %mul3A_40 = arith.muli %arg1, %mul3A_39 : i32
      "tpu.region"() ({
        %run_scoped3A = tpu.sem_alloc : memref<!tpu.dma_semaphore, #tpu.memory_space<semaphore_mem>>
        %dma_start3A_41 = arith.constant 0 : i32
        %dma_start3A_42 = tpu.memref_slice %arg6[%mul3A_40, %dma_start3A_41] : memref<10000x128xf32, #tpu.memory_space<vmem_shared>> -> memref<1000x128xf32, #tpu.memory_space<vmem_shared>>
        %dma_start3A_43 = arith.constant 0 : i32
        %dma_start3A_44 = tpu.memref_slice %arg4[%mul3A_38, %dma_start3A_43] : memref<10000x128xf32, #tpu.memory_space<hbm>> -> memref<1000x128xf32, #tpu.memory_space<hbm>>
        tpu.enqueue_dma source(%dma_start3A_44 : memref<1000x128xf32, #tpu.memory_space<hbm>>) target(%dma_start3A_42 : memref<1000x128xf32, #tpu.memory_space<vmem_shared>>) target_semaphore(%run_scoped3A : memref<!tpu.dma_semaphore, #tpu.memory_space<semaphore_mem>>)
        %dma_wait3A = arith.constant 0 : i32
        %dma_wait3A_45 = tpu.memref_slice %arg6[%mul3A_40, %dma_wait3A] : memref<10000x128xf32, #tpu.memory_space<vmem_shared>> -> memref<1000x128xf32, #tpu.memory_space<vmem_shared>>
        %dma_wait3A_46 = arith.constant 0 : i32
        %dma_wait3A_47 = tpu.memref_slice %arg4[%mul3A_38, %dma_wait3A_46] : memref<10000x128xf32, #tpu.memory_space<hbm>> -> memref<1000x128xf32, #tpu.memory_space<hbm>>
        tpu.wait_dma2 semaphore(%run_scoped3A : memref<!tpu.dma_semaphore, #tpu.memory_space<semaphore_mem>>) src(%dma_wait3A_47 : memref<1000x128xf32, #tpu.memory_space<hbm>>) dst(%dma_wait3A_45 : memref<1000x128xf32, #tpu.memory_space<vmem_shared>>)
        tpu.yield
      }) : () -> ()
    } else {
    }
    %barrier3A = arith.constant 0 : index
    tpu.barrier barrier_id(%barrier3A)
    %mul3A_3 = arith.constant 40 : i32
    %mul3A_4 = arith.muli %add3A, %mul3A_3 : i32
    %mul3A_5 = arith.constant 128 : i32
    %mul3A_6 = arith.muli %mul3A_4, %mul3A_5 : i32
    %dma_start3A = arith.constant 0 : i32
    %dma_start3A_7 = tpu.memref_slice %arg2[%mul3A_6, %dma_start3A] : memref<163840x128xf32, #tpu.memory_space<hbm>> -> memref<128x128xf32, #tpu.memory_space<hbm>>
    %dma_start3A_8 = arith.constant 0 : i32
    %dma_start3A_9 = tpu.memref_slice %arg2[%mul3A_6, %dma_start3A_8] : memref<163840x128xf32, #tpu.memory_space<hbm>> -> memref<128x128xf32, #tpu.memory_space<hbm>>
    tpu.enqueue_dma source(%dma_start3A_9 : memref<128x128xf32, #tpu.memory_space<hbm>>) target(%arg8 : memref<128x128xf32, #tpu.memory_space<vmem>>) target_semaphore(%arg10 : memref<!tpu.dma_semaphore, #tpu.memory_space<semaphore_mem>>)
    %add3A_10 = arith.constant 1 : i32
    %add3A_11 = arith.addi %mul3A_4, %add3A_10 : i32
    %mul3A_12 = arith.constant 128 : i32
    %mul3A_13 = arith.muli %add3A_11, %mul3A_12 : i32
    %dma_start3A_14 = arith.constant 0 : i32
    %dma_start3A_15 = tpu.memref_slice %arg2[%mul3A_13, %dma_start3A_14] : memref<163840x128xf32, #tpu.memory_space<hbm>> -> memref<128x128xf32, #tpu.memory_space<hbm>>
    %dma_start3A_16 = arith.constant 0 : i32
    %dma_start3A_17 = tpu.memref_slice %arg2[%mul3A_13, %dma_start3A_16] : memref<163840x128xf32, #tpu.memory_space<hbm>> -> memref<128x128xf32, #tpu.memory_space<hbm>>
    tpu.enqueue_dma source(%dma_start3A_17 : memref<128x128xf32, #tpu.memory_space<hbm>>) target(%arg9 : memref<128x128xf32, #tpu.memory_space<vmem>>) target_semaphore(%arg11 : memref<!tpu.dma_semaphore, #tpu.memory_space<semaphore_mem>>)
    %scan3A = arith.constant 0 : i32
    %mul3A_18 = arith.constant 1 : i32
    %mul3A_19 = arith.muli %scan3A, %mul3A_18 : i32
    %add3A_20 = arith.constant 0 : i32
    %add3A_21 = arith.addi %add3A_20, %mul3A_19 : i32
    %mul3A_22 = arith.constant 40 : i32
    %mul3A_23 = arith.muli %add3A_21, %mul3A_22 : i32
    %add3A_24 = arith.addi %mul3A_4, %mul3A_23 : i32
    "tpu.region"() ({
      %run_scoped3A = tpu.sem_alloc : memref<!tpu.dma_semaphore, #tpu.memory_space<semaphore_mem>>
      %dma_start3A_37 = arith.constant 0 : i32
      %dma_start3A_38 = tpu.memref_slice %arg3[%add3A_24, %dma_start3A_37] : memref<1280x128xi32, #tpu.memory_space<hbm>> -> memref<40x128xi32, #tpu.memory_space<hbm>>
      %dma_start3A_39 = arith.constant 0 : i32
      %dma_start3A_40 = tpu.memref_slice %arg3[%add3A_24, %dma_start3A_39] : memref<1280x128xi32, #tpu.memory_space<hbm>> -> memref<40x128xi32, #tpu.memory_space<hbm>>
      tpu.enqueue_dma source(%dma_start3A_40 : memref<40x128xi32, #tpu.memory_space<hbm>>) target(%arg7 : memref<40x128xi32, #tpu.memory_space<vmem>>) target_semaphore(%run_scoped3A : memref<!tpu.dma_semaphore, #tpu.memory_space<semaphore_mem>>)
      %dma_wait3A = arith.constant 0 : i32
      %dma_wait3A_41 = tpu.memref_slice %arg3[%add3A_24, %dma_wait3A] : memref<1280x128xi32, #tpu.memory_space<hbm>> -> memref<40x128xi32, #tpu.memory_space<hbm>>
      %dma_wait3A_42 = arith.constant 0 : i32
      %dma_wait3A_43 = tpu.memref_slice %arg3[%add3A_24, %dma_wait3A_42] : memref<1280x128xi32, #tpu.memory_space<hbm>> -> memref<40x128xi32, #tpu.memory_space<hbm>>
      tpu.wait_dma2 semaphore(%run_scoped3A : memref<!tpu.dma_semaphore, #tpu.memory_space<semaphore_mem>>) src(%dma_wait3A_43 : memref<40x128xi32, #tpu.memory_space<hbm>>) dst(%arg7 : memref<40x128xi32, #tpu.memory_space<vmem>>)
      tpu.yield
    }) : () -> ()
    %scan3A_25 = arith.constant 0 : i32
    %scan3A_26 = arith.constant 20 : i32
    %scan3A_27 = arith.addi %scan3A_25, %scan3A_26 : i32
    %scan3A_28 = arith.constant 1 : i32
    scf.for %scan3A_37 = %scan3A_25 to %scan3A_27 step %scan3A_28  : i32 {
      %mul3A_38 = arith.constant 2 : i32
      %mul3A_39 = arith.muli %scan3A_37, %mul3A_38 : i32
      %add3A_40 = arith.constant 0 : i32
      %add3A_41 = arith.addi %add3A_40, %mul3A_39 : i32
      %mul3A_42 = arith.constant 40 : i32
      %mul3A_43 = arith.muli %add3A_21, %mul3A_42 : i32
      %add3A_44 = arith.addi %mul3A_43, %add3A_41 : i32
      %add3A_45 = arith.constant 0 : i32
      %add3A_46 = arith.addi %add3A_44, %add3A_45 : i32
      %add3A_47 = arith.addi %mul3A_4, %add3A_46 : i32
      %mul3A_48 = arith.constant 128 : i32
      %mul3A_49 = arith.muli %add3A_47, %mul3A_48 : i32
      %dma_wait3A = arith.constant 0 : i32
      %dma_wait3A_50 = tpu.memref_slice %arg2[%mul3A_49, %dma_wait3A] : memref<163840x128xf32, #tpu.memory_space<hbm>> -> memref<128x128xf32, #tpu.memory_space<hbm>>
      %dma_wait3A_51 = arith.constant 0 : i32
      %dma_wait3A_52 = tpu.memref_slice %arg2[%mul3A_49, %dma_wait3A_51] : memref<163840x128xf32, #tpu.memory_space<hbm>> -> memref<128x128xf32, #tpu.memory_space<hbm>>
      tpu.wait_dma2 semaphore(%arg10 : memref<!tpu.dma_semaphore, #tpu.memory_space<semaphore_mem>>) src(%dma_wait3A_52 : memref<128x128xf32, #tpu.memory_space<hbm>>) dst(%arg8 : memref<128x128xf32, #tpu.memory_space<vmem>>)
      %add3A_53 = arith.constant 0 : i32
      %add3A_54 = arith.addi %add3A_41, %add3A_53 : i32
      "tpu.region"() ({
        %run_scoped3A = tpu.sem_alloc : memref<!tpu.dma_semaphore, #tpu.memory_space<semaphore_mem>>
        %dma_start3A_83 = arith.constant 0 : i32
        %dma_start3A_84 = tpu.memref_slice %arg7[%add3A_54, %dma_start3A_83] : memref<40x128xi32, #tpu.memory_space<vmem>> -> memref<1x128xi32, #tpu.memory_space<vmem>>
        %dma_start3A_85 = tpu.memref_squeeze %dma_start3A_84 : memref<1x128xi32, #tpu.memory_space<vmem>> -> memref<128xi32, #tpu.memory_space<vmem>>
        %dma_start3A_86 = arith.constant 0 : i32
        %dma_start3A_87 = arith.constant 0 : i32
        %dma_start3A_88 = tpu.memref_slice %arg6[%dma_start3A_86, %dma_start3A_87] : memref<10000x128xf32, #tpu.memory_space<vmem_shared>> -> memref<10000x128xf32, #tpu.memory_space<vmem_shared>>
        tpu.enqueue_indirect_dma source(%arg8 : memref<128x128xf32, #tpu.memory_space<vmem>>) target(%dma_start3A_88 : memref<10000x128xf32, #tpu.memory_space<vmem_shared>>) offsets(%dma_start3A_85 : memref<128xi32, #tpu.memory_space<vmem>>) semaphore(%run_scoped3A : memref<!tpu.dma_semaphore, #tpu.memory_space<semaphore_mem>>) {add = true}
        %dma_wait3A_89 = arith.constant 0 : i32
        %dma_wait3A_90 = tpu.memref_slice %arg7[%add3A_54, %dma_wait3A_89] : memref<40x128xi32, #tpu.memory_space<vmem>> -> memref<1x128xi32, #tpu.memory_space<vmem>>
        %dma_wait3A_91 = tpu.memref_squeeze %dma_wait3A_90 : memref<1x128xi32, #tpu.memory_space<vmem>> -> memref<128xi32, #tpu.memory_space<vmem>>
        %dma_wait3A_92 = arith.constant 0 : i32
        %dma_wait3A_93 = arith.constant 0 : i32
        %dma_wait3A_94 = tpu.memref_slice %arg6[%dma_wait3A_92, %dma_wait3A_93] : memref<10000x128xf32, #tpu.memory_space<vmem_shared>> -> memref<10000x128xf32, #tpu.memory_space<vmem_shared>>
        tpu.wait_indirect_dma semaphore(%run_scoped3A : memref<!tpu.dma_semaphore, #tpu.memory_space<semaphore_mem>>) src(%arg8 : memref<128x128xf32, #tpu.memory_space<vmem>>) dst(%dma_wait3A_94 : memref<10000x128xf32, #tpu.memory_space<vmem_shared>>)
        tpu.yield
      }) : () -> ()
      %add3A_55 = arith.constant 2 : i32
      %add3A_56 = arith.addi %add3A_46, %add3A_55 : i32
      %lt3A_57 = arith.constant 40 : i32
      %lt3A_58 = arith.cmpi slt, %add3A_56, %lt3A_57 : i32
      %convert_element_type3A_59 = arith.extui %lt3A_58 : i1 to i32
      %cond3A_60 = arith.constant 0 : i32
      %cond3A_61 = arith.cmpi ne, %convert_element_type3A_59, %cond3A_60 : i32
      scf.if %cond3A_61 {
        %add3A_83 = arith.addi %mul3A_4, %add3A_46 : i32
        %add3A_84 = arith.constant 2 : i32
        %add3A_85 = arith.addi %add3A_83, %add3A_84 : i32
        %mul3A_86 = arith.constant 128 : i32
        %mul3A_87 = arith.muli %add3A_85, %mul3A_86 : i32
        %dma_start3A_88 = arith.constant 0 : i32
        %dma_start3A_89 = tpu.memref_slice %arg2[%mul3A_87, %dma_start3A_88] : memref<163840x128xf32, #tpu.memory_space<hbm>> -> memref<128x128xf32, #tpu.memory_space<hbm>>
        %dma_start3A_90 = arith.constant 0 : i32
        %dma_start3A_91 = tpu.memref_slice %arg2[%mul3A_87, %dma_start3A_90] : memref<163840x128xf32, #tpu.memory_space<hbm>> -> memref<128x128xf32, #tpu.memory_space<hbm>>
        tpu.enqueue_dma source(%dma_start3A_91 : memref<128x128xf32, #tpu.memory_space<hbm>>) target(%arg8 : memref<128x128xf32, #tpu.memory_space<vmem>>) target_semaphore(%arg10 : memref<!tpu.dma_semaphore, #tpu.memory_space<semaphore_mem>>)
      } else {
      }
      %mul3A_62 = arith.constant 40 : i32
      %mul3A_63 = arith.muli %add3A_21, %mul3A_62 : i32
      %add3A_64 = arith.addi %mul3A_63, %add3A_41 : i32
      %add3A_65 = arith.constant 1 : i32
      %add3A_66 = arith.addi %add3A_64, %add3A_65 : i32
      %add3A_67 = arith.addi %mul3A_4, %add3A_66 : i32
      %mul3A_68 = arith.constant 128 : i32
      %mul3A_69 = arith.muli %add3A_67, %mul3A_68 : i32
      %dma_wait3A_70 = arith.constant 0 : i32
      %dma_wait3A_71 = tpu.memref_slice %arg2[%mul3A_69, %dma_wait3A_70] : memref<163840x128xf32, #tpu.memory_space<hbm>> -> memref<128x128xf32, #tpu.memory_space<hbm>>
      %dma_wait3A_72 = arith.constant 0 : i32
      %dma_wait3A_73 = tpu.memref_slice %arg2[%mul3A_69, %dma_wait3A_72] : memref<163840x128xf32, #tpu.memory_space<hbm>> -> memref<128x128xf32, #tpu.memory_space<hbm>>
      tpu.wait_dma2 semaphore(%arg11 : memref<!tpu.dma_semaphore, #tpu.memory_space<semaphore_mem>>) src(%dma_wait3A_73 : memref<128x128xf32, #tpu.memory_space<hbm>>) dst(%arg9 : memref<128x128xf32, #tpu.memory_space<vmem>>)
      %add3A_74 = arith.constant 1 : i32
      %add3A_75 = arith.addi %add3A_41, %add3A_74 : i32
      "tpu.region"() ({
        %run_scoped3A = tpu.sem_alloc : memref<!tpu.dma_semaphore, #tpu.memory_space<semaphore_mem>>
        %dma_start3A_83 = arith.constant 0 : i32
        %dma_start3A_84 = tpu.memref_slice %arg7[%add3A_75, %dma_start3A_83] : memref<40x128xi32, #tpu.memory_space<vmem>> -> memref<1x128xi32, #tpu.memory_space<vmem>>
        %dma_start3A_85 = tpu.memref_squeeze %dma_start3A_84 : memref<1x128xi32, #tpu.memory_space<vmem>> -> memref<128xi32, #tpu.memory_space<vmem>>
        %dma_start3A_86 = arith.constant 0 : i32
        %dma_start3A_87 = arith.constant 0 : i32
        %dma_start3A_88 = tpu.memref_slice %arg6[%dma_start3A_86, %dma_start3A_87] : memref<10000x128xf32, #tpu.memory_space<vmem_shared>> -> memref<10000x128xf32, #tpu.memory_space<vmem_shared>>
        tpu.enqueue_indirect_dma source(%arg9 : memref<128x128xf32, #tpu.memory_space<vmem>>) target(%dma_start3A_88 : memref<10000x128xf32, #tpu.memory_space<vmem_shared>>) offsets(%dma_start3A_85 : memref<128xi32, #tpu.memory_space<vmem>>) semaphore(%run_scoped3A : memref<!tpu.dma_semaphore, #tpu.memory_space<semaphore_mem>>) {add = true}
        %dma_wait3A_89 = arith.constant 0 : i32
        %dma_wait3A_90 = tpu.memref_slice %arg7[%add3A_75, %dma_wait3A_89] : memref<40x128xi32, #tpu.memory_space<vmem>> -> memref<1x128xi32, #tpu.memory_space<vmem>>
        %dma_wait3A_91 = tpu.memref_squeeze %dma_wait3A_90 : memref<1x128xi32, #tpu.memory_space<vmem>> -> memref<128xi32, #tpu.memory_space<vmem>>
        %dma_wait3A_92 = arith.constant 0 : i32
        %dma_wait3A_93 = arith.constant 0 : i32
        %dma_wait3A_94 = tpu.memref_slice %arg6[%dma_wait3A_92, %dma_wait3A_93] : memref<10000x128xf32, #tpu.memory_space<vmem_shared>> -> memref<10000x128xf32, #tpu.memory_space<vmem_shared>>
        tpu.wait_indirect_dma semaphore(%run_scoped3A : memref<!tpu.dma_semaphore, #tpu.memory_space<semaphore_mem>>) src(%arg9 : memref<128x128xf32, #tpu.memory_space<vmem>>) dst(%dma_wait3A_94 : memref<10000x128xf32, #tpu.memory_space<vmem_shared>>)
        tpu.yield
      }) : () -> ()
      %add3A_76 = arith.constant 2 : i32
      %add3A_77 = arith.addi %add3A_66, %add3A_76 : i32
      %lt3A_78 = arith.constant 40 : i32
      %lt3A_79 = arith.cmpi slt, %add3A_77, %lt3A_78 : i32
      %convert_element_type3A_80 = arith.extui %lt3A_79 : i1 to i32
      %cond3A_81 = arith.constant 0 : i32
      %cond3A_82 = arith.cmpi ne, %convert_element_type3A_80, %cond3A_81 : i32
      scf.if %cond3A_82 {
        %add3A_83 = arith.addi %mul3A_4, %add3A_66 : i32
        %add3A_84 = arith.constant 2 : i32
        %add3A_85 = arith.addi %add3A_83, %add3A_84 : i32
        %mul3A_86 = arith.constant 128 : i32
        %mul3A_87 = arith.muli %add3A_85, %mul3A_86 : i32
        %dma_start3A_88 = arith.constant 0 : i32
        %dma_start3A_89 = tpu.memref_slice %arg2[%mul3A_87, %dma_start3A_88] : memref<163840x128xf32, #tpu.memory_space<hbm>> -> memref<128x128xf32, #tpu.memory_space<hbm>>
        %dma_start3A_90 = arith.constant 0 : i32
        %dma_start3A_91 = tpu.memref_slice %arg2[%mul3A_87, %dma_start3A_90] : memref<163840x128xf32, #tpu.memory_space<hbm>> -> memref<128x128xf32, #tpu.memory_space<hbm>>
        tpu.enqueue_dma source(%dma_start3A_91 : memref<128x128xf32, #tpu.memory_space<hbm>>) target(%arg9 : memref<128x128xf32, #tpu.memory_space<vmem>>) target_semaphore(%arg11 : memref<!tpu.dma_semaphore, #tpu.memory_space<semaphore_mem>>)
      } else {
      }
    }
    %scan3A_29 = arith.constant 20 : i32
    %scan3A_30 = arith.constant 1 : i32
    %barrier3A_31 = arith.constant 0 : index
    tpu.barrier barrier_id(%barrier3A_31)
    %lt3A_32 = arith.constant 10 : i32
    %lt3A_33 = arith.cmpi slt, %arg1, %lt3A_32 : i32
    %convert_element_type3A_34 = arith.extui %lt3A_33 : i1 to i32
    %cond3A_35 = arith.constant 0 : i32
    %cond3A_36 = arith.cmpi ne, %convert_element_type3A_34, %cond3A_35 : i32
    scf.if %cond3A_36 {
      %mul3A_37 = arith.constant 1000 : i32
      %mul3A_38 = arith.muli %arg1, %mul3A_37 : i32
      %mul3A_39 = arith.constant 1000 : i32
      %mul3A_40 = arith.muli %arg1, %mul3A_39 : i32
      "tpu.region"() ({
        %run_scoped3A = tpu.sem_alloc : memref<!tpu.dma_semaphore, #tpu.memory_space<semaphore_mem>>
        %dma_start3A_41 = arith.constant 0 : i32
        %dma_start3A_42 = tpu.memref_slice %arg5[%arg0, %mul3A_40, %dma_start3A_41] : memref<2x10000x128xf32, #tpu.memory_space<hbm>> -> memref<1x1000x128xf32, #tpu.memory_space<hbm>>
        %dma_start3A_43 = tpu.memref_squeeze %dma_start3A_42 : memref<1x1000x128xf32, #tpu.memory_space<hbm>> -> memref<1000x128xf32, #tpu.memory_space<hbm>>
        %dma_start3A_44 = arith.constant 0 : i32
        %dma_start3A_45 = tpu.memref_slice %arg6[%mul3A_38, %dma_start3A_44] : memref<10000x128xf32, #tpu.memory_space<vmem_shared>> -> memref<1000x128xf32, #tpu.memory_space<vmem_shared>>
        tpu.enqueue_dma source(%dma_start3A_45 : memref<1000x128xf32, #tpu.memory_space<vmem_shared>>) target(%dma_start3A_43 : memref<1000x128xf32, #tpu.memory_space<hbm>>) target_semaphore(%run_scoped3A : memref<!tpu.dma_semaphore, #tpu.memory_space<semaphore_mem>>)
        %dma_wait3A = arith.constant 0 : i32
        %dma_wait3A_46 = tpu.memref_slice %arg5[%arg0, %mul3A_40, %dma_wait3A] : memref<2x10000x128xf32, #tpu.memory_space<hbm>> -> memref<1x1000x128xf32, #tpu.memory_space<hbm>>
        %dma_wait3A_47 = tpu.memref_squeeze %dma_wait3A_46 : memref<1x1000x128xf32, #tpu.memory_space<hbm>> -> memref<1000x128xf32, #tpu.memory_space<hbm>>
        %dma_wait3A_48 = arith.constant 0 : i32
        %dma_wait3A_49 = tpu.memref_slice %arg6[%mul3A_38, %dma_wait3A_48] : memref<10000x128xf32, #tpu.memory_space<vmem_shared>> -> memref<1000x128xf32, #tpu.memory_space<vmem_shared>>
        tpu.wait_dma2 semaphore(%run_scoped3A : memref<!tpu.dma_semaphore, #tpu.memory_space<semaphore_mem>>) src(%dma_wait3A_49 : memref<1000x128xf32, #tpu.memory_space<vmem_shared>>) dst(%dma_wait3A_47 : memref<1000x128xf32, #tpu.memory_space<hbm>>)
        tpu.yield
      }) : () -> ()
    } else {
    }
    return
  }
}

#map = affine_map<(d0, d1) -> (0, 0)>
module attributes {stable_mosaic.version = 14 : i64} {
  func.func @k(%arg0: i32, %arg1: i32, %arg2: memref<10000x128xf32, #tpu.memory_space<hbm>>, %arg3: memref<2560x128xi32, #tpu.memory_space<hbm>>, %arg4: memref<327680x128xf32, #tpu.memory_space<hbm>>, %arg5: memref<10000x128xf32, #tpu.memory_space<vmem_shared>>, %arg6: memref<40x128xi32, #tpu.memory_space<vmem>>, %arg7: memref<128x128xf32, #tpu.memory_space<vmem>>, %arg8: memref<128x128xf32, #tpu.memory_space<vmem>>, %arg9: memref<!tpu.dma_semaphore, #tpu.memory_space<semaphore_mem>>, %arg10: memref<!tpu.dma_semaphore, #tpu.memory_space<semaphore_mem>>) attributes {dimension_semantics = [#tpu.dimension_semantics<core_parallel>, #tpu.dimension_semantics<subcore_parallel>], iteration_bounds = array<i64: 2, 16>, scalar_prefetch = 0 : i64, scratch_operands = 6 : i64, tpu.core_type = #tpu.core_type<sc_vector_subcore>, window_params = [{transform_indices = #map}, {transform_indices = #map}, {transform_indices = #map}]} {
    %mul3A = arith.constant 16 : i32
    %mul3A_0 = arith.muli %arg0, %mul3A : i32
    %add3A = arith.addi %mul3A_0, %arg1 : i32
    %lt3A = arith.constant 10 : i32
    %lt3A_1 = arith.cmpi slt, %arg1, %lt3A : i32
    %convert_element_type3A = arith.extui %lt3A_1 : i1 to i32
    %cond3A = arith.constant 0 : i32
    %cond3A_2 = arith.cmpi ne, %convert_element_type3A, %cond3A : i32
    scf.if %cond3A_2 {
      %mul3A_22 = arith.constant 1000 : i32
      %mul3A_23 = arith.muli %arg1, %mul3A_22 : i32
      %mul3A_24 = arith.constant 1000 : i32
      %mul3A_25 = arith.muli %arg1, %mul3A_24 : i32
      "tpu.region"() ({
        %run_scoped3A = tpu.sem_alloc : memref<!tpu.dma_semaphore, #tpu.memory_space<semaphore_mem>>
        %dma_start3A = arith.constant 0 : i32
        %dma_start3A_26 = tpu.memref_slice %arg5[%mul3A_25, %dma_start3A] : memref<10000x128xf32, #tpu.memory_space<vmem_shared>> -> memref<1000x128xf32, #tpu.memory_space<vmem_shared>>
        %dma_start3A_27 = arith.constant 0 : i32
        %dma_start3A_28 = tpu.memref_slice %arg2[%mul3A_23, %dma_start3A_27] : memref<10000x128xf32, #tpu.memory_space<hbm>> -> memref<1000x128xf32, #tpu.memory_space<hbm>>
        tpu.enqueue_dma source(%dma_start3A_28 : memref<1000x128xf32, #tpu.memory_space<hbm>>) target(%dma_start3A_26 : memref<1000x128xf32, #tpu.memory_space<vmem_shared>>) target_semaphore(%run_scoped3A : memref<!tpu.dma_semaphore, #tpu.memory_space<semaphore_mem>>)
        %dma_wait3A_29 = arith.constant 0 : i32
        %dma_wait3A_30 = tpu.memref_slice %arg5[%mul3A_25, %dma_wait3A_29] : memref<10000x128xf32, #tpu.memory_space<vmem_shared>> -> memref<1000x128xf32, #tpu.memory_space<vmem_shared>>
        %dma_wait3A_31 = arith.constant 0 : i32
        %dma_wait3A_32 = tpu.memref_slice %arg2[%mul3A_23, %dma_wait3A_31] : memref<10000x128xf32, #tpu.memory_space<hbm>> -> memref<1000x128xf32, #tpu.memory_space<hbm>>
        tpu.wait_dma2 semaphore(%run_scoped3A : memref<!tpu.dma_semaphore, #tpu.memory_space<semaphore_mem>>) src(%dma_wait3A_32 : memref<1000x128xf32, #tpu.memory_space<hbm>>) dst(%dma_wait3A_30 : memref<1000x128xf32, #tpu.memory_space<vmem_shared>>)
        tpu.yield
      }) : () -> ()
    } else {
    }
    %barrier3A = arith.constant 0 : index
    tpu.barrier barrier_id(%barrier3A)
    %mul3A_3 = arith.constant 80 : i32
    %mul3A_4 = arith.muli %add3A, %mul3A_3 : i32
    %mul3A_5 = arith.constant 128 : i32
    %mul3A_6 = arith.muli %mul3A_4, %mul3A_5 : i32
    %scan3A = arith.constant 0 : i32
    %scan3A_7 = arith.constant 2 : i32
    %scan3A_8 = arith.addi %scan3A, %scan3A_7 : i32
    %scan3A_9 = arith.constant 1 : i32
    scf.for %scan3A_22 = %scan3A to %scan3A_8 step %scan3A_9  : i32 {
      %mul3A_23 = arith.constant 1 : i32
      %mul3A_24 = arith.muli %scan3A_22, %mul3A_23 : i32
      %add3A_25 = arith.constant 0 : i32
      %add3A_26 = arith.addi %add3A_25, %mul3A_24 : i32
      %mul3A_27 = arith.constant 80 : i32
      %mul3A_28 = arith.muli %add3A, %mul3A_27 : i32
      %mul3A_29 = arith.constant 40 : i32
      %mul3A_30 = arith.muli %add3A_26, %mul3A_29 : i32
      %add3A_31 = arith.addi %mul3A_28, %mul3A_30 : i32
      "tpu.region"() ({
        %run_scoped3A = tpu.sem_alloc : memref<!tpu.dma_semaphore, #tpu.memory_space<semaphore_mem>>
        %dma_start3A = arith.constant 0 : i32
        %dma_start3A_37 = tpu.memref_slice %arg3[%add3A_31, %dma_start3A] : memref<2560x128xi32, #tpu.memory_space<hbm>> -> memref<40x128xi32, #tpu.memory_space<hbm>>
        %dma_start3A_38 = arith.constant 0 : i32
        %dma_start3A_39 = tpu.memref_slice %arg3[%add3A_31, %dma_start3A_38] : memref<2560x128xi32, #tpu.memory_space<hbm>> -> memref<40x128xi32, #tpu.memory_space<hbm>>
        tpu.enqueue_dma source(%dma_start3A_39 : memref<40x128xi32, #tpu.memory_space<hbm>>) target(%arg6 : memref<40x128xi32, #tpu.memory_space<vmem>>) target_semaphore(%run_scoped3A : memref<!tpu.dma_semaphore, #tpu.memory_space<semaphore_mem>>)
        %dma_wait3A_40 = arith.constant 0 : i32
        %dma_wait3A_41 = tpu.memref_slice %arg3[%add3A_31, %dma_wait3A_40] : memref<2560x128xi32, #tpu.memory_space<hbm>> -> memref<40x128xi32, #tpu.memory_space<hbm>>
        %dma_wait3A_42 = arith.constant 0 : i32
        %dma_wait3A_43 = tpu.memref_slice %arg3[%add3A_31, %dma_wait3A_42] : memref<2560x128xi32, #tpu.memory_space<hbm>> -> memref<40x128xi32, #tpu.memory_space<hbm>>
        tpu.wait_dma2 semaphore(%run_scoped3A : memref<!tpu.dma_semaphore, #tpu.memory_space<semaphore_mem>>) src(%dma_wait3A_43 : memref<40x128xi32, #tpu.memory_space<hbm>>) dst(%arg6 : memref<40x128xi32, #tpu.memory_space<vmem>>)
        tpu.yield
      }) : () -> ()
      %scan3A_32 = arith.constant 0 : i32
      %scan3A_33 = arith.constant 20 : i32
      %scan3A_34 = arith.addi %scan3A_32, %scan3A_33 : i32
      %scan3A_35 = arith.constant 1 : i32
      scf.for %scan3A_37 = %scan3A_32 to %scan3A_34 step %scan3A_35  : i32 {
        %mul3A_38 = arith.constant 2 : i32
        %mul3A_39 = arith.muli %scan3A_37, %mul3A_38 : i32
        %add3A_40 = arith.constant 0 : i32
        %add3A_41 = arith.addi %add3A_40, %mul3A_39 : i32
        %mul3A_42 = arith.constant 40 : i32
        %mul3A_43 = arith.muli %add3A_26, %mul3A_42 : i32
        %add3A_44 = arith.addi %mul3A_43, %add3A_41 : i32
        %add3A_45 = arith.constant 0 : i32
        %add3A_46 = arith.addi %add3A_44, %add3A_45 : i32
        %ge3A = arith.constant 2 : i32
        %ge3A_47 = arith.cmpi sge, %add3A_46, %ge3A : i32
        %convert_element_type3A_48 = arith.extui %ge3A_47 : i1 to i32
        %cond3A_49 = arith.constant 0 : i32
        %cond3A_50 = arith.cmpi ne, %convert_element_type3A_48, %cond3A_49 : i32
        scf.if %cond3A_50 {
          %sub3A = arith.constant 2 : i32
          %sub3A_78 = arith.subi %add3A_46, %sub3A : i32
          %mul3A_79 = arith.constant 128 : i32
          %mul3A_80 = arith.muli %sub3A_78, %mul3A_79 : i32
          %add3A_81 = arith.addi %mul3A_6, %mul3A_80 : i32
          %dma_wait3A_82 = arith.constant 0 : i32
          %dma_wait3A_83 = tpu.memref_slice %arg4[%add3A_81, %dma_wait3A_82] : memref<327680x128xf32, #tpu.memory_space<hbm>> -> memref<128x128xf32, #tpu.memory_space<hbm>>
          %dma_wait3A_84 = arith.constant 0 : i32
          %dma_wait3A_85 = tpu.memref_slice %arg4[%add3A_81, %dma_wait3A_84] : memref<327680x128xf32, #tpu.memory_space<hbm>> -> memref<128x128xf32, #tpu.memory_space<hbm>>
          tpu.wait_dma2 semaphore(%arg9 : memref<!tpu.dma_semaphore, #tpu.memory_space<semaphore_mem>>) src(%arg7 : memref<128x128xf32, #tpu.memory_space<vmem>>) dst(%dma_wait3A_85 : memref<128x128xf32, #tpu.memory_space<hbm>>)
        } else {
        }
        %add3A_51 = arith.constant 0 : i32
        %add3A_52 = arith.addi %add3A_41, %add3A_51 : i32
        "tpu.region"() ({
          %run_scoped3A = tpu.sem_alloc : memref<!tpu.dma_semaphore, #tpu.memory_space<semaphore_mem>>
          %dma_start3A_78 = arith.constant 0 : i32
          %dma_start3A_79 = tpu.memref_slice %arg6[%add3A_52, %dma_start3A_78] : memref<40x128xi32, #tpu.memory_space<vmem>> -> memref<1x128xi32, #tpu.memory_space<vmem>>
          %dma_start3A_80 = tpu.memref_squeeze %dma_start3A_79 : memref<1x128xi32, #tpu.memory_space<vmem>> -> memref<128xi32, #tpu.memory_space<vmem>>
          %dma_start3A_81 = arith.constant 0 : i32
          %dma_start3A_82 = arith.constant 0 : i32
          %dma_start3A_83 = tpu.memref_slice %arg5[%dma_start3A_81, %dma_start3A_82] : memref<10000x128xf32, #tpu.memory_space<vmem_shared>> -> memref<10000x128xf32, #tpu.memory_space<vmem_shared>>
          tpu.enqueue_indirect_dma source(%dma_start3A_83 : memref<10000x128xf32, #tpu.memory_space<vmem_shared>>) target(%arg7 : memref<128x128xf32, #tpu.memory_space<vmem>>) offsets(%dma_start3A_80 : memref<128xi32, #tpu.memory_space<vmem>>) semaphore(%run_scoped3A : memref<!tpu.dma_semaphore, #tpu.memory_space<semaphore_mem>>)
          %dma_wait3A_84 = arith.constant 0 : i32
          %dma_wait3A_85 = tpu.memref_slice %arg6[%add3A_52, %dma_wait3A_84] : memref<40x128xi32, #tpu.memory_space<vmem>> -> memref<1x128xi32, #tpu.memory_space<vmem>>
          %dma_wait3A_86 = tpu.memref_squeeze %dma_wait3A_85 : memref<1x128xi32, #tpu.memory_space<vmem>> -> memref<128xi32, #tpu.memory_space<vmem>>
          %dma_wait3A_87 = arith.constant 0 : i32
          %dma_wait3A_88 = arith.constant 0 : i32
          %dma_wait3A_89 = tpu.memref_slice %arg5[%dma_wait3A_87, %dma_wait3A_88] : memref<10000x128xf32, #tpu.memory_space<vmem_shared>> -> memref<10000x128xf32, #tpu.memory_space<vmem_shared>>
          tpu.wait_indirect_dma semaphore(%run_scoped3A : memref<!tpu.dma_semaphore, #tpu.memory_space<semaphore_mem>>) src(%dma_wait3A_89 : memref<10000x128xf32, #tpu.memory_space<vmem_shared>>) dst(%arg7 : memref<128x128xf32, #tpu.memory_space<vmem>>)
          tpu.yield
        }) : () -> ()
        %mul3A_53 = arith.constant 128 : i32
        %mul3A_54 = arith.muli %add3A_46, %mul3A_53 : i32
        %add3A_55 = arith.addi %mul3A_6, %mul3A_54 : i32
        %dma_start3A = arith.constant 0 : i32
        %dma_start3A_56 = tpu.memref_slice %arg4[%add3A_55, %dma_start3A] : memref<327680x128xf32, #tpu.memory_space<hbm>> -> memref<128x128xf32, #tpu.memory_space<hbm>>
        %dma_start3A_57 = arith.constant 0 : i32
        %dma_start3A_58 = tpu.memref_slice %arg4[%add3A_55, %dma_start3A_57] : memref<327680x128xf32, #tpu.memory_space<hbm>> -> memref<128x128xf32, #tpu.memory_space<hbm>>
        tpu.enqueue_dma source(%arg7 : memref<128x128xf32, #tpu.memory_space<vmem>>) target(%dma_start3A_58 : memref<128x128xf32, #tpu.memory_space<hbm>>) target_semaphore(%arg9 : memref<!tpu.dma_semaphore, #tpu.memory_space<semaphore_mem>>)
        %mul3A_59 = arith.constant 40 : i32
        %mul3A_60 = arith.muli %add3A_26, %mul3A_59 : i32
        %add3A_61 = arith.addi %mul3A_60, %add3A_41 : i32
        %add3A_62 = arith.constant 1 : i32
        %add3A_63 = arith.addi %add3A_61, %add3A_62 : i32
        %ge3A_64 = arith.constant 2 : i32
        %ge3A_65 = arith.cmpi sge, %add3A_63, %ge3A_64 : i32
        %convert_element_type3A_66 = arith.extui %ge3A_65 : i1 to i32
        %cond3A_67 = arith.constant 0 : i32
        %cond3A_68 = arith.cmpi ne, %convert_element_type3A_66, %cond3A_67 : i32
        scf.if %cond3A_68 {
          %sub3A = arith.constant 2 : i32
          %sub3A_78 = arith.subi %add3A_63, %sub3A : i32
          %mul3A_79 = arith.constant 128 : i32
          %mul3A_80 = arith.muli %sub3A_78, %mul3A_79 : i32
          %add3A_81 = arith.addi %mul3A_6, %mul3A_80 : i32
          %dma_wait3A_82 = arith.constant 0 : i32
          %dma_wait3A_83 = tpu.memref_slice %arg4[%add3A_81, %dma_wait3A_82] : memref<327680x128xf32, #tpu.memory_space<hbm>> -> memref<128x128xf32, #tpu.memory_space<hbm>>
          %dma_wait3A_84 = arith.constant 0 : i32
          %dma_wait3A_85 = tpu.memref_slice %arg4[%add3A_81, %dma_wait3A_84] : memref<327680x128xf32, #tpu.memory_space<hbm>> -> memref<128x128xf32, #tpu.memory_space<hbm>>
          tpu.wait_dma2 semaphore(%arg10 : memref<!tpu.dma_semaphore, #tpu.memory_space<semaphore_mem>>) src(%arg8 : memref<128x128xf32, #tpu.memory_space<vmem>>) dst(%dma_wait3A_85 : memref<128x128xf32, #tpu.memory_space<hbm>>)
        } else {
        }
        %add3A_69 = arith.constant 1 : i32
        %add3A_70 = arith.addi %add3A_41, %add3A_69 : i32
        "tpu.region"() ({
          %run_scoped3A = tpu.sem_alloc : memref<!tpu.dma_semaphore, #tpu.memory_space<semaphore_mem>>
          %dma_start3A_78 = arith.constant 0 : i32
          %dma_start3A_79 = tpu.memref_slice %arg6[%add3A_70, %dma_start3A_78] : memref<40x128xi32, #tpu.memory_space<vmem>> -> memref<1x128xi32, #tpu.memory_space<vmem>>
          %dma_start3A_80 = tpu.memref_squeeze %dma_start3A_79 : memref<1x128xi32, #tpu.memory_space<vmem>> -> memref<128xi32, #tpu.memory_space<vmem>>
          %dma_start3A_81 = arith.constant 0 : i32
          %dma_start3A_82 = arith.constant 0 : i32
          %dma_start3A_83 = tpu.memref_slice %arg5[%dma_start3A_81, %dma_start3A_82] : memref<10000x128xf32, #tpu.memory_space<vmem_shared>> -> memref<10000x128xf32, #tpu.memory_space<vmem_shared>>
          tpu.enqueue_indirect_dma source(%dma_start3A_83 : memref<10000x128xf32, #tpu.memory_space<vmem_shared>>) target(%arg8 : memref<128x128xf32, #tpu.memory_space<vmem>>) offsets(%dma_start3A_80 : memref<128xi32, #tpu.memory_space<vmem>>) semaphore(%run_scoped3A : memref<!tpu.dma_semaphore, #tpu.memory_space<semaphore_mem>>)
          %dma_wait3A_84 = arith.constant 0 : i32
          %dma_wait3A_85 = tpu.memref_slice %arg6[%add3A_70, %dma_wait3A_84] : memref<40x128xi32, #tpu.memory_space<vmem>> -> memref<1x128xi32, #tpu.memory_space<vmem>>
          %dma_wait3A_86 = tpu.memref_squeeze %dma_wait3A_85 : memref<1x128xi32, #tpu.memory_space<vmem>> -> memref<128xi32, #tpu.memory_space<vmem>>
          %dma_wait3A_87 = arith.constant 0 : i32
          %dma_wait3A_88 = arith.constant 0 : i32
          %dma_wait3A_89 = tpu.memref_slice %arg5[%dma_wait3A_87, %dma_wait3A_88] : memref<10000x128xf32, #tpu.memory_space<vmem_shared>> -> memref<10000x128xf32, #tpu.memory_space<vmem_shared>>
          tpu.wait_indirect_dma semaphore(%run_scoped3A : memref<!tpu.dma_semaphore, #tpu.memory_space<semaphore_mem>>) src(%dma_wait3A_89 : memref<10000x128xf32, #tpu.memory_space<vmem_shared>>) dst(%arg8 : memref<128x128xf32, #tpu.memory_space<vmem>>)
          tpu.yield
        }) : () -> ()
        %mul3A_71 = arith.constant 128 : i32
        %mul3A_72 = arith.muli %add3A_63, %mul3A_71 : i32
        %add3A_73 = arith.addi %mul3A_6, %mul3A_72 : i32
        %dma_start3A_74 = arith.constant 0 : i32
        %dma_start3A_75 = tpu.memref_slice %arg4[%add3A_73, %dma_start3A_74] : memref<327680x128xf32, #tpu.memory_space<hbm>> -> memref<128x128xf32, #tpu.memory_space<hbm>>
        %dma_start3A_76 = arith.constant 0 : i32
        %dma_start3A_77 = tpu.memref_slice %arg4[%add3A_73, %dma_start3A_76] : memref<327680x128xf32, #tpu.memory_space<hbm>> -> memref<128x128xf32, #tpu.memory_space<hbm>>
        tpu.enqueue_dma source(%arg8 : memref<128x128xf32, #tpu.memory_space<vmem>>) target(%dma_start3A_77 : memref<128x128xf32, #tpu.memory_space<hbm>>) target_semaphore(%arg10 : memref<!tpu.dma_semaphore, #tpu.memory_space<semaphore_mem>>)
      }
      %scan3A_36 = arith.constant 20 : i32
    }
    %scan3A_10 = arith.constant 2 : i32
    %add3A_11 = arith.constant 9984 : i32
    %add3A_12 = arith.addi %mul3A_6, %add3A_11 : i32
    %dma_wait3A = arith.constant 0 : i32
    %dma_wait3A_13 = tpu.memref_slice %arg4[%add3A_12, %dma_wait3A] : memref<327680x128xf32, #tpu.memory_space<hbm>> -> memref<128x128xf32, #tpu.memory_space<hbm>>
    %dma_wait3A_14 = arith.constant 0 : i32
    %dma_wait3A_15 = tpu.memref_slice %arg4[%add3A_12, %dma_wait3A_14] : memref<327680x128xf32, #tpu.memory_space<hbm>> -> memref<128x128xf32, #tpu.memory_space<hbm>>
    tpu.wait_dma2 semaphore(%arg9 : memref<!tpu.dma_semaphore, #tpu.memory_space<semaphore_mem>>) src(%arg7 : memref<128x128xf32, #tpu.memory_space<vmem>>) dst(%dma_wait3A_15 : memref<128x128xf32, #tpu.memory_space<hbm>>)
    %add3A_16 = arith.constant 10112 : i32
    %add3A_17 = arith.addi %mul3A_6, %add3A_16 : i32
    %dma_wait3A_18 = arith.constant 0 : i32
    %dma_wait3A_19 = tpu.memref_slice %arg4[%add3A_17, %dma_wait3A_18] : memref<327680x128xf32, #tpu.memory_space<hbm>> -> memref<128x128xf32, #tpu.memory_space<hbm>>
    %dma_wait3A_20 = arith.constant 0 : i32
    %dma_wait3A_21 = tpu.memref_slice %arg4[%add3A_17, %dma_wait3A_20] : memref<327680x128xf32, #tpu.memory_space<hbm>> -> memref<128x128xf32, #tpu.memory_space<hbm>>
    tpu.wait_dma2 semaphore(%arg10 : memref<!tpu.dma_semaphore, #tpu.memory_space<semaphore_mem>>) src(%arg8 : memref<128x128xf32, #tpu.memory_space<vmem>>) dst(%dma_wait3A_21 : memref<128x128xf32, #tpu.memory_space<hbm>>)
    return
  }
}

#map = affine_map<(d0, d1) -> (0, 0)>
#map1 = affine_map<(d0, d1) -> (0, 0, 0)>
module attributes {stable_mosaic.version = 14 : i64} {
  func.func @k(%arg0: i32, %arg1: i32, %arg2: memref<163840x128xf32, #tpu.memory_space<hbm>>, %arg3: memref<1280x128xi32, #tpu.memory_space<hbm>>, %arg4: memref<10000x128xf32, #tpu.memory_space<hbm>>, %arg5: memref<2x10000x128xf32, #tpu.memory_space<hbm>>, %arg6: memref<10000x128xf32, #tpu.memory_space<vmem_shared>>, %arg7: memref<40x128xi32, #tpu.memory_space<vmem>>, %arg8: memref<128x128xf32, #tpu.memory_space<vmem>>, %arg9: memref<128x128xf32, #tpu.memory_space<vmem>>, %arg10: memref<!tpu.dma_semaphore, #tpu.memory_space<semaphore_mem>>, %arg11: memref<!tpu.dma_semaphore, #tpu.memory_space<semaphore_mem>>) attributes {dimension_semantics = [#tpu.dimension_semantics<core_parallel>, #tpu.dimension_semantics<subcore_parallel>], iteration_bounds = array<i64: 2, 16>, scalar_prefetch = 0 : i64, scratch_operands = 6 : i64, tpu.core_type = #tpu.core_type<sc_vector_subcore>, window_params = [{transform_indices = #map}, {transform_indices = #map}, {transform_indices = #map}, {transform_indices = #map1}]} {
    %mul3A = arith.constant 16 : i32
    %mul3A_0 = arith.muli %arg0, %mul3A : i32
    %add3A = arith.addi %mul3A_0, %arg1 : i32
    %lt3A = arith.constant 10 : i32
    %lt3A_1 = arith.cmpi slt, %arg1, %lt3A : i32
    %convert_element_type3A = arith.extui %lt3A_1 : i1 to i32
    %cond3A = arith.constant 0 : i32
    %cond3A_2 = arith.cmpi ne, %convert_element_type3A, %cond3A : i32
    scf.if %cond3A_2 {
      %mul3A_37 = arith.constant 1000 : i32
      %mul3A_38 = arith.muli %arg1, %mul3A_37 : i32
      %mul3A_39 = arith.constant 1000 : i32
      %mul3A_40 = arith.muli %arg1, %mul3A_39 : i32
      "tpu.region"() ({
        %run_scoped3A = tpu.sem_alloc : memref<!tpu.dma_semaphore, #tpu.memory_space<semaphore_mem>>
        %dma_start3A_41 = arith.constant 0 : i32
        %dma_start3A_42 = tpu.memref_slice %arg6[%mul3A_40, %dma_start3A_41] : memref<10000x128xf32, #tpu.memory_space<vmem_shared>> -> memref<1000x128xf32, #tpu.memory_space<vmem_shared>>
        %dma_start3A_43 = arith.constant 0 : i32
        %dma_start3A_44 = tpu.memref_slice %arg4[%mul3A_38, %dma_start3A_43] : memref<10000x128xf32, #tpu.memory_space<hbm>> -> memref<1000x128xf32, #tpu.memory_space<hbm>>
        tpu.enqueue_dma source(%dma_start3A_44 : memref<1000x128xf32, #tpu.memory_space<hbm>>) target(%dma_start3A_42 : memref<1000x128xf32, #tpu.memory_space<vmem_shared>>) target_semaphore(%run_scoped3A : memref<!tpu.dma_semaphore, #tpu.memory_space<semaphore_mem>>)
        %dma_wait3A = arith.constant 0 : i32
        %dma_wait3A_45 = tpu.memref_slice %arg6[%mul3A_40, %dma_wait3A] : memref<10000x128xf32, #tpu.memory_space<vmem_shared>> -> memref<1000x128xf32, #tpu.memory_space<vmem_shared>>
        %dma_wait3A_46 = arith.constant 0 : i32
        %dma_wait3A_47 = tpu.memref_slice %arg4[%mul3A_38, %dma_wait3A_46] : memref<10000x128xf32, #tpu.memory_space<hbm>> -> memref<1000x128xf32, #tpu.memory_space<hbm>>
        tpu.wait_dma2 semaphore(%run_scoped3A : memref<!tpu.dma_semaphore, #tpu.memory_space<semaphore_mem>>) src(%dma_wait3A_47 : memref<1000x128xf32, #tpu.memory_space<hbm>>) dst(%dma_wait3A_45 : memref<1000x128xf32, #tpu.memory_space<vmem_shared>>)
        tpu.yield
      }) : () -> ()
    } else {
    }
    %barrier3A = arith.constant 0 : index
    tpu.barrier barrier_id(%barrier3A)
    %mul3A_3 = arith.constant 40 : i32
    %mul3A_4 = arith.muli %add3A, %mul3A_3 : i32
    %mul3A_5 = arith.constant 128 : i32
    %mul3A_6 = arith.muli %mul3A_4, %mul3A_5 : i32
    %dma_start3A = arith.constant 0 : i32
    %dma_start3A_7 = tpu.memref_slice %arg2[%mul3A_6, %dma_start3A] : memref<163840x128xf32, #tpu.memory_space<hbm>> -> memref<128x128xf32, #tpu.memory_space<hbm>>
    %dma_start3A_8 = arith.constant 0 : i32
    %dma_start3A_9 = tpu.memref_slice %arg2[%mul3A_6, %dma_start3A_8] : memref<163840x128xf32, #tpu.memory_space<hbm>> -> memref<128x128xf32, #tpu.memory_space<hbm>>
    tpu.enqueue_dma source(%dma_start3A_9 : memref<128x128xf32, #tpu.memory_space<hbm>>) target(%arg8 : memref<128x128xf32, #tpu.memory_space<vmem>>) target_semaphore(%arg10 : memref<!tpu.dma_semaphore, #tpu.memory_space<semaphore_mem>>)
    %add3A_10 = arith.constant 1 : i32
    %add3A_11 = arith.addi %mul3A_4, %add3A_10 : i32
    %mul3A_12 = arith.constant 128 : i32
    %mul3A_13 = arith.muli %add3A_11, %mul3A_12 : i32
    %dma_start3A_14 = arith.constant 0 : i32
    %dma_start3A_15 = tpu.memref_slice %arg2[%mul3A_13, %dma_start3A_14] : memref<163840x128xf32, #tpu.memory_space<hbm>> -> memref<128x128xf32, #tpu.memory_space<hbm>>
    %dma_start3A_16 = arith.constant 0 : i32
    %dma_start3A_17 = tpu.memref_slice %arg2[%mul3A_13, %dma_start3A_16] : memref<163840x128xf32, #tpu.memory_space<hbm>> -> memref<128x128xf32, #tpu.memory_space<hbm>>
    tpu.enqueue_dma source(%dma_start3A_17 : memref<128x128xf32, #tpu.memory_space<hbm>>) target(%arg9 : memref<128x128xf32, #tpu.memory_space<vmem>>) target_semaphore(%arg11 : memref<!tpu.dma_semaphore, #tpu.memory_space<semaphore_mem>>)
    %scan3A = arith.constant 0 : i32
    %mul3A_18 = arith.constant 1 : i32
    %mul3A_19 = arith.muli %scan3A, %mul3A_18 : i32
    %add3A_20 = arith.constant 0 : i32
    %add3A_21 = arith.addi %add3A_20, %mul3A_19 : i32
    %mul3A_22 = arith.constant 40 : i32
    %mul3A_23 = arith.muli %add3A_21, %mul3A_22 : i32
    %add3A_24 = arith.addi %mul3A_4, %mul3A_23 : i32
    "tpu.region"() ({
      %run_scoped3A = tpu.sem_alloc : memref<!tpu.dma_semaphore, #tpu.memory_space<semaphore_mem>>
      %dma_start3A_37 = arith.constant 0 : i32
      %dma_start3A_38 = tpu.memref_slice %arg3[%add3A_24, %dma_start3A_37] : memref<1280x128xi32, #tpu.memory_space<hbm>> -> memref<40x128xi32, #tpu.memory_space<hbm>>
      %dma_start3A_39 = arith.constant 0 : i32
      %dma_start3A_40 = tpu.memref_slice %arg3[%add3A_24, %dma_start3A_39] : memref<1280x128xi32, #tpu.memory_space<hbm>> -> memref<40x128xi32, #tpu.memory_space<hbm>>
      tpu.enqueue_dma source(%dma_start3A_40 : memref<40x128xi32, #tpu.memory_space<hbm>>) target(%arg7 : memref<40x128xi32, #tpu.memory_space<vmem>>) target_semaphore(%run_scoped3A : memref<!tpu.dma_semaphore, #tpu.memory_space<semaphore_mem>>)
      %dma_wait3A = arith.constant 0 : i32
      %dma_wait3A_41 = tpu.memref_slice %arg3[%add3A_24, %dma_wait3A] : memref<1280x128xi32, #tpu.memory_space<hbm>> -> memref<40x128xi32, #tpu.memory_space<hbm>>
      %dma_wait3A_42 = arith.constant 0 : i32
      %dma_wait3A_43 = tpu.memref_slice %arg3[%add3A_24, %dma_wait3A_42] : memref<1280x128xi32, #tpu.memory_space<hbm>> -> memref<40x128xi32, #tpu.memory_space<hbm>>
      tpu.wait_dma2 semaphore(%run_scoped3A : memref<!tpu.dma_semaphore, #tpu.memory_space<semaphore_mem>>) src(%dma_wait3A_43 : memref<40x128xi32, #tpu.memory_space<hbm>>) dst(%arg7 : memref<40x128xi32, #tpu.memory_space<vmem>>)
      tpu.yield
    }) : () -> ()
    %scan3A_25 = arith.constant 0 : i32
    %scan3A_26 = arith.constant 20 : i32
    %scan3A_27 = arith.addi %scan3A_25, %scan3A_26 : i32
    %scan3A_28 = arith.constant 1 : i32
    scf.for %scan3A_37 = %scan3A_25 to %scan3A_27 step %scan3A_28  : i32 {
      %mul3A_38 = arith.constant 2 : i32
      %mul3A_39 = arith.muli %scan3A_37, %mul3A_38 : i32
      %add3A_40 = arith.constant 0 : i32
      %add3A_41 = arith.addi %add3A_40, %mul3A_39 : i32
      %mul3A_42 = arith.constant 40 : i32
      %mul3A_43 = arith.muli %add3A_21, %mul3A_42 : i32
      %add3A_44 = arith.addi %mul3A_43, %add3A_41 : i32
      %add3A_45 = arith.constant 0 : i32
      %add3A_46 = arith.addi %add3A_44, %add3A_45 : i32
      %add3A_47 = arith.addi %mul3A_4, %add3A_46 : i32
      %mul3A_48 = arith.constant 128 : i32
      %mul3A_49 = arith.muli %add3A_47, %mul3A_48 : i32
      %dma_wait3A = arith.constant 0 : i32
      %dma_wait3A_50 = tpu.memref_slice %arg2[%mul3A_49, %dma_wait3A] : memref<163840x128xf32, #tpu.memory_space<hbm>> -> memref<128x128xf32, #tpu.memory_space<hbm>>
      %dma_wait3A_51 = arith.constant 0 : i32
      %dma_wait3A_52 = tpu.memref_slice %arg2[%mul3A_49, %dma_wait3A_51] : memref<163840x128xf32, #tpu.memory_space<hbm>> -> memref<128x128xf32, #tpu.memory_space<hbm>>
      tpu.wait_dma2 semaphore(%arg10 : memref<!tpu.dma_semaphore, #tpu.memory_space<semaphore_mem>>) src(%dma_wait3A_52 : memref<128x128xf32, #tpu.memory_space<hbm>>) dst(%arg8 : memref<128x128xf32, #tpu.memory_space<vmem>>)
      %add3A_53 = arith.constant 0 : i32
      %add3A_54 = arith.addi %add3A_41, %add3A_53 : i32
      "tpu.region"() ({
        %run_scoped3A = tpu.sem_alloc : memref<!tpu.dma_semaphore, #tpu.memory_space<semaphore_mem>>
        %dma_start3A_83 = arith.constant 0 : i32
        %dma_start3A_84 = tpu.memref_slice %arg7[%add3A_54, %dma_start3A_83] : memref<40x128xi32, #tpu.memory_space<vmem>> -> memref<1x128xi32, #tpu.memory_space<vmem>>
        %dma_start3A_85 = tpu.memref_squeeze %dma_start3A_84 : memref<1x128xi32, #tpu.memory_space<vmem>> -> memref<128xi32, #tpu.memory_space<vmem>>
        %dma_start3A_86 = arith.constant 0 : i32
        %dma_start3A_87 = arith.constant 0 : i32
        %dma_start3A_88 = tpu.memref_slice %arg6[%dma_start3A_86, %dma_start3A_87] : memref<10000x128xf32, #tpu.memory_space<vmem_shared>> -> memref<10000x128xf32, #tpu.memory_space<vmem_shared>>
        tpu.enqueue_indirect_dma source(%arg8 : memref<128x128xf32, #tpu.memory_space<vmem>>) target(%dma_start3A_88 : memref<10000x128xf32, #tpu.memory_space<vmem_shared>>) offsets(%dma_start3A_85 : memref<128xi32, #tpu.memory_space<vmem>>) semaphore(%run_scoped3A : memref<!tpu.dma_semaphore, #tpu.memory_space<semaphore_mem>>) {add = true}
        %dma_wait3A_89 = arith.constant 0 : i32
        %dma_wait3A_90 = tpu.memref_slice %arg7[%add3A_54, %dma_wait3A_89] : memref<40x128xi32, #tpu.memory_space<vmem>> -> memref<1x128xi32, #tpu.memory_space<vmem>>
        %dma_wait3A_91 = tpu.memref_squeeze %dma_wait3A_90 : memref<1x128xi32, #tpu.memory_space<vmem>> -> memref<128xi32, #tpu.memory_space<vmem>>
        %dma_wait3A_92 = arith.constant 0 : i32
        %dma_wait3A_93 = arith.constant 0 : i32
        %dma_wait3A_94 = tpu.memref_slice %arg6[%dma_wait3A_92, %dma_wait3A_93] : memref<10000x128xf32, #tpu.memory_space<vmem_shared>> -> memref<10000x128xf32, #tpu.memory_space<vmem_shared>>
        tpu.wait_indirect_dma semaphore(%run_scoped3A : memref<!tpu.dma_semaphore, #tpu.memory_space<semaphore_mem>>) src(%arg8 : memref<128x128xf32, #tpu.memory_space<vmem>>) dst(%dma_wait3A_94 : memref<10000x128xf32, #tpu.memory_space<vmem_shared>>)
        tpu.yield
      }) : () -> ()
      %add3A_55 = arith.constant 2 : i32
      %add3A_56 = arith.addi %add3A_46, %add3A_55 : i32
      %lt3A_57 = arith.constant 40 : i32
      %lt3A_58 = arith.cmpi slt, %add3A_56, %lt3A_57 : i32
      %convert_element_type3A_59 = arith.extui %lt3A_58 : i1 to i32
      %cond3A_60 = arith.constant 0 : i32
      %cond3A_61 = arith.cmpi ne, %convert_element_type3A_59, %cond3A_60 : i32
      scf.if %cond3A_61 {
        %add3A_83 = arith.addi %mul3A_4, %add3A_46 : i32
        %add3A_84 = arith.constant 2 : i32
        %add3A_85 = arith.addi %add3A_83, %add3A_84 : i32
        %mul3A_86 = arith.constant 128 : i32
        %mul3A_87 = arith.muli %add3A_85, %mul3A_86 : i32
        %dma_start3A_88 = arith.constant 0 : i32
        %dma_start3A_89 = tpu.memref_slice %arg2[%mul3A_87, %dma_start3A_88] : memref<163840x128xf32, #tpu.memory_space<hbm>> -> memref<128x128xf32, #tpu.memory_space<hbm>>
        %dma_start3A_90 = arith.constant 0 : i32
        %dma_start3A_91 = tpu.memref_slice %arg2[%mul3A_87, %dma_start3A_90] : memref<163840x128xf32, #tpu.memory_space<hbm>> -> memref<128x128xf32, #tpu.memory_space<hbm>>
        tpu.enqueue_dma source(%dma_start3A_91 : memref<128x128xf32, #tpu.memory_space<hbm>>) target(%arg8 : memref<128x128xf32, #tpu.memory_space<vmem>>) target_semaphore(%arg10 : memref<!tpu.dma_semaphore, #tpu.memory_space<semaphore_mem>>)
      } else {
      }
      %mul3A_62 = arith.constant 40 : i32
      %mul3A_63 = arith.muli %add3A_21, %mul3A_62 : i32
      %add3A_64 = arith.addi %mul3A_63, %add3A_41 : i32
      %add3A_65 = arith.constant 1 : i32
      %add3A_66 = arith.addi %add3A_64, %add3A_65 : i32
      %add3A_67 = arith.addi %mul3A_4, %add3A_66 : i32
      %mul3A_68 = arith.constant 128 : i32
      %mul3A_69 = arith.muli %add3A_67, %mul3A_68 : i32
      %dma_wait3A_70 = arith.constant 0 : i32
      %dma_wait3A_71 = tpu.memref_slice %arg2[%mul3A_69, %dma_wait3A_70] : memref<163840x128xf32, #tpu.memory_space<hbm>> -> memref<128x128xf32, #tpu.memory_space<hbm>>
      %dma_wait3A_72 = arith.constant 0 : i32
      %dma_wait3A_73 = tpu.memref_slice %arg2[%mul3A_69, %dma_wait3A_72] : memref<163840x128xf32, #tpu.memory_space<hbm>> -> memref<128x128xf32, #tpu.memory_space<hbm>>
      tpu.wait_dma2 semaphore(%arg11 : memref<!tpu.dma_semaphore, #tpu.memory_space<semaphore_mem>>) src(%dma_wait3A_73 : memref<128x128xf32, #tpu.memory_space<hbm>>) dst(%arg9 : memref<128x128xf32, #tpu.memory_space<vmem>>)
      %add3A_74 = arith.constant 1 : i32
      %add3A_75 = arith.addi %add3A_41, %add3A_74 : i32
      "tpu.region"() ({
        %run_scoped3A = tpu.sem_alloc : memref<!tpu.dma_semaphore, #tpu.memory_space<semaphore_mem>>
        %dma_start3A_83 = arith.constant 0 : i32
        %dma_start3A_84 = tpu.memref_slice %arg7[%add3A_75, %dma_start3A_83] : memref<40x128xi32, #tpu.memory_space<vmem>> -> memref<1x128xi32, #tpu.memory_space<vmem>>
        %dma_start3A_85 = tpu.memref_squeeze %dma_start3A_84 : memref<1x128xi32, #tpu.memory_space<vmem>> -> memref<128xi32, #tpu.memory_space<vmem>>
        %dma_start3A_86 = arith.constant 0 : i32
        %dma_start3A_87 = arith.constant 0 : i32
        %dma_start3A_88 = tpu.memref_slice %arg6[%dma_start3A_86, %dma_start3A_87] : memref<10000x128xf32, #tpu.memory_space<vmem_shared>> -> memref<10000x128xf32, #tpu.memory_space<vmem_shared>>
        tpu.enqueue_indirect_dma source(%arg9 : memref<128x128xf32, #tpu.memory_space<vmem>>) target(%dma_start3A_88 : memref<10000x128xf32, #tpu.memory_space<vmem_shared>>) offsets(%dma_start3A_85 : memref<128xi32, #tpu.memory_space<vmem>>) semaphore(%run_scoped3A : memref<!tpu.dma_semaphore, #tpu.memory_space<semaphore_mem>>) {add = true}
        %dma_wait3A_89 = arith.constant 0 : i32
        %dma_wait3A_90 = tpu.memref_slice %arg7[%add3A_75, %dma_wait3A_89] : memref<40x128xi32, #tpu.memory_space<vmem>> -> memref<1x128xi32, #tpu.memory_space<vmem>>
        %dma_wait3A_91 = tpu.memref_squeeze %dma_wait3A_90 : memref<1x128xi32, #tpu.memory_space<vmem>> -> memref<128xi32, #tpu.memory_space<vmem>>
        %dma_wait3A_92 = arith.constant 0 : i32
        %dma_wait3A_93 = arith.constant 0 : i32
        %dma_wait3A_94 = tpu.memref_slice %arg6[%dma_wait3A_92, %dma_wait3A_93] : memref<10000x128xf32, #tpu.memory_space<vmem_shared>> -> memref<10000x128xf32, #tpu.memory_space<vmem_shared>>
        tpu.wait_indirect_dma semaphore(%run_scoped3A : memref<!tpu.dma_semaphore, #tpu.memory_space<semaphore_mem>>) src(%arg9 : memref<128x128xf32, #tpu.memory_space<vmem>>) dst(%dma_wait3A_94 : memref<10000x128xf32, #tpu.memory_space<vmem_shared>>)
        tpu.yield
      }) : () -> ()
      %add3A_76 = arith.constant 2 : i32
      %add3A_77 = arith.addi %add3A_66, %add3A_76 : i32
      %lt3A_78 = arith.constant 40 : i32
      %lt3A_79 = arith.cmpi slt, %add3A_77, %lt3A_78 : i32
      %convert_element_type3A_80 = arith.extui %lt3A_79 : i1 to i32
      %cond3A_81 = arith.constant 0 : i32
      %cond3A_82 = arith.cmpi ne, %convert_element_type3A_80, %cond3A_81 : i32
      scf.if %cond3A_82 {
        %add3A_83 = arith.addi %mul3A_4, %add3A_66 : i32
        %add3A_84 = arith.constant 2 : i32
        %add3A_85 = arith.addi %add3A_83, %add3A_84 : i32
        %mul3A_86 = arith.constant 128 : i32
        %mul3A_87 = arith.muli %add3A_85, %mul3A_86 : i32
        %dma_start3A_88 = arith.constant 0 : i32
        %dma_start3A_89 = tpu.memref_slice %arg2[%mul3A_87, %dma_start3A_88] : memref<163840x128xf32, #tpu.memory_space<hbm>> -> memref<128x128xf32, #tpu.memory_space<hbm>>
        %dma_start3A_90 = arith.constant 0 : i32
        %dma_start3A_91 = tpu.memref_slice %arg2[%mul3A_87, %dma_start3A_90] : memref<163840x128xf32, #tpu.memory_space<hbm>> -> memref<128x128xf32, #tpu.memory_space<hbm>>
        tpu.enqueue_dma source(%dma_start3A_91 : memref<128x128xf32, #tpu.memory_space<hbm>>) target(%arg9 : memref<128x128xf32, #tpu.memory_space<vmem>>) target_semaphore(%arg11 : memref<!tpu.dma_semaphore, #tpu.memory_space<semaphore_mem>>)
      } else {
      }
    }
    %scan3A_29 = arith.constant 20 : i32
    %scan3A_30 = arith.constant 1 : i32
    %barrier3A_31 = arith.constant 0 : index
    tpu.barrier barrier_id(%barrier3A_31)
    %lt3A_32 = arith.constant 10 : i32
    %lt3A_33 = arith.cmpi slt, %arg1, %lt3A_32 : i32
    %convert_element_type3A_34 = arith.extui %lt3A_33 : i1 to i32
    %cond3A_35 = arith.constant 0 : i32
    %cond3A_36 = arith.cmpi ne, %convert_element_type3A_34, %cond3A_35 : i32
    scf.if %cond3A_36 {
      %mul3A_37 = arith.constant 1000 : i32
      %mul3A_38 = arith.muli %arg1, %mul3A_37 : i32
      %mul3A_39 = arith.constant 1000 : i32
      %mul3A_40 = arith.muli %arg1, %mul3A_39 : i32
      "tpu.region"() ({
        %run_scoped3A = tpu.sem_alloc : memref<!tpu.dma_semaphore, #tpu.memory_space<semaphore_mem>>
        %dma_start3A_41 = arith.constant 0 : i32
        %dma_start3A_42 = tpu.memref_slice %arg5[%arg0, %mul3A_40, %dma_start3A_41] : memref<2x10000x128xf32, #tpu.memory_space<hbm>> -> memref<1x1000x128xf32, #tpu.memory_space<hbm>>
        %dma_start3A_43 = tpu.memref_squeeze %dma_start3A_42 : memref<1x1000x128xf32, #tpu.memory_space<hbm>> -> memref<1000x128xf32, #tpu.memory_space<hbm>>
        %dma_start3A_44 = arith.constant 0 : i32
        %dma_start3A_45 = tpu.memref_slice %arg6[%mul3A_38, %dma_start3A_44] : memref<10000x128xf32, #tpu.memory_space<vmem_shared>> -> memref<1000x128xf32, #tpu.memory_space<vmem_shared>>
        tpu.enqueue_dma source(%dma_start3A_45 : memref<1000x128xf32, #tpu.memory_space<vmem_shared>>) target(%dma_start3A_43 : memref<1000x128xf32, #tpu.memory_space<hbm>>) target_semaphore(%run_scoped3A : memref<!tpu.dma_semaphore, #tpu.memory_space<semaphore_mem>>)
        %dma_wait3A = arith.constant 0 : i32
        %dma_wait3A_46 = tpu.memref_slice %arg5[%arg0, %mul3A_40, %dma_wait3A] : memref<2x10000x128xf32, #tpu.memory_space<hbm>> -> memref<1x1000x128xf32, #tpu.memory_space<hbm>>
        %dma_wait3A_47 = tpu.memref_squeeze %dma_wait3A_46 : memref<1x1000x128xf32, #tpu.memory_space<hbm>> -> memref<1000x128xf32, #tpu.memory_space<hbm>>
        %dma_wait3A_48 = arith.constant 0 : i32
        %dma_wait3A_49 = tpu.memref_slice %arg6[%mul3A_38, %dma_wait3A_48] : memref<10000x128xf32, #tpu.memory_space<vmem_shared>> -> memref<1000x128xf32, #tpu.memory_space<vmem_shared>>
        tpu.wait_dma2 semaphore(%run_scoped3A : memref<!tpu.dma_semaphore, #tpu.memory_space<semaphore_mem>>) src(%dma_wait3A_49 : memref<1000x128xf32, #tpu.memory_space<vmem_shared>>) dst(%dma_wait3A_47 : memref<1000x128xf32, #tpu.memory_space<hbm>>)
        tpu.yield
      }) : () -> ()
    } else {
    }
    return
  }
}

#map = affine_map<(d0, d1) -> (0, 0)>
#map1 = affine_map<(d0, d1) -> (0, 0, 0)>
module attributes {stable_mosaic.version = 14 : i64} {
  func.func @k(%arg0: i32, %arg1: i32, %arg2: memref<163840x128xf32, #tpu.memory_space<hbm>>, %arg3: memref<1280x128xi32, #tpu.memory_space<hbm>>, %arg4: memref<10000x128xf32, #tpu.memory_space<hbm>>, %arg5: memref<2x10000x128xf32, #tpu.memory_space<hbm>>, %arg6: memref<10000x128xf32, #tpu.memory_space<vmem_shared>>, %arg7: memref<40x128xi32, #tpu.memory_space<vmem>>, %arg8: memref<128x128xf32, #tpu.memory_space<vmem>>, %arg9: memref<128x128xf32, #tpu.memory_space<vmem>>, %arg10: memref<!tpu.dma_semaphore, #tpu.memory_space<semaphore_mem>>, %arg11: memref<!tpu.dma_semaphore, #tpu.memory_space<semaphore_mem>>) attributes {dimension_semantics = [#tpu.dimension_semantics<core_parallel>, #tpu.dimension_semantics<subcore_parallel>], iteration_bounds = array<i64: 2, 16>, scalar_prefetch = 0 : i64, scratch_operands = 6 : i64, tpu.core_type = #tpu.core_type<sc_vector_subcore>, window_params = [{transform_indices = #map}, {transform_indices = #map}, {transform_indices = #map}, {transform_indices = #map1}]} {
    %mul3A = arith.constant 16 : i32
    %mul3A_0 = arith.muli %arg0, %mul3A : i32
    %add3A = arith.addi %mul3A_0, %arg1 : i32
    %lt3A = arith.constant 10 : i32
    %lt3A_1 = arith.cmpi slt, %arg1, %lt3A : i32
    %convert_element_type3A = arith.extui %lt3A_1 : i1 to i32
    %cond3A = arith.constant 0 : i32
    %cond3A_2 = arith.cmpi ne, %convert_element_type3A, %cond3A : i32
    scf.if %cond3A_2 {
      %mul3A_37 = arith.constant 1000 : i32
      %mul3A_38 = arith.muli %arg1, %mul3A_37 : i32
      %mul3A_39 = arith.constant 1000 : i32
      %mul3A_40 = arith.muli %arg1, %mul3A_39 : i32
      "tpu.region"() ({
        %run_scoped3A = tpu.sem_alloc : memref<!tpu.dma_semaphore, #tpu.memory_space<semaphore_mem>>
        %dma_start3A_41 = arith.constant 0 : i32
        %dma_start3A_42 = tpu.memref_slice %arg6[%mul3A_40, %dma_start3A_41] : memref<10000x128xf32, #tpu.memory_space<vmem_shared>> -> memref<1000x128xf32, #tpu.memory_space<vmem_shared>>
        %dma_start3A_43 = arith.constant 0 : i32
        %dma_start3A_44 = tpu.memref_slice %arg4[%mul3A_38, %dma_start3A_43] : memref<10000x128xf32, #tpu.memory_space<hbm>> -> memref<1000x128xf32, #tpu.memory_space<hbm>>
        tpu.enqueue_dma source(%dma_start3A_44 : memref<1000x128xf32, #tpu.memory_space<hbm>>) target(%dma_start3A_42 : memref<1000x128xf32, #tpu.memory_space<vmem_shared>>) target_semaphore(%run_scoped3A : memref<!tpu.dma_semaphore, #tpu.memory_space<semaphore_mem>>)
        %dma_wait3A = arith.constant 0 : i32
        %dma_wait3A_45 = tpu.memref_slice %arg6[%mul3A_40, %dma_wait3A] : memref<10000x128xf32, #tpu.memory_space<vmem_shared>> -> memref<1000x128xf32, #tpu.memory_space<vmem_shared>>
        %dma_wait3A_46 = arith.constant 0 : i32
        %dma_wait3A_47 = tpu.memref_slice %arg4[%mul3A_38, %dma_wait3A_46] : memref<10000x128xf32, #tpu.memory_space<hbm>> -> memref<1000x128xf32, #tpu.memory_space<hbm>>
        tpu.wait_dma2 semaphore(%run_scoped3A : memref<!tpu.dma_semaphore, #tpu.memory_space<semaphore_mem>>) src(%dma_wait3A_47 : memref<1000x128xf32, #tpu.memory_space<hbm>>) dst(%dma_wait3A_45 : memref<1000x128xf32, #tpu.memory_space<vmem_shared>>)
        tpu.yield
      }) : () -> ()
    } else {
    }
    %barrier3A = arith.constant 0 : index
    tpu.barrier barrier_id(%barrier3A)
    %mul3A_3 = arith.constant 40 : i32
    %mul3A_4 = arith.muli %add3A, %mul3A_3 : i32
    %mul3A_5 = arith.constant 128 : i32
    %mul3A_6 = arith.muli %mul3A_4, %mul3A_5 : i32
    %dma_start3A = arith.constant 0 : i32
    %dma_start3A_7 = tpu.memref_slice %arg2[%mul3A_6, %dma_start3A] : memref<163840x128xf32, #tpu.memory_space<hbm>> -> memref<128x128xf32, #tpu.memory_space<hbm>>
    %dma_start3A_8 = arith.constant 0 : i32
    %dma_start3A_9 = tpu.memref_slice %arg2[%mul3A_6, %dma_start3A_8] : memref<163840x128xf32, #tpu.memory_space<hbm>> -> memref<128x128xf32, #tpu.memory_space<hbm>>
    tpu.enqueue_dma source(%dma_start3A_9 : memref<128x128xf32, #tpu.memory_space<hbm>>) target(%arg8 : memref<128x128xf32, #tpu.memory_space<vmem>>) target_semaphore(%arg10 : memref<!tpu.dma_semaphore, #tpu.memory_space<semaphore_mem>>)
    %add3A_10 = arith.constant 1 : i32
    %add3A_11 = arith.addi %mul3A_4, %add3A_10 : i32
    %mul3A_12 = arith.constant 128 : i32
    %mul3A_13 = arith.muli %add3A_11, %mul3A_12 : i32
    %dma_start3A_14 = arith.constant 0 : i32
    %dma_start3A_15 = tpu.memref_slice %arg2[%mul3A_13, %dma_start3A_14] : memref<163840x128xf32, #tpu.memory_space<hbm>> -> memref<128x128xf32, #tpu.memory_space<hbm>>
    %dma_start3A_16 = arith.constant 0 : i32
    %dma_start3A_17 = tpu.memref_slice %arg2[%mul3A_13, %dma_start3A_16] : memref<163840x128xf32, #tpu.memory_space<hbm>> -> memref<128x128xf32, #tpu.memory_space<hbm>>
    tpu.enqueue_dma source(%dma_start3A_17 : memref<128x128xf32, #tpu.memory_space<hbm>>) target(%arg9 : memref<128x128xf32, #tpu.memory_space<vmem>>) target_semaphore(%arg11 : memref<!tpu.dma_semaphore, #tpu.memory_space<semaphore_mem>>)
    %scan3A = arith.constant 0 : i32
    %mul3A_18 = arith.constant 1 : i32
    %mul3A_19 = arith.muli %scan3A, %mul3A_18 : i32
    %add3A_20 = arith.constant 0 : i32
    %add3A_21 = arith.addi %add3A_20, %mul3A_19 : i32
    %mul3A_22 = arith.constant 40 : i32
    %mul3A_23 = arith.muli %add3A_21, %mul3A_22 : i32
    %add3A_24 = arith.addi %mul3A_4, %mul3A_23 : i32
    "tpu.region"() ({
      %run_scoped3A = tpu.sem_alloc : memref<!tpu.dma_semaphore, #tpu.memory_space<semaphore_mem>>
      %dma_start3A_37 = arith.constant 0 : i32
      %dma_start3A_38 = tpu.memref_slice %arg3[%add3A_24, %dma_start3A_37] : memref<1280x128xi32, #tpu.memory_space<hbm>> -> memref<40x128xi32, #tpu.memory_space<hbm>>
      %dma_start3A_39 = arith.constant 0 : i32
      %dma_start3A_40 = tpu.memref_slice %arg3[%add3A_24, %dma_start3A_39] : memref<1280x128xi32, #tpu.memory_space<hbm>> -> memref<40x128xi32, #tpu.memory_space<hbm>>
      tpu.enqueue_dma source(%dma_start3A_40 : memref<40x128xi32, #tpu.memory_space<hbm>>) target(%arg7 : memref<40x128xi32, #tpu.memory_space<vmem>>) target_semaphore(%run_scoped3A : memref<!tpu.dma_semaphore, #tpu.memory_space<semaphore_mem>>)
      %dma_wait3A = arith.constant 0 : i32
      %dma_wait3A_41 = tpu.memref_slice %arg3[%add3A_24, %dma_wait3A] : memref<1280x128xi32, #tpu.memory_space<hbm>> -> memref<40x128xi32, #tpu.memory_space<hbm>>
      %dma_wait3A_42 = arith.constant 0 : i32
      %dma_wait3A_43 = tpu.memref_slice %arg3[%add3A_24, %dma_wait3A_42] : memref<1280x128xi32, #tpu.memory_space<hbm>> -> memref<40x128xi32, #tpu.memory_space<hbm>>
      tpu.wait_dma2 semaphore(%run_scoped3A : memref<!tpu.dma_semaphore, #tpu.memory_space<semaphore_mem>>) src(%dma_wait3A_43 : memref<40x128xi32, #tpu.memory_space<hbm>>) dst(%arg7 : memref<40x128xi32, #tpu.memory_space<vmem>>)
      tpu.yield
    }) : () -> ()
    %scan3A_25 = arith.constant 0 : i32
    %scan3A_26 = arith.constant 20 : i32
    %scan3A_27 = arith.addi %scan3A_25, %scan3A_26 : i32
    %scan3A_28 = arith.constant 1 : i32
    scf.for %scan3A_37 = %scan3A_25 to %scan3A_27 step %scan3A_28  : i32 {
      %mul3A_38 = arith.constant 2 : i32
      %mul3A_39 = arith.muli %scan3A_37, %mul3A_38 : i32
      %add3A_40 = arith.constant 0 : i32
      %add3A_41 = arith.addi %add3A_40, %mul3A_39 : i32
      %mul3A_42 = arith.constant 40 : i32
      %mul3A_43 = arith.muli %add3A_21, %mul3A_42 : i32
      %add3A_44 = arith.addi %mul3A_43, %add3A_41 : i32
      %add3A_45 = arith.constant 0 : i32
      %add3A_46 = arith.addi %add3A_44, %add3A_45 : i32
      %add3A_47 = arith.addi %mul3A_4, %add3A_46 : i32
      %mul3A_48 = arith.constant 128 : i32
      %mul3A_49 = arith.muli %add3A_47, %mul3A_48 : i32
      %dma_wait3A = arith.constant 0 : i32
      %dma_wait3A_50 = tpu.memref_slice %arg2[%mul3A_49, %dma_wait3A] : memref<163840x128xf32, #tpu.memory_space<hbm>> -> memref<128x128xf32, #tpu.memory_space<hbm>>
      %dma_wait3A_51 = arith.constant 0 : i32
      %dma_wait3A_52 = tpu.memref_slice %arg2[%mul3A_49, %dma_wait3A_51] : memref<163840x128xf32, #tpu.memory_space<hbm>> -> memref<128x128xf32, #tpu.memory_space<hbm>>
      tpu.wait_dma2 semaphore(%arg10 : memref<!tpu.dma_semaphore, #tpu.memory_space<semaphore_mem>>) src(%dma_wait3A_52 : memref<128x128xf32, #tpu.memory_space<hbm>>) dst(%arg8 : memref<128x128xf32, #tpu.memory_space<vmem>>)
      %add3A_53 = arith.constant 0 : i32
      %add3A_54 = arith.addi %add3A_41, %add3A_53 : i32
      "tpu.region"() ({
        %run_scoped3A = tpu.sem_alloc : memref<!tpu.dma_semaphore, #tpu.memory_space<semaphore_mem>>
        %dma_start3A_83 = arith.constant 0 : i32
        %dma_start3A_84 = tpu.memref_slice %arg7[%add3A_54, %dma_start3A_83] : memref<40x128xi32, #tpu.memory_space<vmem>> -> memref<1x128xi32, #tpu.memory_space<vmem>>
        %dma_start3A_85 = tpu.memref_squeeze %dma_start3A_84 : memref<1x128xi32, #tpu.memory_space<vmem>> -> memref<128xi32, #tpu.memory_space<vmem>>
        %dma_start3A_86 = arith.constant 0 : i32
        %dma_start3A_87 = arith.constant 0 : i32
        %dma_start3A_88 = tpu.memref_slice %arg6[%dma_start3A_86, %dma_start3A_87] : memref<10000x128xf32, #tpu.memory_space<vmem_shared>> -> memref<10000x128xf32, #tpu.memory_space<vmem_shared>>
        tpu.enqueue_indirect_dma source(%arg8 : memref<128x128xf32, #tpu.memory_space<vmem>>) target(%dma_start3A_88 : memref<10000x128xf32, #tpu.memory_space<vmem_shared>>) offsets(%dma_start3A_85 : memref<128xi32, #tpu.memory_space<vmem>>) semaphore(%run_scoped3A : memref<!tpu.dma_semaphore, #tpu.memory_space<semaphore_mem>>) {add = true}
        %dma_wait3A_89 = arith.constant 0 : i32
        %dma_wait3A_90 = tpu.memref_slice %arg7[%add3A_54, %dma_wait3A_89] : memref<40x128xi32, #tpu.memory_space<vmem>> -> memref<1x128xi32, #tpu.memory_space<vmem>>
        %dma_wait3A_91 = tpu.memref_squeeze %dma_wait3A_90 : memref<1x128xi32, #tpu.memory_space<vmem>> -> memref<128xi32, #tpu.memory_space<vmem>>
        %dma_wait3A_92 = arith.constant 0 : i32
        %dma_wait3A_93 = arith.constant 0 : i32
        %dma_wait3A_94 = tpu.memref_slice %arg6[%dma_wait3A_92, %dma_wait3A_93] : memref<10000x128xf32, #tpu.memory_space<vmem_shared>> -> memref<10000x128xf32, #tpu.memory_space<vmem_shared>>
        tpu.wait_indirect_dma semaphore(%run_scoped3A : memref<!tpu.dma_semaphore, #tpu.memory_space<semaphore_mem>>) src(%arg8 : memref<128x128xf32, #tpu.memory_space<vmem>>) dst(%dma_wait3A_94 : memref<10000x128xf32, #tpu.memory_space<vmem_shared>>)
        tpu.yield
      }) : () -> ()
      %add3A_55 = arith.constant 2 : i32
      %add3A_56 = arith.addi %add3A_46, %add3A_55 : i32
      %lt3A_57 = arith.constant 40 : i32
      %lt3A_58 = arith.cmpi slt, %add3A_56, %lt3A_57 : i32
      %convert_element_type3A_59 = arith.extui %lt3A_58 : i1 to i32
      %cond3A_60 = arith.constant 0 : i32
      %cond3A_61 = arith.cmpi ne, %convert_element_type3A_59, %cond3A_60 : i32
      scf.if %cond3A_61 {
        %add3A_83 = arith.addi %mul3A_4, %add3A_46 : i32
        %add3A_84 = arith.constant 2 : i32
        %add3A_85 = arith.addi %add3A_83, %add3A_84 : i32
        %mul3A_86 = arith.constant 128 : i32
        %mul3A_87 = arith.muli %add3A_85, %mul3A_86 : i32
        %dma_start3A_88 = arith.constant 0 : i32
        %dma_start3A_89 = tpu.memref_slice %arg2[%mul3A_87, %dma_start3A_88] : memref<163840x128xf32, #tpu.memory_space<hbm>> -> memref<128x128xf32, #tpu.memory_space<hbm>>
        %dma_start3A_90 = arith.constant 0 : i32
        %dma_start3A_91 = tpu.memref_slice %arg2[%mul3A_87, %dma_start3A_90] : memref<163840x128xf32, #tpu.memory_space<hbm>> -> memref<128x128xf32, #tpu.memory_space<hbm>>
        tpu.enqueue_dma source(%dma_start3A_91 : memref<128x128xf32, #tpu.memory_space<hbm>>) target(%arg8 : memref<128x128xf32, #tpu.memory_space<vmem>>) target_semaphore(%arg10 : memref<!tpu.dma_semaphore, #tpu.memory_space<semaphore_mem>>)
      } else {
      }
      %mul3A_62 = arith.constant 40 : i32
      %mul3A_63 = arith.muli %add3A_21, %mul3A_62 : i32
      %add3A_64 = arith.addi %mul3A_63, %add3A_41 : i32
      %add3A_65 = arith.constant 1 : i32
      %add3A_66 = arith.addi %add3A_64, %add3A_65 : i32
      %add3A_67 = arith.addi %mul3A_4, %add3A_66 : i32
      %mul3A_68 = arith.constant 128 : i32
      %mul3A_69 = arith.muli %add3A_67, %mul3A_68 : i32
      %dma_wait3A_70 = arith.constant 0 : i32
      %dma_wait3A_71 = tpu.memref_slice %arg2[%mul3A_69, %dma_wait3A_70] : memref<163840x128xf32, #tpu.memory_space<hbm>> -> memref<128x128xf32, #tpu.memory_space<hbm>>
      %dma_wait3A_72 = arith.constant 0 : i32
      %dma_wait3A_73 = tpu.memref_slice %arg2[%mul3A_69, %dma_wait3A_72] : memref<163840x128xf32, #tpu.memory_space<hbm>> -> memref<128x128xf32, #tpu.memory_space<hbm>>
      tpu.wait_dma2 semaphore(%arg11 : memref<!tpu.dma_semaphore, #tpu.memory_space<semaphore_mem>>) src(%dma_wait3A_73 : memref<128x128xf32, #tpu.memory_space<hbm>>) dst(%arg9 : memref<128x128xf32, #tpu.memory_space<vmem>>)
      %add3A_74 = arith.constant 1 : i32
      %add3A_75 = arith.addi %add3A_41, %add3A_74 : i32
      "tpu.region"() ({
        %run_scoped3A = tpu.sem_alloc : memref<!tpu.dma_semaphore, #tpu.memory_space<semaphore_mem>>
        %dma_start3A_83 = arith.constant 0 : i32
        %dma_start3A_84 = tpu.memref_slice %arg7[%add3A_75, %dma_start3A_83] : memref<40x128xi32, #tpu.memory_space<vmem>> -> memref<1x128xi32, #tpu.memory_space<vmem>>
        %dma_start3A_85 = tpu.memref_squeeze %dma_start3A_84 : memref<1x128xi32, #tpu.memory_space<vmem>> -> memref<128xi32, #tpu.memory_space<vmem>>
        %dma_start3A_86 = arith.constant 0 : i32
        %dma_start3A_87 = arith.constant 0 : i32
        %dma_start3A_88 = tpu.memref_slice %arg6[%dma_start3A_86, %dma_start3A_87] : memref<10000x128xf32, #tpu.memory_space<vmem_shared>> -> memref<10000x128xf32, #tpu.memory_space<vmem_shared>>
        tpu.enqueue_indirect_dma source(%arg9 : memref<128x128xf32, #tpu.memory_space<vmem>>) target(%dma_start3A_88 : memref<10000x128xf32, #tpu.memory_space<vmem_shared>>) offsets(%dma_start3A_85 : memref<128xi32, #tpu.memory_space<vmem>>) semaphore(%run_scoped3A : memref<!tpu.dma_semaphore, #tpu.memory_space<semaphore_mem>>) {add = true}
        %dma_wait3A_89 = arith.constant 0 : i32
        %dma_wait3A_90 = tpu.memref_slice %arg7[%add3A_75, %dma_wait3A_89] : memref<40x128xi32, #tpu.memory_space<vmem>> -> memref<1x128xi32, #tpu.memory_space<vmem>>
        %dma_wait3A_91 = tpu.memref_squeeze %dma_wait3A_90 : memref<1x128xi32, #tpu.memory_space<vmem>> -> memref<128xi32, #tpu.memory_space<vmem>>
        %dma_wait3A_92 = arith.constant 0 : i32
        %dma_wait3A_93 = arith.constant 0 : i32
        %dma_wait3A_94 = tpu.memref_slice %arg6[%dma_wait3A_92, %dma_wait3A_93] : memref<10000x128xf32, #tpu.memory_space<vmem_shared>> -> memref<10000x128xf32, #tpu.memory_space<vmem_shared>>
        tpu.wait_indirect_dma semaphore(%run_scoped3A : memref<!tpu.dma_semaphore, #tpu.memory_space<semaphore_mem>>) src(%arg9 : memref<128x128xf32, #tpu.memory_space<vmem>>) dst(%dma_wait3A_94 : memref<10000x128xf32, #tpu.memory_space<vmem_shared>>)
        tpu.yield
      }) : () -> ()
      %add3A_76 = arith.constant 2 : i32
      %add3A_77 = arith.addi %add3A_66, %add3A_76 : i32
      %lt3A_78 = arith.constant 40 : i32
      %lt3A_79 = arith.cmpi slt, %add3A_77, %lt3A_78 : i32
      %convert_element_type3A_80 = arith.extui %lt3A_79 : i1 to i32
      %cond3A_81 = arith.constant 0 : i32
      %cond3A_82 = arith.cmpi ne, %convert_element_type3A_80, %cond3A_81 : i32
      scf.if %cond3A_82 {
        %add3A_83 = arith.addi %mul3A_4, %add3A_66 : i32
        %add3A_84 = arith.constant 2 : i32
        %add3A_85 = arith.addi %add3A_83, %add3A_84 : i32
        %mul3A_86 = arith.constant 128 : i32
        %mul3A_87 = arith.muli %add3A_85, %mul3A_86 : i32
        %dma_start3A_88 = arith.constant 0 : i32
        %dma_start3A_89 = tpu.memref_slice %arg2[%mul3A_87, %dma_start3A_88] : memref<163840x128xf32, #tpu.memory_space<hbm>> -> memref<128x128xf32, #tpu.memory_space<hbm>>
        %dma_start3A_90 = arith.constant 0 : i32
        %dma_start3A_91 = tpu.memref_slice %arg2[%mul3A_87, %dma_start3A_90] : memref<163840x128xf32, #tpu.memory_space<hbm>> -> memref<128x128xf32, #tpu.memory_space<hbm>>
        tpu.enqueue_dma source(%dma_start3A_91 : memref<128x128xf32, #tpu.memory_space<hbm>>) target(%arg9 : memref<128x128xf32, #tpu.memory_space<vmem>>) target_semaphore(%arg11 : memref<!tpu.dma_semaphore, #tpu.memory_space<semaphore_mem>>)
      } else {
      }
    }
    %scan3A_29 = arith.constant 20 : i32
    %scan3A_30 = arith.constant 1 : i32
    %barrier3A_31 = arith.constant 0 : index
    tpu.barrier barrier_id(%barrier3A_31)
    %lt3A_32 = arith.constant 10 : i32
    %lt3A_33 = arith.cmpi slt, %arg1, %lt3A_32 : i32
    %convert_element_type3A_34 = arith.extui %lt3A_33 : i1 to i32
    %cond3A_35 = arith.constant 0 : i32
    %cond3A_36 = arith.cmpi ne, %convert_element_type3A_34, %cond3A_35 : i32
    scf.if %cond3A_36 {
      %mul3A_37 = arith.constant 1000 : i32
      %mul3A_38 = arith.muli %arg1, %mul3A_37 : i32
      %mul3A_39 = arith.constant 1000 : i32
      %mul3A_40 = arith.muli %arg1, %mul3A_39 : i32
      "tpu.region"() ({
        %run_scoped3A = tpu.sem_alloc : memref<!tpu.dma_semaphore, #tpu.memory_space<semaphore_mem>>
        %dma_start3A_41 = arith.constant 0 : i32
        %dma_start3A_42 = tpu.memref_slice %arg5[%arg0, %mul3A_40, %dma_start3A_41] : memref<2x10000x128xf32, #tpu.memory_space<hbm>> -> memref<1x1000x128xf32, #tpu.memory_space<hbm>>
        %dma_start3A_43 = tpu.memref_squeeze %dma_start3A_42 : memref<1x1000x128xf32, #tpu.memory_space<hbm>> -> memref<1000x128xf32, #tpu.memory_space<hbm>>
        %dma_start3A_44 = arith.constant 0 : i32
        %dma_start3A_45 = tpu.memref_slice %arg6[%mul3A_38, %dma_start3A_44] : memref<10000x128xf32, #tpu.memory_space<vmem_shared>> -> memref<1000x128xf32, #tpu.memory_space<vmem_shared>>
        tpu.enqueue_dma source(%dma_start3A_45 : memref<1000x128xf32, #tpu.memory_space<vmem_shared>>) target(%dma_start3A_43 : memref<1000x128xf32, #tpu.memory_space<hbm>>) target_semaphore(%run_scoped3A : memref<!tpu.dma_semaphore, #tpu.memory_space<semaphore_mem>>)
        %dma_wait3A = arith.constant 0 : i32
        %dma_wait3A_46 = tpu.memref_slice %arg5[%arg0, %mul3A_40, %dma_wait3A] : memref<2x10000x128xf32, #tpu.memory_space<hbm>> -> memref<1x1000x128xf32, #tpu.memory_space<hbm>>
        %dma_wait3A_47 = tpu.memref_squeeze %dma_wait3A_46 : memref<1x1000x128xf32, #tpu.memory_space<hbm>> -> memref<1000x128xf32, #tpu.memory_space<hbm>>
        %dma_wait3A_48 = arith.constant 0 : i32
        %dma_wait3A_49 = tpu.memref_slice %arg6[%mul3A_38, %dma_wait3A_48] : memref<10000x128xf32, #tpu.memory_space<vmem_shared>> -> memref<1000x128xf32, #tpu.memory_space<vmem_shared>>
        tpu.wait_dma2 semaphore(%run_scoped3A : memref<!tpu.dma_semaphore, #tpu.memory_space<semaphore_mem>>) src(%dma_wait3A_49 : memref<1000x128xf32, #tpu.memory_space<vmem_shared>>) dst(%dma_wait3A_47 : memref<1000x128xf32, #tpu.memory_space<hbm>>)
        tpu.yield
      }) : () -> ()
    } else {
    }
    return
  }
}

module attributes {stable_mosaic.version = 14 : i64} {
  func.func @_pre_body(%arg0: i32, %arg1: memref<2000x128xf32, #tpu.memory_space<vmem>>, %arg2: memref<2000x128xf32, #tpu.memory_space<vmem>>, %arg3: memref<128x128xf32, #tpu.memory_space<vmem>>, %arg4: memref<1x128xf32, #tpu.memory_space<vmem>>, %arg5: memref<128x128xf32, #tpu.memory_space<vmem>>, %arg6: memref<128x128xf32, #tpu.memory_space<vmem>>, %arg7: memref<1x128xf32, #tpu.memory_space<vmem>>, %arg8: memref<2000x128xf32, #tpu.memory_space<vmem>>, %arg9: memref<2000x128xf32, #tpu.memory_space<vmem>>) attributes {dimension_semantics = [#tpu.dimension_semantics<arbitrary>], iteration_bounds = array<i64: 5>, scalar_prefetch = 0 : i64, scratch_operands = 0 : i64, tpu.core_type = #tpu.core_type<tc>, window_params = [{transform_indices = @transform_0, window_bounds = array<i64: 2000, 128>}, {transform_indices = @transform_1, window_bounds = array<i64: 2000, 128>}, {pipeline_mode = #tpu.pipeline_mode<synchronous>, transform_indices = @transform_2, window_bounds = array<i64: 128, 128>}, {pipeline_mode = #tpu.pipeline_mode<synchronous>, transform_indices = @transform_3, window_bounds = array<i64: 1, 128>}, {pipeline_mode = #tpu.pipeline_mode<synchronous>, transform_indices = @transform_4, window_bounds = array<i64: 128, 128>}, {pipeline_mode = #tpu.pipeline_mode<synchronous>, transform_indices = @transform_5, window_bounds = array<i64: 128, 128>}, {pipeline_mode = #tpu.pipeline_mode<synchronous>, transform_indices = @transform_6, window_bounds = array<i64: 1, 128>}, {transform_indices = @transform_7, window_bounds = array<i64: 2000, 128>}, {transform_indices = @transform_8, window_bounds = array<i64: 2000, 128>}]} {
    %get3A = arith.constant 0 : index
    %get3A_0 = arith.constant 0 : index
    %get3A_1 = vector.load %arg1[%get3A, %get3A_0] : memref<2000x128xf32, #tpu.memory_space<vmem>>, vector<2000x128xf32>
    %get3A_2 = arith.constant 0 : index
    %get3A_3 = arith.constant 0 : index
    %get3A_4 = vector.load %arg3[%get3A_2, %get3A_3] : memref<128x128xf32, #tpu.memory_space<vmem>>, vector<128x128xf32>
    %dot_general3A = arith.constant dense<0.000000e+00> : vector<2000x128xf32>
    %dot_general3A_5 = tpu.matmul %get3A_1, %get3A_4, %dot_general3A {dimension_numbers = #tpu.dot_dimension_numbers<[1], [0], [0], [1], [0, 0, 1, 1], [], []>, transpose_lhs_hint = false} : vector<2000x128xf32>, vector<128x128xf32>, vector<2000x128xf32> -> vector<2000x128xf32>
    %get3A_6 = arith.constant 0 : index
    %get3A_7 = arith.constant 0 : index
    %get3A_8 = vector.load %arg4[%get3A_6, %get3A_7] : memref<1x128xf32, #tpu.memory_space<vmem>>, vector<1x128xf32>
    %add3A = vector.broadcast %get3A_8 : vector<1x128xf32> to vector<2000x128xf32>
    %add3A_9 = arith.addf %dot_general3A_5, %add3A : vector<2000x128xf32>
    %swap3A = arith.constant 0 : index
    %swap3A_10 = arith.constant 0 : index
    %swap3A_11 = vector.load %arg8[%swap3A, %swap3A_10] : memref<2000x128xf32, #tpu.memory_space<vmem>>, vector<2000x128xf32>
    tpu.vector_store %arg8[%swap3A, %swap3A_10], %add3A_9 {strides = array<i32>} : memref<2000x128xf32, #tpu.memory_space<vmem>>, vector<2000x128xf32>,
    %get3A_12 = arith.constant 0 : index
    %get3A_13 = arith.constant 0 : index
    %get3A_14 = vector.load %arg2[%get3A_12, %get3A_13] : memref<2000x128xf32, #tpu.memory_space<vmem>>, vector<2000x128xf32>
    %get3A_15 = arith.constant 0 : index
    %get3A_16 = arith.constant 0 : index
    %get3A_17 = vector.load %arg5[%get3A_15, %get3A_16] : memref<128x128xf32, #tpu.memory_space<vmem>>, vector<128x128xf32>
    %dot_general3A_18 = arith.constant dense<0.000000e+00> : vector<2000x128xf32>
    %dot_general3A_19 = tpu.matmul %get3A_14, %get3A_17, %dot_general3A_18 {dimension_numbers = #tpu.dot_dimension_numbers<[1], [0], [0], [1], [0, 0, 1, 1], [], []>, transpose_lhs_hint = false} : vector<2000x128xf32>, vector<128x128xf32>, vector<2000x128xf32> -> vector<2000x128xf32>
    %get3A_20 = arith.constant 0 : index
    %get3A_21 = arith.constant 0 : index
    %get3A_22 = vector.load %arg2[%get3A_20, %get3A_21] : memref<2000x128xf32, #tpu.memory_space<vmem>>, vector<2000x128xf32>
    %get3A_23 = arith.constant 0 : index
    %get3A_24 = arith.constant 0 : index
    %get3A_25 = vector.load %arg6[%get3A_23, %get3A_24] : memref<128x128xf32, #tpu.memory_space<vmem>>, vector<128x128xf32>
    %dot_general3A_26 = arith.constant dense<0.000000e+00> : vector<2000x128xf32>
    %dot_general3A_27 = tpu.matmul %get3A_22, %get3A_25, %dot_general3A_26 {dimension_numbers = #tpu.dot_dimension_numbers<[1], [0], [0], [1], [0, 0, 1, 1], [], []>, transpose_lhs_hint = false} : vector<2000x128xf32>, vector<128x128xf32>, vector<2000x128xf32> -> vector<2000x128xf32>
    %get3A_28 = arith.constant 0 : index
    %get3A_29 = arith.constant 0 : index
    %get3A_30 = vector.load %arg7[%get3A_28, %get3A_29] : memref<1x128xf32, #tpu.memory_space<vmem>>, vector<1x128xf32>
    %add3A_31 = vector.broadcast %get3A_30 : vector<1x128xf32> to vector<2000x128xf32>
    %add3A_32 = arith.addf %dot_general3A_27, %add3A_31 : vector<2000x128xf32>
    %convert_element_type3A = arith.truncf %dot_general3A_19 : vector<2000x128xf32> to vector<2000x128xbf16>
    %bitcast_convert_type3A = tpu.bitcast %convert_element_type3A : vector<2000x128xbf16> -> vector<2000x128xi16>
    %convert_element_type3A_33 = arith.extui %bitcast_convert_type3A : vector<2000x128xi16> to vector<2000x128xi32>
    %convert_element_type3A_34 = arith.truncf %add3A_32 : vector<2000x128xf32> to vector<2000x128xbf16>
    %bitcast_convert_type3A_35 = tpu.bitcast %convert_element_type3A_34 : vector<2000x128xbf16> -> vector<2000x128xi16>
    %convert_element_type3A_36 = arith.extui %bitcast_convert_type3A_35 : vector<2000x128xi16> to vector<2000x128xi32>
    %shift_left3A = arith.constant 16 : i32
    %shift_left3A_37 = vector.broadcast %shift_left3A : i32 to vector<2000x128xi32>
    %shift_left3A_38 = arith.shli %convert_element_type3A_36, %shift_left3A_37 : vector<2000x128xi32>
    %or3A = arith.ori %convert_element_type3A_33, %shift_left3A_38 : vector<2000x128xi32>
    %bitcast_convert_type3A_39 = tpu.bitcast %or3A : vector<2000x128xi32> -> vector<2000x128xf32>
    %swap3A_40 = arith.constant 0 : index
    %swap3A_41 = arith.constant 0 : index
    %swap3A_42 = vector.load %arg9[%swap3A_40, %swap3A_41] : memref<2000x128xf32, #tpu.memory_space<vmem>>, vector<2000x128xf32>
    tpu.vector_store %arg9[%swap3A_40, %swap3A_41], %bitcast_convert_type3A_39 {strides = array<i32>} : memref<2000x128xf32, #tpu.memory_space<vmem>>, vector<2000x128xf32>,
    return
  }
  func.func @transform_0(%arg0: i32) -> (i32, i32) {
    %c0_i32 = arith.constant 0 : i32
    %c0_i32_0 = arith.constant 0 : i32
    return %arg0, %c0_i32 : i32, i32
  }
  func.func @transform_1(%arg0: i32) -> (i32, i32) {
    %c0_i32 = arith.constant 0 : i32
    %c0_i32_0 = arith.constant 0 : i32
    return %arg0, %c0_i32 : i32, i32
  }
  func.func @transform_2(%arg0: i32) -> (i32, i32) {
    %c0_i32 = arith.constant 0 : i32
    %c0_i32_0 = arith.constant 0 : i32
    %c0_i32_1 = arith.constant 0 : i32
    return %c0_i32, %c0_i32_0 : i32, i32
  }
  func.func @transform_3(%arg0: i32) -> (i32, i32) {
    %c0_i32 = arith.constant 0 : i32
    %c0_i32_0 = arith.constant 0 : i32
    %c0_i32_1 = arith.constant 0 : i32
    return %c0_i32, %c0_i32_0 : i32, i32
  }
  func.func @transform_4(%arg0: i32) -> (i32, i32) {
    %c0_i32 = arith.constant 0 : i32
    %c0_i32_0 = arith.constant 0 : i32
    %c0_i32_1 = arith.constant 0 : i32
    return %c0_i32, %c0_i32_0 : i32, i32
  }
  func.func @transform_5(%arg0: i32) -> (i32, i32) {
    %c0_i32 = arith.constant 0 : i32
    %c0_i32_0 = arith.constant 0 : i32
    %c0_i32_1 = arith.constant 0 : i32
    return %c0_i32, %c0_i32_0 : i32, i32
  }
  func.func @transform_6(%arg0: i32) -> (i32, i32) {
    %c0_i32 = arith.constant 0 : i32
    %c0_i32_0 = arith.constant 0 : i32
    %c0_i32_1 = arith.constant 0 : i32
    return %c0_i32, %c0_i32_0 : i32, i32
  }
  func.func @transform_7(%arg0: i32) -> (i32, i32) {
    %c0_i32 = arith.constant 0 : i32
    %c0_i32_0 = arith.constant 0 : i32
    return %arg0, %c0_i32 : i32, i32
  }
  func.func @transform_8(%arg0: i32) -> (i32, i32) {
    %c0_i32 = arith.constant 0 : i32
    %c0_i32_0 = arith.constant 0 : i32
    return %arg0, %c0_i32 : i32, i32
  }
}

module attributes {stable_mosaic.version = 14 : i64} {
  func.func @_edge_body(%arg0: i32, %arg1: memref<2560x128xf32, #tpu.memory_space<vmem>>, %arg2: memref<2560x128xf32, #tpu.memory_space<vmem>>, %arg3: memref<2560x128xf32, #tpu.memory_space<vmem>>, %arg4: memref<128x128xf32, #tpu.memory_space<vmem>>, %arg5: memref<128x128xf32, #tpu.memory_space<vmem>>, %arg6: memref<1x128xf32, #tpu.memory_space<vmem>>, %arg7: memref<1x128xf32, #tpu.memory_space<vmem>>, %arg8: memref<1x128xf32, #tpu.memory_space<vmem>>, %arg9: memref<2560x128xf32, #tpu.memory_space<vmem>>) attributes {dimension_semantics = [#tpu.dimension_semantics<arbitrary>], iteration_bounds = array<i64: 64>, scalar_prefetch = 0 : i64, scratch_operands = 0 : i64, tpu.core_type = #tpu.core_type<tc>, window_params = [{transform_indices = @transform_0, window_bounds = array<i64: 2560, 128>}, {transform_indices = @transform_1, window_bounds = array<i64: 2560, 128>}, {transform_indices = @transform_2, window_bounds = array<i64: 2560, 128>}, {pipeline_mode = #tpu.pipeline_mode<synchronous>, transform_indices = @transform_3, window_bounds = array<i64: 128, 128>}, {pipeline_mode = #tpu.pipeline_mode<synchronous>, transform_indices = @transform_4, window_bounds = array<i64: 128, 128>}, {pipeline_mode = #tpu.pipeline_mode<synchronous>, transform_indices = @transform_5, window_bounds = array<i64: 1, 128>}, {pipeline_mode = #tpu.pipeline_mode<synchronous>, transform_indices = @transform_6, window_bounds = array<i64: 1, 128>}, {pipeline_mode = #tpu.pipeline_mode<synchronous>, transform_indices = @transform_7, window_bounds = array<i64: 1, 128>}, {transform_indices = @transform_8, window_bounds = array<i64: 2560, 128>}]} {
    %get3A = arith.constant 0 : index
    %get3A_0 = arith.constant 0 : index
    %get3A_1 = vector.load %arg1[%get3A, %get3A_0] : memref<2560x128xf32, #tpu.memory_space<vmem>>, vector<2560x128xf32>
    %get3A_2 = arith.constant 0 : index
    %get3A_3 = arith.constant 0 : index
    %get3A_4 = vector.load %arg4[%get3A_2, %get3A_3] : memref<128x128xf32, #tpu.memory_space<vmem>>, vector<128x128xf32>
    %dot_general3A = arith.constant dense<0.000000e+00> : vector<2560x128xf32>
    %dot_general3A_5 = tpu.matmul %get3A_1, %get3A_4, %dot_general3A {dimension_numbers = #tpu.dot_dimension_numbers<[1], [0], [0], [1], [0, 0, 1, 1], [], []>, transpose_lhs_hint = false} : vector<2560x128xf32>, vector<128x128xf32>, vector<2560x128xf32> -> vector<2560x128xf32>
    %get3A_6 = arith.constant 0 : index
    %get3A_7 = arith.constant 0 : index
    %get3A_8 = vector.load %arg2[%get3A_6, %get3A_7] : memref<2560x128xf32, #tpu.memory_space<vmem>>, vector<2560x128xf32>
    %add3A = arith.addf %dot_general3A_5, %get3A_8 : vector<2560x128xf32>
    %get3A_9 = arith.constant 0 : index
    %get3A_10 = arith.constant 0 : index
    %get3A_11 = vector.load %arg3[%get3A_9, %get3A_10] : memref<2560x128xf32, #tpu.memory_space<vmem>>, vector<2560x128xf32>
    %bitcast_convert_type3A = tpu.bitcast %get3A_11 : vector<2560x128xf32> -> vector<2560x128xi32>
    %shift_left3A = arith.constant 16 : i32
    %shift_left3A_12 = vector.broadcast %shift_left3A : i32 to vector<2560x128xi32>
    %shift_left3A_13 = arith.shli %bitcast_convert_type3A, %shift_left3A_12 : vector<2560x128xi32>
    %bitcast_convert_type3A_14 = tpu.bitcast %shift_left3A_13 : vector<2560x128xi32> -> vector<2560x128xf32>
    %add3A_15 = arith.addf %add3A, %bitcast_convert_type3A_14 : vector<2560x128xf32>
    %get3A_16 = arith.constant 0 : index
    %get3A_17 = arith.constant 0 : index
    %get3A_18 = vector.load %arg7[%get3A_16, %get3A_17] : memref<1x128xf32, #tpu.memory_space<vmem>>, vector<1x128xf32>
    %get3A_19 = arith.constant 0 : index
    %get3A_20 = arith.constant 0 : index
    %get3A_21 = vector.load %arg8[%get3A_19, %get3A_20] : memref<1x128xf32, #tpu.memory_space<vmem>>, vector<1x128xf32>
    %reduce_sum3A = arith.constant dense<0.000000e+00> : vector<2560xf32>
    %reduce_sum3A_22 = vector.multi_reduction <add>, %add3A_15, %reduce_sum3A [1] : vector<2560x128xf32> to vector<2560xf32>
    %broadcast_in_dim3A = vector.shape_cast %reduce_sum3A_22 : vector<2560xf32> to vector<2560x1xf32>
    %div3A = arith.constant 1.280000e+02 : f32
    %div3A_23 = vector.broadcast %div3A : f32 to vector<2560x1xf32>
    %div3A_24 = arith.divf %broadcast_in_dim3A, %div3A_23 : vector<2560x1xf32>
    %sub3A = vector.broadcast %div3A_24 : vector<2560x1xf32> to vector<2560x128xf32>
    %sub3A_25 = arith.subf %add3A_15, %sub3A : vector<2560x128xf32>
    %mul3A = arith.mulf %sub3A_25, %sub3A_25 : vector<2560x128xf32>
    %reduce_sum3A_26 = arith.constant dense<0.000000e+00> : vector<2560xf32>
    %reduce_sum3A_27 = vector.multi_reduction <add>, %mul3A, %reduce_sum3A_26 [1] : vector<2560x128xf32> to vector<2560xf32>
    %broadcast_in_dim3A_28 = vector.shape_cast %reduce_sum3A_27 : vector<2560xf32> to vector<2560x1xf32>
    %div3A_29 = arith.constant 1.280000e+02 : f32
    %div3A_30 = vector.broadcast %div3A_29 : f32 to vector<2560x1xf32>
    %div3A_31 = arith.divf %broadcast_in_dim3A_28, %div3A_30 : vector<2560x1xf32>
    %add3A_32 = arith.constant 9.99999974E-6 : f32
    %add3A_33 = vector.broadcast %add3A_32 : f32 to vector<2560x1xf32>
    %add3A_34 = arith.addf %div3A_31, %add3A_33 : vector<2560x1xf32>
    %sqrt3A = math.sqrt %add3A_34 : vector<2560x1xf32>
    %div3A_35 = vector.broadcast %sqrt3A : vector<2560x1xf32> to vector<2560x128xf32>
    %div3A_36 = arith.divf %sub3A_25, %div3A_35 : vector<2560x128xf32>
    %mul3A_37 = vector.broadcast %get3A_18 : vector<1x128xf32> to vector<2560x128xf32>
    %mul3A_38 = arith.mulf %div3A_36, %mul3A_37 : vector<2560x128xf32>
    %add3A_39 = vector.broadcast %get3A_21 : vector<1x128xf32> to vector<2560x128xf32>
    %add3A_40 = arith.addf %mul3A_38, %add3A_39 : vector<2560x128xf32>
    %ge3A = arith.constant 0.000000e+00 : f32
    %ge3A_41 = vector.broadcast %ge3A : f32 to vector<2560x128xf32>
    %ge3A_42 = arith.cmpf oge, %add3A_40, %ge3A_41 : vector<2560x128xf32>
    %mul3A_43 = arith.constant 0.00999999977 : f32
    %mul3A_44 = vector.broadcast %mul3A_43 : f32 to vector<2560x128xf32>
    %mul3A_45 = arith.mulf %mul3A_44, %add3A_40 : vector<2560x128xf32>
    %select_n3A = arith.select %ge3A_42, %add3A_40, %mul3A_45 : vector<2560x128xi1>, vector<2560x128xf32>
    %get3A_46 = arith.constant 0 : index
    %get3A_47 = arith.constant 0 : index
    %get3A_48 = vector.load %arg5[%get3A_46, %get3A_47] : memref<128x128xf32, #tpu.memory_space<vmem>>, vector<128x128xf32>
    %dot_general3A_49 = arith.constant dense<0.000000e+00> : vector<2560x128xf32>
    %dot_general3A_50 = tpu.matmul %select_n3A, %get3A_48, %dot_general3A_49 {dimension_numbers = #tpu.dot_dimension_numbers<[1], [0], [0], [1], [0, 0, 1, 1], [], []>, transpose_lhs_hint = false} : vector<2560x128xf32>, vector<128x128xf32>, vector<2560x128xf32> -> vector<2560x128xf32>
    %get3A_51 = arith.constant 0 : index
    %get3A_52 = arith.constant 0 : index
    %get3A_53 = vector.load %arg6[%get3A_51, %get3A_52] : memref<1x128xf32, #tpu.memory_space<vmem>>, vector<1x128xf32>
    %add3A_54 = vector.broadcast %get3A_53 : vector<1x128xf32> to vector<2560x128xf32>
    %add3A_55 = arith.addf %dot_general3A_50, %add3A_54 : vector<2560x128xf32>
    %lt3A = arith.constant 61 : i32
    %lt3A_56 = arith.cmpi slt, %arg0, %lt3A : i32
    %jit3A = arith.constant 0.000000e+00 : f32
    %broadcast_in_dim3A_57 = vector.broadcast %jit3A : f32 to vector<2560x128xf32>
    %select_n3A_58 = arith.select %lt3A_56, %add3A_55, %broadcast_in_dim3A_57 : vector<2560x128xf32>
    %swap3A = arith.constant 0 : index
    %swap3A_59 = arith.constant 0 : index
    %swap3A_60 = vector.load %arg9[%swap3A, %swap3A_59] : memref<2560x128xf32, #tpu.memory_space<vmem>>, vector<2560x128xf32>
    tpu.vector_store %arg9[%swap3A, %swap3A_59], %select_n3A_58 {strides = array<i32>} : memref<2560x128xf32, #tpu.memory_space<vmem>>, vector<2560x128xf32>,
    return
  }
  func.func @transform_0(%arg0: i32) -> (i32, i32) {
    %add3A = arith.constant 64 : i32
    %add3A_0 = arith.addi %arg0, %add3A : i32
    %min3A = arith.constant 124 : i32
    %min3A_1 = arith.minsi %add3A_0, %min3A : i32
    %c0_i32 = arith.constant 0 : i32
    %c0_i32_2 = arith.constant 0 : i32
    return %min3A_1, %c0_i32 : i32, i32
  }
  func.func @transform_1(%arg0: i32) -> (i32, i32) {
    %add3A = arith.constant 64 : i32
    %add3A_0 = arith.addi %arg0, %add3A : i32
    %c0_i32 = arith.constant 0 : i32
    %c0_i32_1 = arith.constant 0 : i32
    return %add3A_0, %c0_i32 : i32, i32
  }
  func.func @transform_2(%arg0: i32) -> (i32, i32) {
    %add3A = arith.constant 64 : i32
    %add3A_0 = arith.addi %arg0, %add3A : i32
    %c0_i32 = arith.constant 0 : i32
    %c0_i32_1 = arith.constant 0 : i32
    return %add3A_0, %c0_i32 : i32, i32
  }
  func.func @transform_3(%arg0: i32) -> (i32, i32) {
    %c0_i32 = arith.constant 0 : i32
    %c0_i32_0 = arith.constant 0 : i32
    %c0_i32_1 = arith.constant 0 : i32
    return %c0_i32, %c0_i32_0 : i32, i32
  }
  func.func @transform_4(%arg0: i32) -> (i32, i32) {
    %c0_i32 = arith.constant 0 : i32
    %c0_i32_0 = arith.constant 0 : i32
    %c0_i32_1 = arith.constant 0 : i32
    return %c0_i32, %c0_i32_0 : i32, i32
  }
  func.func @transform_5(%arg0: i32) -> (i32, i32) {
    %c0_i32 = arith.constant 0 : i32
    %c0_i32_0 = arith.constant 0 : i32
    %c0_i32_1 = arith.constant 0 : i32
    return %c0_i32, %c0_i32_0 : i32, i32
  }
  func.func @transform_6(%arg0: i32) -> (i32, i32) {
    %c0_i32 = arith.constant 0 : i32
    %c0_i32_0 = arith.constant 0 : i32
    %c0_i32_1 = arith.constant 0 : i32
    return %c0_i32, %c0_i32_0 : i32, i32
  }
  func.func @transform_7(%arg0: i32) -> (i32, i32) {
    %c0_i32 = arith.constant 0 : i32
    %c0_i32_0 = arith.constant 0 : i32
    %c0_i32_1 = arith.constant 0 : i32
    return %c0_i32, %c0_i32_0 : i32, i32
  }
  func.func @transform_8(%arg0: i32) -> (i32, i32) {
    %c0_i32 = arith.constant 0 : i32
    %c0_i32_0 = arith.constant 0 : i32
    return %arg0, %c0_i32 : i32, i32
  }
}

module attributes {stable_mosaic.version = 14 : i64} {
  func.func @_edge_body(%arg0: i32, %arg1: memref<2560x128xf32, #tpu.memory_space<vmem>>, %arg2: memref<2560x128xf32, #tpu.memory_space<vmem>>, %arg3: memref<2560x128xf32, #tpu.memory_space<vmem>>, %arg4: memref<128x128xf32, #tpu.memory_space<vmem>>, %arg5: memref<128x128xf32, #tpu.memory_space<vmem>>, %arg6: memref<1x128xf32, #tpu.memory_space<vmem>>, %arg7: memref<1x128xf32, #tpu.memory_space<vmem>>, %arg8: memref<1x128xf32, #tpu.memory_space<vmem>>, %arg9: memref<2560x128xf32, #tpu.memory_space<vmem>>) attributes {dimension_semantics = [#tpu.dimension_semantics<arbitrary>], iteration_bounds = array<i64: 64>, scalar_prefetch = 0 : i64, scratch_operands = 0 : i64, tpu.core_type = #tpu.core_type<tc>, window_params = [{transform_indices = @transform_0, window_bounds = array<i64: 2560, 128>}, {transform_indices = @transform_1, window_bounds = array<i64: 2560, 128>}, {transform_indices = @transform_2, window_bounds = array<i64: 2560, 128>}, {pipeline_mode = #tpu.pipeline_mode<synchronous>, transform_indices = @transform_3, window_bounds = array<i64: 128, 128>}, {pipeline_mode = #tpu.pipeline_mode<synchronous>, transform_indices = @transform_4, window_bounds = array<i64: 128, 128>}, {pipeline_mode = #tpu.pipeline_mode<synchronous>, transform_indices = @transform_5, window_bounds = array<i64: 1, 128>}, {pipeline_mode = #tpu.pipeline_mode<synchronous>, transform_indices = @transform_6, window_bounds = array<i64: 1, 128>}, {pipeline_mode = #tpu.pipeline_mode<synchronous>, transform_indices = @transform_7, window_bounds = array<i64: 1, 128>}, {transform_indices = @transform_8, window_bounds = array<i64: 2560, 128>}]} {
    %get3A = arith.constant 0 : index
    %get3A_0 = arith.constant 0 : index
    %get3A_1 = vector.load %arg1[%get3A, %get3A_0] : memref<2560x128xf32, #tpu.memory_space<vmem>>, vector<2560x128xf32>
    %get3A_2 = arith.constant 0 : index
    %get3A_3 = arith.constant 0 : index
    %get3A_4 = vector.load %arg4[%get3A_2, %get3A_3] : memref<128x128xf32, #tpu.memory_space<vmem>>, vector<128x128xf32>
    %dot_general3A = arith.constant dense<0.000000e+00> : vector<2560x128xf32>
    %dot_general3A_5 = tpu.matmul %get3A_1, %get3A_4, %dot_general3A {dimension_numbers = #tpu.dot_dimension_numbers<[1], [0], [0], [1], [0, 0, 1, 1], [], []>, transpose_lhs_hint = false} : vector<2560x128xf32>, vector<128x128xf32>, vector<2560x128xf32> -> vector<2560x128xf32>
    %get3A_6 = arith.constant 0 : index
    %get3A_7 = arith.constant 0 : index
    %get3A_8 = vector.load %arg2[%get3A_6, %get3A_7] : memref<2560x128xf32, #tpu.memory_space<vmem>>, vector<2560x128xf32>
    %add3A = arith.addf %dot_general3A_5, %get3A_8 : vector<2560x128xf32>
    %get3A_9 = arith.constant 0 : index
    %get3A_10 = arith.constant 0 : index
    %get3A_11 = vector.load %arg3[%get3A_9, %get3A_10] : memref<2560x128xf32, #tpu.memory_space<vmem>>, vector<2560x128xf32>
    %bitcast_convert_type3A = tpu.bitcast %get3A_11 : vector<2560x128xf32> -> vector<2560x128xi32>
    %shift_left3A = arith.constant 16 : i32
    %shift_left3A_12 = vector.broadcast %shift_left3A : i32 to vector<2560x128xi32>
    %shift_left3A_13 = arith.shli %bitcast_convert_type3A, %shift_left3A_12 : vector<2560x128xi32>
    %bitcast_convert_type3A_14 = tpu.bitcast %shift_left3A_13 : vector<2560x128xi32> -> vector<2560x128xf32>
    %add3A_15 = arith.addf %add3A, %bitcast_convert_type3A_14 : vector<2560x128xf32>
    %get3A_16 = arith.constant 0 : index
    %get3A_17 = arith.constant 0 : index
    %get3A_18 = vector.load %arg7[%get3A_16, %get3A_17] : memref<1x128xf32, #tpu.memory_space<vmem>>, vector<1x128xf32>
    %get3A_19 = arith.constant 0 : index
    %get3A_20 = arith.constant 0 : index
    %get3A_21 = vector.load %arg8[%get3A_19, %get3A_20] : memref<1x128xf32, #tpu.memory_space<vmem>>, vector<1x128xf32>
    %reduce_sum3A = arith.constant dense<0.000000e+00> : vector<2560xf32>
    %reduce_sum3A_22 = vector.multi_reduction <add>, %add3A_15, %reduce_sum3A [1] : vector<2560x128xf32> to vector<2560xf32>
    %broadcast_in_dim3A = vector.shape_cast %reduce_sum3A_22 : vector<2560xf32> to vector<2560x1xf32>
    %div3A = arith.constant 1.280000e+02 : f32
    %div3A_23 = vector.broadcast %div3A : f32 to vector<2560x1xf32>
    %div3A_24 = arith.divf %broadcast_in_dim3A, %div3A_23 : vector<2560x1xf32>
    %sub3A = vector.broadcast %div3A_24 : vector<2560x1xf32> to vector<2560x128xf32>
    %sub3A_25 = arith.subf %add3A_15, %sub3A : vector<2560x128xf32>
    %mul3A = arith.mulf %sub3A_25, %sub3A_25 : vector<2560x128xf32>
    %reduce_sum3A_26 = arith.constant dense<0.000000e+00> : vector<2560xf32>
    %reduce_sum3A_27 = vector.multi_reduction <add>, %mul3A, %reduce_sum3A_26 [1] : vector<2560x128xf32> to vector<2560xf32>
    %broadcast_in_dim3A_28 = vector.shape_cast %reduce_sum3A_27 : vector<2560xf32> to vector<2560x1xf32>
    %div3A_29 = arith.constant 1.280000e+02 : f32
    %div3A_30 = vector.broadcast %div3A_29 : f32 to vector<2560x1xf32>
    %div3A_31 = arith.divf %broadcast_in_dim3A_28, %div3A_30 : vector<2560x1xf32>
    %add3A_32 = arith.constant 9.99999974E-6 : f32
    %add3A_33 = vector.broadcast %add3A_32 : f32 to vector<2560x1xf32>
    %add3A_34 = arith.addf %div3A_31, %add3A_33 : vector<2560x1xf32>
    %sqrt3A = math.sqrt %add3A_34 : vector<2560x1xf32>
    %div3A_35 = vector.broadcast %sqrt3A : vector<2560x1xf32> to vector<2560x128xf32>
    %div3A_36 = arith.divf %sub3A_25, %div3A_35 : vector<2560x128xf32>
    %mul3A_37 = vector.broadcast %get3A_18 : vector<1x128xf32> to vector<2560x128xf32>
    %mul3A_38 = arith.mulf %div3A_36, %mul3A_37 : vector<2560x128xf32>
    %add3A_39 = vector.broadcast %get3A_21 : vector<1x128xf32> to vector<2560x128xf32>
    %add3A_40 = arith.addf %mul3A_38, %add3A_39 : vector<2560x128xf32>
    %ge3A = arith.constant 0.000000e+00 : f32
    %ge3A_41 = vector.broadcast %ge3A : f32 to vector<2560x128xf32>
    %ge3A_42 = arith.cmpf oge, %add3A_40, %ge3A_41 : vector<2560x128xf32>
    %mul3A_43 = arith.constant 0.00999999977 : f32
    %mul3A_44 = vector.broadcast %mul3A_43 : f32 to vector<2560x128xf32>
    %mul3A_45 = arith.mulf %mul3A_44, %add3A_40 : vector<2560x128xf32>
    %select_n3A = arith.select %ge3A_42, %add3A_40, %mul3A_45 : vector<2560x128xi1>, vector<2560x128xf32>
    %get3A_46 = arith.constant 0 : index
    %get3A_47 = arith.constant 0 : index
    %get3A_48 = vector.load %arg5[%get3A_46, %get3A_47] : memref<128x128xf32, #tpu.memory_space<vmem>>, vector<128x128xf32>
    %dot_general3A_49 = arith.constant dense<0.000000e+00> : vector<2560x128xf32>
    %dot_general3A_50 = tpu.matmul %select_n3A, %get3A_48, %dot_general3A_49 {dimension_numbers = #tpu.dot_dimension_numbers<[1], [0], [0], [1], [0, 0, 1, 1], [], []>, transpose_lhs_hint = false} : vector<2560x128xf32>, vector<128x128xf32>, vector<2560x128xf32> -> vector<2560x128xf32>
    %get3A_51 = arith.constant 0 : index
    %get3A_52 = arith.constant 0 : index
    %get3A_53 = vector.load %arg6[%get3A_51, %get3A_52] : memref<1x128xf32, #tpu.memory_space<vmem>>, vector<1x128xf32>
    %add3A_54 = vector.broadcast %get3A_53 : vector<1x128xf32> to vector<2560x128xf32>
    %add3A_55 = arith.addf %dot_general3A_50, %add3A_54 : vector<2560x128xf32>
    %lt3A = arith.constant 125 : i32
    %lt3A_56 = arith.cmpi slt, %arg0, %lt3A : i32
    %jit3A = arith.constant 0.000000e+00 : f32
    %broadcast_in_dim3A_57 = vector.broadcast %jit3A : f32 to vector<2560x128xf32>
    %select_n3A_58 = arith.select %lt3A_56, %add3A_55, %broadcast_in_dim3A_57 : vector<2560x128xf32>
    %swap3A = arith.constant 0 : index
    %swap3A_59 = arith.constant 0 : index
    %swap3A_60 = vector.load %arg9[%swap3A, %swap3A_59] : memref<2560x128xf32, #tpu.memory_space<vmem>>, vector<2560x128xf32>
    tpu.vector_store %arg9[%swap3A, %swap3A_59], %select_n3A_58 {strides = array<i32>} : memref<2560x128xf32, #tpu.memory_space<vmem>>, vector<2560x128xf32>,
    return
  }
  func.func @transform_0(%arg0: i32) -> (i32, i32) {
    %add3A = arith.constant 0 : i32
    %add3A_0 = arith.addi %arg0, %add3A : i32
    %min3A = arith.constant 124 : i32
    %min3A_1 = arith.minsi %add3A_0, %min3A : i32
    %c0_i32 = arith.constant 0 : i32
    %c0_i32_2 = arith.constant 0 : i32
    return %min3A_1, %c0_i32 : i32, i32
  }
  func.func @transform_1(%arg0: i32) -> (i32, i32) {
    %add3A = arith.constant 0 : i32
    %add3A_0 = arith.addi %arg0, %add3A : i32
    %c0_i32 = arith.constant 0 : i32
    %c0_i32_1 = arith.constant 0 : i32
    return %add3A_0, %c0_i32 : i32, i32
  }
  func.func @transform_2(%arg0: i32) -> (i32, i32) {
    %add3A = arith.constant 0 : i32
    %add3A_0 = arith.addi %arg0, %add3A : i32
    %c0_i32 = arith.constant 0 : i32
    %c0_i32_1 = arith.constant 0 : i32
    return %add3A_0, %c0_i32 : i32, i32
  }
  func.func @transform_3(%arg0: i32) -> (i32, i32) {
    %c0_i32 = arith.constant 0 : i32
    %c0_i32_0 = arith.constant 0 : i32
    %c0_i32_1 = arith.constant 0 : i32
    return %c0_i32, %c0_i32_0 : i32, i32
  }
  func.func @transform_4(%arg0: i32) -> (i32, i32) {
    %c0_i32 = arith.constant 0 : i32
    %c0_i32_0 = arith.constant 0 : i32
    %c0_i32_1 = arith.constant 0 : i32
    return %c0_i32, %c0_i32_0 : i32, i32
  }
  func.func @transform_5(%arg0: i32) -> (i32, i32) {
    %c0_i32 = arith.constant 0 : i32
    %c0_i32_0 = arith.constant 0 : i32
    %c0_i32_1 = arith.constant 0 : i32
    return %c0_i32, %c0_i32_0 : i32, i32
  }
  func.func @transform_6(%arg0: i32) -> (i32, i32) {
    %c0_i32 = arith.constant 0 : i32
    %c0_i32_0 = arith.constant 0 : i32
    %c0_i32_1 = arith.constant 0 : i32
    return %c0_i32, %c0_i32_0 : i32, i32
  }
  func.func @transform_7(%arg0: i32) -> (i32, i32) {
    %c0_i32 = arith.constant 0 : i32
    %c0_i32_0 = arith.constant 0 : i32
    %c0_i32_1 = arith.constant 0 : i32
    return %c0_i32, %c0_i32_0 : i32, i32
  }
  func.func @transform_8(%arg0: i32) -> (i32, i32) {
    %c0_i32 = arith.constant 0 : i32
    %c0_i32_0 = arith.constant 0 : i32
    return %arg0, %c0_i32 : i32, i32
  }
}

module attributes {stable_mosaic.version = 14 : i64} {
  func.func @_edge_body(%arg0: i32, %arg1: memref<2560x128xf32, #tpu.memory_space<vmem>>, %arg2: memref<2560x128xf32, #tpu.memory_space<vmem>>, %arg3: memref<2560x128xf32, #tpu.memory_space<vmem>>, %arg4: memref<128x128xf32, #tpu.memory_space<vmem>>, %arg5: memref<128x128xf32, #tpu.memory_space<vmem>>, %arg6: memref<1x128xf32, #tpu.memory_space<vmem>>, %arg7: memref<1x128xf32, #tpu.memory_space<vmem>>, %arg8: memref<1x128xf32, #tpu.memory_space<vmem>>, %arg9: memref<2560x128xf32, #tpu.memory_space<vmem>>) attributes {dimension_semantics = [#tpu.dimension_semantics<arbitrary>], iteration_bounds = array<i64: 64>, scalar_prefetch = 0 : i64, scratch_operands = 0 : i64, tpu.core_type = #tpu.core_type<tc>, window_params = [{transform_indices = @transform_0, window_bounds = array<i64: 2560, 128>}, {transform_indices = @transform_1, window_bounds = array<i64: 2560, 128>}, {transform_indices = @transform_2, window_bounds = array<i64: 2560, 128>}, {pipeline_mode = #tpu.pipeline_mode<synchronous>, transform_indices = @transform_3, window_bounds = array<i64: 128, 128>}, {pipeline_mode = #tpu.pipeline_mode<synchronous>, transform_indices = @transform_4, window_bounds = array<i64: 128, 128>}, {pipeline_mode = #tpu.pipeline_mode<synchronous>, transform_indices = @transform_5, window_bounds = array<i64: 1, 128>}, {pipeline_mode = #tpu.pipeline_mode<synchronous>, transform_indices = @transform_6, window_bounds = array<i64: 1, 128>}, {pipeline_mode = #tpu.pipeline_mode<synchronous>, transform_indices = @transform_7, window_bounds = array<i64: 1, 128>}, {transform_indices = @transform_8, window_bounds = array<i64: 2560, 128>}]} {
    %get3A = arith.constant 0 : index
    %get3A_0 = arith.constant 0 : index
    %get3A_1 = vector.load %arg1[%get3A, %get3A_0] : memref<2560x128xf32, #tpu.memory_space<vmem>>, vector<2560x128xf32>
    %get3A_2 = arith.constant 0 : index
    %get3A_3 = arith.constant 0 : index
    %get3A_4 = vector.load %arg4[%get3A_2, %get3A_3] : memref<128x128xf32, #tpu.memory_space<vmem>>, vector<128x128xf32>
    %dot_general3A = arith.constant dense<0.000000e+00> : vector<2560x128xf32>
    %dot_general3A_5 = tpu.matmul %get3A_1, %get3A_4, %dot_general3A {dimension_numbers = #tpu.dot_dimension_numbers<[1], [0], [0], [1], [0, 0, 1, 1], [], []>, transpose_lhs_hint = false} : vector<2560x128xf32>, vector<128x128xf32>, vector<2560x128xf32> -> vector<2560x128xf32>
    %get3A_6 = arith.constant 0 : index
    %get3A_7 = arith.constant 0 : index
    %get3A_8 = vector.load %arg2[%get3A_6, %get3A_7] : memref<2560x128xf32, #tpu.memory_space<vmem>>, vector<2560x128xf32>
    %bitcast_convert_type3A = tpu.bitcast %get3A_8 : vector<2560x128xf32> -> vector<2560x128xi32>
    %and3A = arith.constant -65536 : i32
    %and3A_9 = vector.broadcast %and3A : i32 to vector<2560x128xi32>
    %and3A_10 = arith.andi %bitcast_convert_type3A, %and3A_9 : vector<2560x128xi32>
    %bitcast_convert_type3A_11 = tpu.bitcast %and3A_10 : vector<2560x128xi32> -> vector<2560x128xf32>
    %add3A = arith.addf %dot_general3A_5, %bitcast_convert_type3A_11 : vector<2560x128xf32>
    %get3A_12 = arith.constant 0 : index
    %get3A_13 = arith.constant 0 : index
    %get3A_14 = vector.load %arg3[%get3A_12, %get3A_13] : memref<2560x128xf32, #tpu.memory_space<vmem>>, vector<2560x128xf32>
    %add3A_15 = arith.addf %add3A, %get3A_14 : vector<2560x128xf32>
    %get3A_16 = arith.constant 0 : index
    %get3A_17 = arith.constant 0 : index
    %get3A_18 = vector.load %arg7[%get3A_16, %get3A_17] : memref<1x128xf32, #tpu.memory_space<vmem>>, vector<1x128xf32>
    %get3A_19 = arith.constant 0 : index
    %get3A_20 = arith.constant 0 : index
    %get3A_21 = vector.load %arg8[%get3A_19, %get3A_20] : memref<1x128xf32, #tpu.memory_space<vmem>>, vector<1x128xf32>
    %reduce_sum3A = arith.constant dense<0.000000e+00> : vector<2560xf32>
    %reduce_sum3A_22 = vector.multi_reduction <add>, %add3A_15, %reduce_sum3A [1] : vector<2560x128xf32> to vector<2560xf32>
    %broadcast_in_dim3A = vector.shape_cast %reduce_sum3A_22 : vector<2560xf32> to vector<2560x1xf32>
    %div3A = arith.constant 1.280000e+02 : f32
    %div3A_23 = vector.broadcast %div3A : f32 to vector<2560x1xf32>
    %div3A_24 = arith.divf %broadcast_in_dim3A, %div3A_23 : vector<2560x1xf32>
    %sub3A = vector.broadcast %div3A_24 : vector<2560x1xf32> to vector<2560x128xf32>
    %sub3A_25 = arith.subf %add3A_15, %sub3A : vector<2560x128xf32>
    %mul3A = arith.mulf %sub3A_25, %sub3A_25 : vector<2560x128xf32>
    %reduce_sum3A_26 = arith.constant dense<0.000000e+00> : vector<2560xf32>
    %reduce_sum3A_27 = vector.multi_reduction <add>, %mul3A, %reduce_sum3A_26 [1] : vector<2560x128xf32> to vector<2560xf32>
    %broadcast_in_dim3A_28 = vector.shape_cast %reduce_sum3A_27 : vector<2560xf32> to vector<2560x1xf32>
    %div3A_29 = arith.constant 1.280000e+02 : f32
    %div3A_30 = vector.broadcast %div3A_29 : f32 to vector<2560x1xf32>
    %div3A_31 = arith.divf %broadcast_in_dim3A_28, %div3A_30 : vector<2560x1xf32>
    %add3A_32 = arith.constant 9.99999974E-6 : f32
    %add3A_33 = vector.broadcast %add3A_32 : f32 to vector<2560x1xf32>
    %add3A_34 = arith.addf %div3A_31, %add3A_33 : vector<2560x1xf32>
    %sqrt3A = math.sqrt %add3A_34 : vector<2560x1xf32>
    %div3A_35 = vector.broadcast %sqrt3A : vector<2560x1xf32> to vector<2560x128xf32>
    %div3A_36 = arith.divf %sub3A_25, %div3A_35 : vector<2560x128xf32>
    %mul3A_37 = vector.broadcast %get3A_18 : vector<1x128xf32> to vector<2560x128xf32>
    %mul3A_38 = arith.mulf %div3A_36, %mul3A_37 : vector<2560x128xf32>
    %add3A_39 = vector.broadcast %get3A_21 : vector<1x128xf32> to vector<2560x128xf32>
    %add3A_40 = arith.addf %mul3A_38, %add3A_39 : vector<2560x128xf32>
    %ge3A = arith.constant 0.000000e+00 : f32
    %ge3A_41 = vector.broadcast %ge3A : f32 to vector<2560x128xf32>
    %ge3A_42 = arith.cmpf oge, %add3A_40, %ge3A_41 : vector<2560x128xf32>
    %mul3A_43 = arith.constant 0.00999999977 : f32
    %mul3A_44 = vector.broadcast %mul3A_43 : f32 to vector<2560x128xf32>
    %mul3A_45 = arith.mulf %mul3A_44, %add3A_40 : vector<2560x128xf32>
    %select_n3A = arith.select %ge3A_42, %add3A_40, %mul3A_45 : vector<2560x128xi1>, vector<2560x128xf32>
    %get3A_46 = arith.constant 0 : index
    %get3A_47 = arith.constant 0 : index
    %get3A_48 = vector.load %arg5[%get3A_46, %get3A_47] : memref<128x128xf32, #tpu.memory_space<vmem>>, vector<128x128xf32>
    %dot_general3A_49 = arith.constant dense<0.000000e+00> : vector<2560x128xf32>
    %dot_general3A_50 = tpu.matmul %select_n3A, %get3A_48, %dot_general3A_49 {dimension_numbers = #tpu.dot_dimension_numbers<[1], [0], [0], [1], [0, 0, 1, 1], [], []>, transpose_lhs_hint = false} : vector<2560x128xf32>, vector<128x128xf32>, vector<2560x128xf32> -> vector<2560x128xf32>
    %get3A_51 = arith.constant 0 : index
    %get3A_52 = arith.constant 0 : index
    %get3A_53 = vector.load %arg6[%get3A_51, %get3A_52] : memref<1x128xf32, #tpu.memory_space<vmem>>, vector<1x128xf32>
    %add3A_54 = vector.broadcast %get3A_53 : vector<1x128xf32> to vector<2560x128xf32>
    %add3A_55 = arith.addf %dot_general3A_50, %add3A_54 : vector<2560x128xf32>
    %lt3A = arith.constant 61 : i32
    %lt3A_56 = arith.cmpi slt, %arg0, %lt3A : i32
    %jit3A = arith.constant 0.000000e+00 : f32
    %broadcast_in_dim3A_57 = vector.broadcast %jit3A : f32 to vector<2560x128xf32>
    %select_n3A_58 = arith.select %lt3A_56, %add3A_55, %broadcast_in_dim3A_57 : vector<2560x128xf32>
    %swap3A = arith.constant 0 : index
    %swap3A_59 = arith.constant 0 : index
    %swap3A_60 = vector.load %arg9[%swap3A, %swap3A_59] : memref<2560x128xf32, #tpu.memory_space<vmem>>, vector<2560x128xf32>
    tpu.vector_store %arg9[%swap3A, %swap3A_59], %select_n3A_58 {strides = array<i32>} : memref<2560x128xf32, #tpu.memory_space<vmem>>, vector<2560x128xf32>,
    return
  }
  func.func @transform_0(%arg0: i32) -> (i32, i32) {
    %add3A = arith.constant 64 : i32
    %add3A_0 = arith.addi %arg0, %add3A : i32
    %min3A = arith.constant 124 : i32
    %min3A_1 = arith.minsi %add3A_0, %min3A : i32
    %c0_i32 = arith.constant 0 : i32
    %c0_i32_2 = arith.constant 0 : i32
    return %min3A_1, %c0_i32 : i32, i32
  }
  func.func @transform_1(%arg0: i32) -> (i32, i32) {
    %add3A = arith.constant 64 : i32
    %add3A_0 = arith.addi %arg0, %add3A : i32
    %c0_i32 = arith.constant 0 : i32
    %c0_i32_1 = arith.constant 0 : i32
    return %add3A_0, %c0_i32 : i32, i32
  }
  func.func @transform_2(%arg0: i32) -> (i32, i32) {
    %add3A = arith.constant 64 : i32
    %add3A_0 = arith.addi %arg0, %add3A : i32
    %c0_i32 = arith.constant 0 : i32
    %c0_i32_1 = arith.constant 0 : i32
    return %add3A_0, %c0_i32 : i32, i32
  }
  func.func @transform_3(%arg0: i32) -> (i32, i32) {
    %c0_i32 = arith.constant 0 : i32
    %c0_i32_0 = arith.constant 0 : i32
    %c0_i32_1 = arith.constant 0 : i32
    return %c0_i32, %c0_i32_0 : i32, i32
  }
  func.func @transform_4(%arg0: i32) -> (i32, i32) {
    %c0_i32 = arith.constant 0 : i32
    %c0_i32_0 = arith.constant 0 : i32
    %c0_i32_1 = arith.constant 0 : i32
    return %c0_i32, %c0_i32_0 : i32, i32
  }
  func.func @transform_5(%arg0: i32) -> (i32, i32) {
    %c0_i32 = arith.constant 0 : i32
    %c0_i32_0 = arith.constant 0 : i32
    %c0_i32_1 = arith.constant 0 : i32
    return %c0_i32, %c0_i32_0 : i32, i32
  }
  func.func @transform_6(%arg0: i32) -> (i32, i32) {
    %c0_i32 = arith.constant 0 : i32
    %c0_i32_0 = arith.constant 0 : i32
    %c0_i32_1 = arith.constant 0 : i32
    return %c0_i32, %c0_i32_0 : i32, i32
  }
  func.func @transform_7(%arg0: i32) -> (i32, i32) {
    %c0_i32 = arith.constant 0 : i32
    %c0_i32_0 = arith.constant 0 : i32
    %c0_i32_1 = arith.constant 0 : i32
    return %c0_i32, %c0_i32_0 : i32, i32
  }
  func.func @transform_8(%arg0: i32) -> (i32, i32) {
    %c0_i32 = arith.constant 0 : i32
    %c0_i32_0 = arith.constant 0 : i32
    return %arg0, %c0_i32 : i32, i32
  }
}

module attributes {stable_mosaic.version = 14 : i64} {
  func.func @_node_fused_body(%arg0: i32, %arg1: memref<2x2000x128xf32, #tpu.memory_space<vmem>>, %arg2: memref<2x2000x128xf32, #tpu.memory_space<vmem>>, %arg3: memref<2000x128xf32, #tpu.memory_space<vmem>>, %arg4: memref<1x128xf32, #tpu.memory_space<vmem>>, %arg5: memref<1x128xf32, #tpu.memory_space<vmem>>, %arg6: memref<128x128xf32, #tpu.memory_space<vmem>>, %arg7: memref<128x128xf32, #tpu.memory_space<vmem>>, %arg8: memref<1x128xf32, #tpu.memory_space<vmem>>, %arg9: memref<128x128xf32, #tpu.memory_space<vmem>>, %arg10: memref<1x128xf32, #tpu.memory_space<vmem>>, %arg11: memref<128x128xf32, #tpu.memory_space<vmem>>, %arg12: memref<2000x128xf32, #tpu.memory_space<vmem>>, %arg13: memref<2000x128xf32, #tpu.memory_space<vmem>>) attributes {dimension_semantics = [#tpu.dimension_semantics<arbitrary>], iteration_bounds = array<i64: 5>, scalar_prefetch = 0 : i64, scratch_operands = 0 : i64, tpu.core_type = #tpu.core_type<tc>, window_params = [{transform_indices = @transform_0, window_bounds = array<i64: 2, 2000, 128>}, {transform_indices = @transform_1, window_bounds = array<i64: 2, 2000, 128>}, {transform_indices = @transform_2, window_bounds = array<i64: 2000, 128>}, {pipeline_mode = #tpu.pipeline_mode<synchronous>, transform_indices = @transform_3, window_bounds = array<i64: 1, 128>}, {pipeline_mode = #tpu.pipeline_mode<synchronous>, transform_indices = @transform_4, window_bounds = array<i64: 1, 128>}, {pipeline_mode = #tpu.pipeline_mode<synchronous>, transform_indices = @transform_5, window_bounds = array<i64: 128, 128>}, {pipeline_mode = #tpu.pipeline_mode<synchronous>, transform_indices = @transform_6, window_bounds = array<i64: 128, 128>}, {pipeline_mode = #tpu.pipeline_mode<synchronous>, transform_indices = @transform_7, window_bounds = array<i64: 1, 128>}, {pipeline_mode = #tpu.pipeline_mode<synchronous>, transform_indices = @transform_8, window_bounds = array<i64: 128, 128>}, {pipeline_mode = #tpu.pipeline_mode<synchronous>, transform_indices = @transform_9, window_bounds = array<i64: 1, 128>}, {pipeline_mode = #tpu.pipeline_mode<synchronous>, transform_indices = @transform_10, window_bounds = array<i64: 128, 128>}, {transform_indices = @transform_11, window_bounds = array<i64: 2000, 128>}, {transform_indices = @transform_12, window_bounds = array<i64: 2000, 128>}]} {
    %get3A = arith.constant 0 : index
    %get3A_0 = arith.constant 0 : index
    %get3A_1 = arith.constant 0 : index
    %get3A_2 = vector.load %arg1[%get3A, %get3A_0, %get3A_1] : memref<2x2000x128xf32, #tpu.memory_space<vmem>>, vector<1x2000x128xf32>
    %get3A_3 = vector.shape_cast %get3A_2 : vector<1x2000x128xf32> to vector<2000x128xf32>
    %get3A_4 = arith.constant 1 : index
    %get3A_5 = arith.constant 0 : index
    %get3A_6 = arith.constant 0 : index
    %get3A_7 = vector.load %arg1[%get3A_4, %get3A_5, %get3A_6] : memref<2x2000x128xf32, #tpu.memory_space<vmem>>, vector<1x2000x128xf32>
    %get3A_8 = vector.shape_cast %get3A_7 : vector<1x2000x128xf32> to vector<2000x128xf32>
    %add3A = arith.addf %get3A_3, %get3A_8 : vector<2000x128xf32>
    %get3A_9 = arith.constant 0 : index
    %get3A_10 = arith.constant 0 : index
    %get3A_11 = arith.constant 0 : index
    %get3A_12 = vector.load %arg2[%get3A_9, %get3A_10, %get3A_11] : memref<2x2000x128xf32, #tpu.memory_space<vmem>>, vector<1x2000x128xf32>
    %get3A_13 = vector.shape_cast %get3A_12 : vector<1x2000x128xf32> to vector<2000x128xf32>
    %get3A_14 = arith.constant 1 : index
    %get3A_15 = arith.constant 0 : index
    %get3A_16 = arith.constant 0 : index
    %get3A_17 = vector.load %arg2[%get3A_14, %get3A_15, %get3A_16] : memref<2x2000x128xf32, #tpu.memory_space<vmem>>, vector<1x2000x128xf32>
    %get3A_18 = vector.shape_cast %get3A_17 : vector<1x2000x128xf32> to vector<2000x128xf32>
    %add3A_19 = arith.addf %get3A_13, %get3A_18 : vector<2000x128xf32>
    %add3A_20 = arith.addf %add3A, %add3A_19 : vector<2000x128xf32>
    %get3A_21 = arith.constant 0 : index
    %get3A_22 = arith.constant 0 : index
    %get3A_23 = vector.load %arg4[%get3A_21, %get3A_22] : memref<1x128xf32, #tpu.memory_space<vmem>>, vector<1x128xf32>
    %get3A_24 = arith.constant 0 : index
    %get3A_25 = arith.constant 0 : index
    %get3A_26 = vector.load %arg5[%get3A_24, %get3A_25] : memref<1x128xf32, #tpu.memory_space<vmem>>, vector<1x128xf32>
    %reduce_sum3A = arith.constant dense<0.000000e+00> : vector<2000xf32>
    %reduce_sum3A_27 = vector.multi_reduction <add>, %add3A_20, %reduce_sum3A [1] : vector<2000x128xf32> to vector<2000xf32>
    %broadcast_in_dim3A = vector.shape_cast %reduce_sum3A_27 : vector<2000xf32> to vector<2000x1xf32>
    %div3A = arith.constant 1.280000e+02 : f32
    %div3A_28 = vector.broadcast %div3A : f32 to vector<2000x1xf32>
    %div3A_29 = arith.divf %broadcast_in_dim3A, %div3A_28 : vector<2000x1xf32>
    %sub3A = vector.broadcast %div3A_29 : vector<2000x1xf32> to vector<2000x128xf32>
    %sub3A_30 = arith.subf %add3A_20, %sub3A : vector<2000x128xf32>
    %mul3A = arith.mulf %sub3A_30, %sub3A_30 : vector<2000x128xf32>
    %reduce_sum3A_31 = arith.constant dense<0.000000e+00> : vector<2000xf32>
    %reduce_sum3A_32 = vector.multi_reduction <add>, %mul3A, %reduce_sum3A_31 [1] : vector<2000x128xf32> to vector<2000xf32>
    %broadcast_in_dim3A_33 = vector.shape_cast %reduce_sum3A_32 : vector<2000xf32> to vector<2000x1xf32>
    %div3A_34 = arith.constant 1.280000e+02 : f32
    %div3A_35 = vector.broadcast %div3A_34 : f32 to vector<2000x1xf32>
    %div3A_36 = arith.divf %broadcast_in_dim3A_33, %div3A_35 : vector<2000x1xf32>
    %add3A_37 = arith.constant 9.99999974E-6 : f32
    %add3A_38 = vector.broadcast %add3A_37 : f32 to vector<2000x1xf32>
    %add3A_39 = arith.addf %div3A_36, %add3A_38 : vector<2000x1xf32>
    %sqrt3A = math.sqrt %add3A_39 : vector<2000x1xf32>
    %div3A_40 = vector.broadcast %sqrt3A : vector<2000x1xf32> to vector<2000x128xf32>
    %div3A_41 = arith.divf %sub3A_30, %div3A_40 : vector<2000x128xf32>
    %mul3A_42 = vector.broadcast %get3A_23 : vector<1x128xf32> to vector<2000x128xf32>
    %mul3A_43 = arith.mulf %div3A_41, %mul3A_42 : vector<2000x128xf32>
    %add3A_44 = vector.broadcast %get3A_26 : vector<1x128xf32> to vector<2000x128xf32>
    %add3A_45 = arith.addf %mul3A_43, %add3A_44 : vector<2000x128xf32>
    %get3A_46 = arith.constant 0 : index
    %get3A_47 = arith.constant 0 : index
    %get3A_48 = vector.load %arg6[%get3A_46, %get3A_47] : memref<128x128xf32, #tpu.memory_space<vmem>>, vector<128x128xf32>
    %dot_general3A = arith.constant dense<0.000000e+00> : vector<2000x128xf32>
    %dot_general3A_49 = tpu.matmul %add3A_45, %get3A_48, %dot_general3A {dimension_numbers = #tpu.dot_dimension_numbers<[1], [0], [0], [1], [0, 0, 1, 1], [], []>, transpose_lhs_hint = false} : vector<2000x128xf32>, vector<128x128xf32>, vector<2000x128xf32> -> vector<2000x128xf32>
    %get3A_50 = arith.constant 0 : index
    %get3A_51 = arith.constant 0 : index
    %get3A_52 = vector.load %arg3[%get3A_50, %get3A_51] : memref<2000x128xf32, #tpu.memory_space<vmem>>, vector<2000x128xf32>
    %get3A_53 = arith.constant 0 : index
    %get3A_54 = arith.constant 0 : index
    %get3A_55 = vector.load %arg7[%get3A_53, %get3A_54] : memref<128x128xf32, #tpu.memory_space<vmem>>, vector<128x128xf32>
    %dot_general3A_56 = arith.constant dense<0.000000e+00> : vector<2000x128xf32>
    %dot_general3A_57 = tpu.matmul %get3A_52, %get3A_55, %dot_general3A_56 {dimension_numbers = #tpu.dot_dimension_numbers<[1], [0], [0], [1], [0, 0, 1, 1], [], []>, transpose_lhs_hint = false} : vector<2000x128xf32>, vector<128x128xf32>, vector<2000x128xf32> -> vector<2000x128xf32>
    %add3A_58 = arith.addf %dot_general3A_49, %dot_general3A_57 : vector<2000x128xf32>
    %get3A_59 = arith.constant 0 : index
    %get3A_60 = arith.constant 0 : index
    %get3A_61 = vector.load %arg8[%get3A_59, %get3A_60] : memref<1x128xf32, #tpu.memory_space<vmem>>, vector<1x128xf32>
    %add3A_62 = vector.broadcast %get3A_61 : vector<1x128xf32> to vector<2000x128xf32>
    %add3A_63 = arith.addf %add3A_58, %add3A_62 : vector<2000x128xf32>
    %ge3A = arith.constant 0.000000e+00 : f32
    %ge3A_64 = vector.broadcast %ge3A : f32 to vector<2000x128xf32>
    %ge3A_65 = arith.cmpf oge, %add3A_63, %ge3A_64 : vector<2000x128xf32>
    %mul3A_66 = arith.constant 0.00999999977 : f32
    %mul3A_67 = vector.broadcast %mul3A_66 : f32 to vector<2000x128xf32>
    %mul3A_68 = arith.mulf %mul3A_67, %add3A_63 : vector<2000x128xf32>
    %select_n3A = arith.select %ge3A_65, %add3A_63, %mul3A_68 : vector<2000x128xi1>, vector<2000x128xf32>
    %get3A_69 = arith.constant 0 : index
    %get3A_70 = arith.constant 0 : index
    %get3A_71 = vector.load %arg9[%get3A_69, %get3A_70] : memref<128x128xf32, #tpu.memory_space<vmem>>, vector<128x128xf32>
    %dot_general3A_72 = arith.constant dense<0.000000e+00> : vector<2000x128xf32>
    %dot_general3A_73 = tpu.matmul %select_n3A, %get3A_71, %dot_general3A_72 {dimension_numbers = #tpu.dot_dimension_numbers<[1], [0], [0], [1], [0, 0, 1, 1], [], []>, transpose_lhs_hint = false} : vector<2000x128xf32>, vector<128x128xf32>, vector<2000x128xf32> -> vector<2000x128xf32>
    %get3A_74 = arith.constant 0 : index
    %get3A_75 = arith.constant 0 : index
    %get3A_76 = vector.load %arg10[%get3A_74, %get3A_75] : memref<1x128xf32, #tpu.memory_space<vmem>>, vector<1x128xf32>
    %add3A_77 = vector.broadcast %get3A_76 : vector<1x128xf32> to vector<2000x128xf32>
    %add3A_78 = arith.addf %dot_general3A_73, %add3A_77 : vector<2000x128xf32>
    %ge3A_79 = arith.constant 0.000000e+00 : f32
    %ge3A_80 = vector.broadcast %ge3A_79 : f32 to vector<2000x128xf32>
    %ge3A_81 = arith.cmpf oge, %add3A_78, %ge3A_80 : vector<2000x128xf32>
    %mul3A_82 = arith.constant 0.00999999977 : f32
    %mul3A_83 = vector.broadcast %mul3A_82 : f32 to vector<2000x128xf32>
    %mul3A_84 = arith.mulf %mul3A_83, %add3A_78 : vector<2000x128xf32>
    %select_n3A_85 = arith.select %ge3A_81, %add3A_78, %mul3A_84 : vector<2000x128xi1>, vector<2000x128xf32>
    %swap3A = arith.constant 0 : index
    %swap3A_86 = arith.constant 0 : index
    %swap3A_87 = vector.load %arg12[%swap3A, %swap3A_86] : memref<2000x128xf32, #tpu.memory_space<vmem>>, vector<2000x128xf32>
    tpu.vector_store %arg12[%swap3A, %swap3A_86], %select_n3A_85 {strides = array<i32>} : memref<2000x128xf32, #tpu.memory_space<vmem>>, vector<2000x128xf32>,
    %get3A_88 = arith.constant 0 : index
    %get3A_89 = arith.constant 0 : index
    %get3A_90 = vector.load %arg11[%get3A_88, %get3A_89] : memref<128x128xf32, #tpu.memory_space<vmem>>, vector<128x128xf32>
    %dot_general3A_91 = arith.constant dense<0.000000e+00> : vector<2000x128xf32>
    %dot_general3A_92 = tpu.matmul %select_n3A_85, %get3A_90, %dot_general3A_91 {dimension_numbers = #tpu.dot_dimension_numbers<[1], [0], [0], [1], [0, 0, 1, 1], [], []>, transpose_lhs_hint = false} : vector<2000x128xf32>, vector<128x128xf32>, vector<2000x128xf32> -> vector<2000x128xf32>
    %swap3A_93 = arith.constant 0 : index
    %swap3A_94 = arith.constant 0 : index
    %swap3A_95 = vector.load %arg13[%swap3A_93, %swap3A_94] : memref<2000x128xf32, #tpu.memory_space<vmem>>, vector<2000x128xf32>
    tpu.vector_store %arg13[%swap3A_93, %swap3A_94], %dot_general3A_92 {strides = array<i32>} : memref<2000x128xf32, #tpu.memory_space<vmem>>, vector<2000x128xf32>,
    return
  }
  func.func @transform_0(%arg0: i32) -> (i32, i32, i32) {
    %c0_i32 = arith.constant 0 : i32
    %c0_i32_0 = arith.constant 0 : i32
    %c0_i32_1 = arith.constant 0 : i32
    return %c0_i32, %arg0, %c0_i32_0 : i32, i32, i32
  }
  func.func @transform_1(%arg0: i32) -> (i32, i32, i32) {
    %c0_i32 = arith.constant 0 : i32
    %c0_i32_0 = arith.constant 0 : i32
    %c0_i32_1 = arith.constant 0 : i32
    return %c0_i32, %arg0, %c0_i32_0 : i32, i32, i32
  }
  func.func @transform_2(%arg0: i32) -> (i32, i32) {
    %c0_i32 = arith.constant 0 : i32
    %c0_i32_0 = arith.constant 0 : i32
    return %arg0, %c0_i32 : i32, i32
  }
  func.func @transform_3(%arg0: i32) -> (i32, i32) {
    %c0_i32 = arith.constant 0 : i32
    %c0_i32_0 = arith.constant 0 : i32
    %c0_i32_1 = arith.constant 0 : i32
    return %c0_i32, %c0_i32_0 : i32, i32
  }
  func.func @transform_4(%arg0: i32) -> (i32, i32) {
    %c0_i32 = arith.constant 0 : i32
    %c0_i32_0 = arith.constant 0 : i32
    %c0_i32_1 = arith.constant 0 : i32
    return %c0_i32, %c0_i32_0 : i32, i32
  }
  func.func @transform_5(%arg0: i32) -> (i32, i32) {
    %c0_i32 = arith.constant 0 : i32
    %c0_i32_0 = arith.constant 0 : i32
    %c0_i32_1 = arith.constant 0 : i32
    return %c0_i32, %c0_i32_0 : i32, i32
  }
  func.func @transform_6(%arg0: i32) -> (i32, i32) {
    %c0_i32 = arith.constant 0 : i32
    %c0_i32_0 = arith.constant 0 : i32
    %c0_i32_1 = arith.constant 0 : i32
    return %c0_i32, %c0_i32_0 : i32, i32
  }
  func.func @transform_7(%arg0: i32) -> (i32, i32) {
    %c0_i32 = arith.constant 0 : i32
    %c0_i32_0 = arith.constant 0 : i32
    %c0_i32_1 = arith.constant 0 : i32
    return %c0_i32, %c0_i32_0 : i32, i32
  }
  func.func @transform_8(%arg0: i32) -> (i32, i32) {
    %c0_i32 = arith.constant 0 : i32
    %c0_i32_0 = arith.constant 0 : i32
    %c0_i32_1 = arith.constant 0 : i32
    return %c0_i32, %c0_i32_0 : i32, i32
  }
  func.func @transform_9(%arg0: i32) -> (i32, i32) {
    %c0_i32 = arith.constant 0 : i32
    %c0_i32_0 = arith.constant 0 : i32
    %c0_i32_1 = arith.constant 0 : i32
    return %c0_i32, %c0_i32_0 : i32, i32
  }
  func.func @transform_10(%arg0: i32) -> (i32, i32) {
    %c0_i32 = arith.constant 0 : i32
    %c0_i32_0 = arith.constant 0 : i32
    %c0_i32_1 = arith.constant 0 : i32
    return %c0_i32, %c0_i32_0 : i32, i32
  }
  func.func @transform_11(%arg0: i32) -> (i32, i32) {
    %c0_i32 = arith.constant 0 : i32
    %c0_i32_0 = arith.constant 0 : i32
    return %arg0, %c0_i32 : i32, i32
  }
  func.func @transform_12(%arg0: i32) -> (i32, i32) {
    %c0_i32 = arith.constant 0 : i32
    %c0_i32_0 = arith.constant 0 : i32
    return %arg0, %c0_i32 : i32, i32
  }
}

module attributes {stable_mosaic.version = 14 : i64} {
  func.func @_edge_body(%arg0: i32, %arg1: memref<2560x128xf32, #tpu.memory_space<vmem>>, %arg2: memref<2560x128xf32, #tpu.memory_space<vmem>>, %arg3: memref<2560x128xf32, #tpu.memory_space<vmem>>, %arg4: memref<128x128xf32, #tpu.memory_space<vmem>>, %arg5: memref<128x128xf32, #tpu.memory_space<vmem>>, %arg6: memref<1x128xf32, #tpu.memory_space<vmem>>, %arg7: memref<1x128xf32, #tpu.memory_space<vmem>>, %arg8: memref<1x128xf32, #tpu.memory_space<vmem>>, %arg9: memref<2560x128xf32, #tpu.memory_space<vmem>>) attributes {dimension_semantics = [#tpu.dimension_semantics<arbitrary>], iteration_bounds = array<i64: 64>, scalar_prefetch = 0 : i64, scratch_operands = 0 : i64, tpu.core_type = #tpu.core_type<tc>, window_params = [{transform_indices = @transform_0, window_bounds = array<i64: 2560, 128>}, {transform_indices = @transform_1, window_bounds = array<i64: 2560, 128>}, {transform_indices = @transform_2, window_bounds = array<i64: 2560, 128>}, {pipeline_mode = #tpu.pipeline_mode<synchronous>, transform_indices = @transform_3, window_bounds = array<i64: 128, 128>}, {pipeline_mode = #tpu.pipeline_mode<synchronous>, transform_indices = @transform_4, window_bounds = array<i64: 128, 128>}, {pipeline_mode = #tpu.pipeline_mode<synchronous>, transform_indices = @transform_5, window_bounds = array<i64: 1, 128>}, {pipeline_mode = #tpu.pipeline_mode<synchronous>, transform_indices = @transform_6, window_bounds = array<i64: 1, 128>}, {pipeline_mode = #tpu.pipeline_mode<synchronous>, transform_indices = @transform_7, window_bounds = array<i64: 1, 128>}, {transform_indices = @transform_8, window_bounds = array<i64: 2560, 128>}]} {
    %get3A = arith.constant 0 : index
    %get3A_0 = arith.constant 0 : index
    %get3A_1 = vector.load %arg1[%get3A, %get3A_0] : memref<2560x128xf32, #tpu.memory_space<vmem>>, vector<2560x128xf32>
    %get3A_2 = arith.constant 0 : index
    %get3A_3 = arith.constant 0 : index
    %get3A_4 = vector.load %arg4[%get3A_2, %get3A_3] : memref<128x128xf32, #tpu.memory_space<vmem>>, vector<128x128xf32>
    %dot_general3A = arith.constant dense<0.000000e+00> : vector<2560x128xf32>
    %dot_general3A_5 = tpu.matmul %get3A_1, %get3A_4, %dot_general3A {dimension_numbers = #tpu.dot_dimension_numbers<[1], [0], [0], [1], [0, 0, 1, 1], [], []>, transpose_lhs_hint = false} : vector<2560x128xf32>, vector<128x128xf32>, vector<2560x128xf32> -> vector<2560x128xf32>
    %get3A_6 = arith.constant 0 : index
    %get3A_7 = arith.constant 0 : index
    %get3A_8 = vector.load %arg2[%get3A_6, %get3A_7] : memref<2560x128xf32, #tpu.memory_space<vmem>>, vector<2560x128xf32>
    %bitcast_convert_type3A = tpu.bitcast %get3A_8 : vector<2560x128xf32> -> vector<2560x128xi32>
    %and3A = arith.constant -65536 : i32
    %and3A_9 = vector.broadcast %and3A : i32 to vector<2560x128xi32>
    %and3A_10 = arith.andi %bitcast_convert_type3A, %and3A_9 : vector<2560x128xi32>
    %bitcast_convert_type3A_11 = tpu.bitcast %and3A_10 : vector<2560x128xi32> -> vector<2560x128xf32>
    %add3A = arith.addf %dot_general3A_5, %bitcast_convert_type3A_11 : vector<2560x128xf32>
    %get3A_12 = arith.constant 0 : index
    %get3A_13 = arith.constant 0 : index
    %get3A_14 = vector.load %arg3[%get3A_12, %get3A_13] : memref<2560x128xf32, #tpu.memory_space<vmem>>, vector<2560x128xf32>
    %add3A_15 = arith.addf %add3A, %get3A_14 : vector<2560x128xf32>
    %get3A_16 = arith.constant 0 : index
    %get3A_17 = arith.constant 0 : index
    %get3A_18 = vector.load %arg7[%get3A_16, %get3A_17] : memref<1x128xf32, #tpu.memory_space<vmem>>, vector<1x128xf32>
    %get3A_19 = arith.constant 0 : index
    %get3A_20 = arith.constant 0 : index
    %get3A_21 = vector.load %arg8[%get3A_19, %get3A_20] : memref<1x128xf32, #tpu.memory_space<vmem>>, vector<1x128xf32>
    %reduce_sum3A = arith.constant dense<0.000000e+00> : vector<2560xf32>
    %reduce_sum3A_22 = vector.multi_reduction <add>, %add3A_15, %reduce_sum3A [1] : vector<2560x128xf32> to vector<2560xf32>
    %broadcast_in_dim3A = vector.shape_cast %reduce_sum3A_22 : vector<2560xf32> to vector<2560x1xf32>
    %div3A = arith.constant 1.280000e+02 : f32
    %div3A_23 = vector.broadcast %div3A : f32 to vector<2560x1xf32>
    %div3A_24 = arith.divf %broadcast_in_dim3A, %div3A_23 : vector<2560x1xf32>
    %sub3A = vector.broadcast %div3A_24 : vector<2560x1xf32> to vector<2560x128xf32>
    %sub3A_25 = arith.subf %add3A_15, %sub3A : vector<2560x128xf32>
    %mul3A = arith.mulf %sub3A_25, %sub3A_25 : vector<2560x128xf32>
    %reduce_sum3A_26 = arith.constant dense<0.000000e+00> : vector<2560xf32>
    %reduce_sum3A_27 = vector.multi_reduction <add>, %mul3A, %reduce_sum3A_26 [1] : vector<2560x128xf32> to vector<2560xf32>
    %broadcast_in_dim3A_28 = vector.shape_cast %reduce_sum3A_27 : vector<2560xf32> to vector<2560x1xf32>
    %div3A_29 = arith.constant 1.280000e+02 : f32
    %div3A_30 = vector.broadcast %div3A_29 : f32 to vector<2560x1xf32>
    %div3A_31 = arith.divf %broadcast_in_dim3A_28, %div3A_30 : vector<2560x1xf32>
    %add3A_32 = arith.constant 9.99999974E-6 : f32
    %add3A_33 = vector.broadcast %add3A_32 : f32 to vector<2560x1xf32>
    %add3A_34 = arith.addf %div3A_31, %add3A_33 : vector<2560x1xf32>
    %sqrt3A = math.sqrt %add3A_34 : vector<2560x1xf32>
    %div3A_35 = vector.broadcast %sqrt3A : vector<2560x1xf32> to vector<2560x128xf32>
    %div3A_36 = arith.divf %sub3A_25, %div3A_35 : vector<2560x128xf32>
    %mul3A_37 = vector.broadcast %get3A_18 : vector<1x128xf32> to vector<2560x128xf32>
    %mul3A_38 = arith.mulf %div3A_36, %mul3A_37 : vector<2560x128xf32>
    %add3A_39 = vector.broadcast %get3A_21 : vector<1x128xf32> to vector<2560x128xf32>
    %add3A_40 = arith.addf %mul3A_38, %add3A_39 : vector<2560x128xf32>
    %ge3A = arith.constant 0.000000e+00 : f32
    %ge3A_41 = vector.broadcast %ge3A : f32 to vector<2560x128xf32>
    %ge3A_42 = arith.cmpf oge, %add3A_40, %ge3A_41 : vector<2560x128xf32>
    %mul3A_43 = arith.constant 0.00999999977 : f32
    %mul3A_44 = vector.broadcast %mul3A_43 : f32 to vector<2560x128xf32>
    %mul3A_45 = arith.mulf %mul3A_44, %add3A_40 : vector<2560x128xf32>
    %select_n3A = arith.select %ge3A_42, %add3A_40, %mul3A_45 : vector<2560x128xi1>, vector<2560x128xf32>
    %get3A_46 = arith.constant 0 : index
    %get3A_47 = arith.constant 0 : index
    %get3A_48 = vector.load %arg5[%get3A_46, %get3A_47] : memref<128x128xf32, #tpu.memory_space<vmem>>, vector<128x128xf32>
    %dot_general3A_49 = arith.constant dense<0.000000e+00> : vector<2560x128xf32>
    %dot_general3A_50 = tpu.matmul %select_n3A, %get3A_48, %dot_general3A_49 {dimension_numbers = #tpu.dot_dimension_numbers<[1], [0], [0], [1], [0, 0, 1, 1], [], []>, transpose_lhs_hint = false} : vector<2560x128xf32>, vector<128x128xf32>, vector<2560x128xf32> -> vector<2560x128xf32>
    %get3A_51 = arith.constant 0 : index
    %get3A_52 = arith.constant 0 : index
    %get3A_53 = vector.load %arg6[%get3A_51, %get3A_52] : memref<1x128xf32, #tpu.memory_space<vmem>>, vector<1x128xf32>
    %add3A_54 = vector.broadcast %get3A_53 : vector<1x128xf32> to vector<2560x128xf32>
    %add3A_55 = arith.addf %dot_general3A_50, %add3A_54 : vector<2560x128xf32>
    %lt3A = arith.constant 125 : i32
    %lt3A_56 = arith.cmpi slt, %arg0, %lt3A : i32
    %jit3A = arith.constant 0.000000e+00 : f32
    %broadcast_in_dim3A_57 = vector.broadcast %jit3A : f32 to vector<2560x128xf32>
    %select_n3A_58 = arith.select %lt3A_56, %add3A_55, %broadcast_in_dim3A_57 : vector<2560x128xf32>
    %swap3A = arith.constant 0 : index
    %swap3A_59 = arith.constant 0 : index
    %swap3A_60 = vector.load %arg9[%swap3A, %swap3A_59] : memref<2560x128xf32, #tpu.memory_space<vmem>>, vector<2560x128xf32>
    tpu.vector_store %arg9[%swap3A, %swap3A_59], %select_n3A_58 {strides = array<i32>} : memref<2560x128xf32, #tpu.memory_space<vmem>>, vector<2560x128xf32>,
    return
  }
  func.func @transform_0(%arg0: i32) -> (i32, i32) {
    %add3A = arith.constant 0 : i32
    %add3A_0 = arith.addi %arg0, %add3A : i32
    %min3A = arith.constant 124 : i32
    %min3A_1 = arith.minsi %add3A_0, %min3A : i32
    %c0_i32 = arith.constant 0 : i32
    %c0_i32_2 = arith.constant 0 : i32
    return %min3A_1, %c0_i32 : i32, i32
  }
  func.func @transform_1(%arg0: i32) -> (i32, i32) {
    %add3A = arith.constant 0 : i32
    %add3A_0 = arith.addi %arg0, %add3A : i32
    %c0_i32 = arith.constant 0 : i32
    %c0_i32_1 = arith.constant 0 : i32
    return %add3A_0, %c0_i32 : i32, i32
  }
  func.func @transform_2(%arg0: i32) -> (i32, i32) {
    %add3A = arith.constant 0 : i32
    %add3A_0 = arith.addi %arg0, %add3A : i32
    %c0_i32 = arith.constant 0 : i32
    %c0_i32_1 = arith.constant 0 : i32
    return %add3A_0, %c0_i32 : i32, i32
  }
  func.func @transform_3(%arg0: i32) -> (i32, i32) {
    %c0_i32 = arith.constant 0 : i32
    %c0_i32_0 = arith.constant 0 : i32
    %c0_i32_1 = arith.constant 0 : i32
    return %c0_i32, %c0_i32_0 : i32, i32
  }
  func.func @transform_4(%arg0: i32) -> (i32, i32) {
    %c0_i32 = arith.constant 0 : i32
    %c0_i32_0 = arith.constant 0 : i32
    %c0_i32_1 = arith.constant 0 : i32
    return %c0_i32, %c0_i32_0 : i32, i32
  }
  func.func @transform_5(%arg0: i32) -> (i32, i32) {
    %c0_i32 = arith.constant 0 : i32
    %c0_i32_0 = arith.constant 0 : i32
    %c0_i32_1 = arith.constant 0 : i32
    return %c0_i32, %c0_i32_0 : i32, i32
  }
  func.func @transform_6(%arg0: i32) -> (i32, i32) {
    %c0_i32 = arith.constant 0 : i32
    %c0_i32_0 = arith.constant 0 : i32
    %c0_i32_1 = arith.constant 0 : i32
    return %c0_i32, %c0_i32_0 : i32, i32
  }
  func.func @transform_7(%arg0: i32) -> (i32, i32) {
    %c0_i32 = arith.constant 0 : i32
    %c0_i32_0 = arith.constant 0 : i32
    %c0_i32_1 = arith.constant 0 : i32
    return %c0_i32, %c0_i32_0 : i32, i32
  }
  func.func @transform_8(%arg0: i32) -> (i32, i32) {
    %c0_i32 = arith.constant 0 : i32
    %c0_i32_0 = arith.constant 0 : i32
    return %arg0, %c0_i32 : i32, i32
  }
}

module attributes {stable_mosaic.version = 14 : i64} {
  func.func @_node_body(%arg0: i32, %arg1: memref<2x2000x128xf32, #tpu.memory_space<vmem>>, %arg2: memref<2x2000x128xf32, #tpu.memory_space<vmem>>, %arg3: memref<2000x128xf32, #tpu.memory_space<vmem>>, %arg4: memref<1x128xf32, #tpu.memory_space<vmem>>, %arg5: memref<1x128xf32, #tpu.memory_space<vmem>>, %arg6: memref<128x128xf32, #tpu.memory_space<vmem>>, %arg7: memref<128x128xf32, #tpu.memory_space<vmem>>, %arg8: memref<1x128xf32, #tpu.memory_space<vmem>>, %arg9: memref<128x128xf32, #tpu.memory_space<vmem>>, %arg10: memref<1x128xf32, #tpu.memory_space<vmem>>, %arg11: memref<2000x128xf32, #tpu.memory_space<vmem>>) attributes {dimension_semantics = [#tpu.dimension_semantics<arbitrary>], iteration_bounds = array<i64: 5>, scalar_prefetch = 0 : i64, scratch_operands = 0 : i64, tpu.core_type = #tpu.core_type<tc>, window_params = [{transform_indices = @transform_0, window_bounds = array<i64: 2, 2000, 128>}, {transform_indices = @transform_1, window_bounds = array<i64: 2, 2000, 128>}, {transform_indices = @transform_2, window_bounds = array<i64: 2000, 128>}, {pipeline_mode = #tpu.pipeline_mode<synchronous>, transform_indices = @transform_3, window_bounds = array<i64: 1, 128>}, {pipeline_mode = #tpu.pipeline_mode<synchronous>, transform_indices = @transform_4, window_bounds = array<i64: 1, 128>}, {pipeline_mode = #tpu.pipeline_mode<synchronous>, transform_indices = @transform_5, window_bounds = array<i64: 128, 128>}, {pipeline_mode = #tpu.pipeline_mode<synchronous>, transform_indices = @transform_6, window_bounds = array<i64: 128, 128>}, {pipeline_mode = #tpu.pipeline_mode<synchronous>, transform_indices = @transform_7, window_bounds = array<i64: 1, 128>}, {pipeline_mode = #tpu.pipeline_mode<synchronous>, transform_indices = @transform_8, window_bounds = array<i64: 128, 128>}, {pipeline_mode = #tpu.pipeline_mode<synchronous>, transform_indices = @transform_9, window_bounds = array<i64: 1, 128>}, {transform_indices = @transform_10, window_bounds = array<i64: 2000, 128>}]} {
    %get3A = arith.constant 0 : index
    %get3A_0 = arith.constant 0 : index
    %get3A_1 = arith.constant 0 : index
    %get3A_2 = vector.load %arg1[%get3A, %get3A_0, %get3A_1] : memref<2x2000x128xf32, #tpu.memory_space<vmem>>, vector<1x2000x128xf32>
    %get3A_3 = vector.shape_cast %get3A_2 : vector<1x2000x128xf32> to vector<2000x128xf32>
    %get3A_4 = arith.constant 1 : index
    %get3A_5 = arith.constant 0 : index
    %get3A_6 = arith.constant 0 : index
    %get3A_7 = vector.load %arg1[%get3A_4, %get3A_5, %get3A_6] : memref<2x2000x128xf32, #tpu.memory_space<vmem>>, vector<1x2000x128xf32>
    %get3A_8 = vector.shape_cast %get3A_7 : vector<1x2000x128xf32> to vector<2000x128xf32>
    %add3A = arith.addf %get3A_3, %get3A_8 : vector<2000x128xf32>
    %get3A_9 = arith.constant 0 : index
    %get3A_10 = arith.constant 0 : index
    %get3A_11 = arith.constant 0 : index
    %get3A_12 = vector.load %arg2[%get3A_9, %get3A_10, %get3A_11] : memref<2x2000x128xf32, #tpu.memory_space<vmem>>, vector<1x2000x128xf32>
    %get3A_13 = vector.shape_cast %get3A_12 : vector<1x2000x128xf32> to vector<2000x128xf32>
    %get3A_14 = arith.constant 1 : index
    %get3A_15 = arith.constant 0 : index
    %get3A_16 = arith.constant 0 : index
    %get3A_17 = vector.load %arg2[%get3A_14, %get3A_15, %get3A_16] : memref<2x2000x128xf32, #tpu.memory_space<vmem>>, vector<1x2000x128xf32>
    %get3A_18 = vector.shape_cast %get3A_17 : vector<1x2000x128xf32> to vector<2000x128xf32>
    %add3A_19 = arith.addf %get3A_13, %get3A_18 : vector<2000x128xf32>
    %add3A_20 = arith.addf %add3A, %add3A_19 : vector<2000x128xf32>
    %get3A_21 = arith.constant 0 : index
    %get3A_22 = arith.constant 0 : index
    %get3A_23 = vector.load %arg4[%get3A_21, %get3A_22] : memref<1x128xf32, #tpu.memory_space<vmem>>, vector<1x128xf32>
    %get3A_24 = arith.constant 0 : index
    %get3A_25 = arith.constant 0 : index
    %get3A_26 = vector.load %arg5[%get3A_24, %get3A_25] : memref<1x128xf32, #tpu.memory_space<vmem>>, vector<1x128xf32>
    %reduce_sum3A = arith.constant dense<0.000000e+00> : vector<2000xf32>
    %reduce_sum3A_27 = vector.multi_reduction <add>, %add3A_20, %reduce_sum3A [1] : vector<2000x128xf32> to vector<2000xf32>
    %broadcast_in_dim3A = vector.shape_cast %reduce_sum3A_27 : vector<2000xf32> to vector<2000x1xf32>
    %div3A = arith.constant 1.280000e+02 : f32
    %div3A_28 = vector.broadcast %div3A : f32 to vector<2000x1xf32>
    %div3A_29 = arith.divf %broadcast_in_dim3A, %div3A_28 : vector<2000x1xf32>
    %sub3A = vector.broadcast %div3A_29 : vector<2000x1xf32> to vector<2000x128xf32>
    %sub3A_30 = arith.subf %add3A_20, %sub3A : vector<2000x128xf32>
    %mul3A = arith.mulf %sub3A_30, %sub3A_30 : vector<2000x128xf32>
    %reduce_sum3A_31 = arith.constant dense<0.000000e+00> : vector<2000xf32>
    %reduce_sum3A_32 = vector.multi_reduction <add>, %mul3A, %reduce_sum3A_31 [1] : vector<2000x128xf32> to vector<2000xf32>
    %broadcast_in_dim3A_33 = vector.shape_cast %reduce_sum3A_32 : vector<2000xf32> to vector<2000x1xf32>
    %div3A_34 = arith.constant 1.280000e+02 : f32
    %div3A_35 = vector.broadcast %div3A_34 : f32 to vector<2000x1xf32>
    %div3A_36 = arith.divf %broadcast_in_dim3A_33, %div3A_35 : vector<2000x1xf32>
    %add3A_37 = arith.constant 9.99999974E-6 : f32
    %add3A_38 = vector.broadcast %add3A_37 : f32 to vector<2000x1xf32>
    %add3A_39 = arith.addf %div3A_36, %add3A_38 : vector<2000x1xf32>
    %sqrt3A = math.sqrt %add3A_39 : vector<2000x1xf32>
    %div3A_40 = vector.broadcast %sqrt3A : vector<2000x1xf32> to vector<2000x128xf32>
    %div3A_41 = arith.divf %sub3A_30, %div3A_40 : vector<2000x128xf32>
    %mul3A_42 = vector.broadcast %get3A_23 : vector<1x128xf32> to vector<2000x128xf32>
    %mul3A_43 = arith.mulf %div3A_41, %mul3A_42 : vector<2000x128xf32>
    %add3A_44 = vector.broadcast %get3A_26 : vector<1x128xf32> to vector<2000x128xf32>
    %add3A_45 = arith.addf %mul3A_43, %add3A_44 : vector<2000x128xf32>
    %get3A_46 = arith.constant 0 : index
    %get3A_47 = arith.constant 0 : index
    %get3A_48 = vector.load %arg6[%get3A_46, %get3A_47] : memref<128x128xf32, #tpu.memory_space<vmem>>, vector<128x128xf32>
    %dot_general3A = arith.constant dense<0.000000e+00> : vector<2000x128xf32>
    %dot_general3A_49 = tpu.matmul %add3A_45, %get3A_48, %dot_general3A {dimension_numbers = #tpu.dot_dimension_numbers<[1], [0], [0], [1], [0, 0, 1, 1], [], []>, transpose_lhs_hint = false} : vector<2000x128xf32>, vector<128x128xf32>, vector<2000x128xf32> -> vector<2000x128xf32>
    %get3A_50 = arith.constant 0 : index
    %get3A_51 = arith.constant 0 : index
    %get3A_52 = vector.load %arg3[%get3A_50, %get3A_51] : memref<2000x128xf32, #tpu.memory_space<vmem>>, vector<2000x128xf32>
    %get3A_53 = arith.constant 0 : index
    %get3A_54 = arith.constant 0 : index
    %get3A_55 = vector.load %arg7[%get3A_53, %get3A_54] : memref<128x128xf32, #tpu.memory_space<vmem>>, vector<128x128xf32>
    %dot_general3A_56 = arith.constant dense<0.000000e+00> : vector<2000x128xf32>
    %dot_general3A_57 = tpu.matmul %get3A_52, %get3A_55, %dot_general3A_56 {dimension_numbers = #tpu.dot_dimension_numbers<[1], [0], [0], [1], [0, 0, 1, 1], [], []>, transpose_lhs_hint = false} : vector<2000x128xf32>, vector<128x128xf32>, vector<2000x128xf32> -> vector<2000x128xf32>
    %add3A_58 = arith.addf %dot_general3A_49, %dot_general3A_57 : vector<2000x128xf32>
    %get3A_59 = arith.constant 0 : index
    %get3A_60 = arith.constant 0 : index
    %get3A_61 = vector.load %arg8[%get3A_59, %get3A_60] : memref<1x128xf32, #tpu.memory_space<vmem>>, vector<1x128xf32>
    %add3A_62 = vector.broadcast %get3A_61 : vector<1x128xf32> to vector<2000x128xf32>
    %add3A_63 = arith.addf %add3A_58, %add3A_62 : vector<2000x128xf32>
    %ge3A = arith.constant 0.000000e+00 : f32
    %ge3A_64 = vector.broadcast %ge3A : f32 to vector<2000x128xf32>
    %ge3A_65 = arith.cmpf oge, %add3A_63, %ge3A_64 : vector<2000x128xf32>
    %mul3A_66 = arith.constant 0.00999999977 : f32
    %mul3A_67 = vector.broadcast %mul3A_66 : f32 to vector<2000x128xf32>
    %mul3A_68 = arith.mulf %mul3A_67, %add3A_63 : vector<2000x128xf32>
    %select_n3A = arith.select %ge3A_65, %add3A_63, %mul3A_68 : vector<2000x128xi1>, vector<2000x128xf32>
    %get3A_69 = arith.constant 0 : index
    %get3A_70 = arith.constant 0 : index
    %get3A_71 = vector.load %arg9[%get3A_69, %get3A_70] : memref<128x128xf32, #tpu.memory_space<vmem>>, vector<128x128xf32>
    %dot_general3A_72 = arith.constant dense<0.000000e+00> : vector<2000x128xf32>
    %dot_general3A_73 = tpu.matmul %select_n3A, %get3A_71, %dot_general3A_72 {dimension_numbers = #tpu.dot_dimension_numbers<[1], [0], [0], [1], [0, 0, 1, 1], [], []>, transpose_lhs_hint = false} : vector<2000x128xf32>, vector<128x128xf32>, vector<2000x128xf32> -> vector<2000x128xf32>
    %get3A_74 = arith.constant 0 : index
    %get3A_75 = arith.constant 0 : index
    %get3A_76 = vector.load %arg10[%get3A_74, %get3A_75] : memref<1x128xf32, #tpu.memory_space<vmem>>, vector<1x128xf32>
    %add3A_77 = vector.broadcast %get3A_76 : vector<1x128xf32> to vector<2000x128xf32>
    %add3A_78 = arith.addf %dot_general3A_73, %add3A_77 : vector<2000x128xf32>
    %ge3A_79 = arith.constant 0.000000e+00 : f32
    %ge3A_80 = vector.broadcast %ge3A_79 : f32 to vector<2000x128xf32>
    %ge3A_81 = arith.cmpf oge, %add3A_78, %ge3A_80 : vector<2000x128xf32>
    %mul3A_82 = arith.constant 0.00999999977 : f32
    %mul3A_83 = vector.broadcast %mul3A_82 : f32 to vector<2000x128xf32>
    %mul3A_84 = arith.mulf %mul3A_83, %add3A_78 : vector<2000x128xf32>
    %select_n3A_85 = arith.select %ge3A_81, %add3A_78, %mul3A_84 : vector<2000x128xi1>, vector<2000x128xf32>
    %swap3A = arith.constant 0 : index
    %swap3A_86 = arith.constant 0 : index
    %swap3A_87 = vector.load %arg11[%swap3A, %swap3A_86] : memref<2000x128xf32, #tpu.memory_space<vmem>>, vector<2000x128xf32>
    tpu.vector_store %arg11[%swap3A, %swap3A_86], %select_n3A_85 {strides = array<i32>} : memref<2000x128xf32, #tpu.memory_space<vmem>>, vector<2000x128xf32>,
    return
  }
  func.func @transform_0(%arg0: i32) -> (i32, i32, i32) {
    %c0_i32 = arith.constant 0 : i32
    %c0_i32_0 = arith.constant 0 : i32
    %c0_i32_1 = arith.constant 0 : i32
    return %c0_i32, %arg0, %c0_i32_0 : i32, i32, i32
  }
  func.func @transform_1(%arg0: i32) -> (i32, i32, i32) {
    %c0_i32 = arith.constant 0 : i32
    %c0_i32_0 = arith.constant 0 : i32
    %c0_i32_1 = arith.constant 0 : i32
    return %c0_i32, %arg0, %c0_i32_0 : i32, i32, i32
  }
  func.func @transform_2(%arg0: i32) -> (i32, i32) {
    %c0_i32 = arith.constant 0 : i32
    %c0_i32_0 = arith.constant 0 : i32
    return %arg0, %c0_i32 : i32, i32
  }
  func.func @transform_3(%arg0: i32) -> (i32, i32) {
    %c0_i32 = arith.constant 0 : i32
    %c0_i32_0 = arith.constant 0 : i32
    %c0_i32_1 = arith.constant 0 : i32
    return %c0_i32, %c0_i32_0 : i32, i32
  }
  func.func @transform_4(%arg0: i32) -> (i32, i32) {
    %c0_i32 = arith.constant 0 : i32
    %c0_i32_0 = arith.constant 0 : i32
    %c0_i32_1 = arith.constant 0 : i32
    return %c0_i32, %c0_i32_0 : i32, i32
  }
  func.func @transform_5(%arg0: i32) -> (i32, i32) {
    %c0_i32 = arith.constant 0 : i32
    %c0_i32_0 = arith.constant 0 : i32
    %c0_i32_1 = arith.constant 0 : i32
    return %c0_i32, %c0_i32_0 : i32, i32
  }
  func.func @transform_6(%arg0: i32) -> (i32, i32) {
    %c0_i32 = arith.constant 0 : i32
    %c0_i32_0 = arith.constant 0 : i32
    %c0_i32_1 = arith.constant 0 : i32
    return %c0_i32, %c0_i32_0 : i32, i32
  }
  func.func @transform_7(%arg0: i32) -> (i32, i32) {
    %c0_i32 = arith.constant 0 : i32
    %c0_i32_0 = arith.constant 0 : i32
    %c0_i32_1 = arith.constant 0 : i32
    return %c0_i32, %c0_i32_0 : i32, i32
  }
  func.func @transform_8(%arg0: i32) -> (i32, i32) {
    %c0_i32 = arith.constant 0 : i32
    %c0_i32_0 = arith.constant 0 : i32
    %c0_i32_1 = arith.constant 0 : i32
    return %c0_i32, %c0_i32_0 : i32, i32
  }
  func.func @transform_9(%arg0: i32) -> (i32, i32) {
    %c0_i32 = arith.constant 0 : i32
    %c0_i32_0 = arith.constant 0 : i32
    %c0_i32_1 = arith.constant 0 : i32
    return %c0_i32, %c0_i32_0 : i32, i32
  }
  func.func @transform_10(%arg0: i32) -> (i32, i32) {
    %c0_i32 = arith.constant 0 : i32
    %c0_i32_0 = arith.constant 0 : i32
    return %arg0, %c0_i32 : i32, i32
  }
}

</mosaic_0001>

<sc_bundles>
// kernel: kernel.16.cloned.1.call-start
scs
__scs_entry_jumppad:
0x0: {  	(pc) =	sbr.rel $0x88, $3  }
0x1: {  	(tag) =	ssettag $0x0;
	lr =	simm.s32 $0x1  }
0x2: {  	[smem:$0x3F81] =	sst lr;
	_ =	strace $0xD0000000  }
0x3: {  	_ = 	snop  }
0x4: {  	_ = 	snop  }
0x5: {  	_ = 	snop  }
0x6: {  	_ = 	snop  }
0x7: {  	_ = 	snop  }
__scs_overlays_trampoline_lowered:
0x8: {  	[smem:$0x3F90] =	sst s0  }
0x9: {  	[smem:$0x3F91] =	sst s1  }
0xa: {  	[smem:$0x3F92] =	sst s2  }
0xb: {  	[smem:$0x3F93] =	sst s3  }
0xc: {  	[smem:$0x3F94] =	sst s4  }
0xd: {  	[smem:$0x3F95] =	sst s5  }
0xe: {  	[smem:$0x3F96] =	sst s6  }
0xf: {  	[smem:$0x3F97] =	sst s7  }
0x10: {  	[smem:$0x3F98] =	sst s8  }
0x11: {  	[smem:$0x3F99] =	sst s9;
	s0 =	simm.s32 @!p0 $0x0  }
0x12: {  	s1 =	sld [smem:$0x3F7F];
	s0 =	simm.s32 @p0 $0x1  }
0x13: {  	[smem:$0x3F9A] =	sst s0;
	s0 =	simm.s32 @!p1 $0x0  }
0x14: {  	s2 =	sld [smem:$0x3F7E];
	s0 =	simm.s32 @p1 $0x1  }
0x15: {  	[smem:$0x3F9B] =	sst s0;
	s0 =	simm.s32 @!p2 $0x0  }
0x16: {  	s3 =	sld [smem:$0x3FDB];
	s0 =	simm.s32 @p2 $0x1  }
0x17: {  	s4 =	simm.s32 $0x1BF5;
	[smem:$0x3F9D] =	sst s0  }
0x18: {  	s0 =	sld [smem:$0x3F80];
	_ =	swait.ge [sflag:s4], $0x0  }
0x19: {  	s7 =	sld [smem:$0x3F81]  }
0x1a: {  	s8 =	sadd.s32 $0xFFFFE003, lr  }
0x1b: {  	s9 =	sadd.s32 $0xFFFFFEF7, lr;
	s5 =	simm.s32 $0xFFFFFFFF;
	p2 =	slt.u32 s8, $0xFFFFF086  }
0x1c: {  	p1 =	slt.u32 s9, $0xF7A;
	s5 =	simm.s32 @!p2 $0x0  }
0x1d: {  	s5 =	simm.s32 @p1 $0x1;
	p0 =	seq.s32 s7, s2  }
0x1e: {  	s7 =	smul.u32 @!p0 $0xF7A, s2;
	p2 =	seq.s32 @!p0 s5, $0x0  }
0x1f: {  	s9 =	smul.u32 $0xF7A, s1;
	s8 =	simm.s32 @!p0 $0x1BF5;
	p2 =	por !p2, p0  }
0x20: {  	[sflag:s8] =	ssyncset.s32 @!p0 $0xFFFFF086;
	s6 =	sadd.s32 @!p0 s3, s7;
	s7 =	simm.s32 @!p0 $0x108  }
0x21: {  	s3 =	sadd.s32 s3, s9;
	s6 =	sadd.s32 @!p0 $0x88, s6;
	s7 =	simm.s32 @p2 $0x1082  }
0x22: {  	[simem:s7], [sflag:s8] =	dma.local @!p0 [hbm:s6], $0xF7A  }
0x23: {  	s9 =	sor.u32 $0xD0000000, s2;
	s6 =	simm.s32 $0x108;
	_ =	swait.ge @!p0 [sflag:s8], $0x0  }
0x24: {  	s3 =	sadd.s32 $0x88, s3;
	s6 =	simm.s32 @!p1 $0x1082;
	[sflag:s4] =	ssyncset.s32 $0xFFFFF086  }
0x25: {  	[simem:s6], [sflag:s4] =	dma.local [hbm:s3], $0xF7A  }
0x26: {  	[smem:$0x3F81] =	sst s1;
	(tag) =	ssettag s2;
	_ =	strace s9  }
0x27: {  	s1 =	sld [smem:$0x3F91]  }
0x28: {  	s2 =	sld [smem:$0x3F92]  }
0x29: {  	s4 =	sld [smem:$0x3F94]  }
0x2a: {  	p0 =	seq.s32 s5, $0x0;
	s5 =	sld [smem:$0x3F95]  }
0x2b: {  	s6 =	sld [smem:$0x3F96]  }
0x2c: {  	s7 =	sld [smem:$0x3F97]  }
0x2d: {  	s3 =	simm.s32 $0x108;
	s8 =	sld [smem:$0x3F98]  }
0x2e: {  	s3 =	simm.s32 @!p0 $0x1082;
	s9 =	sld [smem:$0x3F99]  }
0x2f: {  	lr =	sadd.s32 s0, s3;
	s0 =	sld [smem:$0x3F90]  }
0x30: {  	s3 =	sld [smem:$0x3F93]  }
0x31: {  	[smem:$0x3F9C] =	sst s10  }
0x32: {  	s10 =	sld [smem:$0x3F9A];
	_ =	sdelay $0x3  }
0x33: {  	p0 =	seq.s32 s10, $0x1;
	s10 =	sld [smem:$0x3F9C];
	_ =	sdelay $0x3  }
0x34: {  	[smem:$0x3F9C] =	sst s10  }
0x35: {  	s10 =	sld [smem:$0x3F9B];
	_ =	sdelay $0x3  }
0x36: {  	p1 =	seq.s32 s10, $0x1;
	s10 =	sld [smem:$0x3F9C];
	_ =	sdelay $0x3  }
0x37: {  	[smem:$0x3F9C] =	sst s10  }
0x38: {  	s10 =	sld [smem:$0x3F9D]  }
0x39: {  	_ = 	snop;
	(pc) =	sbr.ind lr, $3  }
0x3a: {  	_ = 	snop  }
0x3b: {  	_ = 	snop  }
0x3c: {  	p2 =	seq.s32 s10, $0x1;
	s10 =	sld [smem:$0x3F9C]  }
0x3d: {  	_ =	shalt  }
0x3e: {  	_ =	shalt  }
0x3f: {  	_ =	shalt  }
0x40: {  	_ =	shalt  }
0x41: {  	_ =	shalt  }
0x42: {  	_ =	shalt  }
0x43: {  	_ =	shalt  }
0x44: {  	_ =	shalt  }
0x45: {  	_ =	shalt  }
0x46: {  	_ =	shalt  }
0x47: {  	_ =	shalt  }
0x48: {  	_ =	shalt  }
0x49: {  	_ =	shalt  }
0x4a: {  	_ =	shalt  }
0x4b: {  	_ =	shalt  }
0x4c: {  	_ =	shalt  }
0x4d: {  	_ =	shalt  }
0x4e: {  	_ =	shalt  }
0x4f: {  	_ =	shalt  }
0x50: {  	_ =	shalt  }
0x51: {  	_ =	shalt  }
0x52: {  	_ =	shalt  }
0x53: {  	_ =	shalt  }
0x54: {  	_ =	shalt  }
0x55: {  	_ =	shalt  }
0x56: {  	_ =	shalt  }
0x57: {  	_ =	shalt  }
0x58: {  	_ =	shalt  }
0x59: {  	_ =	shalt  }
0x5a: {  	_ =	shalt  }
0x5b: {  	_ =	shalt  }
0x5c: {  	_ =	shalt  }
0x5d: {  	_ =	shalt  }
0x5e: {  	_ =	shalt  }
0x5f: {  	_ =	shalt  }
0x60: {  	_ =	shalt  }
0x61: {  	_ =	shalt  }
0x62: {  	_ =	shalt  }
0x63: {  	_ =	shalt  }
0x64: {  	_ =	shalt  }
0x65: {  	_ =	shalt  }
0x66: {  	_ =	shalt  }
0x67: {  	_ =	shalt  }
0x68: {  	_ =	shalt  }
0x69: {  	_ =	shalt  }
0x6a: {  	_ =	shalt  }
0x6b: {  	_ =	shalt  }
0x6c: {  	_ =	shalt  }
0x6d: {  	_ =	shalt  }
0x6e: {  	_ =	shalt  }
0x6f: {  	_ =	shalt  }
0x70: {  	_ =	shalt  }
0x71: {  	_ =	shalt  }
0x72: {  	_ =	shalt  }
0x73: {  	_ =	shalt  }
0x74: {  	_ =	shalt  }
0x75: {  	_ =	shalt  }
0x76: {  	_ =	shalt  }
0x77: {  	_ =	shalt  }
0x78: {  	_ =	shalt  }
0x79: {  	_ =	shalt  }
0x7a: {  	_ =	shalt  }
0x7b: {  	_ =	shalt  }
0x7c: {  	_ =	shalt  }
0x7d: {  	_ =	shalt  }
0x7e: {  	_ =	shalt  }
0x7f: {  	_ =	shalt  }
0x80: {  	_ =	shalt  }
0x81: {  	_ =	shalt  }
0x82: {  	_ =	shalt  }
0x83: {  	_ =	shalt  }
0x84: {  	_ =	shalt  }
0x85: {  	_ =	shalt  }
0x86: {  	_ =	shalt  }
0x87: {  	_ =	shalt  }
.Lfunc_end0:
.L_simem_size_0:
called_computation_lowered:
.L_overlay_start_0:
0x88: {  	s2 =	sld [smem:$0x3FD9]  }
0x89: {  	s3 =	sld [smem:$0x3FFE];
	_ =	sdelay $0x1  }
0x8a: {  	s1 =	srdreg.scid  }
0x8b: {  	s0 =	sand.u32 $0x1, s1  }
0x8c: {  	s15 =	sshll.u32 s0, $0xA;
	s2 =	sadd.s32 s3, s2  }
0x8d: {  	s2 =	sadd.s32 s2, s15  }
0x8e: {  	[smem:$0x3FA8] =	sst s2  }
0x8f: {  	_ = 	snop  }
0x90: {  	s2 =	sld [smem:$0x3FD0];
	_ =	sdelay $0x2  }
0x91: {  	s16 =	simm.s32 $0xB;
	s4 =	simm.s32 $0x10  }
0x92: {  	[smem:s4], [sflag:s16] =	dma.local [hbm:s2], $0x1  }
0x93: {  	_ =	swait.eq [sflag:s16], $0x1  }
0x94: {  	[sflag:s16] =	ssyncset.done $0x0  }
0x95: {  	[sflag:s16] =	ssyncadd.s32 $0xFFFFFFFF  }
0x96: {  	s17 =	sld [smem:$0x11];
	(tm) =	ssettm $0x1  }
0x97: {  	s18 =	sld [smem:$0x3FFB];
	_ =	sdelay $0x3  }
0x98: {  	_ =	strace s18  }
0x99: {  	s2 =	sld [smem:$0x3FFC];
	_ =	sdelay $0x3  }
0x9a: {  	_ =	strace s2  }
0x9b: {  	s2 =	sld [smem:$0x3FFD];
	_ =	sdelay $0x3  }
0x9c: {  	_ =	strace s2  }
0x9d: {  	_ =	strace $0x8FFFFFFF  }
0x9e: {  	s19 =	sld [smem:$0x3FDB];
	_ =	sdelay $0x1  }
0x9f: {  	s20 =	simm.s32 $_scs_section_size  }
0xa0: {  	s5 =	simm.s32 $_size__tile_overlayer_lowered;
	s6 =	simm.s32 $_tile_overlayer_lowered  }
0xa1: {  	s7 =	simm.s32 $0x1BFF;
	s21 =	sshll.u32 s6, $0x1;
	s4 =	sadd.s32 s20, s19  }
0xa2: {  	s22 =	simm.s32 $0x0;
	s5 =	sshll.u32 s5, $0x1;
	s6 =	sadd.s32 s21, s4  }
0xa3: {  	[timem:s22], [sflag:s7] =	dma.local [hbm:s6], s5  }
0xa4: {  	_ =	swait.ge [sflag:s7], s5  }
0xa5: {  	s5 =	ssub.s32 $0x0, s5;
	[sflag:s7] =	ssyncset.done $0x0  }
0xa6: {  	[sflag:s7] =	ssyncadd.s32 s5;
	_ =	sdelay $0x1  }
0xa7: {  	s23 =	simm.s32 $0x1B8B  }
0xa8: {  	_ =	swait.ge [sflag:s23], $0x1  }
0xa9: {  	[sflag:s23] =	ssyncset.done $0x0  }
0xaa: {  	[sflag:s23] =	ssyncadd.s32 $0xFFFFFFFF  }
0xab: {  	s5 =	sld [smem:$0x0]  }
0xac: {  	s6 =	sand.u32 $0xFFFFFFFE, s1  }
0xad: {  	p0 =	sne.s32 s1, s6  }
0xae: {  	s6 =	sshll.u32 @p0 s6, $0xE  }
0xaf: {  	s6 =	sadd.s32 @p0 $0x11B8D, s6;
	s7 =	sshll.u32 @p0 s5, $0x11  }
0xb0: {  	s6 =	sor.u32 @p0 s7, s6  }
0xb1: {  	[sflag:s6] =	ssyncadd.remote.s32 @p0 $0x1;
	_ =	sdelay $0x1  }
0xb2: {  	s6 =	simm.s32 @p0 $0x1B8D  }
0xb3: {  	_ =	swait.eq @p0 [sflag:s6], $0x1  }
0xb4: {  	[sflag:s6] =	ssyncadd.s32 @p0 $0xFFFFFFFF  }
0xb5: {  	s7 =	sshll.u32 @!p0 s1, $0xE  }
0xb6: {  	s7 =	sor.u32 @!p0 $0x4000, s7;
	s6 =	simm.s32 @!p0 $0x1B8D  }
0xb7: {  	s5 =	sshll.u32 @!p0 s5, $0x11;
	s7 =	sadd.s32 @!p0 $0x11B8D, s7;
	_ =	swait.eq @!p0 [sflag:s6], $0x1  }
0xb8: {  	s5 =	sor.u32 @!p0 s5, s7;
	[sflag:s6] =	ssyncadd.s32 @!p0 $0xFFFFFFFF  }
0xb9: {  	s25 =	simm.s32 $0x1B8E;
	s24 =	sld [smem:$0x3FFE];
	[sflag:s5] =	ssyncadd.remote.s32 @!p0 $0x1  }
0xba: {  	s26 =	simm.s32 $execute0_lowered;
	[smem:$0x3FD2] =	sst s25  }
0xbb: {  	s6 =	sshll.u32 s26, $0x1;
	_ =	strace $0x80000049;
	[dreg:$0x1] =	wrdreg $0xFFFFFFFF  }
0xbc: {  	s28 =	simm.s32 $_size_execute0_lowered;
	s4 =	sadd.s32 s4, s6;
	[dreg:$0x0] =	wrdreg $0x0  }
0xbd: {  	s6 =	sshll.u32 s28, $0x1;
	[dreg:$0x2] =	wrdreg s4  }
0xbe: {  	[dreg:$0x3] =	wrdreg s6  }
0xbf: {  	[dreg:$0x4] =	wrdreg $0xC0  }
0xc0: {  	_ =	task [dreg:s22], $0x5FFFF  }
0xc1: {  	[dreg:$0x1] =	wrdreg $0xFFFFFFFF  }
0xc2: {  	[dreg:$0x0] =	wrdreg $0x60  }
0xc3: {  	[dreg:$0x2] =	wrdreg s17  }
0xc4: {  	[dreg:$0x3] =	wrdreg s24  }
0xc5: {  	[dreg:$0x4] =	wrdreg $0x0  }
0xc6: {  	[dreg:$0x5] =	wrdreg $0x9  }
0xc7: {  	_ =	task.clear_ibuf [dreg:s22], $0x6FFFF;
	_ =	strace $0x90000049  }
0xc8: {  	s29 =	simm.s32 $0x9;
	_ =	strace $0x8000004B  }
0xc9: {  	_ =	swait.ge [sflag:s29], $0x1  }
0xca: {  	[sflag:s29] =	ssyncadd.s32 $0xFFFFFFFF  }
0xcb: {  	_ =	strace $0x9000004B  }
0xcc: {  	_ =	sfence  }
0xcd: {  	s30 =	sld [smem:$0x0];
	_ =	sdelay $0x2  }
0xce: {  	s31 =	sshll.u32 s1, $0xD;
	s1 =	sshrl.u32 s1, $0x2  }
0xcf: {  	s4 =	sand.u32 $0x4000, s31;
	s1 =	sadd.s32 s1, s30  }
0xd0: {  	s0 =	sor.u32 s4, s0;
	s1 =	sshll.u32 s1, $0x11  }
0xd1: {  	s0 =	sor.u32 s1, s0  }
0xd2: {  	s0 =	sadd.s32 $0x8F2B, s0  }
0xd3: {  	[sflag:s0] =	ssyncadd.remote.s32 $0x1  }
0xd4: {  	_ =	sfence.sel $0xFFFF  }
0xd5: {  	[dreg:$0x0] =	wrdreg $0xFFFFFFFF;
	(pc) =	sbr.abs _section_cstart, $3  }
0xd6: {  	[dreg:$0x1] =	wrdreg $0xFFFFFFFF  }
0xd7: {  	_ =	task.clear_ibuf [dreg:s22], $0x2FFFF;
	_ =	strace $0x9FFFFFFF  }
0xd8: {  	(tm) =	ssettm $0x7FFFFFFF  }
0xd9: {  	_ =	shalt  }
tec
execute0_lowered:
.L_overlay_start_1:
0x0: {  	(tag) =	ssettag $0x1  }
0x1: {  	s0 =	srdreg.scid  }
0x2: {  	s4 =	rddreg [dreg:$0x0];
	s8 =	sand.u32 $0x1, s0;
	s0 =	stileid.u32  }
0x3: {  	s5 =	rddreg [dreg:$0x1];
	s21 =	smul.u32 $0x7D000, s0  }
0x4: {  	s2 =	rddreg [dreg:$0x2];
	s3 =	simm.s32 $0x0;
	s10 =	smul.u32 $0x3E80, s0  }
0x5: {  	s17 =	simm.s32 $0x3;
	s18 =	simm.s32 $0x80;
	s23 =	smul.u32 $0x1400000, s8  }
0x6: {  	s19 =	simm.s32 $0x14C80;
	s20 =	simm.s32 $0x13900;
	s24 =	smul.u32 $0x140000, s0  }
0x7: {  	[smem:$0x7FF] =	sst s3;
	s1 =	sshll.u32 s8, $0x4;
	s26 =	smul.u32 $0x280000, s8  }
0x8: {  	s13 =	sadd.s32 $0x51B800, s5;
	s29 =	smul.u32 $0x28000, s0;
	s7 =	sor.u32 s0, s1  }
0x9: {  	s22 =	ssub.s32 $0x2, s8;
	p0 =	sgt.u32 s0, $0x9;
	s6 =	smul.u32 $0x500, s7  }
0xa: {  	s1 =	rddreg [dreg:$0x3];
	_ =	strace $0x8000004A;
	s12 =	smul.u32 $0x140000, s7  }
0xb: {  	s11 =	sshrl.u32 s22, $0x1;
	s4 =	sadd.s32 s4, s10;
	s14 =	smul.u32 $0x28000, s7  }
0xc: {  	s25 =	sadd.s32 s24, s23;
	s16 =	sadd.s32 s26, s13;
	s23 =	simm.s32 $0x2  }
0xd: {  	s24 =	simm.s32 $0x0;
	s30 =	sadd.s32 $0xA0000, s25;
	s9 =	sadd.s32 s6, s5  }
0xe: {  	s6 =	sshrl.u32 s21, $0x2;
	s5 =	ssub.s32 s22, s11;
	s12 =	sshrl.u32 s12, $0x3  }
0xf: {  	s28 =	sadd.s32 s14, s13;
	s11 =	sor.u32 $0x8000, s25;
	s14 =	sadd.s32 s29, s16  }
0x10: {  	s31 =	sshrl.u32 s30, $0x3;
	s16 =	sshll.u32 @!p0 s0, $0x6;
	s21 =	simm.s32 $0x18C80  }
0x11: {  	s22 =	simm.s32 $0x1;
	s15 =	sadd.s32 s6, s2;
	s5 =	smax.u32 s5, $0x1  }
0x12: {  	s6 =	sadd.s32 $0x11800, s9;
	s7 =	sadd.s32 s13, s12;
	s8 =	sadd.s32 $0x800, s28  }
0x13: {  	s11 =	sshrl.u32 s11, $0x3;
	s9 =	sadd.s32 $0x11A80, s9;
	s12 =	sadd.s32 $0x14800, s14  }
0x14: {  	s10 =	sadd.s32 s11, s13;
	s11 =	sadd.s32 $0x1800, s14;
	s13 =	sadd.s32 s31, s13  }
0x15: {  	s14 =	sor.u32 @!p0 $0x1C03, s16;
	s15 =	sshrl.u32 @!p0 s15, $0x3;
	s16 =	simm.s32 $0x13880  }
.LBB2_1:
0x16: {  	[spmem:s15], [sflag:s14] =	dma.local @!p0 [hbm:s4], $0x3E80  }
0x17: {  	s25 =	simm.s32 @!p0 $0x3  }
0x18: {  	_ =	swait.ge @!p0 [sflag:s25], $0x3E80  }
0x19: {  	[sflag:s25] =	ssyncset.done @!p0 $0x0  }
0x1a: {  	[sflag:s25] =	ssyncadd.s32 @!p0 $0xFFFFC180  }
0x1b: {  	[bflag:$0x0] =	sbarrier.arrive $0xFFFF  }
0x1c: {  	[tilespmem:s16], [sflag:$0x3] =	stream.linear.gather [hbm4b:s6+s3], $0x1400, $0x38;
	[tilespmem:$0x1CC80] =	vst v63  }
0x1d: {  	_ =	swait.ge [sflag:s17], $0x1400  }
0x1e: {  	[sflag:s17] =	ssyncset.done $0x0  }
0x1f: {  	[sflag:s17] =	ssyncadd.s32 $0xFFFFEC00  }
0x20: {  	[tilespmem:s19], [sflag:$0x3] =	stream.indirect.gather [spmem:s2], $0x80, s16, s18, $0xb8;
	[tilespmem:$0x1CC80] =	vst v63  }
0x21: {  	_ =	swait.ge [sflag:s17], $0x4000  }
0x22: {  	[sflag:s17] =	ssyncset.done $0x0  }
0x23: {  	[sflag:s17] =	ssyncadd.s32 $0xFFFFC000  }
0x24: {  	[hbm4b:s7+s3] =	stream.linear.scatter [tilespmem:s19], [sflag:$0x1], $0x4000, $0x38;
	[tilespmem:$0x1CC80] =	vst v63  }
0x25: {  	_ = 	snop  }
0x26: {  	[tilespmem:s21], [sflag:$0x3] =	stream.indirect.gather [spmem:s2], $0x80, s20, s18, $0xb8;
	[tilespmem:$0x1CC80] =	vst v63  }
0x27: {  	_ =	swait.ge [sflag:s17], $0x4000  }
0x28: {  	[sflag:s17] =	ssyncset.done $0x0  }
0x29: {  	[sflag:s17] =	ssyncadd.s32 $0xFFFFC000  }
0x2a: {  	[hbm4b:s8+s3] =	stream.linear.scatter [tilespmem:s21], [sflag:$0x2], $0x4000, $0x38;
	[tilespmem:$0x1CC80] =	vst v63  }
0x2b: {  	_ =	swait.ge [sflag:s22], $0x4000  }
0x2c: {  	[sflag:s22] =	ssyncset.done $0x0  }
0x2d: {  	s29 =	simm.s32 $0x13980;
	[sflag:s22] =	ssyncadd.s32 $0xFFFFC000  }
0x2e: {  	[tilespmem:s19], [sflag:$0x3] =	stream.indirect.gather [spmem:s2], $0x80, s29, s18, $0xb8;
	[tilespmem:$0x1CC80] =	vst v63  }
0x2f: {  	_ =	swait.ge [sflag:s17], $0x4000  }
0x30: {  	[sflag:s17] =	ssyncset.done $0x0  }
0x31: {  	s30 =	sadd.s32 $0x0, s10;
	[sflag:s17] =	ssyncadd.s32 $0xFFFFC000  }
0x32: {  	[hbm4b:s30+s3] =	stream.linear.scatter [tilespmem:s19], [sflag:$0x1], $0x4000, $0x38;
	[tilespmem:$0x1CC80] =	vst v63  }
0x33: {  	_ =	swait.ge [sflag:s23], $0x4000  }
0x34: {  	[sflag:s23] =	ssyncset.done $0x0  }
0x35: {  	s31 =	simm.s32 $0x13A00;
	[sflag:s23] =	ssyncadd.s32 $0xFFFFC000  }
0x36: {  	[tilespmem:s21], [sflag:$0x3] =	stream.indirect.gather [spmem:s2], $0x80, s31, s18, $0xb8;
	[tilespmem:$0x1CC80] =	vst v63  }
0x37: {  	_ =	swait.ge [sflag:s17], $0x4000  }
0x38: {  	s28 =	sadd.s32 $0x0, s11;
	[sflag:s17] =	ssyncset.done $0x0  }
0x39: {  	s26 =	simm.s32 $0x13B00;
	s25 =	simm.s32 $0x1000;
	[sflag:s17] =	ssyncadd.s32 $0xFFFFC000  }
.LBB2_2:
0x3a: {  	[hbm4b:s28+s3] =	stream.linear.scatter [tilespmem:s21], [sflag:$0x2], $0x4000, $0x38;
	[tilespmem:$0x1CC80] =	vst v63  }
0x3b: {  	s28 =	smov.u32 s25  }
0x3c: {  	p1 =	sne.s32 s25, $0x12000;
	s25 =	sadd.s32 $0x1000, s25;
	_ =	swait.ge [sflag:s22], $0x4000  }
0x3d: {  	[sflag:s22] =	ssyncset.done $0x0  }
0x3e: {  	s29 =	sadd.s32 $0xFFFFFF80, s26;
	[sflag:s22] =	ssyncadd.s32 $0xFFFFC000  }
0x3f: {  	[tilespmem:s19], [sflag:$0x3] =	stream.indirect.gather [spmem:s2], $0x80, s29, s18, $0xb8;
	[tilespmem:$0x1CC80] =	vst v63  }
0x40: {  	_ =	swait.ge [sflag:s17], $0x4000  }
0x41: {  	[sflag:s17] =	ssyncset.done $0x0  }
0x42: {  	s29 =	sadd.s32 s28, s10;
	[sflag:s17] =	ssyncadd.s32 $0xFFFFC000  }
0x43: {  	[hbm4b:s29+s3] =	stream.linear.scatter [tilespmem:s19], [sflag:$0x1], $0x4000, $0x38;
	[tilespmem:$0x1CC80] =	vst v63  }
0x44: {  	_ =	swait.ge [sflag:s23], $0x4000  }
0x45: {  	[sflag:s23] =	ssyncset.done $0x0  }
.Ltmp0:
0x46: {  	[sflag:s23] =	ssyncadd.s32 $0xFFFFC000;
	(pc) =	sbr.rel @p1 .LBB2_2-.Ltmp0, $4  }
0x47: {  	[tilespmem:s21], [sflag:$0x3] =	stream.indirect.gather [spmem:s2], $0x80, s26, s18, $0xb8;
	[tilespmem:$0x1CC80] =	vst v63  }
0x48: {  	_ =	swait.ge [sflag:s17], $0x4000  }
0x49: {  	[sflag:s17] =	ssyncset.done $0x0  }
0x4a: {  	s28 =	sadd.s32 s28, s11;
	s26 =	sadd.s32 $0x100, s26;
	[sflag:s17] =	ssyncadd.s32 $0xFFFFC000  }
0x4b: {  	[hbm4b:s28+s3] =	stream.linear.scatter [tilespmem:s21], [sflag:$0x2], $0x4000, $0x38;
	[tilespmem:$0x1CC80] =	vst v63  }
0x4c: {  	s25 =	simm.s32 $0x0  }
0x4d: {  	[tilespmem:s16], [sflag:$0x3] =	stream.linear.gather [hbm4b:s9+s25], $0x1400, $0x38;
	[tilespmem:$0x1CC80] =	vst v63  }
0x4e: {  	_ =	swait.ge [sflag:s17], $0x1400  }
0x4f: {  	[sflag:s17] =	ssyncset.done $0x0  }
0x50: {  	[sflag:s17] =	ssyncadd.s32 $0xFFFFEC00  }
0x51: {  	_ =	swait.ge [sflag:s22], $0x4000  }
0x52: {  	[sflag:s22] =	ssyncset.done $0x0  }
0x53: {  	s29 =	simm.s32 $0x13880;
	[sflag:s22] =	ssyncadd.s32 $0xFFFFC000  }
0x54: {  	[tilespmem:s19], [sflag:$0x3] =	stream.indirect.gather [spmem:s2], $0x80, s29, s18, $0xb8;
	[tilespmem:$0x1CC80] =	vst v63  }
0x55: {  	_ =	swait.ge [sflag:s17], $0x4000  }
0x56: {  	[sflag:s17] =	ssyncset.done $0x0  }
0x57: {  	s30 =	sadd.s32 $0x0, s13;
	[sflag:s17] =	ssyncadd.s32 $0xFFFFC000  }
0x58: {  	[hbm4b:s30+s3] =	stream.linear.scatter [tilespmem:s19], [sflag:$0x1], $0x4000, $0x38;
	[tilespmem:$0x1CC80] =	vst v63  }
0x59: {  	_ =	swait.ge [sflag:s23], $0x4000  }
0x5a: {  	[sflag:s23] =	ssyncset.done $0x0  }
0x5b: {  	s31 =	simm.s32 $0x13900;
	[sflag:s23] =	ssyncadd.s32 $0xFFFFC000  }
0x5c: {  	[tilespmem:s21], [sflag:$0x3] =	stream.indirect.gather [spmem:s2], $0x80, s31, s18, $0xb8;
	[tilespmem:$0x1CC80] =	vst v63  }
0x5d: {  	_ =	swait.ge [sflag:s17], $0x4000  }
0x5e: {  	s28 =	sadd.s32 $0x0, s12;
	[sflag:s17] =	ssyncset.done $0x0  }
0x5f: {  	s26 =	simm.s32 $0x13A00;
	s25 =	simm.s32 $0x1000;
	[sflag:s17] =	ssyncadd.s32 $0xFFFFC000  }
.LBB2_4:
0x60: {  	[hbm4b:s28+s3] =	stream.linear.scatter [tilespmem:s21], [sflag:$0x2], $0x4000, $0x38;
	[tilespmem:$0x1CC80] =	vst v63  }
0x61: {  	s28 =	smov.u32 s25  }
0x62: {  	p1 =	sne.s32 s25, $0x13000;
	s25 =	sadd.s32 $0x1000, s25;
	_ =	swait.ge [sflag:s22], $0x4000  }
0x63: {  	[sflag:s22] =	ssyncset.done $0x0  }
0x64: {  	s29 =	sadd.s32 $0xFFFFFF80, s26;
	[sflag:s22] =	ssyncadd.s32 $0xFFFFC000  }
0x65: {  	[tilespmem:s19], [sflag:$0x3] =	stream.indirect.gather [spmem:s2], $0x80, s29, s18, $0xb8;
	[tilespmem:$0x1CC80] =	vst v63  }
0x66: {  	_ =	swait.ge [sflag:s17], $0x4000  }
0x67: {  	[sflag:s17] =	ssyncset.done $0x0  }
0x68: {  	s29 =	sadd.s32 s28, s13;
	[sflag:s17] =	ssyncadd.s32 $0xFFFFC000  }
0x69: {  	[hbm4b:s29+s3] =	stream.linear.scatter [tilespmem:s19], [sflag:$0x1], $0x4000, $0x38;
	[tilespmem:$0x1CC80] =	vst v63  }
0x6a: {  	_ =	swait.ge [sflag:s23], $0x4000  }
0x6b: {  	[sflag:s23] =	ssyncset.done $0x0  }
.Ltmp1:
0x6c: {  	[sflag:s23] =	ssyncadd.s32 $0xFFFFC000;
	(pc) =	sbr.rel @p1 .LBB2_4-.Ltmp1, $4  }
0x6d: {  	[tilespmem:s21], [sflag:$0x3] =	stream.indirect.gather [spmem:s2], $0x80, s26, s18, $0xb8;
	[tilespmem:$0x1CC80] =	vst v63  }
0x6e: {  	_ =	swait.ge [sflag:s17], $0x4000  }
0x6f: {  	[sflag:s17] =	ssyncset.done $0x0  }
0x70: {  	s28 =	sadd.s32 s28, s12;
	s26 =	sadd.s32 $0x100, s26;
	[sflag:s17] =	ssyncadd.s32 $0xFFFFC000  }
0x71: {  	[hbm4b:s28+s3] =	stream.linear.scatter [tilespmem:s21], [sflag:$0x2], $0x4000, $0x38;
	[tilespmem:$0x1CC80] =	vst v63  }
0x72: {  	s24 =	sadd.s32 $0x1, s24  }
0x73: {  	_ =	swait.ge [sflag:s22], $0x4000;
	p1 =	sne.s32 s24, s5  }
.Ltmp2:
0x74: {  	[sflag:s22] =	ssyncset.done $0x0;
	(pc) =	sbr.rel @p1 .LBB2_1-.Ltmp2, $4  }
0x75: {  	[sflag:s22] =	ssyncadd.s32 $0xFFFFC000  }
0x76: {  	_ =	swait.ge [sflag:s23], $0x4000  }
0x77: {  	[sflag:s23] =	ssyncset.done $0x0  }
0x78: {  	[sflag:s23] =	ssyncadd.s32 $0xFFFFC000  }
0x79: {  	_ =	sfence.sel $0x180000  }
0x7a: {  	[bflag:$0x0] =	sbarrier.arrive $0xFFFF  }
0x7b: {  	p0 =	sne.s32 s0, $0x0;
	_ =	strace $0x9000004A  }
0x7c: {  	s0 =	sadd.s32 @!p0 $0x100000, s1;
	[bflag:$0x2] =	sbarrier.arrive $0xFFFF  }
0x7d: {  	[sflag:s0] =	ssyncadd.tile.s32 @!p0 $0x1;
	_ =	shalt  }
.Lfunc_end2:
_tile_overlayer_lowered:
.L_overlay_start_2:
0x7e: {  	(tag) =	ssettag $0x2  }
0x7f: {  	s0 =	rddreg [dreg:$0x0];
	s2 =	stileid.u32  }
0x80: {  	s1 =	rddreg [dreg:$0x1];
	p0 =	sne.s32 s2, $0x0  }
0x81: {  	s3 =	rddreg [dreg:$0x2];
	[bflag:$0x3] =	sbarrier.arrive $0xFFFF;
	s2 =	simm.s32 @!p0 $0x1C03  }
0x82: {  	[timem:s3], [sflag:s2] =	dma.local @!p0 [hbm:s0], s1  }
0x83: {  	s0 =	simm.s32 @!p0 $0x3  }
0x84: {  	_ =	swait.ge @!p0 [sflag:s0], s1  }
0x85: {  	s1 =	ssub.s32 @!p0 $0x0, s1;
	[sflag:s0] =	ssyncset.done @!p0 $0x0  }
0x86: {  	[sflag:s0] =	ssyncadd.s32 @!p0 s1  }
0x87: {  	[bflag:$0x3] =	sbarrier.arrive $0xFFFF  }
0x88: {  	_ =	shalt  }

// kernel: kernel.19.cloned.1.call-start
scs
__scs_entry_jumppad:
0x0: {  	(pc) =	sbr.rel $0x88, $3  }
0x1: {  	(tag) =	ssettag $0x0;
	lr =	simm.s32 $0x1  }
0x2: {  	[smem:$0x3F81] =	sst lr;
	_ =	strace $0xD0000000  }
0x3: {  	_ = 	snop  }
0x4: {  	_ = 	snop  }
0x5: {  	_ = 	snop  }
0x6: {  	_ = 	snop  }
0x7: {  	_ = 	snop  }
__scs_overlays_trampoline_lowered:
0x8: {  	[smem:$0x3F90] =	sst s0  }
0x9: {  	[smem:$0x3F91] =	sst s1  }
0xa: {  	[smem:$0x3F92] =	sst s2  }
0xb: {  	[smem:$0x3F93] =	sst s3  }
0xc: {  	[smem:$0x3F94] =	sst s4  }
0xd: {  	[smem:$0x3F95] =	sst s5  }
0xe: {  	[smem:$0x3F96] =	sst s6  }
0xf: {  	[smem:$0x3F97] =	sst s7  }
0x10: {  	[smem:$0x3F98] =	sst s8  }
0x11: {  	[smem:$0x3F99] =	sst s9;
	s0 =	simm.s32 @!p0 $0x0  }
0x12: {  	s1 =	sld [smem:$0x3F7F];
	s0 =	simm.s32 @p0 $0x1  }
0x13: {  	[smem:$0x3F9A] =	sst s0;
	s0 =	simm.s32 @!p1 $0x0  }
0x14: {  	s2 =	sld [smem:$0x3F7E];
	s0 =	simm.s32 @p1 $0x1  }
0x15: {  	[smem:$0x3F9B] =	sst s0;
	s0 =	simm.s32 @!p2 $0x0  }
0x16: {  	s3 =	sld [smem:$0x3FDB];
	s0 =	simm.s32 @p2 $0x1  }
0x17: {  	s4 =	simm.s32 $0x1BF5;
	[smem:$0x3F9D] =	sst s0  }
0x18: {  	s0 =	sld [smem:$0x3F80];
	_ =	swait.ge [sflag:s4], $0x0  }
0x19: {  	s7 =	sld [smem:$0x3F81]  }
0x1a: {  	s8 =	sadd.s32 $0xFFFFE003, lr  }
0x1b: {  	s9 =	sadd.s32 $0xFFFFFEF7, lr;
	s5 =	simm.s32 $0xFFFFFFFF;
	p2 =	slt.u32 s8, $0xFFFFF086  }
0x1c: {  	p1 =	slt.u32 s9, $0xF7A;
	s5 =	simm.s32 @!p2 $0x0  }
0x1d: {  	s5 =	simm.s32 @p1 $0x1;
	p0 =	seq.s32 s7, s2  }
0x1e: {  	s7 =	smul.u32 @!p0 $0xF7A, s2;
	p2 =	seq.s32 @!p0 s5, $0x0  }
0x1f: {  	s9 =	smul.u32 $0xF7A, s1;
	s8 =	simm.s32 @!p0 $0x1BF5;
	p2 =	por !p2, p0  }
0x20: {  	[sflag:s8] =	ssyncset.s32 @!p0 $0xFFFFF086;
	s6 =	sadd.s32 @!p0 s3, s7;
	s7 =	simm.s32 @!p0 $0x108  }
0x21: {  	s3 =	sadd.s32 s3, s9;
	s6 =	sadd.s32 @!p0 $0x88, s6;
	s7 =	simm.s32 @p2 $0x1082  }
0x22: {  	[simem:s7], [sflag:s8] =	dma.local @!p0 [hbm:s6], $0xF7A  }
0x23: {  	s9 =	sor.u32 $0xD0000000, s2;
	s6 =	simm.s32 $0x108;
	_ =	swait.ge @!p0 [sflag:s8], $0x0  }
0x24: {  	s3 =	sadd.s32 $0x88, s3;
	s6 =	simm.s32 @!p1 $0x1082;
	[sflag:s4] =	ssyncset.s32 $0xFFFFF086  }
0x25: {  	[simem:s6], [sflag:s4] =	dma.local [hbm:s3], $0xF7A  }
0x26: {  	[smem:$0x3F81] =	sst s1;
	(tag) =	ssettag s2;
	_ =	strace s9  }
0x27: {  	s1 =	sld [smem:$0x3F91]  }
0x28: {  	s2 =	sld [smem:$0x3F92]  }
0x29: {  	s4 =	sld [smem:$0x3F94]  }
0x2a: {  	p0 =	seq.s32 s5, $0x0;
	s5 =	sld [smem:$0x3F95]  }
0x2b: {  	s6 =	sld [smem:$0x3F96]  }
0x2c: {  	s7 =	sld [smem:$0x3F97]  }
0x2d: {  	s3 =	simm.s32 $0x108;
	s8 =	sld [smem:$0x3F98]  }
0x2e: {  	s3 =	simm.s32 @!p0 $0x1082;
	s9 =	sld [smem:$0x3F99]  }
0x2f: {  	lr =	sadd.s32 s0, s3;
	s0 =	sld [smem:$0x3F90]  }
0x30: {  	s3 =	sld [smem:$0x3F93]  }
0x31: {  	[smem:$0x3F9C] =	sst s10  }
0x32: {  	s10 =	sld [smem:$0x3F9A];
	_ =	sdelay $0x3  }
0x33: {  	p0 =	seq.s32 s10, $0x1;
	s10 =	sld [smem:$0x3F9C];
	_ =	sdelay $0x3  }
0x34: {  	[smem:$0x3F9C] =	sst s10  }
0x35: {  	s10 =	sld [smem:$0x3F9B];
	_ =	sdelay $0x3  }
0x36: {  	p1 =	seq.s32 s10, $0x1;
	s10 =	sld [smem:$0x3F9C];
	_ =	sdelay $0x3  }
0x37: {  	[smem:$0x3F9C] =	sst s10  }
0x38: {  	s10 =	sld [smem:$0x3F9D]  }
0x39: {  	_ = 	snop;
	(pc) =	sbr.ind lr, $3  }
0x3a: {  	_ = 	snop  }
0x3b: {  	_ = 	snop  }
0x3c: {  	p2 =	seq.s32 s10, $0x1;
	s10 =	sld [smem:$0x3F9C]  }
0x3d: {  	_ =	shalt  }
0x3e: {  	_ =	shalt  }
0x3f: {  	_ =	shalt  }
0x40: {  	_ =	shalt  }
0x41: {  	_ =	shalt  }
0x42: {  	_ =	shalt  }
0x43: {  	_ =	shalt  }
0x44: {  	_ =	shalt  }
0x45: {  	_ =	shalt  }
0x46: {  	_ =	shalt  }
0x47: {  	_ =	shalt  }
0x48: {  	_ =	shalt  }
0x49: {  	_ =	shalt  }
0x4a: {  	_ =	shalt  }
0x4b: {  	_ =	shalt  }
0x4c: {  	_ =	shalt  }
0x4d: {  	_ =	shalt  }
0x4e: {  	_ =	shalt  }
0x4f: {  	_ =	shalt  }
0x50: {  	_ =	shalt  }
0x51: {  	_ =	shalt  }
0x52: {  	_ =	shalt  }
0x53: {  	_ =	shalt  }
0x54: {  	_ =	shalt  }
0x55: {  	_ =	shalt  }
0x56: {  	_ =	shalt  }
0x57: {  	_ =	shalt  }
0x58: {  	_ =	shalt  }
0x59: {  	_ =	shalt  }
0x5a: {  	_ =	shalt  }
0x5b: {  	_ =	shalt  }
0x5c: {  	_ =	shalt  }
0x5d: {  	_ =	shalt  }
0x5e: {  	_ =	shalt  }
0x5f: {  	_ =	shalt  }
0x60: {  	_ =	shalt  }
0x61: {  	_ =	shalt  }
0x62: {  	_ =	shalt  }
0x63: {  	_ =	shalt  }
0x64: {  	_ =	shalt  }
0x65: {  	_ =	shalt  }
0x66: {  	_ =	shalt  }
0x67: {  	_ =	shalt  }
0x68: {  	_ =	shalt  }
0x69: {  	_ =	shalt  }
0x6a: {  	_ =	shalt  }
0x6b: {  	_ =	shalt  }
0x6c: {  	_ =	shalt  }
0x6d: {  	_ =	shalt  }
0x6e: {  	_ =	shalt  }
0x6f: {  	_ =	shalt  }
0x70: {  	_ =	shalt  }
0x71: {  	_ =	shalt  }
0x72: {  	_ =	shalt  }
0x73: {  	_ =	shalt  }
0x74: {  	_ =	shalt  }
0x75: {  	_ =	shalt  }
0x76: {  	_ =	shalt  }
0x77: {  	_ =	shalt  }
0x78: {  	_ =	shalt  }
0x79: {  	_ =	shalt  }
0x7a: {  	_ =	shalt  }
0x7b: {  	_ =	shalt  }
0x7c: {  	_ =	shalt  }
0x7d: {  	_ =	shalt  }
0x7e: {  	_ =	shalt  }
0x7f: {  	_ =	shalt  }
0x80: {  	_ =	shalt  }
0x81: {  	_ =	shalt  }
0x82: {  	_ =	shalt  }
0x83: {  	_ =	shalt  }
0x84: {  	_ =	shalt  }
0x85: {  	_ =	shalt  }
0x86: {  	_ =	shalt  }
0x87: {  	_ =	shalt  }
.Lfunc_end0:
.L_simem_size_0:
called_computation.1_lowered:
.L_overlay_start_0:
0x88: {  	s2 =	sld [smem:$0x3FD9]  }
0x89: {  	s3 =	sld [smem:$0x3FFE];
	_ =	sdelay $0x1  }
0x8a: {  	s1 =	srdreg.scid  }
0x8b: {  	s0 =	sand.u32 $0x1, s1  }
0x8c: {  	s14 =	sshll.u32 s0, $0xA;
	s2 =	sadd.s32 s3, s2  }
0x8d: {  	s2 =	sadd.s32 s2, s14  }
0x8e: {  	[smem:$0x3FA8] =	sst s2  }
0x8f: {  	_ = 	snop  }
0x90: {  	s2 =	sld [smem:$0x3FD0];
	_ =	sdelay $0x2  }
0x91: {  	s15 =	simm.s32 $0xB;
	s4 =	simm.s32 $0x10  }
0x92: {  	[smem:s4], [sflag:s15] =	dma.local [hbm:s2], $0x1  }
0x93: {  	_ =	swait.eq [sflag:s15], $0x1  }
0x94: {  	[sflag:s15] =	ssyncset.done $0x0  }
0x95: {  	[sflag:s15] =	ssyncadd.s32 $0xFFFFFFFF  }
0x96: {  	s16 =	sld [smem:$0x10];
	(tm) =	ssettm $0x1  }
0x97: {  	s17 =	sld [smem:$0x3FFB];
	_ =	sdelay $0x3  }
0x98: {  	_ =	strace s17  }
0x99: {  	s3 =	sld [smem:$0x3FFC];
	_ =	sdelay $0x3  }
0x9a: {  	_ =	strace s3  }
0x9b: {  	s3 =	sld [smem:$0x3FFD];
	_ =	sdelay $0x3  }
0x9c: {  	_ =	strace s3  }
0x9d: {  	_ =	strace $0x8FFFFFFF  }
0x9e: {  	s18 =	sld [smem:$0x3FDB];
	_ =	sdelay $0x1  }
0x9f: {  	s19 =	simm.s32 $_scs_section_size  }
0xa0: {  	s5 =	simm.s32 $_size__tile_overlayer_lowered;
	s6 =	simm.s32 $_tile_overlayer_lowered  }
0xa1: {  	s22 =	simm.s32 $0x1BFF;
	s21 =	sshll.u32 s6, $0x1;
	s3 =	sadd.s32 s19, s18  }
0xa2: {  	s7 =	simm.s32 $0x0;
	s20 =	sshll.u32 s5, $0x1;
	s5 =	sadd.s32 s21, s3  }
0xa3: {  	[timem:s7], [sflag:s22] =	dma.local [hbm:s5], s20  }
0xa4: {  	_ =	swait.ge [sflag:s22], s20  }
0xa5: {  	s4 =	ssub.s32 $0x0, s20;
	[sflag:s22] =	ssyncset.done $0x0  }
0xa6: {  	[sflag:s22] =	ssyncadd.s32 s4;
	_ =	sdelay $0x1  }
0xa7: {  	s23 =	simm.s32 $0x1B8B  }
0xa8: {  	_ =	swait.ge [sflag:s23], $0x1  }
0xa9: {  	[sflag:s23] =	ssyncset.done $0x0  }
0xaa: {  	s25 =	simm.s32 $0x1B8E;
	s24 =	sld [smem:$0x3FFE];
	[sflag:s23] =	ssyncadd.s32 $0xFFFFFFFF  }
0xab: {  	s26 =	simm.s32 $execute0_lowered;
	[smem:$0x3FD2] =	sst s25  }
0xac: {  	s5 =	sshll.u32 s26, $0x1;
	_ =	strace $0x80000046;
	[dreg:$0x1] =	wrdreg $0xFFFFFFFF  }
0xad: {  	s28 =	simm.s32 $_size_execute0_lowered;
	s3 =	sadd.s32 s3, s5;
	[dreg:$0x0] =	wrdreg $0x0  }
0xae: {  	s5 =	sshll.u32 s28, $0x1;
	[dreg:$0x2] =	wrdreg s3  }
0xaf: {  	[dreg:$0x3] =	wrdreg s5  }
0xb0: {  	[dreg:$0x4] =	wrdreg $0xC0  }
0xb1: {  	_ =	task [dreg:s7], $0x5FFFF  }
0xb2: {  	[dreg:$0x1] =	wrdreg $0xFFFFFFFF  }
0xb3: {  	[dreg:$0x0] =	wrdreg $0x60  }
0xb4: {  	[dreg:$0x2] =	wrdreg s16  }
0xb5: {  	[dreg:$0x3] =	wrdreg s24  }
0xb6: {  	[dreg:$0x4] =	wrdreg $0x0  }
0xb7: {  	[dreg:$0x5] =	wrdreg $0xA  }
0xb8: {  	_ =	task.clear_ibuf [dreg:s7], $0x6FFFF;
	_ =	strace $0x90000046  }
0xb9: {  	s29 =	simm.s32 $0xA;
	_ =	strace $0x80000048  }
0xba: {  	_ =	swait.ge [sflag:s29], $0x1  }
0xbb: {  	[sflag:s29] =	ssyncadd.s32 $0xFFFFFFFF  }
0xbc: {  	_ =	strace $0x90000048  }
0xbd: {  	_ =	sfence  }
0xbe: {  	s30 =	sld [smem:$0x0];
	_ =	sdelay $0x2  }
0xbf: {  	s31 =	sshll.u32 s1, $0xD;
	s1 =	sshrl.u32 s1, $0x2  }
0xc0: {  	s3 =	sand.u32 $0x4000, s31;
	s1 =	sadd.s32 s1, s30  }
0xc1: {  	s0 =	sor.u32 s3, s0;
	s1 =	sshll.u32 s1, $0x11  }
0xc2: {  	s0 =	sor.u32 s1, s0  }
0xc3: {  	s0 =	sadd.s32 $0x8F2B, s0  }
0xc4: {  	[sflag:s0] =	ssyncadd.remote.s32 $0x1  }
0xc5: {  	_ =	sfence.sel $0xFFFF  }
0xc6: {  	[dreg:$0x0] =	wrdreg $0xFFFFFFFF;
	(pc) =	sbr.abs _section_cstart, $3  }
0xc7: {  	[dreg:$0x1] =	wrdreg $0xFFFFFFFF  }
0xc8: {  	_ =	task.clear_ibuf [dreg:s7], $0x2FFFF;
	_ =	strace $0x9FFFFFFF  }
0xc9: {  	(tm) =	ssettm $0x7FFFFFFF  }
tec
execute0_lowered:
.L_overlay_start_1:
0x0: {  	(tag) =	ssettag $0x1  }
0x1: {  	s0 =	srdreg.scid  }
0x2: {  	s4 =	rddreg [dreg:$0x0];
	s8 =	sand.u32 $0x1, s0;
	s0 =	stileid.u32  }
0x3: {  	s5 =	rddreg [dreg:$0x1];
	s21 =	smul.u32 $0x7D000, s0  }
0x4: {  	s2 =	rddreg [dreg:$0x2];
	s3 =	simm.s32 $0x0;
	s10 =	smul.u32 $0x3E80, s0  }
0x5: {  	s17 =	simm.s32 $0x3;
	s18 =	simm.s32 $0x80;
	s23 =	smul.u32 $0x1400000, s8  }
0x6: {  	s19 =	simm.s32 $0x14C80;
	s20 =	simm.s32 $0x13900;
	s24 =	smul.u32 $0x140000, s0  }
0x7: {  	[smem:$0x7FF] =	sst s3;
	s1 =	sshll.u32 s8, $0x4;
	s26 =	smul.u32 $0x280000, s8  }
0x8: {  	s13 =	sadd.s32 $0x1B800, s5;
	s29 =	smul.u32 $0x28000, s0;
	s7 =	sor.u32 s0, s1  }
0x9: {  	s22 =	ssub.s32 $0x2, s8;
	p0 =	sgt.u32 s0, $0x9;
	s6 =	smul.u32 $0x500, s7  }
0xa: {  	s1 =	rddreg [dreg:$0x3];
	_ =	strace $0x80000047;
	s12 =	smul.u32 $0x140000, s7  }
0xb: {  	s11 =	sshrl.u32 s22, $0x1;
	s4 =	sadd.s32 s4, s10;
	s14 =	smul.u32 $0x28000, s7  }
0xc: {  	s25 =	sadd.s32 s24, s23;
	s16 =	sadd.s32 s26, s13;
	s23 =	simm.s32 $0x2  }
0xd: {  	s24 =	simm.s32 $0x0;
	s30 =	sadd.s32 $0xA0000, s25;
	s9 =	sadd.s32 s6, s5  }
0xe: {  	s6 =	sshrl.u32 s21, $0x2;
	s5 =	ssub.s32 s22, s11;
	s12 =	sshrl.u32 s12, $0x3  }
0xf: {  	s28 =	sadd.s32 s14, s13;
	s11 =	sor.u32 $0x8000, s25;
	s14 =	sadd.s32 s29, s16  }
0x10: {  	s31 =	sshrl.u32 s30, $0x3;
	s16 =	sshll.u32 @!p0 s0, $0x6;
	s21 =	simm.s32 $0x18C80  }
0x11: {  	s22 =	simm.s32 $0x1;
	s15 =	sadd.s32 s6, s2;
	s5 =	smax.u32 s5, $0x1  }
0x12: {  	s6 =	sadd.s32 $0x7800, s9;
	s7 =	sadd.s32 s13, s12;
	s8 =	sadd.s32 $0x800, s28  }
0x13: {  	s11 =	sshrl.u32 s11, $0x3;
	s9 =	sadd.s32 $0x7A80, s9;
	s12 =	sadd.s32 $0x14800, s14  }
0x14: {  	s10 =	sadd.s32 s11, s13;
	s11 =	sadd.s32 $0x1800, s14;
	s13 =	sadd.s32 s31, s13  }
0x15: {  	s14 =	sor.u32 @!p0 $0x1C03, s16;
	s15 =	sshrl.u32 @!p0 s15, $0x3;
	s16 =	simm.s32 $0x13880  }
.LBB2_1:
0x16: {  	[spmem:s15], [sflag:s14] =	dma.local @!p0 [hbm:s4], $0x3E80  }
0x17: {  	s25 =	simm.s32 @!p0 $0x3  }
0x18: {  	_ =	swait.ge @!p0 [sflag:s25], $0x3E80  }
0x19: {  	[sflag:s25] =	ssyncset.done @!p0 $0x0  }
0x1a: {  	[sflag:s25] =	ssyncadd.s32 @!p0 $0xFFFFC180  }
0x1b: {  	[bflag:$0x0] =	sbarrier.arrive $0xFFFF  }
0x1c: {  	[tilespmem:s16], [sflag:$0x3] =	stream.linear.gather [hbm4b:s6+s3], $0x1400, $0x38;
	[tilespmem:$0x1CC80] =	vst v63  }
0x1d: {  	_ =	swait.ge [sflag:s17], $0x1400  }
0x1e: {  	[sflag:s17] =	ssyncset.done $0x0  }
0x1f: {  	[sflag:s17] =	ssyncadd.s32 $0xFFFFEC00  }
0x20: {  	[tilespmem:s19], [sflag:$0x3] =	stream.indirect.gather [spmem:s2], $0x80, s16, s18, $0xb8;
	[tilespmem:$0x1CC80] =	vst v63  }
0x21: {  	_ =	swait.ge [sflag:s17], $0x4000  }
0x22: {  	[sflag:s17] =	ssyncset.done $0x0  }
0x23: {  	[sflag:s17] =	ssyncadd.s32 $0xFFFFC000  }
0x24: {  	[hbm4b:s7+s3] =	stream.linear.scatter [tilespmem:s19], [sflag:$0x1], $0x4000, $0x38;
	[tilespmem:$0x1CC80] =	vst v63  }
0x25: {  	_ = 	snop  }
0x26: {  	[tilespmem:s21], [sflag:$0x3] =	stream.indirect.gather [spmem:s2], $0x80, s20, s18, $0xb8;
	[tilespmem:$0x1CC80] =	vst v63  }
0x27: {  	_ =	swait.ge [sflag:s17], $0x4000  }
0x28: {  	[sflag:s17] =	ssyncset.done $0x0  }
0x29: {  	[sflag:s17] =	ssyncadd.s32 $0xFFFFC000  }
0x2a: {  	[hbm4b:s8+s3] =	stream.linear.scatter [tilespmem:s21], [sflag:$0x2], $0x4000, $0x38;
	[tilespmem:$0x1CC80] =	vst v63  }
0x2b: {  	_ =	swait.ge [sflag:s22], $0x4000  }
0x2c: {  	[sflag:s22] =	ssyncset.done $0x0  }
0x2d: {  	s29 =	simm.s32 $0x13980;
	[sflag:s22] =	ssyncadd.s32 $0xFFFFC000  }
0x2e: {  	[tilespmem:s19], [sflag:$0x3] =	stream.indirect.gather [spmem:s2], $0x80, s29, s18, $0xb8;
	[tilespmem:$0x1CC80] =	vst v63  }
0x2f: {  	_ =	swait.ge [sflag:s17], $0x4000  }
0x30: {  	[sflag:s17] =	ssyncset.done $0x0  }
0x31: {  	s30 =	sadd.s32 $0x0, s10;
	[sflag:s17] =	ssyncadd.s32 $0xFFFFC000  }
0x32: {  	[hbm4b:s30+s3] =	stream.linear.scatter [tilespmem:s19], [sflag:$0x1], $0x4000, $0x38;
	[tilespmem:$0x1CC80] =	vst v63  }
0x33: {  	_ =	swait.ge [sflag:s23], $0x4000  }
0x34: {  	[sflag:s23] =	ssyncset.done $0x0  }
0x35: {  	s31 =	simm.s32 $0x13A00;
	[sflag:s23] =	ssyncadd.s32 $0xFFFFC000  }
0x36: {  	[tilespmem:s21], [sflag:$0x3] =	stream.indirect.gather [spmem:s2], $0x80, s31, s18, $0xb8;
	[tilespmem:$0x1CC80] =	vst v63  }
0x37: {  	_ =	swait.ge [sflag:s17], $0x4000  }
0x38: {  	s28 =	sadd.s32 $0x0, s11;
	[sflag:s17] =	ssyncset.done $0x0  }
0x39: {  	s26 =	simm.s32 $0x13B00;
	s25 =	simm.s32 $0x1000;
	[sflag:s17] =	ssyncadd.s32 $0xFFFFC000  }
.LBB2_2:
0x3a: {  	[hbm4b:s28+s3] =	stream.linear.scatter [tilespmem:s21], [sflag:$0x2], $0x4000, $0x38;
	[tilespmem:$0x1CC80] =	vst v63  }
0x3b: {  	s28 =	smov.u32 s25  }
0x3c: {  	p1 =	sne.s32 s25, $0x12000;
	s25 =	sadd.s32 $0x1000, s25;
	_ =	swait.ge [sflag:s22], $0x4000  }
0x3d: {  	[sflag:s22] =	ssyncset.done $0x0  }
0x3e: {  	s29 =	sadd.s32 $0xFFFFFF80, s26;
	[sflag:s22] =	ssyncadd.s32 $0xFFFFC000  }
0x3f: {  	[tilespmem:s19], [sflag:$0x3] =	stream.indirect.gather [spmem:s2], $0x80, s29, s18, $0xb8;
	[tilespmem:$0x1CC80] =	vst v63  }
0x40: {  	_ =	swait.ge [sflag:s17], $0x4000  }
0x41: {  	[sflag:s17] =	ssyncset.done $0x0  }
0x42: {  	s29 =	sadd.s32 s28, s10;
	[sflag:s17] =	ssyncadd.s32 $0xFFFFC000  }
0x43: {  	[hbm4b:s29+s3] =	stream.linear.scatter [tilespmem:s19], [sflag:$0x1], $0x4000, $0x38;
	[tilespmem:$0x1CC80] =	vst v63  }
0x44: {  	_ =	swait.ge [sflag:s23], $0x4000  }
0x45: {  	[sflag:s23] =	ssyncset.done $0x0  }
.Ltmp0:
0x46: {  	[sflag:s23] =	ssyncadd.s32 $0xFFFFC000;
	(pc) =	sbr.rel @p1 .LBB2_2-.Ltmp0, $4  }
0x47: {  	[tilespmem:s21], [sflag:$0x3] =	stream.indirect.gather [spmem:s2], $0x80, s26, s18, $0xb8;
	[tilespmem:$0x1CC80] =	vst v63  }
0x48: {  	_ =	swait.ge [sflag:s17], $0x4000  }
0x49: {  	[sflag:s17] =	ssyncset.done $0x0  }
0x4a: {  	s28 =	sadd.s32 s28, s11;
	s26 =	sadd.s32 $0x100, s26;
	[sflag:s17] =	ssyncadd.s32 $0xFFFFC000  }
0x4b: {  	[hbm4b:s28+s3] =	stream.linear.scatter [tilespmem:s21], [sflag:$0x2], $0x4000, $0x38;
	[tilespmem:$0x1CC80] =	vst v63  }
0x4c: {  	s25 =	simm.s32 $0x0  }
0x4d: {  	[tilespmem:s16], [sflag:$0x3] =	stream.linear.gather [hbm4b:s9+s25], $0x1400, $0x38;
	[tilespmem:$0x1CC80] =	vst v63  }
0x4e: {  	_ =	swait.ge [sflag:s17], $0x1400  }
0x4f: {  	[sflag:s17] =	ssyncset.done $0x0  }
0x50: {  	[sflag:s17] =	ssyncadd.s32 $0xFFFFEC00  }
0x51: {  	_ =	swait.ge [sflag:s22], $0x4000  }
0x52: {  	[sflag:s22] =	ssyncset.done $0x0  }
0x53: {  	s29 =	simm.s32 $0x13880;
	[sflag:s22] =	ssyncadd.s32 $0xFFFFC000  }
0x54: {  	[tilespmem:s19], [sflag:$0x3] =	stream.indirect.gather [spmem:s2], $0x80, s29, s18, $0xb8;
	[tilespmem:$0x1CC80] =	vst v63  }
0x55: {  	_ =	swait.ge [sflag:s17], $0x4000  }
0x56: {  	[sflag:s17] =	ssyncset.done $0x0  }
0x57: {  	s30 =	sadd.s32 $0x0, s13;
	[sflag:s17] =	ssyncadd.s32 $0xFFFFC000  }
0x58: {  	[hbm4b:s30+s3] =	stream.linear.scatter [tilespmem:s19], [sflag:$0x1], $0x4000, $0x38;
	[tilespmem:$0x1CC80] =	vst v63  }
0x59: {  	_ =	swait.ge [sflag:s23], $0x4000  }
0x5a: {  	[sflag:s23] =	ssyncset.done $0x0  }
0x5b: {  	s31 =	simm.s32 $0x13900;
	[sflag:s23] =	ssyncadd.s32 $0xFFFFC000  }
0x5c: {  	[tilespmem:s21], [sflag:$0x3] =	stream.indirect.gather [spmem:s2], $0x80, s31, s18, $0xb8;
	[tilespmem:$0x1CC80] =	vst v63  }
0x5d: {  	_ =	swait.ge [sflag:s17], $0x4000  }
0x5e: {  	s28 =	sadd.s32 $0x0, s12;
	[sflag:s17] =	ssyncset.done $0x0  }
0x5f: {  	s26 =	simm.s32 $0x13A00;
	s25 =	simm.s32 $0x1000;
	[sflag:s17] =	ssyncadd.s32 $0xFFFFC000  }
.LBB2_4:
0x60: {  	[hbm4b:s28+s3] =	stream.linear.scatter [tilespmem:s21], [sflag:$0x2], $0x4000, $0x38;
	[tilespmem:$0x1CC80] =	vst v63  }
0x61: {  	s28 =	smov.u32 s25  }
0x62: {  	p1 =	sne.s32 s25, $0x13000;
	s25 =	sadd.s32 $0x1000, s25;
	_ =	swait.ge [sflag:s22], $0x4000  }
0x63: {  	[sflag:s22] =	ssyncset.done $0x0  }
0x64: {  	s29 =	sadd.s32 $0xFFFFFF80, s26;
	[sflag:s22] =	ssyncadd.s32 $0xFFFFC000  }
0x65: {  	[tilespmem:s19], [sflag:$0x3] =	stream.indirect.gather [spmem:s2], $0x80, s29, s18, $0xb8;
	[tilespmem:$0x1CC80] =	vst v63  }
0x66: {  	_ =	swait.ge [sflag:s17], $0x4000  }
0x67: {  	[sflag:s17] =	ssyncset.done $0x0  }
0x68: {  	s29 =	sadd.s32 s28, s13;
	[sflag:s17] =	ssyncadd.s32 $0xFFFFC000  }
0x69: {  	[hbm4b:s29+s3] =	stream.linear.scatter [tilespmem:s19], [sflag:$0x1], $0x4000, $0x38;
	[tilespmem:$0x1CC80] =	vst v63  }
0x6a: {  	_ =	swait.ge [sflag:s23], $0x4000  }
0x6b: {  	[sflag:s23] =	ssyncset.done $0x0  }
.Ltmp1:
0x6c: {  	[sflag:s23] =	ssyncadd.s32 $0xFFFFC000;
	(pc) =	sbr.rel @p1 .LBB2_4-.Ltmp1, $4  }
0x6d: {  	[tilespmem:s21], [sflag:$0x3] =	stream.indirect.gather [spmem:s2], $0x80, s26, s18, $0xb8;
	[tilespmem:$0x1CC80] =	vst v63  }
0x6e: {  	_ =	swait.ge [sflag:s17], $0x4000  }
0x6f: {  	[sflag:s17] =	ssyncset.done $0x0  }
0x70: {  	s28 =	sadd.s32 s28, s12;
	s26 =	sadd.s32 $0x100, s26;
	[sflag:s17] =	ssyncadd.s32 $0xFFFFC000  }
0x71: {  	[hbm4b:s28+s3] =	stream.linear.scatter [tilespmem:s21], [sflag:$0x2], $0x4000, $0x38;
	[tilespmem:$0x1CC80] =	vst v63  }
0x72: {  	s24 =	sadd.s32 $0x1, s24  }
0x73: {  	_ =	swait.ge [sflag:s22], $0x4000;
	p1 =	sne.s32 s24, s5  }
.Ltmp2:
0x74: {  	[sflag:s22] =	ssyncset.done $0x0;
	(pc) =	sbr.rel @p1 .LBB2_1-.Ltmp2, $4  }
0x75: {  	[sflag:s22] =	ssyncadd.s32 $0xFFFFC000  }
0x76: {  	_ =	swait.ge [sflag:s23], $0x4000  }
0x77: {  	[sflag:s23] =	ssyncset.done $0x0  }
0x78: {  	[sflag:s23] =	ssyncadd.s32 $0xFFFFC000  }
0x79: {  	_ =	sfence.sel $0x180000  }
0x7a: {  	[bflag:$0x0] =	sbarrier.arrive $0xFFFF  }
0x7b: {  	p0 =	sne.s32 s0, $0x0;
	_ =	strace $0x90000047  }
0x7c: {  	s0 =	sadd.s32 @!p0 $0x100000, s1;
	[bflag:$0x2] =	sbarrier.arrive $0xFFFF  }
0x7d: {  	[sflag:s0] =	ssyncadd.tile.s32 @!p0 $0x1;
	_ =	shalt  }
.Lfunc_end2:
_tile_overlayer_lowered:
.L_overlay_start_2:
0x7e: {  	(tag) =	ssettag $0x2  }
0x7f: {  	s0 =	rddreg [dreg:$0x0];
	s2 =	stileid.u32  }
0x80: {  	s1 =	rddreg [dreg:$0x1];
	p0 =	sne.s32 s2, $0x0  }
0x81: {  	s3 =	rddreg [dreg:$0x2];
	[bflag:$0x3] =	sbarrier.arrive $0xFFFF;
	s2 =	simm.s32 @!p0 $0x1C03  }
0x82: {  	[timem:s3], [sflag:s2] =	dma.local @!p0 [hbm:s0], s1  }
0x83: {  	s0 =	simm.s32 @!p0 $0x3  }
0x84: {  	_ =	swait.ge @!p0 [sflag:s0], s1  }
0x85: {  	s1 =	ssub.s32 @!p0 $0x0, s1;
	[sflag:s0] =	ssyncset.done @!p0 $0x0  }
0x86: {  	[sflag:s0] =	ssyncadd.s32 @!p0 s1  }
0x87: {  	[bflag:$0x3] =	sbarrier.arrive $0xFFFF  }
0x88: {  	_ =	shalt  }

// kernel: kernel.22.cloned.1.call-start
scs
__scs_entry_jumppad:
0x0: {  	(pc) =	sbr.rel $0x88, $3  }
0x1: {  	(tag) =	ssettag $0x0;
	lr =	simm.s32 $0x1  }
0x2: {  	[smem:$0x3F81] =	sst lr;
	_ =	strace $0xD0000000  }
0x3: {  	_ = 	snop  }
0x4: {  	_ = 	snop  }
0x5: {  	_ = 	snop  }
0x6: {  	_ = 	snop  }
0x7: {  	_ = 	snop  }
__scs_overlays_trampoline_lowered:
0x8: {  	[smem:$0x3F90] =	sst s0  }
0x9: {  	[smem:$0x3F91] =	sst s1  }
0xa: {  	[smem:$0x3F92] =	sst s2  }
0xb: {  	[smem:$0x3F93] =	sst s3  }
0xc: {  	[smem:$0x3F94] =	sst s4  }
0xd: {  	[smem:$0x3F95] =	sst s5  }
0xe: {  	[smem:$0x3F96] =	sst s6  }
0xf: {  	[smem:$0x3F97] =	sst s7  }
0x10: {  	[smem:$0x3F98] =	sst s8  }
0x11: {  	[smem:$0x3F99] =	sst s9;
	s0 =	simm.s32 @!p0 $0x0  }
0x12: {  	s1 =	sld [smem:$0x3F7F];
	s0 =	simm.s32 @p0 $0x1  }
0x13: {  	[smem:$0x3F9A] =	sst s0;
	s0 =	simm.s32 @!p1 $0x0  }
0x14: {  	s2 =	sld [smem:$0x3F7E];
	s0 =	simm.s32 @p1 $0x1  }
0x15: {  	[smem:$0x3F9B] =	sst s0;
	s0 =	simm.s32 @!p2 $0x0  }
0x16: {  	s3 =	sld [smem:$0x3FDB];
	s0 =	simm.s32 @p2 $0x1  }
0x17: {  	s4 =	simm.s32 $0x1BF5;
	[smem:$0x3F9D] =	sst s0  }
0x18: {  	s0 =	sld [smem:$0x3F80];
	_ =	swait.ge [sflag:s4], $0x0  }
0x19: {  	s7 =	sld [smem:$0x3F81]  }
0x1a: {  	s8 =	sadd.s32 $0xFFFFE003, lr  }
0x1b: {  	s9 =	sadd.s32 $0xFFFFFEF7, lr;
	s5 =	simm.s32 $0xFFFFFFFF;
	p2 =	slt.u32 s8, $0xFFFFF086  }
0x1c: {  	p1 =	slt.u32 s9, $0xF7A;
	s5 =	simm.s32 @!p2 $0x0  }
0x1d: {  	s5 =	simm.s32 @p1 $0x1;
	p0 =	seq.s32 s7, s2  }
0x1e: {  	s7 =	smul.u32 @!p0 $0xF7A, s2;
	p2 =	seq.s32 @!p0 s5, $0x0  }
0x1f: {  	s9 =	smul.u32 $0xF7A, s1;
	s8 =	simm.s32 @!p0 $0x1BF5;
	p2 =	por !p2, p0  }
0x20: {  	[sflag:s8] =	ssyncset.s32 @!p0 $0xFFFFF086;
	s6 =	sadd.s32 @!p0 s3, s7;
	s7 =	simm.s32 @!p0 $0x108  }
0x21: {  	s3 =	sadd.s32 s3, s9;
	s6 =	sadd.s32 @!p0 $0x88, s6;
	s7 =	simm.s32 @p2 $0x1082  }
0x22: {  	[simem:s7], [sflag:s8] =	dma.local @!p0 [hbm:s6], $0xF7A  }
0x23: {  	s9 =	sor.u32 $0xD0000000, s2;
	s6 =	simm.s32 $0x108;
	_ =	swait.ge @!p0 [sflag:s8], $0x0  }
0x24: {  	s3 =	sadd.s32 $0x88, s3;
	s6 =	simm.s32 @!p1 $0x1082;
	[sflag:s4] =	ssyncset.s32 $0xFFFFF086  }
0x25: {  	[simem:s6], [sflag:s4] =	dma.local [hbm:s3], $0xF7A  }
0x26: {  	[smem:$0x3F81] =	sst s1;
	(tag) =	ssettag s2;
	_ =	strace s9  }
0x27: {  	s1 =	sld [smem:$0x3F91]  }
0x28: {  	s2 =	sld [smem:$0x3F92]  }
0x29: {  	s4 =	sld [smem:$0x3F94]  }
0x2a: {  	p0 =	seq.s32 s5, $0x0;
	s5 =	sld [smem:$0x3F95]  }
0x2b: {  	s6 =	sld [smem:$0x3F96]  }
0x2c: {  	s7 =	sld [smem:$0x3F97]  }
0x2d: {  	s3 =	simm.s32 $0x108;
	s8 =	sld [smem:$0x3F98]  }
0x2e: {  	s3 =	simm.s32 @!p0 $0x1082;
	s9 =	sld [smem:$0x3F99]  }
0x2f: {  	lr =	sadd.s32 s0, s3;
	s0 =	sld [smem:$0x3F90]  }
0x30: {  	s3 =	sld [smem:$0x3F93]  }
0x31: {  	[smem:$0x3F9C] =	sst s10  }
0x32: {  	s10 =	sld [smem:$0x3F9A];
	_ =	sdelay $0x3  }
0x33: {  	p0 =	seq.s32 s10, $0x1;
	s10 =	sld [smem:$0x3F9C];
	_ =	sdelay $0x3  }
0x34: {  	[smem:$0x3F9C] =	sst s10  }
0x35: {  	s10 =	sld [smem:$0x3F9B];
	_ =	sdelay $0x3  }
0x36: {  	p1 =	seq.s32 s10, $0x1;
	s10 =	sld [smem:$0x3F9C];
	_ =	sdelay $0x3  }
0x37: {  	[smem:$0x3F9C] =	sst s10  }
0x38: {  	s10 =	sld [smem:$0x3F9D]  }
0x39: {  	_ = 	snop;
	(pc) =	sbr.ind lr, $3  }
0x3a: {  	_ = 	snop  }
0x3b: {  	_ = 	snop  }
0x3c: {  	p2 =	seq.s32 s10, $0x1;
	s10 =	sld [smem:$0x3F9C]  }
0x3d: {  	_ =	shalt  }
0x3e: {  	_ =	shalt  }
0x3f: {  	_ =	shalt  }
0x40: {  	_ =	shalt  }
0x41: {  	_ =	shalt  }
0x42: {  	_ =	shalt  }
0x43: {  	_ =	shalt  }
0x44: {  	_ =	shalt  }
0x45: {  	_ =	shalt  }
0x46: {  	_ =	shalt  }
0x47: {  	_ =	shalt  }
0x48: {  	_ =	shalt  }
0x49: {  	_ =	shalt  }
0x4a: {  	_ =	shalt  }
0x4b: {  	_ =	shalt  }
0x4c: {  	_ =	shalt  }
0x4d: {  	_ =	shalt  }
0x4e: {  	_ =	shalt  }
0x4f: {  	_ =	shalt  }
0x50: {  	_ =	shalt  }
0x51: {  	_ =	shalt  }
0x52: {  	_ =	shalt  }
0x53: {  	_ =	shalt  }
0x54: {  	_ =	shalt  }
0x55: {  	_ =	shalt  }
0x56: {  	_ =	shalt  }
0x57: {  	_ =	shalt  }
0x58: {  	_ =	shalt  }
0x59: {  	_ =	shalt  }
0x5a: {  	_ =	shalt  }
0x5b: {  	_ =	shalt  }
0x5c: {  	_ =	shalt  }
0x5d: {  	_ =	shalt  }
0x5e: {  	_ =	shalt  }
0x5f: {  	_ =	shalt  }
0x60: {  	_ =	shalt  }
0x61: {  	_ =	shalt  }
0x62: {  	_ =	shalt  }
0x63: {  	_ =	shalt  }
0x64: {  	_ =	shalt  }
0x65: {  	_ =	shalt  }
0x66: {  	_ =	shalt  }
0x67: {  	_ =	shalt  }
0x68: {  	_ =	shalt  }
0x69: {  	_ =	shalt  }
0x6a: {  	_ =	shalt  }
0x6b: {  	_ =	shalt  }
0x6c: {  	_ =	shalt  }
0x6d: {  	_ =	shalt  }
0x6e: {  	_ =	shalt  }
0x6f: {  	_ =	shalt  }
0x70: {  	_ =	shalt  }
0x71: {  	_ =	shalt  }
0x72: {  	_ =	shalt  }
0x73: {  	_ =	shalt  }
0x74: {  	_ =	shalt  }
0x75: {  	_ =	shalt  }
0x76: {  	_ =	shalt  }
0x77: {  	_ =	shalt  }
0x78: {  	_ =	shalt  }
0x79: {  	_ =	shalt  }
0x7a: {  	_ =	shalt  }
0x7b: {  	_ =	shalt  }
0x7c: {  	_ =	shalt  }
0x7d: {  	_ =	shalt  }
0x7e: {  	_ =	shalt  }
0x7f: {  	_ =	shalt  }
0x80: {  	_ =	shalt  }
0x81: {  	_ =	shalt  }
0x82: {  	_ =	shalt  }
0x83: {  	_ =	shalt  }
0x84: {  	_ =	shalt  }
0x85: {  	_ =	shalt  }
0x86: {  	_ =	shalt  }
0x87: {  	_ =	shalt  }
.Lfunc_end0:
.L_simem_size_0:
called_computation.2_lowered:
.L_overlay_start_0:
0x88: {  	s2 =	sld [smem:$0x3FD9]  }
0x89: {  	s3 =	sld [smem:$0x3FFE];
	_ =	sdelay $0x1  }
0x8a: {  	s1 =	srdreg.scid  }
0x8b: {  	s0 =	sand.u32 $0x1, s1  }
0x8c: {  	s15 =	sshll.u32 s0, $0xA;
	s2 =	sadd.s32 s3, s2  }
0x8d: {  	s2 =	sadd.s32 s2, s15  }
0x8e: {  	[smem:$0x3FA8] =	sst s2  }
0x8f: {  	_ = 	snop  }
0x90: {  	s2 =	sld [smem:$0x3FD0];
	_ =	sdelay $0x2  }
0x91: {  	s4 =	simm.s32 $0xB;
	s16 =	simm.s32 $0x10  }
0x92: {  	[smem:s16], [sflag:s4] =	dma.local [hbm:s2], $0x1  }
0x93: {  	_ =	swait.eq [sflag:s4], $0x1  }
0x94: {  	[sflag:s4] =	ssyncset.done $0x0  }
0x95: {  	s17 =	sld [smem:$0x10];
	[sflag:s4] =	ssyncadd.s32 $0xFFFFFFFF  }
0x96: {  	s18 =	sld [smem:$0x11];
	(tm) =	ssettm $0x1  }
0x97: {  	s19 =	sld [smem:$0x3FFB];
	_ =	sdelay $0x3  }
0x98: {  	_ =	strace s19  }
0x99: {  	s2 =	sld [smem:$0x3FFC];
	_ =	sdelay $0x3  }
0x9a: {  	_ =	strace s2  }
0x9b: {  	s2 =	sld [smem:$0x3FFD];
	_ =	sdelay $0x3  }
0x9c: {  	_ =	strace s2  }
0x9d: {  	_ =	strace $0x8FFFFFFF  }
0x9e: {  	s20 =	sld [smem:$0x3FDB];
	_ =	sdelay $0x1  }
0x9f: {  	s5 =	simm.s32 $_scs_section_size  }
0xa0: {  	s6 =	simm.s32 $_size__tile_overlayer_lowered;
	s7 =	simm.s32 $_tile_overlayer_lowered  }
0xa1: {  	s8 =	simm.s32 $0x1BFF;
	s21 =	sshll.u32 s7, $0x1;
	s5 =	sadd.s32 s5, s20  }
0xa2: {  	s22 =	simm.s32 $0x0;
	s6 =	sshll.u32 s6, $0x1;
	s7 =	sadd.s32 s21, s5  }
0xa3: {  	[timem:s22], [sflag:s8] =	dma.local [hbm:s7], s6  }
0xa4: {  	_ =	swait.ge [sflag:s8], s6  }
0xa5: {  	s6 =	ssub.s32 $0x0, s6;
	[sflag:s8] =	ssyncset.done $0x0  }
0xa6: {  	[sflag:s8] =	ssyncadd.s32 s6;
	_ =	sdelay $0x1  }
0xa7: {  	s23 =	simm.s32 $0x1B8B  }
0xa8: {  	_ =	swait.ge [sflag:s23], $0x1  }
0xa9: {  	[sflag:s23] =	ssyncset.done $0x0  }
0xaa: {  	[sflag:s23] =	ssyncadd.s32 $0xFFFFFFFF  }
0xab: {  	s6 =	sld [smem:$0x0]  }
0xac: {  	s7 =	sand.u32 $0xFFFFFFFE, s1  }
0xad: {  	p0 =	sne.s32 s1, s7  }
0xae: {  	s7 =	sshll.u32 @p0 s7, $0xE  }
0xaf: {  	s7 =	sadd.s32 @p0 $0x11B8D, s7;
	s8 =	sshll.u32 @p0 s6, $0x11  }
0xb0: {  	s7 =	sor.u32 @p0 s8, s7  }
0xb1: {  	[sflag:s7] =	ssyncadd.remote.s32 @p0 $0x1;
	_ =	sdelay $0x1  }
0xb2: {  	s7 =	simm.s32 @p0 $0x1B8D  }
0xb3: {  	_ =	swait.eq @p0 [sflag:s7], $0x1  }
0xb4: {  	[sflag:s7] =	ssyncadd.s32 @p0 $0xFFFFFFFF  }
0xb5: {  	s8 =	sshll.u32 @!p0 s1, $0xE  }
0xb6: {  	s8 =	sor.u32 @!p0 $0x4000, s8;
	s7 =	simm.s32 @!p0 $0x1B8D  }
0xb7: {  	s6 =	sshll.u32 @!p0 s6, $0x11;
	s8 =	sadd.s32 @!p0 $0x11B8D, s8;
	_ =	swait.eq @!p0 [sflag:s7], $0x1  }
0xb8: {  	s6 =	sor.u32 @!p0 s6, s8;
	[sflag:s7] =	ssyncadd.s32 @!p0 $0xFFFFFFFF  }
0xb9: {  	s25 =	simm.s32 $0x1B8E;
	s24 =	sld [smem:$0x3FFE];
	[sflag:s6] =	ssyncadd.remote.s32 @!p0 $0x1  }
0xba: {  	s26 =	simm.s32 $execute0_lowered;
	[smem:$0x3FD2] =	sst s25  }
0xbb: {  	s7 =	sshll.u32 s26, $0x1;
	_ =	strace $0x8000004F;
	[dreg:$0x1] =	wrdreg $0xFFFFFFFF  }
0xbc: {  	s28 =	simm.s32 $_size_execute0_lowered;
	s5 =	sadd.s32 s5, s7;
	[dreg:$0x0] =	wrdreg $0x0  }
0xbd: {  	s7 =	sshll.u32 s28, $0x1;
	[dreg:$0x2] =	wrdreg s5  }
0xbe: {  	[dreg:$0x3] =	wrdreg s7  }
0xbf: {  	[dreg:$0x4] =	wrdreg $0xC0  }
0xc0: {  	_ =	task [dreg:s22], $0x5FFFF  }
0xc1: {  	[dreg:$0x1] =	wrdreg $0xFFFFFFFF  }
0xc2: {  	[dreg:$0x0] =	wrdreg $0x60  }
0xc3: {  	[dreg:$0x2] =	wrdreg s24  }
0xc4: {  	[dreg:$0x3] =	wrdreg s18  }
0xc5: {  	[dreg:$0x4] =	wrdreg s17  }
0xc6: {  	[dreg:$0x5] =	wrdreg $0x0  }
0xc7: {  	[dreg:$0x6] =	wrdreg $0x9  }
0xc8: {  	_ =	task.clear_ibuf [dreg:s22], $0x7FFFF;
	_ =	strace $0x9000004F  }
0xc9: {  	s29 =	simm.s32 $0x9;
	_ =	strace $0x80000051  }
0xca: {  	_ =	swait.ge [sflag:s29], $0x1  }
0xcb: {  	[sflag:s29] =	ssyncadd.s32 $0xFFFFFFFF  }
0xcc: {  	_ =	strace $0x90000051  }
0xcd: {  	_ =	sfence  }
0xce: {  	s30 =	sld [smem:$0x0];
	_ =	sdelay $0x2  }
0xcf: {  	s31 =	sshll.u32 s1, $0xD;
	s1 =	sshrl.u32 s1, $0x2  }
0xd0: {  	s4 =	sand.u32 $0x4000, s31;
	s1 =	sadd.s32 s1, s30  }
0xd1: {  	s0 =	sor.u32 s4, s0;
	s1 =	sshll.u32 s1, $0x11  }
0xd2: {  	s0 =	sor.u32 s1, s0  }
0xd3: {  	s0 =	sadd.s32 $0x8F2B, s0  }
0xd4: {  	[sflag:s0] =	ssyncadd.remote.s32 $0x1  }
0xd5: {  	_ =	sfence.sel $0xFFFF  }
0xd6: {  	[dreg:$0x0] =	wrdreg $0xFFFFFFFF;
	(pc) =	sbr.abs _section_cstart, $3  }
0xd7: {  	[dreg:$0x1] =	wrdreg $0xFFFFFFFF  }
0xd8: {  	_ =	task.clear_ibuf [dreg:s22], $0x2FFFF;
	_ =	strace $0x9FFFFFFF  }
0xd9: {  	(tm) =	ssettm $0x7FFFFFFF  }
tec
execute0_lowered:
.L_overlay_start_1:
0x0: {  	(tag) =	ssettag $0x1  }
0x1: {  	s4 =	rddreg [dreg:$0x0]  }
0x2: {  	s7 =	rddreg [dreg:$0x1]  }
0x3: {  	s5 =	rddreg [dreg:$0x2]  }
0x4: {  	s1 =	rddreg [dreg:$0x3];
	s2 =	srdreg.scid  }
0x5: {  	s0 =	rddreg [dreg:$0x4];
	s3 =	simm.s32 $0x0;
	s16 =	simm.s32 $0x3  }
0x6: {  	s17 =	simm.s32 $0x1;
	s18 =	simm.s32 $0x80;
	s6 =	sand.u32 $0x1, s2  }
0x7: {  	s19 =	simm.s32 $0x2;
	s2 =	stileid.u32;
	s8 =	smul.u32 $0x138800, s6  }
0x8: {  	s20 =	simm.s32 $0x14B80;
	s21 =	simm.s32 $0x14C00;
	s9 =	smul.u32 $0x1F400, s2  }
0x9: {  	[smem:$0x7FF] =	sst s3;
	s10 =	sadd.s32 $0xCF3A00, s4;
	s11 =	smul.u32 $0x7D000, s2  }
0xa: {  	s22 =	simm.s32 $0x0;
	_ =	strace $0x80000050;
	s12 =	smul.u32 $0x3E80, s2  }
0xb: {  	s26 =	sshll.u32 s6, $0x4;
	s28 =	ssub.s32 $0x2, s6;
	s29 =	smul.u32 $0x140000, s6  }
0xc: {  	s30 =	smul.u32 $0x14000, s2;
	p0 =	sgt.u32 s2, $0x9;
	s14 =	sshrl.u32 s28, $0x1  }
0xd: {  	s8 =	sadd.s32 s9, s8;
	s9 =	sor.u32 s2, s26;
	s11 =	sshrl.u32 s11, $0x2  }
0xe: {  	s14 =	ssub.s32 s28, s14;
	s31 =	sadd.s32 s29, s10;
	s13 =	smul.u32 $0x14000, s9  }
0xf: {  	s8 =	sshrl.u32 s8, $0x3;
	s9 =	smul.u32 $0x280, s9;
	s15 =	sadd.s32 s11, s1  }
0x10: {  	s11 =	sshll.u32 @!p0 s2, $0x6;
	s8 =	sadd.s32 s8, s4;
	s4 =	sadd.s32 s5, s12  }
0x11: {  	s11 =	sor.u32 @!p0 $0x1C03, s11;
	s12 =	sshrl.u32 @!p0 s15, $0x3;
	s15 =	simm.s32 $0x13880  }
0x12: {  	s5 =	sadd.s32 s10, s13;
	s7 =	sadd.s32 s7, s9;
	s8 =	sadd.s32 $0x51B800, s8  }
0x13: {  	s10 =	sadd.s32 s30, s31;
	s9 =	smax.u32 s14, $0x1;
	s13 =	simm.s32 $0x14C80  }
0x14: {  	s14 =	simm.s32 $0x18C80;
	s6 =	sadd.s32 $0x800, s5;
	s10 =	sadd.s32 $0x1800, s10  }
.LBB2_1:
0x15: {  	[spmem:s12], [sflag:s11] =	dma.local @!p0 [hbm:s4], $0x3E80  }
0x16: {  	s23 =	simm.s32 @!p0 $0x3  }
0x17: {  	_ =	swait.ge @!p0 [sflag:s23], $0x3E80  }
0x18: {  	[sflag:s23] =	ssyncset.done @!p0 $0x0  }
0x19: {  	[sflag:s23] =	ssyncadd.s32 @!p0 $0xFFFFC180  }
0x1a: {  	[bflag:$0x0] =	sbarrier.arrive $0xFFFF  }
0x1b: {  	[tilespmem:s13], [sflag:$0x1] =	stream.linear.gather [hbm4b:s5+s3], $0x4000, $0x38;
	[tilespmem:$0x1CC80] =	vst v63  }
0x1c: {  	_ = 	snop  }
0x1d: {  	[tilespmem:s14], [sflag:$0x2] =	stream.linear.gather [hbm4b:s6+s3], $0x4000, $0x38;
	[tilespmem:$0x1CC80] =	vst v63  }
0x1e: {  	_ = 	snop  }
0x1f: {  	[tilespmem:s15], [sflag:$0x3] =	stream.linear.gather [hbm4b:s7+s3], $0x1400, $0x38;
	[tilespmem:$0x1CC80] =	vst v63  }
0x20: {  	_ =	swait.ge [sflag:s16], $0x1400  }
0x21: {  	[sflag:s16] =	ssyncset.done $0x0  }
0x22: {  	[sflag:s16] =	ssyncadd.s32 $0xFFFFEC00  }
0x23: {  	_ =	swait.ge [sflag:s17], $0x4000  }
0x24: {  	[sflag:s17] =	ssyncset.done $0x0  }
0x25: {  	s29 =	simm.s32 $0x13880;
	[sflag:s17] =	ssyncadd.s32 $0xFFFFC000  }
0x26: {  	[spmem:s1] =	stream.indirect.scatter.add.f32 [tilespmem:s13], [sflag:$0x3], $0x80, s29, s18, $0xb8;
	[tilespmem:$0x1CC80] =	vst v63  }
0x27: {  	_ =	swait.ge [sflag:s16], $0x4000  }
0x28: {  	[sflag:s16] =	ssyncset.done $0x0  }
0x29: {  	s30 =	sadd.s32 $0xFFFFF800, s10;
	[sflag:s16] =	ssyncadd.s32 $0xFFFFC000  }
0x2a: {  	[tilespmem:s13], [sflag:$0x1] =	stream.linear.gather [hbm4b:s30+s3], $0x4000, $0x38;
	[tilespmem:$0x1CC80] =	vst v63  }
0x2b: {  	_ =	swait.ge [sflag:s19], $0x4000  }
0x2c: {  	[sflag:s19] =	ssyncset.done $0x0  }
0x2d: {  	s31 =	simm.s32 $0x13900;
	[sflag:s19] =	ssyncadd.s32 $0xFFFFC000  }
0x2e: {  	[spmem:s1] =	stream.indirect.scatter.add.f32 [tilespmem:s14], [sflag:$0x3], $0x80, s31, s18, $0xb8;
	[tilespmem:$0x1CC80] =	vst v63  }
0x2f: {  	_ =	swait.ge [sflag:s16], $0x4000  }
0x30: {  	s24 =	sadd.s32 $0x1000, s10;
	[sflag:s16] =	ssyncset.done $0x0  }
0x31: {  	s25 =	smov.u32 s10;
	s23 =	simm.s32 $0x400;
	[sflag:s16] =	ssyncadd.s32 $0xFFFFC000  }
.LBB2_2:
0x32: {  	[tilespmem:s14], [sflag:$0x2] =	stream.linear.gather [hbm4b:s25+s3], $0x4000, $0x38;
	[tilespmem:$0x1CC80] =	vst v63  }
0x33: {  	s26 =	smov.u32 s23;
	s25 =	smov.u32 s24  }
0x34: {  	p1 =	sne.s32 s23, $0x4800;
	s23 =	sadd.s32 $0x400, s23;
	_ =	swait.ge [sflag:s17], $0x4000  }
0x35: {  	s26 =	sshra.s32 s26, $0x2;
	[sflag:s17] =	ssyncset.done $0x0  }
0x36: {  	s28 =	sadd.s32 $0x13880, s26;
	[sflag:s17] =	ssyncadd.s32 $0xFFFFC000  }
0x37: {  	[spmem:s1] =	stream.indirect.scatter.add.f32 [tilespmem:s13], [sflag:$0x3], $0x80, s28, s18, $0xb8;
	[tilespmem:$0x1CC80] =	vst v63  }
0x38: {  	_ =	swait.ge [sflag:s16], $0x4000  }
0x39: {  	[sflag:s16] =	ssyncset.done $0x0  }
0x3a: {  	s28 =	sadd.s32 $0xFFFFF800, s24;
	[sflag:s16] =	ssyncadd.s32 $0xFFFFC000  }
0x3b: {  	[tilespmem:s13], [sflag:$0x1] =	stream.linear.gather [hbm4b:s28+s3], $0x4000, $0x38;
	[tilespmem:$0x1CC80] =	vst v63  }
0x3c: {  	_ =	swait.ge [sflag:s19], $0x4000  }
0x3d: {  	[sflag:s19] =	ssyncset.done $0x0  }
.Ltmp0:
0x3e: {  	s26 =	sadd.s32 $0x13900, s26;
	[sflag:s19] =	ssyncadd.s32 $0xFFFFC000;
	(pc) =	sbr.rel @p1 .LBB2_2-.Ltmp0, $4  }
0x3f: {  	[spmem:s1] =	stream.indirect.scatter.add.f32 [tilespmem:s14], [sflag:$0x3], $0x80, s26, s18, $0xb8;
	[tilespmem:$0x1CC80] =	vst v63  }
0x40: {  	_ =	swait.ge [sflag:s16], $0x4000  }
0x41: {  	[sflag:s16] =	ssyncset.done $0x0  }
0x42: {  	s24 =	sadd.s32 $0x1000, s24;
	[sflag:s16] =	ssyncadd.s32 $0xFFFFC000  }
0x43: {  	[tilespmem:s14], [sflag:$0x2] =	stream.linear.gather [hbm4b:s25+s3], $0x4000, $0x38;
	[tilespmem:$0x1CC80] =	vst v63  }
0x44: {  	_ =	swait.ge [sflag:s17], $0x4000  }
0x45: {  	[sflag:s17] =	ssyncset.done $0x0  }
0x46: {  	[sflag:s17] =	ssyncadd.s32 $0xFFFFC000  }
0x47: {  	[spmem:s1] =	stream.indirect.scatter.add.f32 [tilespmem:s13], [sflag:$0x3], $0x80, s20, s18, $0xb8;
	[tilespmem:$0x1CC80] =	vst v63  }
0x48: {  	_ =	swait.ge [sflag:s16], $0x4000  }
0x49: {  	[sflag:s16] =	ssyncset.done $0x0  }
0x4a: {  	[sflag:s16] =	ssyncadd.s32 $0xFFFFC000  }
0x4b: {  	_ =	swait.ge [sflag:s19], $0x4000  }
0x4c: {  	[sflag:s19] =	ssyncset.done $0x0  }
0x4d: {  	[sflag:s19] =	ssyncadd.s32 $0xFFFFC000  }
0x4e: {  	[spmem:s1] =	stream.indirect.scatter.add.f32 [tilespmem:s14], [sflag:$0x3], $0x80, s21, s18, $0xb8;
	[tilespmem:$0x1CC80] =	vst v63  }
0x4f: {  	_ =	swait.ge [sflag:s16], $0x4000  }
0x50: {  	s22 =	sadd.s32 $0x1, s22;
	[sflag:s16] =	ssyncset.done $0x0  }
0x51: {  	p1 =	sne.s32 s22, s9;
	[sflag:s16] =	ssyncadd.s32 $0xFFFFC000  }
.Ltmp1:
0x52: {  	s23 =	simm.s32 @!p0 $0x3;
	[bflag:$0x0] =	sbarrier.arrive $0xFFFF;
	(pc) =	sbr.rel @p1 .LBB2_1-.Ltmp1, $4  }
0x53: {  	[hbm:s8], [sflag:s11] =	dma.local @!p0 [spmem:s12], $0x3E80  }
0x54: {  	_ =	swait.ge @!p0 [sflag:s23], $0x3E80  }
0x55: {  	[sflag:s23] =	ssyncset.done @!p0 $0x0  }
0x56: {  	[sflag:s23] =	ssyncadd.s32 @!p0 $0xFFFFC180  }
0x57: {  	_ =	sfence.sel $0x180000  }
0x58: {  	[bflag:$0x0] =	sbarrier.arrive $0xFFFF  }
0x59: {  	p0 =	sne.s32 s2, $0x0;
	_ =	strace $0x90000050  }
0x5a: {  	s0 =	sadd.s32 @!p0 $0x100000, s0;
	[bflag:$0x2] =	sbarrier.arrive $0xFFFF  }
0x5b: {  	[sflag:s0] =	ssyncadd.tile.s32 @!p0 $0x1;
	_ =	shalt  }
.Lfunc_end2:
_tile_overlayer_lowered:
.L_overlay_start_2:
0x5c: {  	(tag) =	ssettag $0x2  }
0x5d: {  	s0 =	rddreg [dreg:$0x0];
	s2 =	stileid.u32  }
0x5e: {  	s1 =	rddreg [dreg:$0x1];
	p0 =	sne.s32 s2, $0x0  }
0x5f: {  	s3 =	rddreg [dreg:$0x2];
	[bflag:$0x3] =	sbarrier.arrive $0xFFFF;
	s2 =	simm.s32 @!p0 $0x1C03  }
0x60: {  	[timem:s3], [sflag:s2] =	dma.local @!p0 [hbm:s0], s1  }
0x61: {  	s0 =	simm.s32 @!p0 $0x3  }
0x62: {  	_ =	swait.ge @!p0 [sflag:s0], s1  }
0x63: {  	s1 =	ssub.s32 @!p0 $0x0, s1;
	[sflag:s0] =	ssyncset.done @!p0 $0x0  }
0x64: {  	[sflag:s0] =	ssyncadd.s32 @!p0 s1  }
0x65: {  	[bflag:$0x3] =	sbarrier.arrive $0xFFFF  }
0x66: {  	_ =	shalt  }

// kernel: kernel.25.cloned.1.call-start
scs
__scs_entry_jumppad:
0x0: {  	(pc) =	sbr.rel $0x88, $3  }
0x1: {  	(tag) =	ssettag $0x0;
	lr =	simm.s32 $0x1  }
0x2: {  	[smem:$0x3F81] =	sst lr;
	_ =	strace $0xD0000000  }
0x3: {  	_ = 	snop  }
0x4: {  	_ = 	snop  }
0x5: {  	_ = 	snop  }
0x6: {  	_ = 	snop  }
0x7: {  	_ = 	snop  }
__scs_overlays_trampoline_lowered:
0x8: {  	[smem:$0x3F90] =	sst s0  }
0x9: {  	[smem:$0x3F91] =	sst s1  }
0xa: {  	[smem:$0x3F92] =	sst s2  }
0xb: {  	[smem:$0x3F93] =	sst s3  }
0xc: {  	[smem:$0x3F94] =	sst s4  }
0xd: {  	[smem:$0x3F95] =	sst s5  }
0xe: {  	[smem:$0x3F96] =	sst s6  }
0xf: {  	[smem:$0x3F97] =	sst s7  }
0x10: {  	[smem:$0x3F98] =	sst s8  }
0x11: {  	[smem:$0x3F99] =	sst s9;
	s0 =	simm.s32 @!p0 $0x0  }
0x12: {  	s1 =	sld [smem:$0x3F7F];
	s0 =	simm.s32 @p0 $0x1  }
0x13: {  	[smem:$0x3F9A] =	sst s0;
	s0 =	simm.s32 @!p1 $0x0  }
0x14: {  	s2 =	sld [smem:$0x3F7E];
	s0 =	simm.s32 @p1 $0x1  }
0x15: {  	[smem:$0x3F9B] =	sst s0;
	s0 =	simm.s32 @!p2 $0x0  }
0x16: {  	s3 =	sld [smem:$0x3FDB];
	s0 =	simm.s32 @p2 $0x1  }
0x17: {  	s4 =	simm.s32 $0x1BF5;
	[smem:$0x3F9D] =	sst s0  }
0x18: {  	s0 =	sld [smem:$0x3F80];
	_ =	swait.ge [sflag:s4], $0x0  }
0x19: {  	s7 =	sld [smem:$0x3F81]  }
0x1a: {  	s8 =	sadd.s32 $0xFFFFE003, lr  }
0x1b: {  	s9 =	sadd.s32 $0xFFFFFEF7, lr;
	s5 =	simm.s32 $0xFFFFFFFF;
	p2 =	slt.u32 s8, $0xFFFFF086  }
0x1c: {  	p1 =	slt.u32 s9, $0xF7A;
	s5 =	simm.s32 @!p2 $0x0  }
0x1d: {  	s5 =	simm.s32 @p1 $0x1;
	p0 =	seq.s32 s7, s2  }
0x1e: {  	s7 =	smul.u32 @!p0 $0xF7A, s2;
	p2 =	seq.s32 @!p0 s5, $0x0  }
0x1f: {  	s9 =	smul.u32 $0xF7A, s1;
	s8 =	simm.s32 @!p0 $0x1BF5;
	p2 =	por !p2, p0  }
0x20: {  	[sflag:s8] =	ssyncset.s32 @!p0 $0xFFFFF086;
	s6 =	sadd.s32 @!p0 s3, s7;
	s7 =	simm.s32 @!p0 $0x108  }
0x21: {  	s3 =	sadd.s32 s3, s9;
	s6 =	sadd.s32 @!p0 $0x88, s6;
	s7 =	simm.s32 @p2 $0x1082  }
0x22: {  	[simem:s7], [sflag:s8] =	dma.local @!p0 [hbm:s6], $0xF7A  }
0x23: {  	s9 =	sor.u32 $0xD0000000, s2;
	s6 =	simm.s32 $0x108;
	_ =	swait.ge @!p0 [sflag:s8], $0x0  }
0x24: {  	s3 =	sadd.s32 $0x88, s3;
	s6 =	simm.s32 @!p1 $0x1082;
	[sflag:s4] =	ssyncset.s32 $0xFFFFF086  }
0x25: {  	[simem:s6], [sflag:s4] =	dma.local [hbm:s3], $0xF7A  }
0x26: {  	[smem:$0x3F81] =	sst s1;
	(tag) =	ssettag s2;
	_ =	strace s9  }
0x27: {  	s1 =	sld [smem:$0x3F91]  }
0x28: {  	s2 =	sld [smem:$0x3F92]  }
0x29: {  	s4 =	sld [smem:$0x3F94]  }
0x2a: {  	p0 =	seq.s32 s5, $0x0;
	s5 =	sld [smem:$0x3F95]  }
0x2b: {  	s6 =	sld [smem:$0x3F96]  }
0x2c: {  	s7 =	sld [smem:$0x3F97]  }
0x2d: {  	s3 =	simm.s32 $0x108;
	s8 =	sld [smem:$0x3F98]  }
0x2e: {  	s3 =	simm.s32 @!p0 $0x1082;
	s9 =	sld [smem:$0x3F99]  }
0x2f: {  	lr =	sadd.s32 s0, s3;
	s0 =	sld [smem:$0x3F90]  }
0x30: {  	s3 =	sld [smem:$0x3F93]  }
0x31: {  	[smem:$0x3F9C] =	sst s10  }
0x32: {  	s10 =	sld [smem:$0x3F9A];
	_ =	sdelay $0x3  }
0x33: {  	p0 =	seq.s32 s10, $0x1;
	s10 =	sld [smem:$0x3F9C];
	_ =	sdelay $0x3  }
0x34: {  	[smem:$0x3F9C] =	sst s10  }
0x35: {  	s10 =	sld [smem:$0x3F9B];
	_ =	sdelay $0x3  }
0x36: {  	p1 =	seq.s32 s10, $0x1;
	s10 =	sld [smem:$0x3F9C];
	_ =	sdelay $0x3  }
0x37: {  	[smem:$0x3F9C] =	sst s10  }
0x38: {  	s10 =	sld [smem:$0x3F9D]  }
0x39: {  	_ = 	snop;
	(pc) =	sbr.ind lr, $3  }
0x3a: {  	_ = 	snop  }
0x3b: {  	_ = 	snop  }
0x3c: {  	p2 =	seq.s32 s10, $0x1;
	s10 =	sld [smem:$0x3F9C]  }
0x3d: {  	_ =	shalt  }
0x3e: {  	_ =	shalt  }
0x3f: {  	_ =	shalt  }
0x40: {  	_ =	shalt  }
0x41: {  	_ =	shalt  }
0x42: {  	_ =	shalt  }
0x43: {  	_ =	shalt  }
0x44: {  	_ =	shalt  }
0x45: {  	_ =	shalt  }
0x46: {  	_ =	shalt  }
0x47: {  	_ =	shalt  }
0x48: {  	_ =	shalt  }
0x49: {  	_ =	shalt  }
0x4a: {  	_ =	shalt  }
0x4b: {  	_ =	shalt  }
0x4c: {  	_ =	shalt  }
0x4d: {  	_ =	shalt  }
0x4e: {  	_ =	shalt  }
0x4f: {  	_ =	shalt  }
0x50: {  	_ =	shalt  }
0x51: {  	_ =	shalt  }
0x52: {  	_ =	shalt  }
0x53: {  	_ =	shalt  }
0x54: {  	_ =	shalt  }
0x55: {  	_ =	shalt  }
0x56: {  	_ =	shalt  }
0x57: {  	_ =	shalt  }
0x58: {  	_ =	shalt  }
0x59: {  	_ =	shalt  }
0x5a: {  	_ =	shalt  }
0x5b: {  	_ =	shalt  }
0x5c: {  	_ =	shalt  }
0x5d: {  	_ =	shalt  }
0x5e: {  	_ =	shalt  }
0x5f: {  	_ =	shalt  }
0x60: {  	_ =	shalt  }
0x61: {  	_ =	shalt  }
0x62: {  	_ =	shalt  }
0x63: {  	_ =	shalt  }
0x64: {  	_ =	shalt  }
0x65: {  	_ =	shalt  }
0x66: {  	_ =	shalt  }
0x67: {  	_ =	shalt  }
0x68: {  	_ =	shalt  }
0x69: {  	_ =	shalt  }
0x6a: {  	_ =	shalt  }
0x6b: {  	_ =	shalt  }
0x6c: {  	_ =	shalt  }
0x6d: {  	_ =	shalt  }
0x6e: {  	_ =	shalt  }
0x6f: {  	_ =	shalt  }
0x70: {  	_ =	shalt  }
0x71: {  	_ =	shalt  }
0x72: {  	_ =	shalt  }
0x73: {  	_ =	shalt  }
0x74: {  	_ =	shalt  }
0x75: {  	_ =	shalt  }
0x76: {  	_ =	shalt  }
0x77: {  	_ =	shalt  }
0x78: {  	_ =	shalt  }
0x79: {  	_ =	shalt  }
0x7a: {  	_ =	shalt  }
0x7b: {  	_ =	shalt  }
0x7c: {  	_ =	shalt  }
0x7d: {  	_ =	shalt  }
0x7e: {  	_ =	shalt  }
0x7f: {  	_ =	shalt  }
0x80: {  	_ =	shalt  }
0x81: {  	_ =	shalt  }
0x82: {  	_ =	shalt  }
0x83: {  	_ =	shalt  }
0x84: {  	_ =	shalt  }
0x85: {  	_ =	shalt  }
0x86: {  	_ =	shalt  }
0x87: {  	_ =	shalt  }
.Lfunc_end0:
.L_simem_size_0:
called_computation.3_lowered:
.L_overlay_start_0:
0x88: {  	s2 =	sld [smem:$0x3FD9]  }
0x89: {  	s3 =	sld [smem:$0x3FFE];
	_ =	sdelay $0x1  }
0x8a: {  	s1 =	srdreg.scid  }
0x8b: {  	s0 =	sand.u32 $0x1, s1  }
0x8c: {  	s14 =	sshll.u32 s0, $0xA;
	s2 =	sadd.s32 s3, s2  }
0x8d: {  	s2 =	sadd.s32 s2, s14  }
0x8e: {  	[smem:$0x3FA8] =	sst s2  }
0x8f: {  	_ = 	snop  }
0x90: {  	s2 =	sld [smem:$0x3FD0];
	_ =	sdelay $0x2  }
0x91: {  	s15 =	simm.s32 $0xB;
	s4 =	simm.s32 $0x10  }
0x92: {  	[smem:s4], [sflag:s15] =	dma.local [hbm:s2], $0x1  }
0x93: {  	_ =	swait.eq [sflag:s15], $0x1  }
0x94: {  	[sflag:s15] =	ssyncset.done $0x0  }
0x95: {  	[sflag:s15] =	ssyncadd.s32 $0xFFFFFFFF  }
0x96: {  	s16 =	sld [smem:$0x10];
	(tm) =	ssettm $0x1  }
0x97: {  	s17 =	sld [smem:$0x3FFB];
	_ =	sdelay $0x3  }
0x98: {  	_ =	strace s17  }
0x99: {  	s3 =	sld [smem:$0x3FFC];
	_ =	sdelay $0x3  }
0x9a: {  	_ =	strace s3  }
0x9b: {  	s3 =	sld [smem:$0x3FFD];
	_ =	sdelay $0x3  }
0x9c: {  	_ =	strace s3  }
0x9d: {  	_ =	strace $0x8FFFFFFF  }
0x9e: {  	s18 =	sld [smem:$0x3FDB];
	_ =	sdelay $0x1  }
0x9f: {  	s19 =	simm.s32 $_scs_section_size  }
0xa0: {  	s5 =	simm.s32 $_size__tile_overlayer_lowered;
	s6 =	simm.s32 $_tile_overlayer_lowered  }
0xa1: {  	s22 =	simm.s32 $0x1BFF;
	s21 =	sshll.u32 s6, $0x1;
	s3 =	sadd.s32 s19, s18  }
0xa2: {  	s7 =	simm.s32 $0x0;
	s20 =	sshll.u32 s5, $0x1;
	s5 =	sadd.s32 s21, s3  }
0xa3: {  	[timem:s7], [sflag:s22] =	dma.local [hbm:s5], s20  }
0xa4: {  	_ =	swait.ge [sflag:s22], s20  }
0xa5: {  	s4 =	ssub.s32 $0x0, s20;
	[sflag:s22] =	ssyncset.done $0x0  }
0xa6: {  	[sflag:s22] =	ssyncadd.s32 s4;
	_ =	sdelay $0x1  }
0xa7: {  	s23 =	simm.s32 $0x1B8B  }
0xa8: {  	_ =	swait.ge [sflag:s23], $0x1  }
0xa9: {  	[sflag:s23] =	ssyncset.done $0x0  }
0xaa: {  	s25 =	simm.s32 $0x1B8E;
	s24 =	sld [smem:$0x3FFE];
	[sflag:s23] =	ssyncadd.s32 $0xFFFFFFFF  }
0xab: {  	s26 =	simm.s32 $execute0_lowered;
	[smem:$0x3FD2] =	sst s25  }
0xac: {  	s5 =	sshll.u32 s26, $0x1;
	_ =	strace $0x8000004C;
	[dreg:$0x1] =	wrdreg $0xFFFFFFFF  }
0xad: {  	s28 =	simm.s32 $_size_execute0_lowered;
	s3 =	sadd.s32 s3, s5;
	[dreg:$0x0] =	wrdreg $0x0  }
0xae: {  	s5 =	sshll.u32 s28, $0x1;
	[dreg:$0x2] =	wrdreg s3  }
0xaf: {  	[dreg:$0x3] =	wrdreg s5  }
0xb0: {  	[dreg:$0x4] =	wrdreg $0xC0  }
0xb1: {  	_ =	task [dreg:s7], $0x5FFFF  }
0xb2: {  	[dreg:$0x1] =	wrdreg $0xFFFFFFFF  }
0xb3: {  	[dreg:$0x0] =	wrdreg $0x60  }
0xb4: {  	[dreg:$0x2] =	wrdreg s24  }
0xb5: {  	[dreg:$0x3] =	wrdreg s16  }
0xb6: {  	[dreg:$0x4] =	wrdreg $0x0  }
0xb7: {  	[dreg:$0x5] =	wrdreg $0xA  }
0xb8: {  	_ =	task.clear_ibuf [dreg:s7], $0x6FFFF;
	_ =	strace $0x9000004C  }
0xb9: {  	s29 =	simm.s32 $0xA;
	_ =	strace $0x8000004E  }
0xba: {  	_ =	swait.ge [sflag:s29], $0x1  }
0xbb: {  	[sflag:s29] =	ssyncadd.s32 $0xFFFFFFFF  }
0xbc: {  	_ =	strace $0x9000004E  }
0xbd: {  	_ =	sfence  }
0xbe: {  	s30 =	sld [smem:$0x0];
	_ =	sdelay $0x2  }
0xbf: {  	s31 =	sshll.u32 s1, $0xD;
	s1 =	sshrl.u32 s1, $0x2  }
0xc0: {  	s3 =	sand.u32 $0x4000, s31;
	s1 =	sadd.s32 s1, s30  }
0xc1: {  	s0 =	sor.u32 s3, s0;
	s1 =	sshll.u32 s1, $0x11  }
0xc2: {  	s0 =	sor.u32 s1, s0  }
0xc3: {  	s0 =	sadd.s32 $0x8F2B, s0  }
0xc4: {  	[sflag:s0] =	ssyncadd.remote.s32 $0x1  }
0xc5: {  	_ =	sfence.sel $0xFFFF  }
0xc6: {  	[dreg:$0x0] =	wrdreg $0xFFFFFFFF;
	(pc) =	sbr.abs _section_cstart, $3  }
0xc7: {  	[dreg:$0x1] =	wrdreg $0xFFFFFFFF  }
0xc8: {  	_ =	task.clear_ibuf [dreg:s7], $0x2FFFF;
	_ =	strace $0x9FFFFFFF  }
0xc9: {  	(tm) =	ssettm $0x7FFFFFFF  }
tec
execute0_lowered:
.L_overlay_start_1:
0x0: {  	(tag) =	ssettag $0x1  }
0x1: {  	s4 =	rddreg [dreg:$0x0]  }
0x2: {  	s5 =	rddreg [dreg:$0x1]  }
0x3: {  	s2 =	rddreg [dreg:$0x2]  }
0x4: {  	s1 =	srdreg.scid;
	s0 =	rddreg [dreg:$0x3]  }
0x5: {  	s3 =	simm.s32 $0x0;
	s15 =	simm.s32 $0x13880;
	s16 =	simm.s32 $0x3  }
0x6: {  	s17 =	simm.s32 $0x1;
	s18 =	simm.s32 $0x80;
	s6 =	sand.u32 $0x1, s1  }
0x7: {  	s19 =	simm.s32 $0x2;
	s1 =	stileid.u32;
	s8 =	smul.u32 $0x138800, s6  }
0x8: {  	s20 =	simm.s32 $0x14B80;
	s21 =	simm.s32 $0x14C00;
	s9 =	smul.u32 $0x1F400, s1  }
0x9: {  	s22 =	simm.s32 $0x0;
	[smem:$0x7FF] =	sst s3;
	s26 =	smul.u32 $0x7D000, s1  }
0xa: {  	s11 =	sadd.s32 $0xA20800, s4;
	s7 =	sshll.u32 s6, $0x4;
	s12 =	smul.u32 $0x3E80, s1  }
0xb: {  	_ =	strace $0x8000004D;
	s28 =	ssub.s32 $0x2, s6;
	s29 =	smul.u32 $0x140000, s6  }
0xc: {  	s30 =	smul.u32 $0x14000, s1;
	p0 =	sgt.u32 s1, $0x9;
	s7 =	sor.u32 s1, s7  }
0xd: {  	s13 =	sshrl.u32 s28, $0x1;
	s10 =	smul.u32 $0x280, s7;
	s8 =	sadd.s32 s9, s8  }
0xe: {  	s7 =	smul.u32 $0x14000, s7;
	s13 =	ssub.s32 s28, s13;
	s31 =	sadd.s32 s29, s11  }
0xf: {  	s8 =	sshrl.u32 s8, $0x3;
	s9 =	smax.u32 s13, $0x1;
	s13 =	simm.s32 $0x14C80  }
0x10: {  	s25 =	sadd.s32 s10, s4;
	s8 =	sadd.s32 s8, s4;
	s10 =	sshrl.u32 s26, $0x2  }
0x11: {  	s4 =	sadd.s32 s5, s12;
	s5 =	sadd.s32 s11, s7;
	s11 =	sshll.u32 @!p0 s1, $0x6  }
0x12: {  	s14 =	sadd.s32 s10, s2;
	s6 =	sadd.s32 $0x800, s5;
	s7 =	sadd.s32 $0xA1B800, s25  }
0x13: {  	s8 =	sadd.s32 $0xCA0800, s8;
	s10 =	sadd.s32 s30, s31;
	s11 =	sor.u32 @!p0 $0x1C03, s11  }
0x14: {  	s10 =	sadd.s32 $0x1800, s10;
	s12 =	sshrl.u32 @!p0 s14, $0x3;
	s14 =	simm.s32 $0x18C80  }
.LBB2_1:
0x15: {  	[spmem:s12], [sflag:s11] =	dma.local @!p0 [hbm:s4], $0x3E80  }
0x16: {  	s23 =	simm.s32 @!p0 $0x3  }
0x17: {  	_ =	swait.ge @!p0 [sflag:s23], $0x3E80  }
0x18: {  	[sflag:s23] =	ssyncset.done @!p0 $0x0  }
0x19: {  	[sflag:s23] =	ssyncadd.s32 @!p0 $0xFFFFC180  }
0x1a: {  	[bflag:$0x0] =	sbarrier.arrive $0xFFFF  }
0x1b: {  	[tilespmem:s13], [sflag:$0x1] =	stream.linear.gather [hbm4b:s5+s3], $0x4000, $0x38;
	[tilespmem:$0x1CC80] =	vst v63  }
0x1c: {  	_ = 	snop  }
0x1d: {  	[tilespmem:s14], [sflag:$0x2] =	stream.linear.gather [hbm4b:s6+s3], $0x4000, $0x38;
	[tilespmem:$0x1CC80] =	vst v63  }
0x1e: {  	_ = 	snop  }
0x1f: {  	[tilespmem:s15], [sflag:$0x3] =	stream.linear.gather [hbm4b:s7+s3], $0x1400, $0x38;
	[tilespmem:$0x1CC80] =	vst v63  }
0x20: {  	_ =	swait.ge [sflag:s16], $0x1400  }
0x21: {  	[sflag:s16] =	ssyncset.done $0x0  }
0x22: {  	[sflag:s16] =	ssyncadd.s32 $0xFFFFEC00  }
0x23: {  	_ =	swait.ge [sflag:s17], $0x4000  }
0x24: {  	[sflag:s17] =	ssyncset.done $0x0  }
0x25: {  	s29 =	simm.s32 $0x13880;
	[sflag:s17] =	ssyncadd.s32 $0xFFFFC000  }
0x26: {  	[spmem:s2] =	stream.indirect.scatter.add.f32 [tilespmem:s13], [sflag:$0x3], $0x80, s29, s18, $0xb8;
	[tilespmem:$0x1CC80] =	vst v63  }
0x27: {  	_ =	swait.ge [sflag:s16], $0x4000  }
0x28: {  	[sflag:s16] =	ssyncset.done $0x0  }
0x29: {  	s30 =	sadd.s32 $0xFFFFF800, s10;
	[sflag:s16] =	ssyncadd.s32 $0xFFFFC000  }
0x2a: {  	[tilespmem:s13], [sflag:$0x1] =	stream.linear.gather [hbm4b:s30+s3], $0x4000, $0x38;
	[tilespmem:$0x1CC80] =	vst v63  }
0x2b: {  	_ =	swait.ge [sflag:s19], $0x4000  }
0x2c: {  	[sflag:s19] =	ssyncset.done $0x0  }
0x2d: {  	s31 =	simm.s32 $0x13900;
	[sflag:s19] =	ssyncadd.s32 $0xFFFFC000  }
0x2e: {  	[spmem:s2] =	stream.indirect.scatter.add.f32 [tilespmem:s14], [sflag:$0x3], $0x80, s31, s18, $0xb8;
	[tilespmem:$0x1CC80] =	vst v63  }
0x2f: {  	_ =	swait.ge [sflag:s16], $0x4000  }
0x30: {  	s24 =	sadd.s32 $0x1000, s10;
	[sflag:s16] =	ssyncset.done $0x0  }
0x31: {  	s25 =	smov.u32 s10;
	s23 =	simm.s32 $0x400;
	[sflag:s16] =	ssyncadd.s32 $0xFFFFC000  }
.LBB2_2:
0x32: {  	[tilespmem:s14], [sflag:$0x2] =	stream.linear.gather [hbm4b:s25+s3], $0x4000, $0x38;
	[tilespmem:$0x1CC80] =	vst v63  }
0x33: {  	s26 =	smov.u32 s23;
	s25 =	smov.u32 s24  }
0x34: {  	p1 =	sne.s32 s23, $0x4800;
	s23 =	sadd.s32 $0x400, s23;
	_ =	swait.ge [sflag:s17], $0x4000  }
0x35: {  	s26 =	sshra.s32 s26, $0x2;
	[sflag:s17] =	ssyncset.done $0x0  }
0x36: {  	s28 =	sadd.s32 $0x13880, s26;
	[sflag:s17] =	ssyncadd.s32 $0xFFFFC000  }
0x37: {  	[spmem:s2] =	stream.indirect.scatter.add.f32 [tilespmem:s13], [sflag:$0x3], $0x80, s28, s18, $0xb8;
	[tilespmem:$0x1CC80] =	vst v63  }
0x38: {  	_ =	swait.ge [sflag:s16], $0x4000  }
0x39: {  	[sflag:s16] =	ssyncset.done $0x0  }
0x3a: {  	s28 =	sadd.s32 $0xFFFFF800, s24;
	[sflag:s16] =	ssyncadd.s32 $0xFFFFC000  }
0x3b: {  	[tilespmem:s13], [sflag:$0x1] =	stream.linear.gather [hbm4b:s28+s3], $0x4000, $0x38;
	[tilespmem:$0x1CC80] =	vst v63  }
0x3c: {  	_ =	swait.ge [sflag:s19], $0x4000  }
0x3d: {  	[sflag:s19] =	ssyncset.done $0x0  }
.Ltmp0:
0x3e: {  	s26 =	sadd.s32 $0x13900, s26;
	[sflag:s19] =	ssyncadd.s32 $0xFFFFC000;
	(pc) =	sbr.rel @p1 .LBB2_2-.Ltmp0, $4  }
0x3f: {  	[spmem:s2] =	stream.indirect.scatter.add.f32 [tilespmem:s14], [sflag:$0x3], $0x80, s26, s18, $0xb8;
	[tilespmem:$0x1CC80] =	vst v63  }
0x40: {  	_ =	swait.ge [sflag:s16], $0x4000  }
0x41: {  	[sflag:s16] =	ssyncset.done $0x0  }
0x42: {  	s24 =	sadd.s32 $0x1000, s24;
	[sflag:s16] =	ssyncadd.s32 $0xFFFFC000  }
0x43: {  	[tilespmem:s14], [sflag:$0x2] =	stream.linear.gather [hbm4b:s25+s3], $0x4000, $0x38;
	[tilespmem:$0x1CC80] =	vst v63  }
0x44: {  	_ =	swait.ge [sflag:s17], $0x4000  }
0x45: {  	[sflag:s17] =	ssyncset.done $0x0  }
0x46: {  	[sflag:s17] =	ssyncadd.s32 $0xFFFFC000  }
0x47: {  	[spmem:s2] =	stream.indirect.scatter.add.f32 [tilespmem:s13], [sflag:$0x3], $0x80, s20, s18, $0xb8;
	[tilespmem:$0x1CC80] =	vst v63  }
0x48: {  	_ =	swait.ge [sflag:s16], $0x4000  }
0x49: {  	[sflag:s16] =	ssyncset.done $0x0  }
0x4a: {  	[sflag:s16] =	ssyncadd.s32 $0xFFFFC000  }
0x4b: {  	_ =	swait.ge [sflag:s19], $0x4000  }
0x4c: {  	[sflag:s19] =	ssyncset.done $0x0  }
0x4d: {  	[sflag:s19] =	ssyncadd.s32 $0xFFFFC000  }
0x4e: {  	[spmem:s2] =	stream.indirect.scatter.add.f32 [tilespmem:s14], [sflag:$0x3], $0x80, s21, s18, $0xb8;
	[tilespmem:$0x1CC80] =	vst v63  }
0x4f: {  	_ =	swait.ge [sflag:s16], $0x4000  }
0x50: {  	s22 =	sadd.s32 $0x1, s22;
	[sflag:s16] =	ssyncset.done $0x0  }
0x51: {  	p1 =	sne.s32 s22, s9;
	[sflag:s16] =	ssyncadd.s32 $0xFFFFC000  }
.Ltmp1:
0x52: {  	s23 =	simm.s32 @!p0 $0x3;
	[bflag:$0x0] =	sbarrier.arrive $0xFFFF;
	(pc) =	sbr.rel @p1 .LBB2_1-.Ltmp1, $4  }
0x53: {  	[hbm:s8], [sflag:s11] =	dma.local @!p0 [spmem:s12], $0x3E80  }
0x54: {  	_ =	swait.ge @!p0 [sflag:s23], $0x3E80  }
0x55: {  	[sflag:s23] =	ssyncset.done @!p0 $0x0  }
0x56: {  	[sflag:s23] =	ssyncadd.s32 @!p0 $0xFFFFC180  }
0x57: {  	_ =	sfence.sel $0x180000  }
0x58: {  	[bflag:$0x0] =	sbarrier.arrive $0xFFFF  }
0x59: {  	p0 =	sne.s32 s1, $0x0;
	_ =	strace $0x9000004D  }
0x5a: {  	s0 =	sadd.s32 @!p0 $0x100000, s0;
	[bflag:$0x2] =	sbarrier.arrive $0xFFFF  }
0x5b: {  	[sflag:s0] =	ssyncadd.tile.s32 @!p0 $0x1;
	_ =	shalt  }
.Lfunc_end2:
_tile_overlayer_lowered:
.L_overlay_start_2:
0x5c: {  	(tag) =	ssettag $0x2  }
0x5d: {  	s0 =	rddreg [dreg:$0x0];
	s2 =	stileid.u32  }
0x5e: {  	s1 =	rddreg [dreg:$0x1];
	p0 =	sne.s32 s2, $0x0  }
0x5f: {  	s3 =	rddreg [dreg:$0x2];
	[bflag:$0x3] =	sbarrier.arrive $0xFFFF;
	s2 =	simm.s32 @!p0 $0x1C03  }
0x60: {  	[timem:s3], [sflag:s2] =	dma.local @!p0 [hbm:s0], s1  }
0x61: {  	s0 =	simm.s32 @!p0 $0x3  }
0x62: {  	_ =	swait.ge @!p0 [sflag:s0], s1  }
0x63: {  	s1 =	ssub.s32 @!p0 $0x0, s1;
	[sflag:s0] =	ssyncset.done @!p0 $0x0  }
0x64: {  	[sflag:s0] =	ssyncadd.s32 @!p0 s1  }
0x65: {  	[bflag:$0x3] =	sbarrier.arrive $0xFFFF  }
0x66: {  	_ =	shalt  }

// kernel: kernel.28.cloned.1.call-start
scs
__scs_entry_jumppad:
0x0: {  	(pc) =	sbr.rel $0x88, $3  }
0x1: {  	(tag) =	ssettag $0x0;
	lr =	simm.s32 $0x1  }
0x2: {  	[smem:$0x3F81] =	sst lr;
	_ =	strace $0xD0000000  }
0x3: {  	_ = 	snop  }
0x4: {  	_ = 	snop  }
0x5: {  	_ = 	snop  }
0x6: {  	_ = 	snop  }
0x7: {  	_ = 	snop  }
__scs_overlays_trampoline_lowered:
0x8: {  	[smem:$0x3F90] =	sst s0  }
0x9: {  	[smem:$0x3F91] =	sst s1  }
0xa: {  	[smem:$0x3F92] =	sst s2  }
0xb: {  	[smem:$0x3F93] =	sst s3  }
0xc: {  	[smem:$0x3F94] =	sst s4  }
0xd: {  	[smem:$0x3F95] =	sst s5  }
0xe: {  	[smem:$0x3F96] =	sst s6  }
0xf: {  	[smem:$0x3F97] =	sst s7  }
0x10: {  	[smem:$0x3F98] =	sst s8  }
0x11: {  	[smem:$0x3F99] =	sst s9;
	s0 =	simm.s32 @!p0 $0x0  }
0x12: {  	s1 =	sld [smem:$0x3F7F];
	s0 =	simm.s32 @p0 $0x1  }
0x13: {  	[smem:$0x3F9A] =	sst s0;
	s0 =	simm.s32 @!p1 $0x0  }
0x14: {  	s2 =	sld [smem:$0x3F7E];
	s0 =	simm.s32 @p1 $0x1  }
0x15: {  	[smem:$0x3F9B] =	sst s0;
	s0 =	simm.s32 @!p2 $0x0  }
0x16: {  	s3 =	sld [smem:$0x3FDB];
	s0 =	simm.s32 @p2 $0x1  }
0x17: {  	s4 =	simm.s32 $0x1BF5;
	[smem:$0x3F9D] =	sst s0  }
0x18: {  	s0 =	sld [smem:$0x3F80];
	_ =	swait.ge [sflag:s4], $0x0  }
0x19: {  	s7 =	sld [smem:$0x3F81]  }
0x1a: {  	s8 =	sadd.s32 $0xFFFFE003, lr  }
0x1b: {  	s9 =	sadd.s32 $0xFFFFFEF7, lr;
	s5 =	simm.s32 $0xFFFFFFFF;
	p2 =	slt.u32 s8, $0xFFFFF086  }
0x1c: {  	p1 =	slt.u32 s9, $0xF7A;
	s5 =	simm.s32 @!p2 $0x0  }
0x1d: {  	s5 =	simm.s32 @p1 $0x1;
	p0 =	seq.s32 s7, s2  }
0x1e: {  	s7 =	smul.u32 @!p0 $0xF7A, s2;
	p2 =	seq.s32 @!p0 s5, $0x0  }
0x1f: {  	s9 =	smul.u32 $0xF7A, s1;
	s8 =	simm.s32 @!p0 $0x1BF5;
	p2 =	por !p2, p0  }
0x20: {  	[sflag:s8] =	ssyncset.s32 @!p0 $0xFFFFF086;
	s6 =	sadd.s32 @!p0 s3, s7;
	s7 =	simm.s32 @!p0 $0x108  }
0x21: {  	s3 =	sadd.s32 s3, s9;
	s6 =	sadd.s32 @!p0 $0x88, s6;
	s7 =	simm.s32 @p2 $0x1082  }
0x22: {  	[simem:s7], [sflag:s8] =	dma.local @!p0 [hbm:s6], $0xF7A  }
0x23: {  	s9 =	sor.u32 $0xD0000000, s2;
	s6 =	simm.s32 $0x108;
	_ =	swait.ge @!p0 [sflag:s8], $0x0  }
0x24: {  	s3 =	sadd.s32 $0x88, s3;
	s6 =	simm.s32 @!p1 $0x1082;
	[sflag:s4] =	ssyncset.s32 $0xFFFFF086  }
0x25: {  	[simem:s6], [sflag:s4] =	dma.local [hbm:s3], $0xF7A  }
0x26: {  	[smem:$0x3F81] =	sst s1;
	(tag) =	ssettag s2;
	_ =	strace s9  }
0x27: {  	s1 =	sld [smem:$0x3F91]  }
0x28: {  	s2 =	sld [smem:$0x3F92]  }
0x29: {  	s4 =	sld [smem:$0x3F94]  }
0x2a: {  	p0 =	seq.s32 s5, $0x0;
	s5 =	sld [smem:$0x3F95]  }
0x2b: {  	s6 =	sld [smem:$0x3F96]  }
0x2c: {  	s7 =	sld [smem:$0x3F97]  }
0x2d: {  	s3 =	simm.s32 $0x108;
	s8 =	sld [smem:$0x3F98]  }
0x2e: {  	s3 =	simm.s32 @!p0 $0x1082;
	s9 =	sld [smem:$0x3F99]  }
0x2f: {  	lr =	sadd.s32 s0, s3;
	s0 =	sld [smem:$0x3F90]  }
0x30: {  	s3 =	sld [smem:$0x3F93]  }
0x31: {  	[smem:$0x3F9C] =	sst s10  }
0x32: {  	s10 =	sld [smem:$0x3F9A];
	_ =	sdelay $0x3  }
0x33: {  	p0 =	seq.s32 s10, $0x1;
	s10 =	sld [smem:$0x3F9C];
	_ =	sdelay $0x3  }
0x34: {  	[smem:$0x3F9C] =	sst s10  }
0x35: {  	s10 =	sld [smem:$0x3F9B];
	_ =	sdelay $0x3  }
0x36: {  	p1 =	seq.s32 s10, $0x1;
	s10 =	sld [smem:$0x3F9C];
	_ =	sdelay $0x3  }
0x37: {  	[smem:$0x3F9C] =	sst s10  }
0x38: {  	s10 =	sld [smem:$0x3F9D]  }
0x39: {  	_ = 	snop;
	(pc) =	sbr.ind lr, $3  }
0x3a: {  	_ = 	snop  }
0x3b: {  	_ = 	snop  }
0x3c: {  	p2 =	seq.s32 s10, $0x1;
	s10 =	sld [smem:$0x3F9C]  }
0x3d: {  	_ =	shalt  }
0x3e: {  	_ =	shalt  }
0x3f: {  	_ =	shalt  }
0x40: {  	_ =	shalt  }
0x41: {  	_ =	shalt  }
0x42: {  	_ =	shalt  }
0x43: {  	_ =	shalt  }
0x44: {  	_ =	shalt  }
0x45: {  	_ =	shalt  }
0x46: {  	_ =	shalt  }
0x47: {  	_ =	shalt  }
0x48: {  	_ =	shalt  }
0x49: {  	_ =	shalt  }
0x4a: {  	_ =	shalt  }
0x4b: {  	_ =	shalt  }
0x4c: {  	_ =	shalt  }
0x4d: {  	_ =	shalt  }
0x4e: {  	_ =	shalt  }
0x4f: {  	_ =	shalt  }
0x50: {  	_ =	shalt  }
0x51: {  	_ =	shalt  }
0x52: {  	_ =	shalt  }
0x53: {  	_ =	shalt  }
0x54: {  	_ =	shalt  }
0x55: {  	_ =	shalt  }
0x56: {  	_ =	shalt  }
0x57: {  	_ =	shalt  }
0x58: {  	_ =	shalt  }
0x59: {  	_ =	shalt  }
0x5a: {  	_ =	shalt  }
0x5b: {  	_ =	shalt  }
0x5c: {  	_ =	shalt  }
0x5d: {  	_ =	shalt  }
0x5e: {  	_ =	shalt  }
0x5f: {  	_ =	shalt  }
0x60: {  	_ =	shalt  }
0x61: {  	_ =	shalt  }
0x62: {  	_ =	shalt  }
0x63: {  	_ =	shalt  }
0x64: {  	_ =	shalt  }
0x65: {  	_ =	shalt  }
0x66: {  	_ =	shalt  }
0x67: {  	_ =	shalt  }
0x68: {  	_ =	shalt  }
0x69: {  	_ =	shalt  }
0x6a: {  	_ =	shalt  }
0x6b: {  	_ =	shalt  }
0x6c: {  	_ =	shalt  }
0x6d: {  	_ =	shalt  }
0x6e: {  	_ =	shalt  }
0x6f: {  	_ =	shalt  }
0x70: {  	_ =	shalt  }
0x71: {  	_ =	shalt  }
0x72: {  	_ =	shalt  }
0x73: {  	_ =	shalt  }
0x74: {  	_ =	shalt  }
0x75: {  	_ =	shalt  }
0x76: {  	_ =	shalt  }
0x77: {  	_ =	shalt  }
0x78: {  	_ =	shalt  }
0x79: {  	_ =	shalt  }
0x7a: {  	_ =	shalt  }
0x7b: {  	_ =	shalt  }
0x7c: {  	_ =	shalt  }
0x7d: {  	_ =	shalt  }
0x7e: {  	_ =	shalt  }
0x7f: {  	_ =	shalt  }
0x80: {  	_ =	shalt  }
0x81: {  	_ =	shalt  }
0x82: {  	_ =	shalt  }
0x83: {  	_ =	shalt  }
0x84: {  	_ =	shalt  }
0x85: {  	_ =	shalt  }
0x86: {  	_ =	shalt  }
0x87: {  	_ =	shalt  }
.Lfunc_end0:
.L_simem_size_0:
called_computation.4_lowered:
.L_overlay_start_0:
0x88: {  	s2 =	sld [smem:$0x3FD9]  }
0x89: {  	s3 =	sld [smem:$0x3FFE];
	_ =	sdelay $0x1  }
0x8a: {  	s1 =	srdreg.scid  }
0x8b: {  	s0 =	sand.u32 $0x1, s1  }
0x8c: {  	s16 =	sshll.u32 s0, $0xA;
	s2 =	sadd.s32 s3, s2  }
0x8d: {  	s2 =	sadd.s32 s2, s16  }
0x8e: {  	[smem:$0x3FA8] =	sst s2  }
0x8f: {  	_ = 	snop  }
0x90: {  	(tm) =	ssettm $0x1  }
0x91: {  	s17 =	sld [smem:$0x3FFB];
	_ =	sdelay $0x3  }
0x92: {  	_ =	strace s17  }
0x93: {  	s2 =	sld [smem:$0x3FFC];
	_ =	sdelay $0x3  }
0x94: {  	_ =	strace s2  }
0x95: {  	s2 =	sld [smem:$0x3FFD];
	_ =	sdelay $0x3  }
0x96: {  	_ =	strace s2  }
0x97: {  	_ =	strace $0x8FFFFFFF  }
0x98: {  	s18 =	sld [smem:$0x3FDB];
	_ =	sdelay $0x1  }
0x99: {  	s19 =	simm.s32 $_scs_section_size  }
0x9a: {  	s4 =	simm.s32 $_size__tile_overlayer_lowered;
	s5 =	simm.s32 $_tile_overlayer_lowered  }
0x9b: {  	s22 =	simm.s32 $0x1BFF;
	s21 =	sshll.u32 s5, $0x1;
	s2 =	sadd.s32 s19, s18  }
0x9c: {  	s6 =	simm.s32 $0x0;
	s20 =	sshll.u32 s4, $0x1;
	s4 =	sadd.s32 s21, s2  }
0x9d: {  	[timem:s6], [sflag:s22] =	dma.local [hbm:s4], s20  }
0x9e: {  	_ =	swait.ge [sflag:s22], s20  }
0x9f: {  	s3 =	ssub.s32 $0x0, s20;
	[sflag:s22] =	ssyncset.done $0x0  }
0xa0: {  	[sflag:s22] =	ssyncadd.s32 s3;
	_ =	sdelay $0x1  }
0xa1: {  	s23 =	simm.s32 $0x1B8B  }
0xa2: {  	_ =	swait.ge [sflag:s23], $0x1  }
0xa3: {  	[sflag:s23] =	ssyncset.done $0x0  }
0xa4: {  	s25 =	simm.s32 $0x1B8E;
	s24 =	sld [smem:$0x3FFE];
	[sflag:s23] =	ssyncadd.s32 $0xFFFFFFFF  }
0xa5: {  	s26 =	simm.s32 $execute0_lowered;
	[smem:$0x3FD2] =	sst s25  }
0xa6: {  	s4 =	sshll.u32 s26, $0x1;
	_ =	strace $0x80000052;
	[dreg:$0x1] =	wrdreg $0xFFFFFFFF  }
0xa7: {  	s28 =	simm.s32 $_size_execute0_lowered;
	s2 =	sadd.s32 s2, s4;
	[dreg:$0x0] =	wrdreg $0x0  }
0xa8: {  	s4 =	sshll.u32 s28, $0x1;
	[dreg:$0x2] =	wrdreg s2  }
0xa9: {  	[dreg:$0x3] =	wrdreg s4  }
0xaa: {  	[dreg:$0x4] =	wrdreg $0xC0  }
0xab: {  	_ =	task [dreg:s6], $0x5FFFF  }
0xac: {  	[dreg:$0x1] =	wrdreg $0xFFFFFFFF  }
0xad: {  	[dreg:$0x0] =	wrdreg $0x60  }
0xae: {  	[dreg:$0x2] =	wrdreg s24  }
0xaf: {  	[dreg:$0x3] =	wrdreg $0x0  }
0xb0: {  	[dreg:$0x4] =	wrdreg $0x9  }
0xb1: {  	_ =	task.clear_ibuf [dreg:s6], $0x5FFFF;
	_ =	strace $0x90000052  }
0xb2: {  	s29 =	simm.s32 $0x9;
	_ =	strace $0x80000054  }
0xb3: {  	_ =	swait.ge [sflag:s29], $0x1  }
0xb4: {  	[sflag:s29] =	ssyncadd.s32 $0xFFFFFFFF  }
0xb5: {  	_ =	strace $0x90000054  }
0xb6: {  	_ =	sfence  }
0xb7: {  	s30 =	sld [smem:$0x0];
	_ =	sdelay $0x2  }
0xb8: {  	s31 =	sshll.u32 s1, $0xD;
	s1 =	sshrl.u32 s1, $0x2  }
0xb9: {  	s3 =	sand.u32 $0x4000, s31;
	s1 =	sadd.s32 s1, s30  }
0xba: {  	s0 =	sor.u32 s3, s0;
	s1 =	sshll.u32 s1, $0x11  }
0xbb: {  	s0 =	sor.u32 s1, s0  }
0xbc: {  	s0 =	sadd.s32 $0x8F2B, s0  }
0xbd: {  	[sflag:s0] =	ssyncadd.remote.s32 $0x1  }
0xbe: {  	_ =	sfence.sel $0xFFFF  }
0xbf: {  	[dreg:$0x0] =	wrdreg $0xFFFFFFFF;
	(pc) =	sbr.abs _section_cstart, $3  }
0xc0: {  	[dreg:$0x1] =	wrdreg $0xFFFFFFFF  }
0xc1: {  	_ =	task.clear_ibuf [dreg:s6], $0x2FFFF;
	_ =	strace $0x9FFFFFFF  }
0xc2: {  	(tm) =	ssettm $0x7FFFFFFF  }
0xc3: {  	_ =	shalt  }
tec
execute0_lowered:
.L_overlay_start_1:
0x0: {  	(tag) =	ssettag $0x1  }
0x1: {  	s4 =	rddreg [dreg:$0x0]  }
0x2: {  	s0 =	srdreg.scid;
	s2 =	rddreg [dreg:$0x1]  }
0x3: {  	s1 =	stileid.u32;
	s3 =	simm.s32 $0x0;
	s17 =	simm.s32 $0x3  }
0x4: {  	s18 =	simm.s32 $0x80;
	s19 =	simm.s32 $0x14C80;
	s6 =	smul.u32 $0x3E80, s1  }
0x5: {  	s20 =	simm.s32 $0x13900;
	s21 =	simm.s32 $0x18C80;
	s9 =	smul.u32 $0x7D000, s1  }
0x6: {  	s8 =	sand.u32 $0x1, s0;
	s0 =	rddreg [dreg:$0x2];
	s12 =	smul.u32 $0x140000, s1  }
0x7: {  	[smem:$0x7FF] =	sst s3;
	s13 =	sadd.s32 $0x542A00, s4;
	s29 =	smul.u32 $0x28000, s1  }
0x8: {  	p0 =	sgt.u32 s1, $0x9;
	s5 =	sshll.u32 s8, $0x4;
	s24 =	smul.u32 $0x1400000, s8  }
0x9: {  	_ =	strace $0x80000053;
	s25 =	smul.u32 $0x280000, s8;
	s7 =	sor.u32 s1, s5  }
0xa: {  	s22 =	ssub.s32 $0x2, s8;
	s6 =	sadd.s32 s6, s4;
	s5 =	smul.u32 $0x500, s7  }
0xb: {  	s23 =	sshrl.u32 s22, $0x1;
	s9 =	sshrl.u32 s9, $0x2;
	s11 =	smul.u32 $0x140000, s7  }
0xc: {  	s15 =	sadd.s32 s9, s2;
	s14 =	smul.u32 $0x28000, s7;
	s12 =	sadd.s32 s12, s24  }
0xd: {  	s16 =	sadd.s32 s25, s13;
	s24 =	simm.s32 $0x0;
	s28 =	sor.u32 $0x8000, s12  }
0xe: {  	s30 =	sadd.s32 $0xA0000, s12;
	s15 =	sshrl.u32 @!p0 s15, $0x3;
	s10 =	sadd.s32 s5, s4  }
0xf: {  	s5 =	ssub.s32 s22, s23;
	s4 =	sadd.s32 $0x51B800, s6;
	s11 =	sshrl.u32 s11, $0x3  }
0x10: {  	s26 =	sadd.s32 s14, s13;
	s14 =	sadd.s32 s29, s16;
	s31 =	sshrl.u32 s30, $0x3  }
0x11: {  	s16 =	sshll.u32 @!p0 s1, $0x6;
	s22 =	simm.s32 $0x1;
	s23 =	simm.s32 $0x2  }
0x12: {  	s5 =	smax.u32 s5, $0x1;
	s6 =	sadd.s32 $0x11800, s10;
	s7 =	sadd.s32 s13, s11  }
0x13: {  	s8 =	sadd.s32 $0x800, s26;
	s11 =	sshrl.u32 s28, $0x3;
	s9 =	sadd.s32 $0x11A80, s10  }
0x14: {  	s12 =	sadd.s32 $0x14800, s14;
	s10 =	sadd.s32 s11, s13;
	s11 =	sadd.s32 $0x1800, s14  }
0x15: {  	s13 =	sadd.s32 s31, s13;
	s14 =	sor.u32 @!p0 $0x1C03, s16;
	s16 =	simm.s32 $0x13880  }
.LBB2_1:
0x16: {  	[spmem:s15], [sflag:s14] =	dma.local @!p0 [hbm:s4], $0x3E80  }
0x17: {  	s25 =	simm.s32 @!p0 $0x3  }
0x18: {  	_ =	swait.ge @!p0 [sflag:s25], $0x3E80  }
0x19: {  	[sflag:s25] =	ssyncset.done @!p0 $0x0  }
0x1a: {  	[sflag:s25] =	ssyncadd.s32 @!p0 $0xFFFFC180  }
0x1b: {  	[bflag:$0x0] =	sbarrier.arrive $0xFFFF  }
0x1c: {  	[tilespmem:s16], [sflag:$0x3] =	stream.linear.gather [hbm4b:s6+s3], $0x1400, $0x38;
	[tilespmem:$0x1CC80] =	vst v63  }
0x1d: {  	_ =	swait.ge [sflag:s17], $0x1400  }
0x1e: {  	[sflag:s17] =	ssyncset.done $0x0  }
0x1f: {  	[sflag:s17] =	ssyncadd.s32 $0xFFFFEC00  }
0x20: {  	[tilespmem:s19], [sflag:$0x3] =	stream.indirect.gather [spmem:s2], $0x80, s16, s18, $0xb8;
	[tilespmem:$0x1CC80] =	vst v63  }
0x21: {  	_ =	swait.ge [sflag:s17], $0x4000  }
0x22: {  	[sflag:s17] =	ssyncset.done $0x0  }
0x23: {  	[sflag:s17] =	ssyncadd.s32 $0xFFFFC000  }
0x24: {  	[hbm4b:s7+s3] =	stream.linear.scatter [tilespmem:s19], [sflag:$0x1], $0x4000, $0x38;
	[tilespmem:$0x1CC80] =	vst v63  }
0x25: {  	_ = 	snop  }
0x26: {  	[tilespmem:s21], [sflag:$0x3] =	stream.indirect.gather [spmem:s2], $0x80, s20, s18, $0xb8;
	[tilespmem:$0x1CC80] =	vst v63  }
0x27: {  	_ =	swait.ge [sflag:s17], $0x4000  }
0x28: {  	[sflag:s17] =	ssyncset.done $0x0  }
0x29: {  	[sflag:s17] =	ssyncadd.s32 $0xFFFFC000  }
0x2a: {  	[hbm4b:s8+s3] =	stream.linear.scatter [tilespmem:s21], [sflag:$0x2], $0x4000, $0x38;
	[tilespmem:$0x1CC80] =	vst v63  }
0x2b: {  	_ =	swait.ge [sflag:s22], $0x4000  }
0x2c: {  	[sflag:s22] =	ssyncset.done $0x0  }
0x2d: {  	s29 =	simm.s32 $0x13980;
	[sflag:s22] =	ssyncadd.s32 $0xFFFFC000  }
0x2e: {  	[tilespmem:s19], [sflag:$0x3] =	stream.indirect.gather [spmem:s2], $0x80, s29, s18, $0xb8;
	[tilespmem:$0x1CC80] =	vst v63  }
0x2f: {  	_ =	swait.ge [sflag:s17], $0x4000  }
0x30: {  	[sflag:s17] =	ssyncset.done $0x0  }
0x31: {  	s30 =	sadd.s32 $0x0, s10;
	[sflag:s17] =	ssyncadd.s32 $0xFFFFC000  }
0x32: {  	[hbm4b:s30+s3] =	stream.linear.scatter [tilespmem:s19], [sflag:$0x1], $0x4000, $0x38;
	[tilespmem:$0x1CC80] =	vst v63  }
0x33: {  	_ =	swait.ge [sflag:s23], $0x4000  }
0x34: {  	[sflag:s23] =	ssyncset.done $0x0  }
0x35: {  	s31 =	simm.s32 $0x13A00;
	[sflag:s23] =	ssyncadd.s32 $0xFFFFC000  }
0x36: {  	[tilespmem:s21], [sflag:$0x3] =	stream.indirect.gather [spmem:s2], $0x80, s31, s18, $0xb8;
	[tilespmem:$0x1CC80] =	vst v63  }
0x37: {  	_ =	swait.ge [sflag:s17], $0x4000  }
0x38: {  	s28 =	sadd.s32 $0x0, s11;
	[sflag:s17] =	ssyncset.done $0x0  }
0x39: {  	s26 =	simm.s32 $0x13B00;
	s25 =	simm.s32 $0x1000;
	[sflag:s17] =	ssyncadd.s32 $0xFFFFC000  }
.LBB2_2:
0x3a: {  	[hbm4b:s28+s3] =	stream.linear.scatter [tilespmem:s21], [sflag:$0x2], $0x4000, $0x38;
	[tilespmem:$0x1CC80] =	vst v63  }
0x3b: {  	s28 =	smov.u32 s25  }
0x3c: {  	p1 =	sne.s32 s25, $0x12000;
	s25 =	sadd.s32 $0x1000, s25;
	_ =	swait.ge [sflag:s22], $0x4000  }
0x3d: {  	[sflag:s22] =	ssyncset.done $0x0  }
0x3e: {  	s29 =	sadd.s32 $0xFFFFFF80, s26;
	[sflag:s22] =	ssyncadd.s32 $0xFFFFC000  }
0x3f: {  	[tilespmem:s19], [sflag:$0x3] =	stream.indirect.gather [spmem:s2], $0x80, s29, s18, $0xb8;
	[tilespmem:$0x1CC80] =	vst v63  }
0x40: {  	_ =	swait.ge [sflag:s17], $0x4000  }
0x41: {  	[sflag:s17] =	ssyncset.done $0x0  }
0x42: {  	s29 =	sadd.s32 s28, s10;
	[sflag:s17] =	ssyncadd.s32 $0xFFFFC000  }
0x43: {  	[hbm4b:s29+s3] =	stream.linear.scatter [tilespmem:s19], [sflag:$0x1], $0x4000, $0x38;
	[tilespmem:$0x1CC80] =	vst v63  }
0x44: {  	_ =	swait.ge [sflag:s23], $0x4000  }
0x45: {  	[sflag:s23] =	ssyncset.done $0x0  }
.Ltmp0:
0x46: {  	[sflag:s23] =	ssyncadd.s32 $0xFFFFC000;
	(pc) =	sbr.rel @p1 .LBB2_2-.Ltmp0, $4  }
0x47: {  	[tilespmem:s21], [sflag:$0x3] =	stream.indirect.gather [spmem:s2], $0x80, s26, s18, $0xb8;
	[tilespmem:$0x1CC80] =	vst v63  }
0x48: {  	_ =	swait.ge [sflag:s17], $0x4000  }
0x49: {  	[sflag:s17] =	ssyncset.done $0x0  }
0x4a: {  	s28 =	sadd.s32 s28, s11;
	s26 =	sadd.s32 $0x100, s26;
	[sflag:s17] =	ssyncadd.s32 $0xFFFFC000  }
0x4b: {  	[hbm4b:s28+s3] =	stream.linear.scatter [tilespmem:s21], [sflag:$0x2], $0x4000, $0x38;
	[tilespmem:$0x1CC80] =	vst v63  }
0x4c: {  	s25 =	simm.s32 $0x0  }
0x4d: {  	[tilespmem:s16], [sflag:$0x3] =	stream.linear.gather [hbm4b:s9+s25], $0x1400, $0x38;
	[tilespmem:$0x1CC80] =	vst v63  }
0x4e: {  	_ =	swait.ge [sflag:s17], $0x1400  }
0x4f: {  	[sflag:s17] =	ssyncset.done $0x0  }
0x50: {  	[sflag:s17] =	ssyncadd.s32 $0xFFFFEC00  }
0x51: {  	_ =	swait.ge [sflag:s22], $0x4000  }
0x52: {  	[sflag:s22] =	ssyncset.done $0x0  }
0x53: {  	s29 =	simm.s32 $0x13880;
	[sflag:s22] =	ssyncadd.s32 $0xFFFFC000  }
0x54: {  	[tilespmem:s19], [sflag:$0x3] =	stream.indirect.gather [spmem:s2], $0x80, s29, s18, $0xb8;
	[tilespmem:$0x1CC80] =	vst v63  }
0x55: {  	_ =	swait.ge [sflag:s17], $0x4000  }
0x56: {  	[sflag:s17] =	ssyncset.done $0x0  }
0x57: {  	s30 =	sadd.s32 $0x0, s13;
	[sflag:s17] =	ssyncadd.s32 $0xFFFFC000  }
0x58: {  	[hbm4b:s30+s3] =	stream.linear.scatter [tilespmem:s19], [sflag:$0x1], $0x4000, $0x38;
	[tilespmem:$0x1CC80] =	vst v63  }
0x59: {  	_ =	swait.ge [sflag:s23], $0x4000  }
0x5a: {  	[sflag:s23] =	ssyncset.done $0x0  }
0x5b: {  	s31 =	simm.s32 $0x13900;
	[sflag:s23] =	ssyncadd.s32 $0xFFFFC000  }
0x5c: {  	[tilespmem:s21], [sflag:$0x3] =	stream.indirect.gather [spmem:s2], $0x80, s31, s18, $0xb8;
	[tilespmem:$0x1CC80] =	vst v63  }
0x5d: {  	_ =	swait.ge [sflag:s17], $0x4000  }
0x5e: {  	s28 =	sadd.s32 $0x0, s12;
	[sflag:s17] =	ssyncset.done $0x0  }
0x5f: {  	s26 =	simm.s32 $0x13A00;
	s25 =	simm.s32 $0x1000;
	[sflag:s17] =	ssyncadd.s32 $0xFFFFC000  }
.LBB2_4:
0x60: {  	[hbm4b:s28+s3] =	stream.linear.scatter [tilespmem:s21], [sflag:$0x2], $0x4000, $0x38;
	[tilespmem:$0x1CC80] =	vst v63  }
0x61: {  	s28 =	smov.u32 s25  }
0x62: {  	p1 =	sne.s32 s25, $0x13000;
	s25 =	sadd.s32 $0x1000, s25;
	_ =	swait.ge [sflag:s22], $0x4000  }
0x63: {  	[sflag:s22] =	ssyncset.done $0x0  }
0x64: {  	s29 =	sadd.s32 $0xFFFFFF80, s26;
	[sflag:s22] =	ssyncadd.s32 $0xFFFFC000  }
0x65: {  	[tilespmem:s19], [sflag:$0x3] =	stream.indirect.gather [spmem:s2], $0x80, s29, s18, $0xb8;
	[tilespmem:$0x1CC80] =	vst v63  }
0x66: {  	_ =	swait.ge [sflag:s17], $0x4000  }
0x67: {  	[sflag:s17] =	ssyncset.done $0x0  }
0x68: {  	s29 =	sadd.s32 s28, s13;
	[sflag:s17] =	ssyncadd.s32 $0xFFFFC000  }
0x69: {  	[hbm4b:s29+s3] =	stream.linear.scatter [tilespmem:s19], [sflag:$0x1], $0x4000, $0x38;
	[tilespmem:$0x1CC80] =	vst v63  }
0x6a: {  	_ =	swait.ge [sflag:s23], $0x4000  }
0x6b: {  	[sflag:s23] =	ssyncset.done $0x0  }
.Ltmp1:
0x6c: {  	[sflag:s23] =	ssyncadd.s32 $0xFFFFC000;
	(pc) =	sbr.rel @p1 .LBB2_4-.Ltmp1, $4  }
0x6d: {  	[tilespmem:s21], [sflag:$0x3] =	stream.indirect.gather [spmem:s2], $0x80, s26, s18, $0xb8;
	[tilespmem:$0x1CC80] =	vst v63  }
0x6e: {  	_ =	swait.ge [sflag:s17], $0x4000  }
0x6f: {  	[sflag:s17] =	ssyncset.done $0x0  }
0x70: {  	s28 =	sadd.s32 s28, s12;
	s26 =	sadd.s32 $0x100, s26;
	[sflag:s17] =	ssyncadd.s32 $0xFFFFC000  }
0x71: {  	[hbm4b:s28+s3] =	stream.linear.scatter [tilespmem:s21], [sflag:$0x2], $0x4000, $0x38;
	[tilespmem:$0x1CC80] =	vst v63  }
0x72: {  	s24 =	sadd.s32 $0x1, s24  }
0x73: {  	_ =	swait.ge [sflag:s22], $0x4000;
	p1 =	sne.s32 s24, s5  }
.Ltmp2:
0x74: {  	[sflag:s22] =	ssyncset.done $0x0;
	(pc) =	sbr.rel @p1 .LBB2_1-.Ltmp2, $4  }
0x75: {  	[sflag:s22] =	ssyncadd.s32 $0xFFFFC000  }
0x76: {  	_ =	swait.ge [sflag:s23], $0x4000  }
0x77: {  	[sflag:s23] =	ssyncset.done $0x0  }
0x78: {  	[sflag:s23] =	ssyncadd.s32 $0xFFFFC000  }
0x79: {  	_ =	sfence.sel $0x180000  }
0x7a: {  	[bflag:$0x0] =	sbarrier.arrive $0xFFFF  }
0x7b: {  	p0 =	sne.s32 s1, $0x0;
	_ =	strace $0x90000053  }
0x7c: {  	s0 =	sadd.s32 @!p0 $0x100000, s0;
	[bflag:$0x2] =	sbarrier.arrive $0xFFFF  }
0x7d: {  	[sflag:s0] =	ssyncadd.tile.s32 @!p0 $0x1;
	_ =	shalt  }
.Lfunc_end2:
_tile_overlayer_lowered:
.L_overlay_start_2:
0x7e: {  	(tag) =	ssettag $0x2  }
0x7f: {  	s0 =	rddreg [dreg:$0x0];
	s2 =	stileid.u32  }
0x80: {  	s1 =	rddreg [dreg:$0x1];
	p0 =	sne.s32 s2, $0x0  }
0x81: {  	s3 =	rddreg [dreg:$0x2];
	[bflag:$0x3] =	sbarrier.arrive $0xFFFF;
	s2 =	simm.s32 @!p0 $0x1C03  }
0x82: {  	[timem:s3], [sflag:s2] =	dma.local @!p0 [hbm:s0], s1  }
0x83: {  	s0 =	simm.s32 @!p0 $0x3  }
0x84: {  	_ =	swait.ge @!p0 [sflag:s0], s1  }
0x85: {  	s1 =	ssub.s32 @!p0 $0x0, s1;
	[sflag:s0] =	ssyncset.done @!p0 $0x0  }
0x86: {  	[sflag:s0] =	ssyncadd.s32 @!p0 s1  }
0x87: {  	[bflag:$0x3] =	sbarrier.arrive $0xFFFF  }
0x88: {  	_ =	shalt  }

// kernel: kernel.31.cloned.1.call-start
scs
__scs_entry_jumppad:
0x0: {  	(pc) =	sbr.rel $0x88, $3  }
0x1: {  	(tag) =	ssettag $0x0;
	lr =	simm.s32 $0x1  }
0x2: {  	[smem:$0x3F81] =	sst lr;
	_ =	strace $0xD0000000  }
0x3: {  	_ = 	snop  }
0x4: {  	_ = 	snop  }
0x5: {  	_ = 	snop  }
0x6: {  	_ = 	snop  }
0x7: {  	_ = 	snop  }
__scs_overlays_trampoline_lowered:
0x8: {  	[smem:$0x3F90] =	sst s0  }
0x9: {  	[smem:$0x3F91] =	sst s1  }
0xa: {  	[smem:$0x3F92] =	sst s2  }
0xb: {  	[smem:$0x3F93] =	sst s3  }
0xc: {  	[smem:$0x3F94] =	sst s4  }
0xd: {  	[smem:$0x3F95] =	sst s5  }
0xe: {  	[smem:$0x3F96] =	sst s6  }
0xf: {  	[smem:$0x3F97] =	sst s7  }
0x10: {  	[smem:$0x3F98] =	sst s8  }
0x11: {  	[smem:$0x3F99] =	sst s9;
	s0 =	simm.s32 @!p0 $0x0  }
0x12: {  	s1 =	sld [smem:$0x3F7F];
	s0 =	simm.s32 @p0 $0x1  }
0x13: {  	[smem:$0x3F9A] =	sst s0;
	s0 =	simm.s32 @!p1 $0x0  }
0x14: {  	s2 =	sld [smem:$0x3F7E];
	s0 =	simm.s32 @p1 $0x1  }
0x15: {  	[smem:$0x3F9B] =	sst s0;
	s0 =	simm.s32 @!p2 $0x0  }
0x16: {  	s3 =	sld [smem:$0x3FDB];
	s0 =	simm.s32 @p2 $0x1  }
0x17: {  	s4 =	simm.s32 $0x1BF5;
	[smem:$0x3F9D] =	sst s0  }
0x18: {  	s0 =	sld [smem:$0x3F80];
	_ =	swait.ge [sflag:s4], $0x0  }
0x19: {  	s7 =	sld [smem:$0x3F81]  }
0x1a: {  	s8 =	sadd.s32 $0xFFFFE003, lr  }
0x1b: {  	s9 =	sadd.s32 $0xFFFFFEF7, lr;
	s5 =	simm.s32 $0xFFFFFFFF;
	p2 =	slt.u32 s8, $0xFFFFF086  }
0x1c: {  	p1 =	slt.u32 s9, $0xF7A;
	s5 =	simm.s32 @!p2 $0x0  }
0x1d: {  	s5 =	simm.s32 @p1 $0x1;
	p0 =	seq.s32 s7, s2  }
0x1e: {  	s7 =	smul.u32 @!p0 $0xF7A, s2;
	p2 =	seq.s32 @!p0 s5, $0x0  }
0x1f: {  	s9 =	smul.u32 $0xF7A, s1;
	s8 =	simm.s32 @!p0 $0x1BF5;
	p2 =	por !p2, p0  }
0x20: {  	[sflag:s8] =	ssyncset.s32 @!p0 $0xFFFFF086;
	s6 =	sadd.s32 @!p0 s3, s7;
	s7 =	simm.s32 @!p0 $0x108  }
0x21: {  	s3 =	sadd.s32 s3, s9;
	s6 =	sadd.s32 @!p0 $0x88, s6;
	s7 =	simm.s32 @p2 $0x1082  }
0x22: {  	[simem:s7], [sflag:s8] =	dma.local @!p0 [hbm:s6], $0xF7A  }
0x23: {  	s9 =	sor.u32 $0xD0000000, s2;
	s6 =	simm.s32 $0x108;
	_ =	swait.ge @!p0 [sflag:s8], $0x0  }
0x24: {  	s3 =	sadd.s32 $0x88, s3;
	s6 =	simm.s32 @!p1 $0x1082;
	[sflag:s4] =	ssyncset.s32 $0xFFFFF086  }
0x25: {  	[simem:s6], [sflag:s4] =	dma.local [hbm:s3], $0xF7A  }
0x26: {  	[smem:$0x3F81] =	sst s1;
	(tag) =	ssettag s2;
	_ =	strace s9  }
0x27: {  	s1 =	sld [smem:$0x3F91]  }
0x28: {  	s2 =	sld [smem:$0x3F92]  }
0x29: {  	s4 =	sld [smem:$0x3F94]  }
0x2a: {  	p0 =	seq.s32 s5, $0x0;
	s5 =	sld [smem:$0x3F95]  }
0x2b: {  	s6 =	sld [smem:$0x3F96]  }
0x2c: {  	s7 =	sld [smem:$0x3F97]  }
0x2d: {  	s3 =	simm.s32 $0x108;
	s8 =	sld [smem:$0x3F98]  }
0x2e: {  	s3 =	simm.s32 @!p0 $0x1082;
	s9 =	sld [smem:$0x3F99]  }
0x2f: {  	lr =	sadd.s32 s0, s3;
	s0 =	sld [smem:$0x3F90]  }
0x30: {  	s3 =	sld [smem:$0x3F93]  }
0x31: {  	[smem:$0x3F9C] =	sst s10  }
0x32: {  	s10 =	sld [smem:$0x3F9A];
	_ =	sdelay $0x3  }
0x33: {  	p0 =	seq.s32 s10, $0x1;
	s10 =	sld [smem:$0x3F9C];
	_ =	sdelay $0x3  }
0x34: {  	[smem:$0x3F9C] =	sst s10  }
0x35: {  	s10 =	sld [smem:$0x3F9B];
	_ =	sdelay $0x3  }
0x36: {  	p1 =	seq.s32 s10, $0x1;
	s10 =	sld [smem:$0x3F9C];
	_ =	sdelay $0x3  }
0x37: {  	[smem:$0x3F9C] =	sst s10  }
0x38: {  	s10 =	sld [smem:$0x3F9D]  }
0x39: {  	_ = 	snop;
	(pc) =	sbr.ind lr, $3  }
0x3a: {  	_ = 	snop  }
0x3b: {  	_ = 	snop  }
0x3c: {  	p2 =	seq.s32 s10, $0x1;
	s10 =	sld [smem:$0x3F9C]  }
0x3d: {  	_ =	shalt  }
0x3e: {  	_ =	shalt  }
0x3f: {  	_ =	shalt  }
0x40: {  	_ =	shalt  }
0x41: {  	_ =	shalt  }
0x42: {  	_ =	shalt  }
0x43: {  	_ =	shalt  }
0x44: {  	_ =	shalt  }
0x45: {  	_ =	shalt  }
0x46: {  	_ =	shalt  }
0x47: {  	_ =	shalt  }
0x48: {  	_ =	shalt  }
0x49: {  	_ =	shalt  }
0x4a: {  	_ =	shalt  }
0x4b: {  	_ =	shalt  }
0x4c: {  	_ =	shalt  }
0x4d: {  	_ =	shalt  }
0x4e: {  	_ =	shalt  }
0x4f: {  	_ =	shalt  }
0x50: {  	_ =	shalt  }
0x51: {  	_ =	shalt  }
0x52: {  	_ =	shalt  }
0x53: {  	_ =	shalt  }
0x54: {  	_ =	shalt  }
0x55: {  	_ =	shalt  }
0x56: {  	_ =	shalt  }
0x57: {  	_ =	shalt  }
0x58: {  	_ =	shalt  }
0x59: {  	_ =	shalt  }
0x5a: {  	_ =	shalt  }
0x5b: {  	_ =	shalt  }
0x5c: {  	_ =	shalt  }
0x5d: {  	_ =	shalt  }
0x5e: {  	_ =	shalt  }
0x5f: {  	_ =	shalt  }
0x60: {  	_ =	shalt  }
0x61: {  	_ =	shalt  }
0x62: {  	_ =	shalt  }
0x63: {  	_ =	shalt  }
0x64: {  	_ =	shalt  }
0x65: {  	_ =	shalt  }
0x66: {  	_ =	shalt  }
0x67: {  	_ =	shalt  }
0x68: {  	_ =	shalt  }
0x69: {  	_ =	shalt  }
0x6a: {  	_ =	shalt  }
0x6b: {  	_ =	shalt  }
0x6c: {  	_ =	shalt  }
0x6d: {  	_ =	shalt  }
0x6e: {  	_ =	shalt  }
0x6f: {  	_ =	shalt  }
0x70: {  	_ =	shalt  }
0x71: {  	_ =	shalt  }
0x72: {  	_ =	shalt  }
0x73: {  	_ =	shalt  }
0x74: {  	_ =	shalt  }
0x75: {  	_ =	shalt  }
0x76: {  	_ =	shalt  }
0x77: {  	_ =	shalt  }
0x78: {  	_ =	shalt  }
0x79: {  	_ =	shalt  }
0x7a: {  	_ =	shalt  }
0x7b: {  	_ =	shalt  }
0x7c: {  	_ =	shalt  }
0x7d: {  	_ =	shalt  }
0x7e: {  	_ =	shalt  }
0x7f: {  	_ =	shalt  }
0x80: {  	_ =	shalt  }
0x81: {  	_ =	shalt  }
0x82: {  	_ =	shalt  }
0x83: {  	_ =	shalt  }
0x84: {  	_ =	shalt  }
0x85: {  	_ =	shalt  }
0x86: {  	_ =	shalt  }
0x87: {  	_ =	shalt  }
.Lfunc_end0:
.L_simem_size_0:
called_computation.5_lowered:
.L_overlay_start_0:
0x88: {  	s2 =	sld [smem:$0x3FD9]  }
0x89: {  	s3 =	sld [smem:$0x3FFE];
	_ =	sdelay $0x1  }
0x8a: {  	s1 =	srdreg.scid  }
0x8b: {  	s0 =	sand.u32 $0x1, s1  }
0x8c: {  	s15 =	sshll.u32 s0, $0xA;
	s2 =	sadd.s32 s3, s2  }
0x8d: {  	s2 =	sadd.s32 s2, s15  }
0x8e: {  	[smem:$0x3FA8] =	sst s2  }
0x8f: {  	_ = 	snop  }
0x90: {  	s2 =	sld [smem:$0x3FD0];
	_ =	sdelay $0x2  }
0x91: {  	s16 =	simm.s32 $0xB;
	s4 =	simm.s32 $0x10  }
0x92: {  	[smem:s4], [sflag:s16] =	dma.local [hbm:s2], $0x1  }
0x93: {  	_ =	swait.eq [sflag:s16], $0x1  }
0x94: {  	[sflag:s16] =	ssyncset.done $0x0  }
0x95: {  	[sflag:s16] =	ssyncadd.s32 $0xFFFFFFFF  }
0x96: {  	s17 =	sld [smem:$0x10];
	(tm) =	ssettm $0x1  }
0x97: {  	s18 =	sld [smem:$0x3FFB];
	_ =	sdelay $0x3  }
0x98: {  	_ =	strace s18  }
0x99: {  	s2 =	sld [smem:$0x3FFC];
	_ =	sdelay $0x3  }
0x9a: {  	_ =	strace s2  }
0x9b: {  	s2 =	sld [smem:$0x3FFD];
	_ =	sdelay $0x3  }
0x9c: {  	_ =	strace s2  }
0x9d: {  	_ =	strace $0x8FFFFFFF  }
0x9e: {  	s19 =	sld [smem:$0x3FDB];
	_ =	sdelay $0x1  }
0x9f: {  	s20 =	simm.s32 $_scs_section_size  }
0xa0: {  	s5 =	simm.s32 $_size__tile_overlayer_lowered;
	s6 =	simm.s32 $_tile_overlayer_lowered  }
0xa1: {  	s7 =	simm.s32 $0x1BFF;
	s21 =	sshll.u32 s6, $0x1;
	s4 =	sadd.s32 s20, s19  }
0xa2: {  	s22 =	simm.s32 $0x0;
	s5 =	sshll.u32 s5, $0x1;
	s6 =	sadd.s32 s21, s4  }
0xa3: {  	[timem:s22], [sflag:s7] =	dma.local [hbm:s6], s5  }
0xa4: {  	_ =	swait.ge [sflag:s7], s5  }
0xa5: {  	s5 =	ssub.s32 $0x0, s5;
	[sflag:s7] =	ssyncset.done $0x0  }
0xa6: {  	[sflag:s7] =	ssyncadd.s32 s5;
	_ =	sdelay $0x1  }
0xa7: {  	s23 =	simm.s32 $0x1B8B  }
0xa8: {  	_ =	swait.ge [sflag:s23], $0x1  }
0xa9: {  	[sflag:s23] =	ssyncset.done $0x0  }
0xaa: {  	[sflag:s23] =	ssyncadd.s32 $0xFFFFFFFF  }
0xab: {  	s5 =	sld [smem:$0x0]  }
0xac: {  	s6 =	sand.u32 $0xFFFFFFFE, s1  }
0xad: {  	p0 =	sne.s32 s1, s6  }
0xae: {  	s6 =	sshll.u32 @p0 s6, $0xE  }
0xaf: {  	s6 =	sadd.s32 @p0 $0x11B8D, s6;
	s7 =	sshll.u32 @p0 s5, $0x11  }
0xb0: {  	s6 =	sor.u32 @p0 s7, s6  }
0xb1: {  	[sflag:s6] =	ssyncadd.remote.s32 @p0 $0x1;
	_ =	sdelay $0x1  }
0xb2: {  	s6 =	simm.s32 @p0 $0x1B8D  }
0xb3: {  	_ =	swait.eq @p0 [sflag:s6], $0x1  }
0xb4: {  	[sflag:s6] =	ssyncadd.s32 @p0 $0xFFFFFFFF  }
0xb5: {  	s7 =	sshll.u32 @!p0 s1, $0xE  }
0xb6: {  	s7 =	sor.u32 @!p0 $0x4000, s7;
	s6 =	simm.s32 @!p0 $0x1B8D  }
0xb7: {  	s5 =	sshll.u32 @!p0 s5, $0x11;
	s7 =	sadd.s32 @!p0 $0x11B8D, s7;
	_ =	swait.eq @!p0 [sflag:s6], $0x1  }
0xb8: {  	s5 =	sor.u32 @!p0 s5, s7;
	[sflag:s6] =	ssyncadd.s32 @!p0 $0xFFFFFFFF  }
0xb9: {  	s25 =	simm.s32 $0x1B8E;
	s24 =	sld [smem:$0x3FFE];
	[sflag:s5] =	ssyncadd.remote.s32 @!p0 $0x1  }
0xba: {  	s26 =	simm.s32 $execute0_lowered;
	[smem:$0x3FD2] =	sst s25  }
0xbb: {  	s6 =	sshll.u32 s26, $0x1;
	_ =	strace $0x80000058;
	[dreg:$0x1] =	wrdreg $0xFFFFFFFF  }
0xbc: {  	s28 =	simm.s32 $_size_execute0_lowered;
	s4 =	sadd.s32 s4, s6;
	[dreg:$0x0] =	wrdreg $0x0  }
0xbd: {  	s6 =	sshll.u32 s28, $0x1;
	[dreg:$0x2] =	wrdreg s4  }
0xbe: {  	[dreg:$0x3] =	wrdreg s6  }
0xbf: {  	[dreg:$0x4] =	wrdreg $0xC0  }
0xc0: {  	_ =	task [dreg:s22], $0x5FFFF  }
0xc1: {  	[dreg:$0x1] =	wrdreg $0xFFFFFFFF  }
0xc2: {  	[dreg:$0x0] =	wrdreg $0x60  }
0xc3: {  	[dreg:$0x2] =	wrdreg s24  }
0xc4: {  	[dreg:$0x3] =	wrdreg s17  }
0xc5: {  	[dreg:$0x4] =	wrdreg $0x0  }
0xc6: {  	[dreg:$0x5] =	wrdreg $0x9  }
0xc7: {  	_ =	task.clear_ibuf [dreg:s22], $0x6FFFF;
	_ =	strace $0x90000058  }
0xc8: {  	s29 =	simm.s32 $0x9;
	_ =	strace $0x8000005A  }
0xc9: {  	_ =	swait.ge [sflag:s29], $0x1  }
0xca: {  	[sflag:s29] =	ssyncadd.s32 $0xFFFFFFFF  }
0xcb: {  	_ =	strace $0x9000005A  }
0xcc: {  	_ =	sfence  }
0xcd: {  	s30 =	sld [smem:$0x0];
	_ =	sdelay $0x2  }
0xce: {  	s31 =	sshll.u32 s1, $0xD;
	s1 =	sshrl.u32 s1, $0x2  }
0xcf: {  	s4 =	sand.u32 $0x4000, s31;
	s1 =	sadd.s32 s1, s30  }
0xd0: {  	s0 =	sor.u32 s4, s0;
	s1 =	sshll.u32 s1, $0x11  }
0xd1: {  	s0 =	sor.u32 s1, s0  }
0xd2: {  	s0 =	sadd.s32 $0x8F2B, s0  }
0xd3: {  	[sflag:s0] =	ssyncadd.remote.s32 $0x1  }
0xd4: {  	_ =	sfence.sel $0xFFFF  }
0xd5: {  	[dreg:$0x0] =	wrdreg $0xFFFFFFFF;
	(pc) =	sbr.abs _section_cstart, $3  }
0xd6: {  	[dreg:$0x1] =	wrdreg $0xFFFFFFFF  }
0xd7: {  	_ =	task.clear_ibuf [dreg:s22], $0x2FFFF;
	_ =	strace $0x9FFFFFFF  }
0xd8: {  	(tm) =	ssettm $0x7FFFFFFF  }
0xd9: {  	_ =	shalt  }
tec
execute0_lowered:
.L_overlay_start_1:
0x0: {  	(tag) =	ssettag $0x1  }
0x1: {  	s4 =	rddreg [dreg:$0x0]  }
0x2: {  	s5 =	rddreg [dreg:$0x1]  }
0x3: {  	s2 =	rddreg [dreg:$0x2]  }
0x4: {  	s1 =	srdreg.scid;
	s0 =	rddreg [dreg:$0x3]  }
0x5: {  	s3 =	simm.s32 $0x0;
	s15 =	simm.s32 $0x13880;
	s16 =	simm.s32 $0x3  }
0x6: {  	s17 =	simm.s32 $0x1;
	s18 =	simm.s32 $0x80;
	s6 =	sand.u32 $0x1, s1  }
0x7: {  	s19 =	simm.s32 $0x2;
	s1 =	stileid.u32;
	s8 =	smul.u32 $0x138800, s6  }
0x8: {  	s20 =	simm.s32 $0x14B80;
	s21 =	simm.s32 $0x14C00;
	s9 =	smul.u32 $0x1F400, s1  }
0x9: {  	s22 =	simm.s32 $0x0;
	[smem:$0x7FF] =	sst s3;
	s26 =	smul.u32 $0x7D000, s1  }
0xa: {  	s11 =	sadd.s32 $0xD41C00, s4;
	s7 =	sshll.u32 s6, $0x4;
	s12 =	smul.u32 $0x3E80, s1  }
0xb: {  	_ =	strace $0x80000059;
	s28 =	ssub.s32 $0x2, s6;
	s29 =	smul.u32 $0x140000, s6  }
0xc: {  	s30 =	smul.u32 $0x14000, s1;
	p0 =	sgt.u32 s1, $0x9;
	s7 =	sor.u32 s1, s7  }
0xd: {  	s13 =	sshrl.u32 s28, $0x1;
	s10 =	smul.u32 $0x280, s7;
	s8 =	sadd.s32 s9, s8  }
0xe: {  	s7 =	smul.u32 $0x14000, s7;
	s13 =	ssub.s32 s28, s13;
	s31 =	sadd.s32 s29, s11  }
0xf: {  	s8 =	sshrl.u32 s8, $0x3;
	s9 =	smax.u32 s13, $0x1;
	s13 =	simm.s32 $0x14C80  }
0x10: {  	s25 =	sadd.s32 s10, s4;
	s8 =	sadd.s32 s8, s4;
	s10 =	sshrl.u32 s26, $0x2  }
0x11: {  	s4 =	sadd.s32 s5, s12;
	s5 =	sadd.s32 s11, s7;
	s11 =	sshll.u32 @!p0 s1, $0x6  }
0x12: {  	s14 =	sadd.s32 s10, s2;
	s6 =	sadd.s32 $0x800, s5;
	s7 =	sadd.s32 $0xCEEA00, s25  }
0x13: {  	s8 =	sadd.s32 $0xC800, s8;
	s10 =	sadd.s32 s30, s31;
	s11 =	sor.u32 @!p0 $0x1C03, s11  }
0x14: {  	s10 =	sadd.s32 $0x1800, s10;
	s12 =	sshrl.u32 @!p0 s14, $0x3;
	s14 =	simm.s32 $0x18C80  }
.LBB2_1:
0x15: {  	[spmem:s12], [sflag:s11] =	dma.local @!p0 [hbm:s4], $0x3E80  }
0x16: {  	s23 =	simm.s32 @!p0 $0x3  }
0x17: {  	_ =	swait.ge @!p0 [sflag:s23], $0x3E80  }
0x18: {  	[sflag:s23] =	ssyncset.done @!p0 $0x0  }
0x19: {  	[sflag:s23] =	ssyncadd.s32 @!p0 $0xFFFFC180  }
0x1a: {  	[bflag:$0x0] =	sbarrier.arrive $0xFFFF  }
0x1b: {  	[tilespmem:s13], [sflag:$0x1] =	stream.linear.gather [hbm4b:s5+s3], $0x4000, $0x38;
	[tilespmem:$0x1CC80] =	vst v63  }
0x1c: {  	_ = 	snop  }
0x1d: {  	[tilespmem:s14], [sflag:$0x2] =	stream.linear.gather [hbm4b:s6+s3], $0x4000, $0x38;
	[tilespmem:$0x1CC80] =	vst v63  }
0x1e: {  	_ = 	snop  }
0x1f: {  	[tilespmem:s15], [sflag:$0x3] =	stream.linear.gather [hbm4b:s7+s3], $0x1400, $0x38;
	[tilespmem:$0x1CC80] =	vst v63  }
0x20: {  	_ =	swait.ge [sflag:s16], $0x1400  }
0x21: {  	[sflag:s16] =	ssyncset.done $0x0  }
0x22: {  	[sflag:s16] =	ssyncadd.s32 $0xFFFFEC00  }
0x23: {  	_ =	swait.ge [sflag:s17], $0x4000  }
0x24: {  	[sflag:s17] =	ssyncset.done $0x0  }
0x25: {  	s29 =	simm.s32 $0x13880;
	[sflag:s17] =	ssyncadd.s32 $0xFFFFC000  }
0x26: {  	[spmem:s2] =	stream.indirect.scatter.add.f32 [tilespmem:s13], [sflag:$0x3], $0x80, s29, s18, $0xb8;
	[tilespmem:$0x1CC80] =	vst v63  }
0x27: {  	_ =	swait.ge [sflag:s16], $0x4000  }
0x28: {  	[sflag:s16] =	ssyncset.done $0x0  }
0x29: {  	s30 =	sadd.s32 $0xFFFFF800, s10;
	[sflag:s16] =	ssyncadd.s32 $0xFFFFC000  }
0x2a: {  	[tilespmem:s13], [sflag:$0x1] =	stream.linear.gather [hbm4b:s30+s3], $0x4000, $0x38;
	[tilespmem:$0x1CC80] =	vst v63  }
0x2b: {  	_ =	swait.ge [sflag:s19], $0x4000  }
0x2c: {  	[sflag:s19] =	ssyncset.done $0x0  }
0x2d: {  	s31 =	simm.s32 $0x13900;
	[sflag:s19] =	ssyncadd.s32 $0xFFFFC000  }
0x2e: {  	[spmem:s2] =	stream.indirect.scatter.add.f32 [tilespmem:s14], [sflag:$0x3], $0x80, s31, s18, $0xb8;
	[tilespmem:$0x1CC80] =	vst v63  }
0x2f: {  	_ =	swait.ge [sflag:s16], $0x4000  }
0x30: {  	s24 =	sadd.s32 $0x1000, s10;
	[sflag:s16] =	ssyncset.done $0x0  }
0x31: {  	s25 =	smov.u32 s10;
	s23 =	simm.s32 $0x400;
	[sflag:s16] =	ssyncadd.s32 $0xFFFFC000  }
.LBB2_2:
0x32: {  	[tilespmem:s14], [sflag:$0x2] =	stream.linear.gather [hbm4b:s25+s3], $0x4000, $0x38;
	[tilespmem:$0x1CC80] =	vst v63  }
0x33: {  	s26 =	smov.u32 s23;
	s25 =	smov.u32 s24  }
0x34: {  	p1 =	sne.s32 s23, $0x4800;
	s23 =	sadd.s32 $0x400, s23;
	_ =	swait.ge [sflag:s17], $0x4000  }
0x35: {  	s26 =	sshra.s32 s26, $0x2;
	[sflag:s17] =	ssyncset.done $0x0  }
0x36: {  	s28 =	sadd.s32 $0x13880, s26;
	[sflag:s17] =	ssyncadd.s32 $0xFFFFC000  }
0x37: {  	[spmem:s2] =	stream.indirect.scatter.add.f32 [tilespmem:s13], [sflag:$0x3], $0x80, s28, s18, $0xb8;
	[tilespmem:$0x1CC80] =	vst v63  }
0x38: {  	_ =	swait.ge [sflag:s16], $0x4000  }
0x39: {  	[sflag:s16] =	ssyncset.done $0x0  }
0x3a: {  	s28 =	sadd.s32 $0xFFFFF800, s24;
	[sflag:s16] =	ssyncadd.s32 $0xFFFFC000  }
0x3b: {  	[tilespmem:s13], [sflag:$0x1] =	stream.linear.gather [hbm4b:s28+s3], $0x4000, $0x38;
	[tilespmem:$0x1CC80] =	vst v63  }
0x3c: {  	_ =	swait.ge [sflag:s19], $0x4000  }
0x3d: {  	[sflag:s19] =	ssyncset.done $0x0  }
.Ltmp0:
0x3e: {  	s26 =	sadd.s32 $0x13900, s26;
	[sflag:s19] =	ssyncadd.s32 $0xFFFFC000;
	(pc) =	sbr.rel @p1 .LBB2_2-.Ltmp0, $4  }
0x3f: {  	[spmem:s2] =	stream.indirect.scatter.add.f32 [tilespmem:s14], [sflag:$0x3], $0x80, s26, s18, $0xb8;
	[tilespmem:$0x1CC80] =	vst v63  }
0x40: {  	_ =	swait.ge [sflag:s16], $0x4000  }
0x41: {  	[sflag:s16] =	ssyncset.done $0x0  }
0x42: {  	s24 =	sadd.s32 $0x1000, s24;
	[sflag:s16] =	ssyncadd.s32 $0xFFFFC000  }
0x43: {  	[tilespmem:s14], [sflag:$0x2] =	stream.linear.gather [hbm4b:s25+s3], $0x4000, $0x38;
	[tilespmem:$0x1CC80] =	vst v63  }
0x44: {  	_ =	swait.ge [sflag:s17], $0x4000  }
0x45: {  	[sflag:s17] =	ssyncset.done $0x0  }
0x46: {  	[sflag:s17] =	ssyncadd.s32 $0xFFFFC000  }
0x47: {  	[spmem:s2] =	stream.indirect.scatter.add.f32 [tilespmem:s13], [sflag:$0x3], $0x80, s20, s18, $0xb8;
	[tilespmem:$0x1CC80] =	vst v63  }
0x48: {  	_ =	swait.ge [sflag:s16], $0x4000  }
0x49: {  	[sflag:s16] =	ssyncset.done $0x0  }
0x4a: {  	[sflag:s16] =	ssyncadd.s32 $0xFFFFC000  }
0x4b: {  	_ =	swait.ge [sflag:s19], $0x4000  }
0x4c: {  	[sflag:s19] =	ssyncset.done $0x0  }
0x4d: {  	[sflag:s19] =	ssyncadd.s32 $0xFFFFC000  }
0x4e: {  	[spmem:s2] =	stream.indirect.scatter.add.f32 [tilespmem:s14], [sflag:$0x3], $0x80, s21, s18, $0xb8;
	[tilespmem:$0x1CC80] =	vst v63  }
0x4f: {  	_ =	swait.ge [sflag:s16], $0x4000  }
0x50: {  	s22 =	sadd.s32 $0x1, s22;
	[sflag:s16] =	ssyncset.done $0x0  }
0x51: {  	p1 =	sne.s32 s22, s9;
	[sflag:s16] =	ssyncadd.s32 $0xFFFFC000  }
.Ltmp1:
0x52: {  	s23 =	simm.s32 @!p0 $0x3;
	[bflag:$0x0] =	sbarrier.arrive $0xFFFF;
	(pc) =	sbr.rel @p1 .LBB2_1-.Ltmp1, $4  }
0x53: {  	[hbm:s8], [sflag:s11] =	dma.local @!p0 [spmem:s12], $0x3E80  }
0x54: {  	_ =	swait.ge @!p0 [sflag:s23], $0x3E80  }
0x55: {  	[sflag:s23] =	ssyncset.done @!p0 $0x0  }
0x56: {  	[sflag:s23] =	ssyncadd.s32 @!p0 $0xFFFFC180  }
0x57: {  	_ =	sfence.sel $0x180000  }
0x58: {  	[bflag:$0x0] =	sbarrier.arrive $0xFFFF  }
0x59: {  	p0 =	sne.s32 s1, $0x0;
	_ =	strace $0x90000059  }
0x5a: {  	s0 =	sadd.s32 @!p0 $0x100000, s0;
	[bflag:$0x2] =	sbarrier.arrive $0xFFFF  }
0x5b: {  	[sflag:s0] =	ssyncadd.tile.s32 @!p0 $0x1;
	_ =	shalt  }
.Lfunc_end2:
_tile_overlayer_lowered:
.L_overlay_start_2:
0x5c: {  	(tag) =	ssettag $0x2  }
0x5d: {  	s0 =	rddreg [dreg:$0x0];
	s2 =	stileid.u32  }
0x5e: {  	s1 =	rddreg [dreg:$0x1];
	p0 =	sne.s32 s2, $0x0  }
0x5f: {  	s3 =	rddreg [dreg:$0x2];
	[bflag:$0x3] =	sbarrier.arrive $0xFFFF;
	s2 =	simm.s32 @!p0 $0x1C03  }
0x60: {  	[timem:s3], [sflag:s2] =	dma.local @!p0 [hbm:s0], s1  }
0x61: {  	s0 =	simm.s32 @!p0 $0x3  }
0x62: {  	_ =	swait.ge @!p0 [sflag:s0], s1  }
0x63: {  	s1 =	ssub.s32 @!p0 $0x0, s1;
	[sflag:s0] =	ssyncset.done @!p0 $0x0  }
0x64: {  	[sflag:s0] =	ssyncadd.s32 @!p0 s1  }
0x65: {  	[bflag:$0x3] =	sbarrier.arrive $0xFFFF  }
0x66: {  	_ =	shalt  }

// kernel: kernel.34.cloned.1.call-start
scs
__scs_entry_jumppad:
0x0: {  	(pc) =	sbr.rel $0x88, $3  }
0x1: {  	(tag) =	ssettag $0x0;
	lr =	simm.s32 $0x1  }
0x2: {  	[smem:$0x3F81] =	sst lr;
	_ =	strace $0xD0000000  }
0x3: {  	_ = 	snop  }
0x4: {  	_ = 	snop  }
0x5: {  	_ = 	snop  }
0x6: {  	_ = 	snop  }
0x7: {  	_ = 	snop  }
__scs_overlays_trampoline_lowered:
0x8: {  	[smem:$0x3F90] =	sst s0  }
0x9: {  	[smem:$0x3F91] =	sst s1  }
0xa: {  	[smem:$0x3F92] =	sst s2  }
0xb: {  	[smem:$0x3F93] =	sst s3  }
0xc: {  	[smem:$0x3F94] =	sst s4  }
0xd: {  	[smem:$0x3F95] =	sst s5  }
0xe: {  	[smem:$0x3F96] =	sst s6  }
0xf: {  	[smem:$0x3F97] =	sst s7  }
0x10: {  	[smem:$0x3F98] =	sst s8  }
0x11: {  	[smem:$0x3F99] =	sst s9;
	s0 =	simm.s32 @!p0 $0x0  }
0x12: {  	s1 =	sld [smem:$0x3F7F];
	s0 =	simm.s32 @p0 $0x1  }
0x13: {  	[smem:$0x3F9A] =	sst s0;
	s0 =	simm.s32 @!p1 $0x0  }
0x14: {  	s2 =	sld [smem:$0x3F7E];
	s0 =	simm.s32 @p1 $0x1  }
0x15: {  	[smem:$0x3F9B] =	sst s0;
	s0 =	simm.s32 @!p2 $0x0  }
0x16: {  	s3 =	sld [smem:$0x3FDB];
	s0 =	simm.s32 @p2 $0x1  }
0x17: {  	s4 =	simm.s32 $0x1BF5;
	[smem:$0x3F9D] =	sst s0  }
0x18: {  	s0 =	sld [smem:$0x3F80];
	_ =	swait.ge [sflag:s4], $0x0  }
0x19: {  	s7 =	sld [smem:$0x3F81]  }
0x1a: {  	s8 =	sadd.s32 $0xFFFFE003, lr  }
0x1b: {  	s9 =	sadd.s32 $0xFFFFFEF7, lr;
	s5 =	simm.s32 $0xFFFFFFFF;
	p2 =	slt.u32 s8, $0xFFFFF086  }
0x1c: {  	p1 =	slt.u32 s9, $0xF7A;
	s5 =	simm.s32 @!p2 $0x0  }
0x1d: {  	s5 =	simm.s32 @p1 $0x1;
	p0 =	seq.s32 s7, s2  }
0x1e: {  	s7 =	smul.u32 @!p0 $0xF7A, s2;
	p2 =	seq.s32 @!p0 s5, $0x0  }
0x1f: {  	s9 =	smul.u32 $0xF7A, s1;
	s8 =	simm.s32 @!p0 $0x1BF5;
	p2 =	por !p2, p0  }
0x20: {  	[sflag:s8] =	ssyncset.s32 @!p0 $0xFFFFF086;
	s6 =	sadd.s32 @!p0 s3, s7;
	s7 =	simm.s32 @!p0 $0x108  }
0x21: {  	s3 =	sadd.s32 s3, s9;
	s6 =	sadd.s32 @!p0 $0x88, s6;
	s7 =	simm.s32 @p2 $0x1082  }
0x22: {  	[simem:s7], [sflag:s8] =	dma.local @!p0 [hbm:s6], $0xF7A  }
0x23: {  	s9 =	sor.u32 $0xD0000000, s2;
	s6 =	simm.s32 $0x108;
	_ =	swait.ge @!p0 [sflag:s8], $0x0  }
0x24: {  	s3 =	sadd.s32 $0x88, s3;
	s6 =	simm.s32 @!p1 $0x1082;
	[sflag:s4] =	ssyncset.s32 $0xFFFFF086  }
0x25: {  	[simem:s6], [sflag:s4] =	dma.local [hbm:s3], $0xF7A  }
0x26: {  	[smem:$0x3F81] =	sst s1;
	(tag) =	ssettag s2;
	_ =	strace s9  }
0x27: {  	s1 =	sld [smem:$0x3F91]  }
0x28: {  	s2 =	sld [smem:$0x3F92]  }
0x29: {  	s4 =	sld [smem:$0x3F94]  }
0x2a: {  	p0 =	seq.s32 s5, $0x0;
	s5 =	sld [smem:$0x3F95]  }
0x2b: {  	s6 =	sld [smem:$0x3F96]  }
0x2c: {  	s7 =	sld [smem:$0x3F97]  }
0x2d: {  	s3 =	simm.s32 $0x108;
	s8 =	sld [smem:$0x3F98]  }
0x2e: {  	s3 =	simm.s32 @!p0 $0x1082;
	s9 =	sld [smem:$0x3F99]  }
0x2f: {  	lr =	sadd.s32 s0, s3;
	s0 =	sld [smem:$0x3F90]  }
0x30: {  	s3 =	sld [smem:$0x3F93]  }
0x31: {  	[smem:$0x3F9C] =	sst s10  }
0x32: {  	s10 =	sld [smem:$0x3F9A];
	_ =	sdelay $0x3  }
0x33: {  	p0 =	seq.s32 s10, $0x1;
	s10 =	sld [smem:$0x3F9C];
	_ =	sdelay $0x3  }
0x34: {  	[smem:$0x3F9C] =	sst s10  }
0x35: {  	s10 =	sld [smem:$0x3F9B];
	_ =	sdelay $0x3  }
0x36: {  	p1 =	seq.s32 s10, $0x1;
	s10 =	sld [smem:$0x3F9C];
	_ =	sdelay $0x3  }
0x37: {  	[smem:$0x3F9C] =	sst s10  }
0x38: {  	s10 =	sld [smem:$0x3F9D]  }
0x39: {  	_ = 	snop;
	(pc) =	sbr.ind lr, $3  }
0x3a: {  	_ = 	snop  }
0x3b: {  	_ = 	snop  }
0x3c: {  	p2 =	seq.s32 s10, $0x1;
	s10 =	sld [smem:$0x3F9C]  }
0x3d: {  	_ =	shalt  }
0x3e: {  	_ =	shalt  }
0x3f: {  	_ =	shalt  }
0x40: {  	_ =	shalt  }
0x41: {  	_ =	shalt  }
0x42: {  	_ =	shalt  }
0x43: {  	_ =	shalt  }
0x44: {  	_ =	shalt  }
0x45: {  	_ =	shalt  }
0x46: {  	_ =	shalt  }
0x47: {  	_ =	shalt  }
0x48: {  	_ =	shalt  }
0x49: {  	_ =	shalt  }
0x4a: {  	_ =	shalt  }
0x4b: {  	_ =	shalt  }
0x4c: {  	_ =	shalt  }
0x4d: {  	_ =	shalt  }
0x4e: {  	_ =	shalt  }
0x4f: {  	_ =	shalt  }
0x50: {  	_ =	shalt  }
0x51: {  	_ =	shalt  }
0x52: {  	_ =	shalt  }
0x53: {  	_ =	shalt  }
0x54: {  	_ =	shalt  }
0x55: {  	_ =	shalt  }
0x56: {  	_ =	shalt  }
0x57: {  	_ =	shalt  }
0x58: {  	_ =	shalt  }
0x59: {  	_ =	shalt  }
0x5a: {  	_ =	shalt  }
0x5b: {  	_ =	shalt  }
0x5c: {  	_ =	shalt  }
0x5d: {  	_ =	shalt  }
0x5e: {  	_ =	shalt  }
0x5f: {  	_ =	shalt  }
0x60: {  	_ =	shalt  }
0x61: {  	_ =	shalt  }
0x62: {  	_ =	shalt  }
0x63: {  	_ =	shalt  }
0x64: {  	_ =	shalt  }
0x65: {  	_ =	shalt  }
0x66: {  	_ =	shalt  }
0x67: {  	_ =	shalt  }
0x68: {  	_ =	shalt  }
0x69: {  	_ =	shalt  }
0x6a: {  	_ =	shalt  }
0x6b: {  	_ =	shalt  }
0x6c: {  	_ =	shalt  }
0x6d: {  	_ =	shalt  }
0x6e: {  	_ =	shalt  }
0x6f: {  	_ =	shalt  }
0x70: {  	_ =	shalt  }
0x71: {  	_ =	shalt  }
0x72: {  	_ =	shalt  }
0x73: {  	_ =	shalt  }
0x74: {  	_ =	shalt  }
0x75: {  	_ =	shalt  }
0x76: {  	_ =	shalt  }
0x77: {  	_ =	shalt  }
0x78: {  	_ =	shalt  }
0x79: {  	_ =	shalt  }
0x7a: {  	_ =	shalt  }
0x7b: {  	_ =	shalt  }
0x7c: {  	_ =	shalt  }
0x7d: {  	_ =	shalt  }
0x7e: {  	_ =	shalt  }
0x7f: {  	_ =	shalt  }
0x80: {  	_ =	shalt  }
0x81: {  	_ =	shalt  }
0x82: {  	_ =	shalt  }
0x83: {  	_ =	shalt  }
0x84: {  	_ =	shalt  }
0x85: {  	_ =	shalt  }
0x86: {  	_ =	shalt  }
0x87: {  	_ =	shalt  }
.Lfunc_end0:
.L_simem_size_0:
called_computation.6_lowered:
.L_overlay_start_0:
0x88: {  	s2 =	sld [smem:$0x3FD9]  }
0x89: {  	s3 =	sld [smem:$0x3FFE];
	_ =	sdelay $0x1  }
0x8a: {  	s1 =	srdreg.scid  }
0x8b: {  	s0 =	sand.u32 $0x1, s1  }
0x8c: {  	s14 =	sshll.u32 s0, $0xA;
	s2 =	sadd.s32 s3, s2  }
0x8d: {  	s2 =	sadd.s32 s2, s14  }
0x8e: {  	[smem:$0x3FA8] =	sst s2  }
0x8f: {  	_ = 	snop  }
0x90: {  	s2 =	sld [smem:$0x3FD0];
	_ =	sdelay $0x2  }
0x91: {  	s15 =	simm.s32 $0xB;
	s4 =	simm.s32 $0x10  }
0x92: {  	[smem:s4], [sflag:s15] =	dma.local [hbm:s2], $0x1  }
0x93: {  	_ =	swait.eq [sflag:s15], $0x1  }
0x94: {  	[sflag:s15] =	ssyncset.done $0x0  }
0x95: {  	[sflag:s15] =	ssyncadd.s32 $0xFFFFFFFF  }
0x96: {  	s16 =	sld [smem:$0x10];
	(tm) =	ssettm $0x1  }
0x97: {  	s17 =	sld [smem:$0x3FFB];
	_ =	sdelay $0x3  }
0x98: {  	_ =	strace s17  }
0x99: {  	s3 =	sld [smem:$0x3FFC];
	_ =	sdelay $0x3  }
0x9a: {  	_ =	strace s3  }
0x9b: {  	s3 =	sld [smem:$0x3FFD];
	_ =	sdelay $0x3  }
0x9c: {  	_ =	strace s3  }
0x9d: {  	_ =	strace $0x8FFFFFFF  }
0x9e: {  	s18 =	sld [smem:$0x3FDB];
	_ =	sdelay $0x1  }
0x9f: {  	s19 =	simm.s32 $_scs_section_size  }
0xa0: {  	s5 =	simm.s32 $_size__tile_overlayer_lowered;
	s6 =	simm.s32 $_tile_overlayer_lowered  }
0xa1: {  	s22 =	simm.s32 $0x1BFF;
	s21 =	sshll.u32 s6, $0x1;
	s3 =	sadd.s32 s19, s18  }
0xa2: {  	s7 =	simm.s32 $0x0;
	s20 =	sshll.u32 s5, $0x1;
	s5 =	sadd.s32 s21, s3  }
0xa3: {  	[timem:s7], [sflag:s22] =	dma.local [hbm:s5], s20  }
0xa4: {  	_ =	swait.ge [sflag:s22], s20  }
0xa5: {  	s4 =	ssub.s32 $0x0, s20;
	[sflag:s22] =	ssyncset.done $0x0  }
0xa6: {  	[sflag:s22] =	ssyncadd.s32 s4;
	_ =	sdelay $0x1  }
0xa7: {  	s23 =	simm.s32 $0x1B8B  }
0xa8: {  	_ =	swait.ge [sflag:s23], $0x1  }
0xa9: {  	[sflag:s23] =	ssyncset.done $0x0  }
0xaa: {  	s25 =	simm.s32 $0x1B8E;
	s24 =	sld [smem:$0x3FFE];
	[sflag:s23] =	ssyncadd.s32 $0xFFFFFFFF  }
0xab: {  	s26 =	simm.s32 $execute0_lowered;
	[smem:$0x3FD2] =	sst s25  }
0xac: {  	s5 =	sshll.u32 s26, $0x1;
	_ =	strace $0x80000055;
	[dreg:$0x1] =	wrdreg $0xFFFFFFFF  }
0xad: {  	s28 =	simm.s32 $_size_execute0_lowered;
	s3 =	sadd.s32 s3, s5;
	[dreg:$0x0] =	wrdreg $0x0  }
0xae: {  	s5 =	sshll.u32 s28, $0x1;
	[dreg:$0x2] =	wrdreg s3  }
0xaf: {  	[dreg:$0x3] =	wrdreg s5  }
0xb0: {  	[dreg:$0x4] =	wrdreg $0xC0  }
0xb1: {  	_ =	task [dreg:s7], $0x5FFFF  }
0xb2: {  	[dreg:$0x1] =	wrdreg $0xFFFFFFFF  }
0xb3: {  	[dreg:$0x0] =	wrdreg $0x60  }
0xb4: {  	[dreg:$0x2] =	wrdreg s24  }
0xb5: {  	[dreg:$0x3] =	wrdreg s16  }
0xb6: {  	[dreg:$0x4] =	wrdreg $0x0  }
0xb7: {  	[dreg:$0x5] =	wrdreg $0xA  }
0xb8: {  	_ =	task.clear_ibuf [dreg:s7], $0x6FFFF;
	_ =	strace $0x90000055  }
0xb9: {  	s29 =	simm.s32 $0xA;
	_ =	strace $0x80000057  }
0xba: {  	_ =	swait.ge [sflag:s29], $0x1  }
0xbb: {  	[sflag:s29] =	ssyncadd.s32 $0xFFFFFFFF  }
0xbc: {  	_ =	strace $0x90000057  }
0xbd: {  	_ =	sfence  }
0xbe: {  	s30 =	sld [smem:$0x0];
	_ =	sdelay $0x2  }
0xbf: {  	s31 =	sshll.u32 s1, $0xD;
	s1 =	sshrl.u32 s1, $0x2  }
0xc0: {  	s3 =	sand.u32 $0x4000, s31;
	s1 =	sadd.s32 s1, s30  }
0xc1: {  	s0 =	sor.u32 s3, s0;
	s1 =	sshll.u32 s1, $0x11  }
0xc2: {  	s0 =	sor.u32 s1, s0  }
0xc3: {  	s0 =	sadd.s32 $0x8F2B, s0  }
0xc4: {  	[sflag:s0] =	ssyncadd.remote.s32 $0x1  }
0xc5: {  	_ =	sfence.sel $0xFFFF  }
0xc6: {  	[dreg:$0x0] =	wrdreg $0xFFFFFFFF;
	(pc) =	sbr.abs _section_cstart, $3  }
0xc7: {  	[dreg:$0x1] =	wrdreg $0xFFFFFFFF  }
0xc8: {  	_ =	task.clear_ibuf [dreg:s7], $0x2FFFF;
	_ =	strace $0x9FFFFFFF  }
0xc9: {  	(tm) =	ssettm $0x7FFFFFFF  }
tec
execute0_lowered:
.L_overlay_start_1:
0x0: {  	(tag) =	ssettag $0x1  }
0x1: {  	s4 =	rddreg [dreg:$0x0]  }
0x2: {  	s5 =	rddreg [dreg:$0x1]  }
0x3: {  	s2 =	rddreg [dreg:$0x2]  }
0x4: {  	s1 =	srdreg.scid;
	s0 =	rddreg [dreg:$0x3]  }
0x5: {  	s3 =	simm.s32 $0x0;
	s15 =	simm.s32 $0x13880;
	s16 =	simm.s32 $0x3  }
0x6: {  	s17 =	simm.s32 $0x1;
	s18 =	simm.s32 $0x80;
	s6 =	sand.u32 $0x1, s1  }
0x7: {  	s19 =	simm.s32 $0x2;
	s1 =	stileid.u32;
	s8 =	smul.u32 $0x138800, s6  }
0x8: {  	s20 =	simm.s32 $0x14B80;
	s21 =	simm.s32 $0x14C00;
	s9 =	smul.u32 $0x1F400, s1  }
0x9: {  	s22 =	simm.s32 $0x0;
	[smem:$0x7FF] =	sst s3;
	s26 =	smul.u32 $0x7D000, s1  }
0xa: {  	s11 =	sadd.s32 $0xA42A00, s4;
	s7 =	sshll.u32 s6, $0x4;
	s12 =	smul.u32 $0x3E80, s1  }
0xb: {  	_ =	strace $0x80000056;
	s28 =	ssub.s32 $0x2, s6;
	s29 =	smul.u32 $0x140000, s6  }
0xc: {  	s30 =	smul.u32 $0x14000, s1;
	p0 =	sgt.u32 s1, $0x9;
	s7 =	sor.u32 s1, s7  }
0xd: {  	s13 =	sshrl.u32 s28, $0x1;
	s10 =	smul.u32 $0x280, s7;
	s8 =	sadd.s32 s9, s8  }
0xe: {  	s7 =	smul.u32 $0x14000, s7;
	s13 =	ssub.s32 s28, s13;
	s31 =	sadd.s32 s29, s11  }
0xf: {  	s8 =	sshrl.u32 s8, $0x3;
	s9 =	smax.u32 s13, $0x1;
	s13 =	simm.s32 $0x14C80  }
0x10: {  	s25 =	sadd.s32 s10, s4;
	s8 =	sadd.s32 s8, s4;
	s10 =	sshrl.u32 s26, $0x2  }
0x11: {  	s4 =	sadd.s32 s5, s12;
	s5 =	sadd.s32 s11, s7;
	s11 =	sshll.u32 @!p0 s1, $0x6  }
0x12: {  	s14 =	sadd.s32 s10, s2;
	s6 =	sadd.s32 $0x800, s5;
	s7 =	sadd.s32 $0x7800, s25  }
0x13: {  	s8 =	sadd.s32 $0xCF3A00, s8;
	s10 =	sadd.s32 s30, s31;
	s11 =	sor.u32 @!p0 $0x1C03, s11  }
0x14: {  	s10 =	sadd.s32 $0x1800, s10;
	s12 =	sshrl.u32 @!p0 s14, $0x3;
	s14 =	simm.s32 $0x18C80  }
.LBB2_1:
0x15: {  	[spmem:s12], [sflag:s11] =	dma.local @!p0 [hbm:s4], $0x3E80  }
0x16: {  	s23 =	simm.s32 @!p0 $0x3  }
0x17: {  	_ =	swait.ge @!p0 [sflag:s23], $0x3E80  }
0x18: {  	[sflag:s23] =	ssyncset.done @!p0 $0x0  }
0x19: {  	[sflag:s23] =	ssyncadd.s32 @!p0 $0xFFFFC180  }
0x1a: {  	[bflag:$0x0] =	sbarrier.arrive $0xFFFF  }
0x1b: {  	[tilespmem:s13], [sflag:$0x1] =	stream.linear.gather [hbm4b:s5+s3], $0x4000, $0x38;
	[tilespmem:$0x1CC80] =	vst v63  }
0x1c: {  	_ = 	snop  }
0x1d: {  	[tilespmem:s14], [sflag:$0x2] =	stream.linear.gather [hbm4b:s6+s3], $0x4000, $0x38;
	[tilespmem:$0x1CC80] =	vst v63  }
0x1e: {  	_ = 	snop  }
0x1f: {  	[tilespmem:s15], [sflag:$0x3] =	stream.linear.gather [hbm4b:s7+s3], $0x1400, $0x38;
	[tilespmem:$0x1CC80] =	vst v63  }
0x20: {  	_ =	swait.ge [sflag:s16], $0x1400  }
0x21: {  	[sflag:s16] =	ssyncset.done $0x0  }
0x22: {  	[sflag:s16] =	ssyncadd.s32 $0xFFFFEC00  }
0x23: {  	_ =	swait.ge [sflag:s17], $0x4000  }
0x24: {  	[sflag:s17] =	ssyncset.done $0x0  }
0x25: {  	s29 =	simm.s32 $0x13880;
	[sflag:s17] =	ssyncadd.s32 $0xFFFFC000  }
0x26: {  	[spmem:s2] =	stream.indirect.scatter.add.f32 [tilespmem:s13], [sflag:$0x3], $0x80, s29, s18, $0xb8;
	[tilespmem:$0x1CC80] =	vst v63  }
0x27: {  	_ =	swait.ge [sflag:s16], $0x4000  }
0x28: {  	[sflag:s16] =	ssyncset.done $0x0  }
0x29: {  	s30 =	sadd.s32 $0xFFFFF800, s10;
	[sflag:s16] =	ssyncadd.s32 $0xFFFFC000  }
0x2a: {  	[tilespmem:s13], [sflag:$0x1] =	stream.linear.gather [hbm4b:s30+s3], $0x4000, $0x38;
	[tilespmem:$0x1CC80] =	vst v63  }
0x2b: {  	_ =	swait.ge [sflag:s19], $0x4000  }
0x2c: {  	[sflag:s19] =	ssyncset.done $0x0  }
0x2d: {  	s31 =	simm.s32 $0x13900;
	[sflag:s19] =	ssyncadd.s32 $0xFFFFC000  }
0x2e: {  	[spmem:s2] =	stream.indirect.scatter.add.f32 [tilespmem:s14], [sflag:$0x3], $0x80, s31, s18, $0xb8;
	[tilespmem:$0x1CC80] =	vst v63  }
0x2f: {  	_ =	swait.ge [sflag:s16], $0x4000  }
0x30: {  	s24 =	sadd.s32 $0x1000, s10;
	[sflag:s16] =	ssyncset.done $0x0  }
0x31: {  	s25 =	smov.u32 s10;
	s23 =	simm.s32 $0x400;
	[sflag:s16] =	ssyncadd.s32 $0xFFFFC000  }
.LBB2_2:
0x32: {  	[tilespmem:s14], [sflag:$0x2] =	stream.linear.gather [hbm4b:s25+s3], $0x4000, $0x38;
	[tilespmem:$0x1CC80] =	vst v63  }
0x33: {  	s26 =	smov.u32 s23;
	s25 =	smov.u32 s24  }
0x34: {  	p1 =	sne.s32 s23, $0x4800;
	s23 =	sadd.s32 $0x400, s23;
	_ =	swait.ge [sflag:s17], $0x4000  }
0x35: {  	s26 =	sshra.s32 s26, $0x2;
	[sflag:s17] =	ssyncset.done $0x0  }
0x36: {  	s28 =	sadd.s32 $0x13880, s26;
	[sflag:s17] =	ssyncadd.s32 $0xFFFFC000  }
0x37: {  	[spmem:s2] =	stream.indirect.scatter.add.f32 [tilespmem:s13], [sflag:$0x3], $0x80, s28, s18, $0xb8;
	[tilespmem:$0x1CC80] =	vst v63  }
0x38: {  	_ =	swait.ge [sflag:s16], $0x4000  }
0x39: {  	[sflag:s16] =	ssyncset.done $0x0  }
0x3a: {  	s28 =	sadd.s32 $0xFFFFF800, s24;
	[sflag:s16] =	ssyncadd.s32 $0xFFFFC000  }
0x3b: {  	[tilespmem:s13], [sflag:$0x1] =	stream.linear.gather [hbm4b:s28+s3], $0x4000, $0x38;
	[tilespmem:$0x1CC80] =	vst v63  }
0x3c: {  	_ =	swait.ge [sflag:s19], $0x4000  }
0x3d: {  	[sflag:s19] =	ssyncset.done $0x0  }
.Ltmp0:
0x3e: {  	s26 =	sadd.s32 $0x13900, s26;
	[sflag:s19] =	ssyncadd.s32 $0xFFFFC000;
	(pc) =	sbr.rel @p1 .LBB2_2-.Ltmp0, $4  }
0x3f: {  	[spmem:s2] =	stream.indirect.scatter.add.f32 [tilespmem:s14], [sflag:$0x3], $0x80, s26, s18, $0xb8;
	[tilespmem:$0x1CC80] =	vst v63  }
0x40: {  	_ =	swait.ge [sflag:s16], $0x4000  }
0x41: {  	[sflag:s16] =	ssyncset.done $0x0  }
0x42: {  	s24 =	sadd.s32 $0x1000, s24;
	[sflag:s16] =	ssyncadd.s32 $0xFFFFC000  }
0x43: {  	[tilespmem:s14], [sflag:$0x2] =	stream.linear.gather [hbm4b:s25+s3], $0x4000, $0x38;
	[tilespmem:$0x1CC80] =	vst v63  }
0x44: {  	_ =	swait.ge [sflag:s17], $0x4000  }
0x45: {  	[sflag:s17] =	ssyncset.done $0x0  }
0x46: {  	[sflag:s17] =	ssyncadd.s32 $0xFFFFC000  }
0x47: {  	[spmem:s2] =	stream.indirect.scatter.add.f32 [tilespmem:s13], [sflag:$0x3], $0x80, s20, s18, $0xb8;
	[tilespmem:$0x1CC80] =	vst v63  }
0x48: {  	_ =	swait.ge [sflag:s16], $0x4000  }
0x49: {  	[sflag:s16] =	ssyncset.done $0x0  }
0x4a: {  	[sflag:s16] =	ssyncadd.s32 $0xFFFFC000  }
0x4b: {  	_ =	swait.ge [sflag:s19], $0x4000  }
0x4c: {  	[sflag:s19] =	ssyncset.done $0x0  }
0x4d: {  	[sflag:s19] =	ssyncadd.s32 $0xFFFFC000  }
0x4e: {  	[spmem:s2] =	stream.indirect.scatter.add.f32 [tilespmem:s14], [sflag:$0x3], $0x80, s21, s18, $0xb8;
	[tilespmem:$0x1CC80] =	vst v63  }
0x4f: {  	_ =	swait.ge [sflag:s16], $0x4000  }
0x50: {  	s22 =	sadd.s32 $0x1, s22;
	[sflag:s16] =	ssyncset.done $0x0  }
0x51: {  	p1 =	sne.s32 s22, s9;
	[sflag:s16] =	ssyncadd.s32 $0xFFFFC000  }
.Ltmp1:
0x52: {  	s23 =	simm.s32 @!p0 $0x3;
	[bflag:$0x0] =	sbarrier.arrive $0xFFFF;
	(pc) =	sbr.rel @p1 .LBB2_1-.Ltmp1, $4  }
0x53: {  	[hbm:s8], [sflag:s11] =	dma.local @!p0 [spmem:s12], $0x3E80  }
0x54: {  	_ =	swait.ge @!p0 [sflag:s23], $0x3E80  }
0x55: {  	[sflag:s23] =	ssyncset.done @!p0 $0x0  }
0x56: {  	[sflag:s23] =	ssyncadd.s32 @!p0 $0xFFFFC180  }
0x57: {  	_ =	sfence.sel $0x180000  }
0x58: {  	[bflag:$0x0] =	sbarrier.arrive $0xFFFF  }
0x59: {  	p0 =	sne.s32 s1, $0x0;
	_ =	strace $0x90000056  }
0x5a: {  	s0 =	sadd.s32 @!p0 $0x100000, s0;
	[bflag:$0x2] =	sbarrier.arrive $0xFFFF  }
0x5b: {  	[sflag:s0] =	ssyncadd.tile.s32 @!p0 $0x1;
	_ =	shalt  }
.Lfunc_end2:
_tile_overlayer_lowered:
.L_overlay_start_2:
0x5c: {  	(tag) =	ssettag $0x2  }
0x5d: {  	s0 =	rddreg [dreg:$0x0];
	s2 =	stileid.u32  }
0x5e: {  	s1 =	rddreg [dreg:$0x1];
	p0 =	sne.s32 s2, $0x0  }
0x5f: {  	s3 =	rddreg [dreg:$0x2];
	[bflag:$0x3] =	sbarrier.arrive $0xFFFF;
	s2 =	simm.s32 @!p0 $0x1C03  }
0x60: {  	[timem:s3], [sflag:s2] =	dma.local @!p0 [hbm:s0], s1  }
0x61: {  	s0 =	simm.s32 @!p0 $0x3  }
0x62: {  	_ =	swait.ge @!p0 [sflag:s0], s1  }
0x63: {  	s1 =	ssub.s32 @!p0 $0x0, s1;
	[sflag:s0] =	ssyncset.done @!p0 $0x0  }
0x64: {  	[sflag:s0] =	ssyncadd.s32 @!p0 s1  }
0x65: {  	[bflag:$0x3] =	sbarrier.arrive $0xFFFF  }
0x66: {  	_ =	shalt  }

</sc_bundles>
